<compile_context>
chip_gen: v7x
topology: tpu7x:2x2x1
jax: 0.10.2.dev20260603
libtpu: 0.0.44.dev20260713+nightly
codegen_flags: <defaults>
</compile_context>

<pallas_src>
import functools

import jax
import jax.numpy as jnp
from jax import lax
from jax.experimental import pallas as pl
from jax.experimental.pallas import tpu as pltpu, tpu_sc as plsc

NUM_CAT = 13
D_CAT = 16
N_SUB = 5

_NC = 2
_NS = 16
_NW = _NC * _NS
_L = 16

_OFF_TABLE = 0
_OFF_W1 = 208
_OFF_B1 = 464
_OFF_W2 = 480
_OFF_B2 = 560
_W_LEN = 576

_BLK = N_SUB * _L
_PV_LEN = NUM_CAT * _BLK

_EXP_COEFFS = [1.0 / 40320.0, 1.0 / 5040.0, 1.0 / 720.0, 1.0 / 120.0,
               1.0 / 24.0, 1.0 / 6.0, 0.5, 1.0, 1.0]
_LOG2E = 1.4426950408889634
_LN2 = 0.6931471805599453


def _exp_precise(x):
    z = jnp.maximum(x * _LOG2E, -120.0)
    r = (z - 0.5).astype(jnp.int32)
    f = z - r.astype(jnp.float32)
    t = f * _LN2
    p = jnp.full_like(t, _EXP_COEFFS[0])
    for c in _EXP_COEFFS[1:]:
        p = p * t + c
    scale = lax.bitcast_convert_type((r + 127) << 23, jnp.float32)
    return p * scale


def _recip_precise(x):
    y = 1.0 / x
    y = y * (2.0 - x * y)
    y = y * (2.0 - x * y)
    return y


def _rsqrt_newton(ss):
    ss = jnp.maximum(ss, 1e-24)
    bits = lax.bitcast_convert_type(ss, jnp.int32)
    y = lax.bitcast_convert_type(
        jnp.int32(0x5F3759DF) - (bits >> 1), jnp.float32
    )
    for _ in range(4):
        y = y * (1.5 - 0.5 * ss * y * y)
    return y


def _splat(ref, idx):
    return plsc.load_gather(ref, [jnp.full((_L,), idx, jnp.int32)])


def _make_sc_kernel(batch):
    bpw = batch // _NW
    groups = bpw // _L
    mesh = plsc.VectorSubcoreMesh(core_axis_name="c", subcore_axis_name="s")

    @functools.partial(
        pl.kernel,
        mesh=mesh,
        out_type=jax.ShapeDtypeStruct((N_SUB, batch), jnp.float32),
        scratch_types=[
            pltpu.VMEM((_W_LEN,), jnp.float32),
            pltpu.VMEM((_BLK,), jnp.float32),
            pltpu.VMEM((_PV_LEN,), jnp.float32),
            pltpu.VMEM((bpw,), jnp.int32),
            pltpu.VMEM((bpw,), jnp.int32),
            pltpu.VMEM((N_SUB, bpw), jnp.float32),
            pltpu.VMEM_SHARED((_PV_LEN,), jnp.float32),
            pltpu.SemaphoreType.DMA,
            pltpu.SemaphoreType.DMA,
            pltpu.SemaphoreType.DMA,
        ],
        compiler_params=pltpu.CompilerParams(needs_layout_passes=False),
    )
    def sc_kernel(w_hbm, cat_hbm, tcat_hbm, out_hbm,
                  wv, blk_v, pv, cat_v, tcat_v, out_v, shared,
                  sem0, sem1, sem2):
        sid = lax.axis_index("s")
        wid = sid * _NC + lax.axis_index("c")
        base = wid * bpw
        c0 = pltpu.async_copy(w_hbm, wv, sem0)
        c1 = pltpu.async_copy(cat_hbm.at[pl.ds(base, bpw)], cat_v, sem1)
        c2 = pltpu.async_copy(tcat_hbm.at[pl.ds(base, bpw)], tcat_v, sem2)
        c0.wait()
        lane = lax.iota(jnp.int32, _L)

        row_base = lane * D_CAT
        cols = [plsc.load_gather(wv, [row_base + k]) for k in range(D_CAT)]
        ss = cols[0] * cols[0]
        for k in range(1, D_CAT):
            ss = ss + cols[k] * cols[k]
        inv = _rsqrt_newton(ss)
        n_cols = [c * inv for c in cols]

        M = []
        Mb = []
        for j in range(D_CAT):
            acc = n_cols[0] * _splat(wv, _OFF_W1 + j)
            for k in range(1, D_CAT):
                acc = acc + n_cols[k] * _splat(wv, _OFF_W1 + k * D_CAT + j)
            M.append(acc)
            Mb.append(acc + _splat(wv, _OFF_B1 + j))

        @pl.when(sid < NUM_CAT)
        def _compute_block():
            ivec = jnp.full((_L,), 0, jnp.int32) + sid
            h = []
            for j in range(D_CAT):
                mij = M[j].at[ivec].get(mode="promise_in_bounds")
                h.append(jnp.maximum(Mb[j] + mij, 0.0))
            logits = []
            for s in range(N_SUB):
                acc = h[0] * _splat(wv, _OFF_W2 + s)
                for j in range(1, D_CAT):
                    acc = acc + h[j] * _splat(wv, _OFF_W2 + j * N_SUB + s)
                logits.append(acc + _splat(wv, _OFF_B2 + s))
            m = logits[0]
            for s in range(1, N_SUB):
                m = jnp.maximum(m, logits[s])
            ex = [_exp_precise(l - m) for l in logits]
            tot = ex[0]
            for s in range(1, N_SUB):
                tot = tot + ex[s]
            inv_tot = _recip_precise(tot)
            for s in range(N_SUB):
                blk_v[pl.ds(s * _L, _L)] = ex[s] * inv_tot
            pltpu.sync_copy(blk_v, shared.at[pl.ds(sid * _BLK, _BLK)])

        plsc.subcore_barrier()
        pltpu.sync_copy(shared, pv)
        c1.wait()
        c2.wait()

        zero = jnp.zeros((_L,), jnp.int32)
        topc = jnp.full((_L,), NUM_CAT - 1, jnp.int32)

        def body(g, carry):
            off = g * _L
            c = cat_v[pl.ds(off, _L)]
            t = tcat_v[pl.ds(off, _L)]
            c = jnp.minimum(jnp.maximum(c, zero), topc)
            t = jnp.minimum(jnp.maximum(t, zero), topc)
            idx = c * _BLK + t
            for s in range(N_SUB):
                vals = plsc.load_gather(pv, [idx + s * _L])
                out_v[s, pl.ds(off, _L)] = vals
            return carry

        lax.fori_loop(0, groups, body, 0)
        pltpu.sync_copy(out_v, out_hbm.at[:, pl.ds(base, bpw)])

    return sc_kernel


def kernel(category, target_category, table, W1, b1, W2, b2):
    f32 = jnp.float32
    batch = category.shape[0]
    wcat = jnp.concatenate([
        table.astype(f32).reshape(-1),
        W1.astype(f32).reshape(-1),
        b1.astype(f32),
        W2.astype(f32).reshape(-1),
        b2.astype(f32),
        jnp.zeros((_W_LEN - 565,), f32),
    ])
    cat = category.astype(jnp.int32)
    tcat = target_category.astype(jnp.int32)
    out_t = _make_sc_kernel(batch)(wcat, cat, tcat)
    return out_t.T

# --- scband reference (transcript-rebuilt; emitter-appended) ---
"""Pipeline reference for scband-csanet-subspace-weight-generator-38543036514578 (READ-ONLY COPY).

The authoritative reference and input builder live on the scoring server;
editing this copy changes nothing except your own understanding.
"""

import jax, jax.numpy as jnp
import numpy as np

NUM_CAT = 13  # len(POLYVORE_CATEGORIES) + appended 'unknown'
D_CAT = 16
N_SUB = 5
B = 16384


def setup_inputs(seed: int = 0) -> dict:
    key = jax.random.key(seed)
    ks = jax.random.split(key, 6)
    return {
        "category": jax.random.randint(ks[0], (B,), 0, NUM_CAT),
        "target_category": jax.random.randint(ks[1], (B,), 0, NUM_CAT),
        "table": jax.random.normal(ks[2], (NUM_CAT, D_CAT), dtype=jnp.float32),
        "W1": jax.random.normal(ks[3], (D_CAT, D_CAT), dtype=jnp.float32) * 0.25,
        "b1": jnp.zeros((D_CAT,), dtype=jnp.float32),
        "W2": jax.random.normal(ks[4], (D_CAT, N_SUB), dtype=jnp.float32) * 0.25,
        "b2": jnp.zeros((N_SUB,), dtype=jnp.float32),
    }


def _l2_normalize(x, eps=1e-12):
    # matches torch.nn.functional.normalize(p=2, dim=-1)
    n = jnp.sqrt(jnp.sum(x * x, axis=-1, keepdims=True))
    return x / jnp.maximum(n, eps)


def reference(category, target_category, table, W1, b1, W2, b2):
    embs = jnp.take(table, category, axis=0)            # embedding lookup
    target_embs = jnp.take(table, target_category, axis=0)
    embs = _l2_normalize(embs)
    target_embs = _l2_normalize(target_embs)
    embs = embs + target_embs
    h = jnp.maximum(embs @ W1 + b1, 0.0)                # Linear + ReLU
    w = h @ W2 + b2                                     # Linear -> n_subspace
    w = jax.nn.softmax(w, axis=-1)
    return w

if __name__ == "__main__":
    import jax
    _d = setup_inputs()
    print(jax.jit(kernel)(*tuple(_d.values())))

</pallas_src>

<mosaic_0001>
#map = affine_map<(d0, d1) -> (0)>
#map1 = affine_map<(d0, d1) -> (0, 0)>
module attributes {stable_mosaic.version = 14 : i64} {
  func.func @sc_kernel(%arg0: i32, %arg1: i32, %arg2: memref<576xf32, #tpu.memory_space<hbm>>, %arg3: memref<16384xi32, #tpu.memory_space<hbm>>, %arg4: memref<16384xi32, #tpu.memory_space<hbm>>, %arg5: memref<5x16384xf32, #tpu.memory_space<hbm>>, %arg6: memref<576xf32, #tpu.memory_space<vmem>>, %arg7: memref<80xf32, #tpu.memory_space<vmem>>, %arg8: memref<1040xf32, #tpu.memory_space<vmem>>, %arg9: memref<512xi32, #tpu.memory_space<vmem>>, %arg10: memref<512xi32, #tpu.memory_space<vmem>>, %arg11: memref<5x512xf32, #tpu.memory_space<vmem>>, %arg12: memref<1040xf32, #tpu.memory_space<vmem_shared>>, %arg13: memref<!tpu.dma_semaphore, #tpu.memory_space<semaphore_mem>>, %arg14: memref<!tpu.dma_semaphore, #tpu.memory_space<semaphore_mem>>, %arg15: memref<!tpu.dma_semaphore, #tpu.memory_space<semaphore_mem>>) attributes {dimension_semantics = [#tpu.dimension_semantics<core_parallel>, #tpu.dimension_semantics<subcore_parallel>], iteration_bounds = array<i64: 2, 16>, scalar_prefetch = 0 : i64, scratch_operands = 10 : i64, tpu.core_type = #tpu.core_type<sc_vector_subcore>, window_params = [{transform_indices = #map}, {transform_indices = #map}, {transform_indices = #map}, {transform_indices = #map1}]} {
    %mul3A = arith.constant 2 : i32
    %mul3A_0 = arith.muli %arg1, %mul3A : i32
    %add3A = arith.addi %mul3A_0, %arg0 : i32
    %mul3A_1 = arith.constant 512 : i32
    %mul3A_2 = arith.muli %add3A, %mul3A_1 : i32
    tpu.enqueue_dma source(%arg2 : memref<576xf32, #tpu.memory_space<hbm>>) target(%arg6 : memref<576xf32, #tpu.memory_space<vmem>>) target_semaphore(%arg13 : memref<!tpu.dma_semaphore, #tpu.memory_space<semaphore_mem>>)
    %dma_start3A = tpu.memref_slice %arg3[%mul3A_2] : memref<16384xi32, #tpu.memory_space<hbm>> -> memref<512xi32, #tpu.memory_space<hbm>>
    %dma_start3A_3 = tpu.memref_slice %arg3[%mul3A_2] : memref<16384xi32, #tpu.memory_space<hbm>> -> memref<512xi32, #tpu.memory_space<hbm>>
    tpu.enqueue_dma source(%dma_start3A_3 : memref<512xi32, #tpu.memory_space<hbm>>) target(%arg9 : memref<512xi32, #tpu.memory_space<vmem>>) target_semaphore(%arg14 : memref<!tpu.dma_semaphore, #tpu.memory_space<semaphore_mem>>)
    %dma_start3A_4 = tpu.memref_slice %arg4[%mul3A_2] : memref<16384xi32, #tpu.memory_space<hbm>> -> memref<512xi32, #tpu.memory_space<hbm>>
    %dma_start3A_5 = tpu.memref_slice %arg4[%mul3A_2] : memref<16384xi32, #tpu.memory_space<hbm>> -> memref<512xi32, #tpu.memory_space<hbm>>
    tpu.enqueue_dma source(%dma_start3A_5 : memref<512xi32, #tpu.memory_space<hbm>>) target(%arg10 : memref<512xi32, #tpu.memory_space<vmem>>) target_semaphore(%arg15 : memref<!tpu.dma_semaphore, #tpu.memory_space<semaphore_mem>>)
    tpu.wait_dma2 semaphore(%arg13 : memref<!tpu.dma_semaphore, #tpu.memory_space<semaphore_mem>>) src(%arg2 : memref<576xf32, #tpu.memory_space<hbm>>) dst(%arg6 : memref<576xf32, #tpu.memory_space<vmem>>)
    %iota3A = tpu.iota {dimensions = array<i32: 0>} : vector<16xi32>
    %mul3A_6 = arith.constant 16 : i32
    %mul3A_7 = vector.broadcast %mul3A_6 : i32 to vector<16xi32>
    %mul3A_8 = arith.muli %iota3A, %mul3A_7 : vector<16xi32>
    %add3A_9 = arith.constant 0 : i32
    %add3A_10 = vector.broadcast %add3A_9 : i32 to vector<16xi32>
    %add3A_11 = arith.addi %mul3A_8, %add3A_10 : vector<16xi32>
    %gather3A = tpu.vector_load_idx %arg6[%add3A_11] : memref<576xf32, #tpu.memory_space<vmem>>[vector<16xi32>], vector<16xf32>,
    %add3A_12 = arith.constant 1 : i32
    %add3A_13 = vector.broadcast %add3A_12 : i32 to vector<16xi32>
    %add3A_14 = arith.addi %mul3A_8, %add3A_13 : vector<16xi32>
    %gather3A_15 = tpu.vector_load_idx %arg6[%add3A_14] : memref<576xf32, #tpu.memory_space<vmem>>[vector<16xi32>], vector<16xf32>,
    %add3A_16 = arith.constant 2 : i32
    %add3A_17 = vector.broadcast %add3A_16 : i32 to vector<16xi32>
    %add3A_18 = arith.addi %mul3A_8, %add3A_17 : vector<16xi32>
    %gather3A_19 = tpu.vector_load_idx %arg6[%add3A_18] : memref<576xf32, #tpu.memory_space<vmem>>[vector<16xi32>], vector<16xf32>,
    %add3A_20 = arith.constant 3 : i32
    %add3A_21 = vector.broadcast %add3A_20 : i32 to vector<16xi32>
    %add3A_22 = arith.addi %mul3A_8, %add3A_21 : vector<16xi32>
    %gather3A_23 = tpu.vector_load_idx %arg6[%add3A_22] : memref<576xf32, #tpu.memory_space<vmem>>[vector<16xi32>], vector<16xf32>,
    %add3A_24 = arith.constant 4 : i32
    %add3A_25 = vector.broadcast %add3A_24 : i32 to vector<16xi32>
    %add3A_26 = arith.addi %mul3A_8, %add3A_25 : vector<16xi32>
    %gather3A_27 = tpu.vector_load_idx %arg6[%add3A_26] : memref<576xf32, #tpu.memory_space<vmem>>[vector<16xi32>], vector<16xf32>,
    %add3A_28 = arith.constant 5 : i32
    %add3A_29 = vector.broadcast %add3A_28 : i32 to vector<16xi32>
    %add3A_30 = arith.addi %mul3A_8, %add3A_29 : vector<16xi32>
    %gather3A_31 = tpu.vector_load_idx %arg6[%add3A_30] : memref<576xf32, #tpu.memory_space<vmem>>[vector<16xi32>], vector<16xf32>,
    %add3A_32 = arith.constant 6 : i32
    %add3A_33 = vector.broadcast %add3A_32 : i32 to vector<16xi32>
    %add3A_34 = arith.addi %mul3A_8, %add3A_33 : vector<16xi32>
    %gather3A_35 = tpu.vector_load_idx %arg6[%add3A_34] : memref<576xf32, #tpu.memory_space<vmem>>[vector<16xi32>], vector<16xf32>,
    %add3A_36 = arith.constant 7 : i32
    %add3A_37 = vector.broadcast %add3A_36 : i32 to vector<16xi32>
    %add3A_38 = arith.addi %mul3A_8, %add3A_37 : vector<16xi32>
    %gather3A_39 = tpu.vector_load_idx %arg6[%add3A_38] : memref<576xf32, #tpu.memory_space<vmem>>[vector<16xi32>], vector<16xf32>,
    %add3A_40 = arith.constant 8 : i32
    %add3A_41 = vector.broadcast %add3A_40 : i32 to vector<16xi32>
    %add3A_42 = arith.addi %mul3A_8, %add3A_41 : vector<16xi32>
    %gather3A_43 = tpu.vector_load_idx %arg6[%add3A_42] : memref<576xf32, #tpu.memory_space<vmem>>[vector<16xi32>], vector<16xf32>,
    %add3A_44 = arith.constant 9 : i32
    %add3A_45 = vector.broadcast %add3A_44 : i32 to vector<16xi32>
    %add3A_46 = arith.addi %mul3A_8, %add3A_45 : vector<16xi32>
    %gather3A_47 = tpu.vector_load_idx %arg6[%add3A_46] : memref<576xf32, #tpu.memory_space<vmem>>[vector<16xi32>], vector<16xf32>,
    %add3A_48 = arith.constant 10 : i32
    %add3A_49 = vector.broadcast %add3A_48 : i32 to vector<16xi32>
    %add3A_50 = arith.addi %mul3A_8, %add3A_49 : vector<16xi32>
    %gather3A_51 = tpu.vector_load_idx %arg6[%add3A_50] : memref<576xf32, #tpu.memory_space<vmem>>[vector<16xi32>], vector<16xf32>,
    %add3A_52 = arith.constant 11 : i32
    %add3A_53 = vector.broadcast %add3A_52 : i32 to vector<16xi32>
    %add3A_54 = arith.addi %mul3A_8, %add3A_53 : vector<16xi32>
    %gather3A_55 = tpu.vector_load_idx %arg6[%add3A_54] : memref<576xf32, #tpu.memory_space<vmem>>[vector<16xi32>], vector<16xf32>,
    %add3A_56 = arith.constant 12 : i32
    %add3A_57 = vector.broadcast %add3A_56 : i32 to vector<16xi32>
    %add3A_58 = arith.addi %mul3A_8, %add3A_57 : vector<16xi32>
    %gather3A_59 = tpu.vector_load_idx %arg6[%add3A_58] : memref<576xf32, #tpu.memory_space<vmem>>[vector<16xi32>], vector<16xf32>,
    %add3A_60 = arith.constant 13 : i32
    %add3A_61 = vector.broadcast %add3A_60 : i32 to vector<16xi32>
    %add3A_62 = arith.addi %mul3A_8, %add3A_61 : vector<16xi32>
    %gather3A_63 = tpu.vector_load_idx %arg6[%add3A_62] : memref<576xf32, #tpu.memory_space<vmem>>[vector<16xi32>], vector<16xf32>,
    %add3A_64 = arith.constant 14 : i32
    %add3A_65 = vector.broadcast %add3A_64 : i32 to vector<16xi32>
    %add3A_66 = arith.addi %mul3A_8, %add3A_65 : vector<16xi32>
    %gather3A_67 = tpu.vector_load_idx %arg6[%add3A_66] : memref<576xf32, #tpu.memory_space<vmem>>[vector<16xi32>], vector<16xf32>,
    %add3A_68 = arith.constant 15 : i32
    %add3A_69 = vector.broadcast %add3A_68 : i32 to vector<16xi32>
    %add3A_70 = arith.addi %mul3A_8, %add3A_69 : vector<16xi32>
    %gather3A_71 = tpu.vector_load_idx %arg6[%add3A_70] : memref<576xf32, #tpu.memory_space<vmem>>[vector<16xi32>], vector<16xf32>,
    %mul3A_72 = arith.mulf %gather3A, %gather3A : vector<16xf32>
    %mul3A_73 = arith.mulf %gather3A_15, %gather3A_15 : vector<16xf32>
    %add3A_74 = arith.addf %mul3A_72, %mul3A_73 : vector<16xf32>
    %mul3A_75 = arith.mulf %gather3A_19, %gather3A_19 : vector<16xf32>
    %add3A_76 = arith.addf %add3A_74, %mul3A_75 : vector<16xf32>
    %mul3A_77 = arith.mulf %gather3A_23, %gather3A_23 : vector<16xf32>
    %add3A_78 = arith.addf %add3A_76, %mul3A_77 : vector<16xf32>
    %mul3A_79 = arith.mulf %gather3A_27, %gather3A_27 : vector<16xf32>
    %add3A_80 = arith.addf %add3A_78, %mul3A_79 : vector<16xf32>
    %mul3A_81 = arith.mulf %gather3A_31, %gather3A_31 : vector<16xf32>
    %add3A_82 = arith.addf %add3A_80, %mul3A_81 : vector<16xf32>
    %mul3A_83 = arith.mulf %gather3A_35, %gather3A_35 : vector<16xf32>
    %add3A_84 = arith.addf %add3A_82, %mul3A_83 : vector<16xf32>
    %mul3A_85 = arith.mulf %gather3A_39, %gather3A_39 : vector<16xf32>
    %add3A_86 = arith.addf %add3A_84, %mul3A_85 : vector<16xf32>
    %mul3A_87 = arith.mulf %gather3A_43, %gather3A_43 : vector<16xf32>
    %add3A_88 = arith.addf %add3A_86, %mul3A_87 : vector<16xf32>
    %mul3A_89 = arith.mulf %gather3A_47, %gather3A_47 : vector<16xf32>
    %add3A_90 = arith.addf %add3A_88, %mul3A_89 : vector<16xf32>
    %mul3A_91 = arith.mulf %gather3A_51, %gather3A_51 : vector<16xf32>
    %add3A_92 = arith.addf %add3A_90, %mul3A_91 : vector<16xf32>
    %mul3A_93 = arith.mulf %gather3A_55, %gather3A_55 : vector<16xf32>
    %add3A_94 = arith.addf %add3A_92, %mul3A_93 : vector<16xf32>
    %mul3A_95 = arith.mulf %gather3A_59, %gather3A_59 : vector<16xf32>
    %add3A_96 = arith.addf %add3A_94, %mul3A_95 : vector<16xf32>
    %mul3A_97 = arith.mulf %gather3A_63, %gather3A_63 : vector<16xf32>
    %add3A_98 = arith.addf %add3A_96, %mul3A_97 : vector<16xf32>
    %mul3A_99 = arith.mulf %gather3A_67, %gather3A_67 : vector<16xf32>
    %add3A_100 = arith.addf %add3A_98, %mul3A_99 : vector<16xf32>
    %mul3A_101 = arith.mulf %gather3A_71, %gather3A_71 : vector<16xf32>
    %add3A_102 = arith.addf %add3A_100, %mul3A_101 : vector<16xf32>
    %max3A = arith.constant 1.000000e-24 : f32
    %max3A_103 = vector.broadcast %max3A : f32 to vector<16xf32>
    %max3A_104 = arith.maximumf %add3A_102, %max3A_103 : vector<16xf32>
    %bitcast_convert_type3A = tpu.bitcast %max3A_104 : vector<16xf32> -> vector<16xi32>
    %shift_right_arithmetic3A = arith.constant 1 : i32
    %shift_right_arithmetic3A_105 = vector.broadcast %shift_right_arithmetic3A : i32 to vector<16xi32>
    %shift_right_arithmetic3A_106 = arith.shrsi %bitcast_convert_type3A, %shift_right_arithmetic3A_105 : vector<16xi32>
    %sub3A = arith.constant 1597463007 : i32
    %sub3A_107 = vector.broadcast %sub3A : i32 to vector<16xi32>
    %sub3A_108 = arith.subi %sub3A_107, %shift_right_arithmetic3A_106 : vector<16xi32>
    %bitcast_convert_type3A_109 = tpu.bitcast %sub3A_108 : vector<16xi32> -> vector<16xf32>
    %mul3A_110 = arith.constant 5.000000e-01 : f32
    %mul3A_111 = vector.broadcast %mul3A_110 : f32 to vector<16xf32>
    %mul3A_112 = arith.mulf %mul3A_111, %max3A_104 : vector<16xf32>
    %mul3A_113 = arith.mulf %mul3A_112, %bitcast_convert_type3A_109 : vector<16xf32>
    %mul3A_114 = arith.mulf %mul3A_113, %bitcast_convert_type3A_109 : vector<16xf32>
    %sub3A_115 = arith.constant 1.500000e+00 : f32
    %sub3A_116 = vector.broadcast %sub3A_115 : f32 to vector<16xf32>
    %sub3A_117 = arith.subf %sub3A_116, %mul3A_114 : vector<16xf32>
    %mul3A_118 = arith.mulf %bitcast_convert_type3A_109, %sub3A_117 : vector<16xf32>
    %mul3A_119 = arith.constant 5.000000e-01 : f32
    %mul3A_120 = vector.broadcast %mul3A_119 : f32 to vector<16xf32>
    %mul3A_121 = arith.mulf %mul3A_120, %max3A_104 : vector<16xf32>
    %mul3A_122 = arith.mulf %mul3A_121, %mul3A_118 : vector<16xf32>
    %mul3A_123 = arith.mulf %mul3A_122, %mul3A_118 : vector<16xf32>
    %sub3A_124 = arith.constant 1.500000e+00 : f32
    %sub3A_125 = vector.broadcast %sub3A_124 : f32 to vector<16xf32>
    %sub3A_126 = arith.subf %sub3A_125, %mul3A_123 : vector<16xf32>
    %mul3A_127 = arith.mulf %mul3A_118, %sub3A_126 : vector<16xf32>
    %mul3A_128 = arith.constant 5.000000e-01 : f32
    %mul3A_129 = vector.broadcast %mul3A_128 : f32 to vector<16xf32>
    %mul3A_130 = arith.mulf %mul3A_129, %max3A_104 : vector<16xf32>
    %mul3A_131 = arith.mulf %mul3A_130, %mul3A_127 : vector<16xf32>
    %mul3A_132 = arith.mulf %mul3A_131, %mul3A_127 : vector<16xf32>
    %sub3A_133 = arith.constant 1.500000e+00 : f32
    %sub3A_134 = vector.broadcast %sub3A_133 : f32 to vector<16xf32>
    %sub3A_135 = arith.subf %sub3A_134, %mul3A_132 : vector<16xf32>
    %mul3A_136 = arith.mulf %mul3A_127, %sub3A_135 : vector<16xf32>
    %mul3A_137 = arith.constant 5.000000e-01 : f32
    %mul3A_138 = vector.broadcast %mul3A_137 : f32 to vector<16xf32>
    %mul3A_139 = arith.mulf %mul3A_138, %max3A_104 : vector<16xf32>
    %mul3A_140 = arith.mulf %mul3A_139, %mul3A_136 : vector<16xf32>
    %mul3A_141 = arith.mulf %mul3A_140, %mul3A_136 : vector<16xf32>
    %sub3A_142 = arith.constant 1.500000e+00 : f32
    %sub3A_143 = vector.broadcast %sub3A_142 : f32 to vector<16xf32>
    %sub3A_144 = arith.subf %sub3A_143, %mul3A_141 : vector<16xf32>
    %mul3A_145 = arith.mulf %mul3A_136, %sub3A_144 : vector<16xf32>
    %mul3A_146 = arith.mulf %gather3A, %mul3A_145 : vector<16xf32>
    %mul3A_147 = arith.mulf %gather3A_15, %mul3A_145 : vector<16xf32>
    %mul3A_148 = arith.mulf %gather3A_19, %mul3A_145 : vector<16xf32>
    %mul3A_149 = arith.mulf %gather3A_23, %mul3A_145 : vector<16xf32>
    %mul3A_150 = arith.mulf %gather3A_27, %mul3A_145 : vector<16xf32>
    %mul3A_151 = arith.mulf %gather3A_31, %mul3A_145 : vector<16xf32>
    %mul3A_152 = arith.mulf %gather3A_35, %mul3A_145 : vector<16xf32>
    %mul3A_153 = arith.mulf %gather3A_39, %mul3A_145 : vector<16xf32>
    %mul3A_154 = arith.mulf %gather3A_43, %mul3A_145 : vector<16xf32>
    %mul3A_155 = arith.mulf %gather3A_47, %mul3A_145 : vector<16xf32>
    %mul3A_156 = arith.mulf %gather3A_51, %mul3A_145 : vector<16xf32>
    %mul3A_157 = arith.mulf %gather3A_55, %mul3A_145 : vector<16xf32>
    %mul3A_158 = arith.mulf %gather3A_59, %mul3A_145 : vector<16xf32>
    %mul3A_159 = arith.mulf %gather3A_63, %mul3A_145 : vector<16xf32>
    %mul3A_160 = arith.mulf %gather3A_67, %mul3A_145 : vector<16xf32>
    %mul3A_161 = arith.mulf %gather3A_71, %mul3A_145 : vector<16xf32>
    %broadcast_in_dim3A = arith.constant 208 : i32
    %broadcast_in_dim3A_162 = vector.broadcast %broadcast_in_dim3A : i32 to vector<16xi32>
    %gather3A_163 = tpu.vector_load_idx %arg6[%broadcast_in_dim3A_162] : memref<576xf32, #tpu.memory_space<vmem>>[vector<16xi32>], vector<16xf32>,
    %mul3A_164 = arith.mulf %mul3A_146, %gather3A_163 : vector<16xf32>
    %broadcast_in_dim3A_165 = arith.constant 224 : i32
    %broadcast_in_dim3A_166 = vector.broadcast %broadcast_in_dim3A_165 : i32 to vector<16xi32>
    %gather3A_167 = tpu.vector_load_idx %arg6[%broadcast_in_dim3A_166] : memref<576xf32, #tpu.memory_space<vmem>>[vector<16xi32>], vector<16xf32>,
    %mul3A_168 = arith.mulf %mul3A_147, %gather3A_167 : vector<16xf32>
    %add3A_169 = arith.addf %mul3A_164, %mul3A_168 : vector<16xf32>
    %broadcast_in_dim3A_170 = arith.constant 240 : i32
    %broadcast_in_dim3A_171 = vector.broadcast %broadcast_in_dim3A_170 : i32 to vector<16xi32>
    %gather3A_172 = tpu.vector_load_idx %arg6[%broadcast_in_dim3A_171] : memref<576xf32, #tpu.memory_space<vmem>>[vector<16xi32>], vector<16xf32>,
    %mul3A_173 = arith.mulf %mul3A_148, %gather3A_172 : vector<16xf32>
    %add3A_174 = arith.addf %add3A_169, %mul3A_173 : vector<16xf32>
    %broadcast_in_dim3A_175 = arith.constant 256 : i32
    %broadcast_in_dim3A_176 = vector.broadcast %broadcast_in_dim3A_175 : i32 to vector<16xi32>
    %gather3A_177 = tpu.vector_load_idx %arg6[%broadcast_in_dim3A_176] : memref<576xf32, #tpu.memory_space<vmem>>[vector<16xi32>], vector<16xf32>,
    %mul3A_178 = arith.mulf %mul3A_149, %gather3A_177 : vector<16xf32>
    %add3A_179 = arith.addf %add3A_174, %mul3A_178 : vector<16xf32>
    %broadcast_in_dim3A_180 = arith.constant 272 : i32
    %broadcast_in_dim3A_181 = vector.broadcast %broadcast_in_dim3A_180 : i32 to vector<16xi32>
    %gather3A_182 = tpu.vector_load_idx %arg6[%broadcast_in_dim3A_181] : memref<576xf32, #tpu.memory_space<vmem>>[vector<16xi32>], vector<16xf32>,
    %mul3A_183 = arith.mulf %mul3A_150, %gather3A_182 : vector<16xf32>
    %add3A_184 = arith.addf %add3A_179, %mul3A_183 : vector<16xf32>
    %broadcast_in_dim3A_185 = arith.constant 288 : i32
    %broadcast_in_dim3A_186 = vector.broadcast %broadcast_in_dim3A_185 : i32 to vector<16xi32>
    %gather3A_187 = tpu.vector_load_idx %arg6[%broadcast_in_dim3A_186] : memref<576xf32, #tpu.memory_space<vmem>>[vector<16xi32>], vector<16xf32>,
    %mul3A_188 = arith.mulf %mul3A_151, %gather3A_187 : vector<16xf32>
    %add3A_189 = arith.addf %add3A_184, %mul3A_188 : vector<16xf32>
    %broadcast_in_dim3A_190 = arith.constant 304 : i32
    %broadcast_in_dim3A_191 = vector.broadcast %broadcast_in_dim3A_190 : i32 to vector<16xi32>
    %gather3A_192 = tpu.vector_load_idx %arg6[%broadcast_in_dim3A_191] : memref<576xf32, #tpu.memory_space<vmem>>[vector<16xi32>], vector<16xf32>,
    %mul3A_193 = arith.mulf %mul3A_152, %gather3A_192 : vector<16xf32>
    %add3A_194 = arith.addf %add3A_189, %mul3A_193 : vector<16xf32>
    %broadcast_in_dim3A_195 = arith.constant 320 : i32
    %broadcast_in_dim3A_196 = vector.broadcast %broadcast_in_dim3A_195 : i32 to vector<16xi32>
    %gather3A_197 = tpu.vector_load_idx %arg6[%broadcast_in_dim3A_196] : memref<576xf32, #tpu.memory_space<vmem>>[vector<16xi32>], vector<16xf32>,
    %mul3A_198 = arith.mulf %mul3A_153, %gather3A_197 : vector<16xf32>
    %add3A_199 = arith.addf %add3A_194, %mul3A_198 : vector<16xf32>
    %broadcast_in_dim3A_200 = arith.constant 336 : i32
    %broadcast_in_dim3A_201 = vector.broadcast %broadcast_in_dim3A_200 : i32 to vector<16xi32>
    %gather3A_202 = tpu.vector_load_idx %arg6[%broadcast_in_dim3A_201] : memref<576xf32, #tpu.memory_space<vmem>>[vector<16xi32>], vector<16xf32>,
    %mul3A_203 = arith.mulf %mul3A_154, %gather3A_202 : vector<16xf32>
    %add3A_204 = arith.addf %add3A_199, %mul3A_203 : vector<16xf32>
    %broadcast_in_dim3A_205 = arith.constant 352 : i32
    %broadcast_in_dim3A_206 = vector.broadcast %broadcast_in_dim3A_205 : i32 to vector<16xi32>
    %gather3A_207 = tpu.vector_load_idx %arg6[%broadcast_in_dim3A_206] : memref<576xf32, #tpu.memory_space<vmem>>[vector<16xi32>], vector<16xf32>,
    %mul3A_208 = arith.mulf %mul3A_155, %gather3A_207 : vector<16xf32>
    %add3A_209 = arith.addf %add3A_204, %mul3A_208 : vector<16xf32>
    %broadcast_in_dim3A_210 = arith.constant 368 : i32
    %broadcast_in_dim3A_211 = vector.broadcast %broadcast_in_dim3A_210 : i32 to vector<16xi32>
    %gather3A_212 = tpu.vector_load_idx %arg6[%broadcast_in_dim3A_211] : memref<576xf32, #tpu.memory_space<vmem>>[vector<16xi32>], vector<16xf32>,
    %mul3A_213 = arith.mulf %mul3A_156, %gather3A_212 : vector<16xf32>
    %add3A_214 = arith.addf %add3A_209, %mul3A_213 : vector<16xf32>
    %broadcast_in_dim3A_215 = arith.constant 384 : i32
    %broadcast_in_dim3A_216 = vector.broadcast %broadcast_in_dim3A_215 : i32 to vector<16xi32>
    %gather3A_217 = tpu.vector_load_idx %arg6[%broadcast_in_dim3A_216] : memref<576xf32, #tpu.memory_space<vmem>>[vector<16xi32>], vector<16xf32>,
    %mul3A_218 = arith.mulf %mul3A_157, %gather3A_217 : vector<16xf32>
    %add3A_219 = arith.addf %add3A_214, %mul3A_218 : vector<16xf32>
    %broadcast_in_dim3A_220 = arith.constant 400 : i32
    %broadcast_in_dim3A_221 = vector.broadcast %broadcast_in_dim3A_220 : i32 to vector<16xi32>
    %gather3A_222 = tpu.vector_load_idx %arg6[%broadcast_in_dim3A_221] : memref<576xf32, #tpu.memory_space<vmem>>[vector<16xi32>], vector<16xf32>,
    %mul3A_223 = arith.mulf %mul3A_158, %gather3A_222 : vector<16xf32>
    %add3A_224 = arith.addf %add3A_219, %mul3A_223 : vector<16xf32>
    %broadcast_in_dim3A_225 = arith.constant 416 : i32
    %broadcast_in_dim3A_226 = vector.broadcast %broadcast_in_dim3A_225 : i32 to vector<16xi32>
    %gather3A_227 = tpu.vector_load_idx %arg6[%broadcast_in_dim3A_226] : memref<576xf32, #tpu.memory_space<vmem>>[vector<16xi32>], vector<16xf32>,
    %mul3A_228 = arith.mulf %mul3A_159, %gather3A_227 : vector<16xf32>
    %add3A_229 = arith.addf %add3A_224, %mul3A_228 : vector<16xf32>
    %broadcast_in_dim3A_230 = arith.constant 432 : i32
    %broadcast_in_dim3A_231 = vector.broadcast %broadcast_in_dim3A_230 : i32 to vector<16xi32>
    %gather3A_232 = tpu.vector_load_idx %arg6[%broadcast_in_dim3A_231] : memref<576xf32, #tpu.memory_space<vmem>>[vector<16xi32>], vector<16xf32>,
    %mul3A_233 = arith.mulf %mul3A_160, %gather3A_232 : vector<16xf32>
    %add3A_234 = arith.addf %add3A_229, %mul3A_233 : vector<16xf32>
    %broadcast_in_dim3A_235 = arith.constant 448 : i32
    %broadcast_in_dim3A_236 = vector.broadcast %broadcast_in_dim3A_235 : i32 to vector<16xi32>
    %gather3A_237 = tpu.vector_load_idx %arg6[%broadcast_in_dim3A_236] : memref<576xf32, #tpu.memory_space<vmem>>[vector<16xi32>], vector<16xf32>,
    %mul3A_238 = arith.mulf %mul3A_161, %gather3A_237 : vector<16xf32>
    %add3A_239 = arith.addf %add3A_234, %mul3A_238 : vector<16xf32>
    %broadcast_in_dim3A_240 = arith.constant 464 : i32
    %broadcast_in_dim3A_241 = vector.broadcast %broadcast_in_dim3A_240 : i32 to vector<16xi32>
    %gather3A_242 = tpu.vector_load_idx %arg6[%broadcast_in_dim3A_241] : memref<576xf32, #tpu.memory_space<vmem>>[vector<16xi32>], vector<16xf32>,
    %add3A_243 = arith.addf %add3A_239, %gather3A_242 : vector<16xf32>
    %broadcast_in_dim3A_244 = arith.constant 209 : i32
    %broadcast_in_dim3A_245 = vector.broadcast %broadcast_in_dim3A_244 : i32 to vector<16xi32>
    %gather3A_246 = tpu.vector_load_idx %arg6[%broadcast_in_dim3A_245] : memref<576xf32, #tpu.memory_space<vmem>>[vector<16xi32>], vector<16xf32>,
    %mul3A_247 = arith.mulf %mul3A_146, %gather3A_246 : vector<16xf32>
    %broadcast_in_dim3A_248 = arith.constant 225 : i32
    %broadcast_in_dim3A_249 = vector.broadcast %broadcast_in_dim3A_248 : i32 to vector<16xi32>
    %gather3A_250 = tpu.vector_load_idx %arg6[%broadcast_in_dim3A_249] : memref<576xf32, #tpu.memory_space<vmem>>[vector<16xi32>], vector<16xf32>,
    %mul3A_251 = arith.mulf %mul3A_147, %gather3A_250 : vector<16xf32>
    %add3A_252 = arith.addf %mul3A_247, %mul3A_251 : vector<16xf32>
    %broadcast_in_dim3A_253 = arith.constant 241 : i32
    %broadcast_in_dim3A_254 = vector.broadcast %broadcast_in_dim3A_253 : i32 to vector<16xi32>
    %gather3A_255 = tpu.vector_load_idx %arg6[%broadcast_in_dim3A_254] : memref<576xf32, #tpu.memory_space<vmem>>[vector<16xi32>], vector<16xf32>,
    %mul3A_256 = arith.mulf %mul3A_148, %gather3A_255 : vector<16xf32>
    %add3A_257 = arith.addf %add3A_252, %mul3A_256 : vector<16xf32>
    %broadcast_in_dim3A_258 = arith.constant 257 : i32
    %broadcast_in_dim3A_259 = vector.broadcast %broadcast_in_dim3A_258 : i32 to vector<16xi32>
    %gather3A_260 = tpu.vector_load_idx %arg6[%broadcast_in_dim3A_259] : memref<576xf32, #tpu.memory_space<vmem>>[vector<16xi32>], vector<16xf32>,
    %mul3A_261 = arith.mulf %mul3A_149, %gather3A_260 : vector<16xf32>
    %add3A_262 = arith.addf %add3A_257, %mul3A_261 : vector<16xf32>
    %broadcast_in_dim3A_263 = arith.constant 273 : i32
    %broadcast_in_dim3A_264 = vector.broadcast %broadcast_in_dim3A_263 : i32 to vector<16xi32>
    %gather3A_265 = tpu.vector_load_idx %arg6[%broadcast_in_dim3A_264] : memref<576xf32, #tpu.memory_space<vmem>>[vector<16xi32>], vector<16xf32>,
    %mul3A_266 = arith.mulf %mul3A_150, %gather3A_265 : vector<16xf32>
    %add3A_267 = arith.addf %add3A_262, %mul3A_266 : vector<16xf32>
    %broadcast_in_dim3A_268 = arith.constant 289 : i32
    %broadcast_in_dim3A_269 = vector.broadcast %broadcast_in_dim3A_268 : i32 to vector<16xi32>
    %gather3A_270 = tpu.vector_load_idx %arg6[%broadcast_in_dim3A_269] : memref<576xf32, #tpu.memory_space<vmem>>[vector<16xi32>], vector<16xf32>,
    %mul3A_271 = arith.mulf %mul3A_151, %gather3A_270 : vector<16xf32>
    %add3A_272 = arith.addf %add3A_267, %mul3A_271 : vector<16xf32>
    %broadcast_in_dim3A_273 = arith.constant 305 : i32
    %broadcast_in_dim3A_274 = vector.broadcast %broadcast_in_dim3A_273 : i32 to vector<16xi32>
    %gather3A_275 = tpu.vector_load_idx %arg6[%broadcast_in_dim3A_274] : memref<576xf32, #tpu.memory_space<vmem>>[vector<16xi32>], vector<16xf32>,
    %mul3A_276 = arith.mulf %mul3A_152, %gather3A_275 : vector<16xf32>
    %add3A_277 = arith.addf %add3A_272, %mul3A_276 : vector<16xf32>
    %broadcast_in_dim3A_278 = arith.constant 321 : i32
    %broadcast_in_dim3A_279 = vector.broadcast %broadcast_in_dim3A_278 : i32 to vector<16xi32>
    %gather3A_280 = tpu.vector_load_idx %arg6[%broadcast_in_dim3A_279] : memref<576xf32, #tpu.memory_space<vmem>>[vector<16xi32>], vector<16xf32>,
    %mul3A_281 = arith.mulf %mul3A_153, %gather3A_280 : vector<16xf32>
    %add3A_282 = arith.addf %add3A_277, %mul3A_281 : vector<16xf32>
    %broadcast_in_dim3A_283 = arith.constant 337 : i32
    %broadcast_in_dim3A_284 = vector.broadcast %broadcast_in_dim3A_283 : i32 to vector<16xi32>
    %gather3A_285 = tpu.vector_load_idx %arg6[%broadcast_in_dim3A_284] : memref<576xf32, #tpu.memory_space<vmem>>[vector<16xi32>], vector<16xf32>,
    %mul3A_286 = arith.mulf %mul3A_154, %gather3A_285 : vector<16xf32>
    %add3A_287 = arith.addf %add3A_282, %mul3A_286 : vector<16xf32>
    %broadcast_in_dim3A_288 = arith.constant 353 : i32
    %broadcast_in_dim3A_289 = vector.broadcast %broadcast_in_dim3A_288 : i32 to vector<16xi32>
    %gather3A_290 = tpu.vector_load_idx %arg6[%broadcast_in_dim3A_289] : memref<576xf32, #tpu.memory_space<vmem>>[vector<16xi32>], vector<16xf32>,
    %mul3A_291 = arith.mulf %mul3A_155, %gather3A_290 : vector<16xf32>
    %add3A_292 = arith.addf %add3A_287, %mul3A_291 : vector<16xf32>
    %broadcast_in_dim3A_293 = arith.constant 369 : i32
    %broadcast_in_dim3A_294 = vector.broadcast %broadcast_in_dim3A_293 : i32 to vector<16xi32>
    %gather3A_295 = tpu.vector_load_idx %arg6[%broadcast_in_dim3A_294] : memref<576xf32, #tpu.memory_space<vmem>>[vector<16xi32>], vector<16xf32>,
    %mul3A_296 = arith.mulf %mul3A_156, %gather3A_295 : vector<16xf32>
    %add3A_297 = arith.addf %add3A_292, %mul3A_296 : vector<16xf32>
    %broadcast_in_dim3A_298 = arith.constant 385 : i32
    %broadcast_in_dim3A_299 = vector.broadcast %broadcast_in_dim3A_298 : i32 to vector<16xi32>
    %gather3A_300 = tpu.vector_load_idx %arg6[%broadcast_in_dim3A_299] : memref<576xf32, #tpu.memory_space<vmem>>[vector<16xi32>], vector<16xf32>,
    %mul3A_301 = arith.mulf %mul3A_157, %gather3A_300 : vector<16xf32>
    %add3A_302 = arith.addf %add3A_297, %mul3A_301 : vector<16xf32>
    %broadcast_in_dim3A_303 = arith.constant 401 : i32
    %broadcast_in_dim3A_304 = vector.broadcast %broadcast_in_dim3A_303 : i32 to vector<16xi32>
    %gather3A_305 = tpu.vector_load_idx %arg6[%broadcast_in_dim3A_304] : memref<576xf32, #tpu.memory_space<vmem>>[vector<16xi32>], vector<16xf32>,
    %mul3A_306 = arith.mulf %mul3A_158, %gather3A_305 : vector<16xf32>
    %add3A_307 = arith.addf %add3A_302, %mul3A_306 : vector<16xf32>
    %broadcast_in_dim3A_308 = arith.constant 417 : i32
    %broadcast_in_dim3A_309 = vector.broadcast %broadcast_in_dim3A_308 : i32 to vector<16xi32>
    %gather3A_310 = tpu.vector_load_idx %arg6[%broadcast_in_dim3A_309] : memref<576xf32, #tpu.memory_space<vmem>>[vector<16xi32>], vector<16xf32>,
    %mul3A_311 = arith.mulf %mul3A_159, %gather3A_310 : vector<16xf32>
    %add3A_312 = arith.addf %add3A_307, %mul3A_311 : vector<16xf32>
    %broadcast_in_dim3A_313 = arith.constant 433 : i32
    %broadcast_in_dim3A_314 = vector.broadcast %broadcast_in_dim3A_313 : i32 to vector<16xi32>
    %gather3A_315 = tpu.vector_load_idx %arg6[%broadcast_in_dim3A_314] : memref<576xf32, #tpu.memory_space<vmem>>[vector<16xi32>], vector<16xf32>,
    %mul3A_316 = arith.mulf %mul3A_160, %gather3A_315 : vector<16xf32>
    %add3A_317 = arith.addf %add3A_312, %mul3A_316 : vector<16xf32>
    %broadcast_in_dim3A_318 = arith.constant 449 : i32
    %broadcast_in_dim3A_319 = vector.broadcast %broadcast_in_dim3A_318 : i32 to vector<16xi32>
    %gather3A_320 = tpu.vector_load_idx %arg6[%broadcast_in_dim3A_319] : memref<576xf32, #tpu.memory_space<vmem>>[vector<16xi32>], vector<16xf32>,
    %mul3A_321 = arith.mulf %mul3A_161, %gather3A_320 : vector<16xf32>
    %add3A_322 = arith.addf %add3A_317, %mul3A_321 : vector<16xf32>
    %broadcast_in_dim3A_323 = arith.constant 465 : i32
    %broadcast_in_dim3A_324 = vector.broadcast %broadcast_in_dim3A_323 : i32 to vector<16xi32>
    %gather3A_325 = tpu.vector_load_idx %arg6[%broadcast_in_dim3A_324] : memref<576xf32, #tpu.memory_space<vmem>>[vector<16xi32>], vector<16xf32>,
    %add3A_326 = arith.addf %add3A_322, %gather3A_325 : vector<16xf32>
    %broadcast_in_dim3A_327 = arith.constant 210 : i32
    %broadcast_in_dim3A_328 = vector.broadcast %broadcast_in_dim3A_327 : i32 to vector<16xi32>
    %gather3A_329 = tpu.vector_load_idx %arg6[%broadcast_in_dim3A_328] : memref<576xf32, #tpu.memory_space<vmem>>[vector<16xi32>], vector<16xf32>,
    %mul3A_330 = arith.mulf %mul3A_146, %gather3A_329 : vector<16xf32>
    %broadcast_in_dim3A_331 = arith.constant 226 : i32
    %broadcast_in_dim3A_332 = vector.broadcast %broadcast_in_dim3A_331 : i32 to vector<16xi32>
    %gather3A_333 = tpu.vector_load_idx %arg6[%broadcast_in_dim3A_332] : memref<576xf32, #tpu.memory_space<vmem>>[vector<16xi32>], vector<16xf32>,
    %mul3A_334 = arith.mulf %mul3A_147, %gather3A_333 : vector<16xf32>
    %add3A_335 = arith.addf %mul3A_330, %mul3A_334 : vector<16xf32>
    %broadcast_in_dim3A_336 = arith.constant 242 : i32
    %broadcast_in_dim3A_337 = vector.broadcast %broadcast_in_dim3A_336 : i32 to vector<16xi32>
    %gather3A_338 = tpu.vector_load_idx %arg6[%broadcast_in_dim3A_337] : memref<576xf32, #tpu.memory_space<vmem>>[vector<16xi32>], vector<16xf32>,
    %mul3A_339 = arith.mulf %mul3A_148, %gather3A_338 : vector<16xf32>
    %add3A_340 = arith.addf %add3A_335, %mul3A_339 : vector<16xf32>
    %broadcast_in_dim3A_341 = arith.constant 258 : i32
    %broadcast_in_dim3A_342 = vector.broadcast %broadcast_in_dim3A_341 : i32 to vector<16xi32>
    %gather3A_343 = tpu.vector_load_idx %arg6[%broadcast_in_dim3A_342] : memref<576xf32, #tpu.memory_space<vmem>>[vector<16xi32>], vector<16xf32>,
    %mul3A_344 = arith.mulf %mul3A_149, %gather3A_343 : vector<16xf32>
    %add3A_345 = arith.addf %add3A_340, %mul3A_344 : vector<16xf32>
    %broadcast_in_dim3A_346 = arith.constant 274 : i32
    %broadcast_in_dim3A_347 = vector.broadcast %broadcast_in_dim3A_346 : i32 to vector<16xi32>
    %gather3A_348 = tpu.vector_load_idx %arg6[%broadcast_in_dim3A_347] : memref<576xf32, #tpu.memory_space<vmem>>[vector<16xi32>], vector<16xf32>,
    %mul3A_349 = arith.mulf %mul3A_150, %gather3A_348 : vector<16xf32>
    %add3A_350 = arith.addf %add3A_345, %mul3A_349 : vector<16xf32>
    %broadcast_in_dim3A_351 = arith.constant 290 : i32
    %broadcast_in_dim3A_352 = vector.broadcast %broadcast_in_dim3A_351 : i32 to vector<16xi32>
    %gather3A_353 = tpu.vector_load_idx %arg6[%broadcast_in_dim3A_352] : memref<576xf32, #tpu.memory_space<vmem>>[vector<16xi32>], vector<16xf32>,
    %mul3A_354 = arith.mulf %mul3A_151, %gather3A_353 : vector<16xf32>
    %add3A_355 = arith.addf %add3A_350, %mul3A_354 : vector<16xf32>
    %broadcast_in_dim3A_356 = arith.constant 306 : i32
    %broadcast_in_dim3A_357 = vector.broadcast %broadcast_in_dim3A_356 : i32 to vector<16xi32>
    %gather3A_358 = tpu.vector_load_idx %arg6[%broadcast_in_dim3A_357] : memref<576xf32, #tpu.memory_space<vmem>>[vector<16xi32>], vector<16xf32>,
    %mul3A_359 = arith.mulf %mul3A_152, %gather3A_358 : vector<16xf32>
    %add3A_360 = arith.addf %add3A_355, %mul3A_359 : vector<16xf32>
    %broadcast_in_dim3A_361 = arith.constant 322 : i32
    %broadcast_in_dim3A_362 = vector.broadcast %broadcast_in_dim3A_361 : i32 to vector<16xi32>
    %gather3A_363 = tpu.vector_load_idx %arg6[%broadcast_in_dim3A_362] : memref<576xf32, #tpu.memory_space<vmem>>[vector<16xi32>], vector<16xf32>,
    %mul3A_364 = arith.mulf %mul3A_153, %gather3A_363 : vector<16xf32>
    %add3A_365 = arith.addf %add3A_360, %mul3A_364 : vector<16xf32>
    %broadcast_in_dim3A_366 = arith.constant 338 : i32
    %broadcast_in_dim3A_367 = vector.broadcast %broadcast_in_dim3A_366 : i32 to vector<16xi32>
    %gather3A_368 = tpu.vector_load_idx %arg6[%broadcast_in_dim3A_367] : memref<576xf32, #tpu.memory_space<vmem>>[vector<16xi32>], vector<16xf32>,
    %mul3A_369 = arith.mulf %mul3A_154, %gather3A_368 : vector<16xf32>
    %add3A_370 = arith.addf %add3A_365, %mul3A_369 : vector<16xf32>
    %broadcast_in_dim3A_371 = arith.constant 354 : i32
    %broadcast_in_dim3A_372 = vector.broadcast %broadcast_in_dim3A_371 : i32 to vector<16xi32>
    %gather3A_373 = tpu.vector_load_idx %arg6[%broadcast_in_dim3A_372] : memref<576xf32, #tpu.memory_space<vmem>>[vector<16xi32>], vector<16xf32>,
    %mul3A_374 = arith.mulf %mul3A_155, %gather3A_373 : vector<16xf32>
    %add3A_375 = arith.addf %add3A_370, %mul3A_374 : vector<16xf32>
    %broadcast_in_dim3A_376 = arith.constant 370 : i32
    %broadcast_in_dim3A_377 = vector.broadcast %broadcast_in_dim3A_376 : i32 to vector<16xi32>
    %gather3A_378 = tpu.vector_load_idx %arg6[%broadcast_in_dim3A_377] : memref<576xf32, #tpu.memory_space<vmem>>[vector<16xi32>], vector<16xf32>,
    %mul3A_379 = arith.mulf %mul3A_156, %gather3A_378 : vector<16xf32>
    %add3A_380 = arith.addf %add3A_375, %mul3A_379 : vector<16xf32>
    %broadcast_in_dim3A_381 = arith.constant 386 : i32
    %broadcast_in_dim3A_382 = vector.broadcast %broadcast_in_dim3A_381 : i32 to vector<16xi32>
    %gather3A_383 = tpu.vector_load_idx %arg6[%broadcast_in_dim3A_382] : memref<576xf32, #tpu.memory_space<vmem>>[vector<16xi32>], vector<16xf32>,
    %mul3A_384 = arith.mulf %mul3A_157, %gather3A_383 : vector<16xf32>
    %add3A_385 = arith.addf %add3A_380, %mul3A_384 : vector<16xf32>
    %broadcast_in_dim3A_386 = arith.constant 402 : i32
    %broadcast_in_dim3A_387 = vector.broadcast %broadcast_in_dim3A_386 : i32 to vector<16xi32>
    %gather3A_388 = tpu.vector_load_idx %arg6[%broadcast_in_dim3A_387] : memref<576xf32, #tpu.memory_space<vmem>>[vector<16xi32>], vector<16xf32>,
    %mul3A_389 = arith.mulf %mul3A_158, %gather3A_388 : vector<16xf32>
    %add3A_390 = arith.addf %add3A_385, %mul3A_389 : vector<16xf32>
    %broadcast_in_dim3A_391 = arith.constant 418 : i32
    %broadcast_in_dim3A_392 = vector.broadcast %broadcast_in_dim3A_391 : i32 to vector<16xi32>
    %gather3A_393 = tpu.vector_load_idx %arg6[%broadcast_in_dim3A_392] : memref<576xf32, #tpu.memory_space<vmem>>[vector<16xi32>], vector<16xf32>,
    %mul3A_394 = arith.mulf %mul3A_159, %gather3A_393 : vector<16xf32>
    %add3A_395 = arith.addf %add3A_390, %mul3A_394 : vector<16xf32>
    %broadcast_in_dim3A_396 = arith.constant 434 : i32
    %broadcast_in_dim3A_397 = vector.broadcast %broadcast_in_dim3A_396 : i32 to vector<16xi32>
    %gather3A_398 = tpu.vector_load_idx %arg6[%broadcast_in_dim3A_397] : memref<576xf32, #tpu.memory_space<vmem>>[vector<16xi32>], vector<16xf32>,
    %mul3A_399 = arith.mulf %mul3A_160, %gather3A_398 : vector<16xf32>
    %add3A_400 = arith.addf %add3A_395, %mul3A_399 : vector<16xf32>
    %broadcast_in_dim3A_401 = arith.constant 450 : i32
    %broadcast_in_dim3A_402 = vector.broadcast %broadcast_in_dim3A_401 : i32 to vector<16xi32>
    %gather3A_403 = tpu.vector_load_idx %arg6[%broadcast_in_dim3A_402] : memref<576xf32, #tpu.memory_space<vmem>>[vector<16xi32>], vector<16xf32>,
    %mul3A_404 = arith.mulf %mul3A_161, %gather3A_403 : vector<16xf32>
    %add3A_405 = arith.addf %add3A_400, %mul3A_404 : vector<16xf32>
    %broadcast_in_dim3A_406 = arith.constant 466 : i32
    %broadcast_in_dim3A_407 = vector.broadcast %broadcast_in_dim3A_406 : i32 to vector<16xi32>
    %gather3A_408 = tpu.vector_load_idx %arg6[%broadcast_in_dim3A_407] : memref<576xf32, #tpu.memory_space<vmem>>[vector<16xi32>], vector<16xf32>,
    %add3A_409 = arith.addf %add3A_405, %gather3A_408 : vector<16xf32>
    %broadcast_in_dim3A_410 = arith.constant 211 : i32
    %broadcast_in_dim3A_411 = vector.broadcast %broadcast_in_dim3A_410 : i32 to vector<16xi32>
    %gather3A_412 = tpu.vector_load_idx %arg6[%broadcast_in_dim3A_411] : memref<576xf32, #tpu.memory_space<vmem>>[vector<16xi32>], vector<16xf32>,
    %mul3A_413 = arith.mulf %mul3A_146, %gather3A_412 : vector<16xf32>
    %broadcast_in_dim3A_414 = arith.constant 227 : i32
    %broadcast_in_dim3A_415 = vector.broadcast %broadcast_in_dim3A_414 : i32 to vector<16xi32>
    %gather3A_416 = tpu.vector_load_idx %arg6[%broadcast_in_dim3A_415] : memref<576xf32, #tpu.memory_space<vmem>>[vector<16xi32>], vector<16xf32>,
    %mul3A_417 = arith.mulf %mul3A_147, %gather3A_416 : vector<16xf32>
    %add3A_418 = arith.addf %mul3A_413, %mul3A_417 : vector<16xf32>
    %broadcast_in_dim3A_419 = arith.constant 243 : i32
    %broadcast_in_dim3A_420 = vector.broadcast %broadcast_in_dim3A_419 : i32 to vector<16xi32>
    %gather3A_421 = tpu.vector_load_idx %arg6[%broadcast_in_dim3A_420] : memref<576xf32, #tpu.memory_space<vmem>>[vector<16xi32>], vector<16xf32>,
    %mul3A_422 = arith.mulf %mul3A_148, %gather3A_421 : vector<16xf32>
    %add3A_423 = arith.addf %add3A_418, %mul3A_422 : vector<16xf32>
    %broadcast_in_dim3A_424 = arith.constant 259 : i32
    %broadcast_in_dim3A_425 = vector.broadcast %broadcast_in_dim3A_424 : i32 to vector<16xi32>
    %gather3A_426 = tpu.vector_load_idx %arg6[%broadcast_in_dim3A_425] : memref<576xf32, #tpu.memory_space<vmem>>[vector<16xi32>], vector<16xf32>,
    %mul3A_427 = arith.mulf %mul3A_149, %gather3A_426 : vector<16xf32>
    %add3A_428 = arith.addf %add3A_423, %mul3A_427 : vector<16xf32>
    %broadcast_in_dim3A_429 = arith.constant 275 : i32
    %broadcast_in_dim3A_430 = vector.broadcast %broadcast_in_dim3A_429 : i32 to vector<16xi32>
    %gather3A_431 = tpu.vector_load_idx %arg6[%broadcast_in_dim3A_430] : memref<576xf32, #tpu.memory_space<vmem>>[vector<16xi32>], vector<16xf32>,
    %mul3A_432 = arith.mulf %mul3A_150, %gather3A_431 : vector<16xf32>
    %add3A_433 = arith.addf %add3A_428, %mul3A_432 : vector<16xf32>
    %broadcast_in_dim3A_434 = arith.constant 291 : i32
    %broadcast_in_dim3A_435 = vector.broadcast %broadcast_in_dim3A_434 : i32 to vector<16xi32>
    %gather3A_436 = tpu.vector_load_idx %arg6[%broadcast_in_dim3A_435] : memref<576xf32, #tpu.memory_space<vmem>>[vector<16xi32>], vector<16xf32>,
    %mul3A_437 = arith.mulf %mul3A_151, %gather3A_436 : vector<16xf32>
    %add3A_438 = arith.addf %add3A_433, %mul3A_437 : vector<16xf32>
    %broadcast_in_dim3A_439 = arith.constant 307 : i32
    %broadcast_in_dim3A_440 = vector.broadcast %broadcast_in_dim3A_439 : i32 to vector<16xi32>
    %gather3A_441 = tpu.vector_load_idx %arg6[%broadcast_in_dim3A_440] : memref<576xf32, #tpu.memory_space<vmem>>[vector<16xi32>], vector<16xf32>,
    %mul3A_442 = arith.mulf %mul3A_152, %gather3A_441 : vector<16xf32>
    %add3A_443 = arith.addf %add3A_438, %mul3A_442 : vector<16xf32>
    %broadcast_in_dim3A_444 = arith.constant 323 : i32
    %broadcast_in_dim3A_445 = vector.broadcast %broadcast_in_dim3A_444 : i32 to vector<16xi32>
    %gather3A_446 = tpu.vector_load_idx %arg6[%broadcast_in_dim3A_445] : memref<576xf32, #tpu.memory_space<vmem>>[vector<16xi32>], vector<16xf32>,
    %mul3A_447 = arith.mulf %mul3A_153, %gather3A_446 : vector<16xf32>
    %add3A_448 = arith.addf %add3A_443, %mul3A_447 : vector<16xf32>
    %broadcast_in_dim3A_449 = arith.constant 339 : i32
    %broadcast_in_dim3A_450 = vector.broadcast %broadcast_in_dim3A_449 : i32 to vector<16xi32>
    %gather3A_451 = tpu.vector_load_idx %arg6[%broadcast_in_dim3A_450] : memref<576xf32, #tpu.memory_space<vmem>>[vector<16xi32>], vector<16xf32>,
    %mul3A_452 = arith.mulf %mul3A_154, %gather3A_451 : vector<16xf32>
    %add3A_453 = arith.addf %add3A_448, %mul3A_452 : vector<16xf32>
    %broadcast_in_dim3A_454 = arith.constant 355 : i32
    %broadcast_in_dim3A_455 = vector.broadcast %broadcast_in_dim3A_454 : i32 to vector<16xi32>
    %gather3A_456 = tpu.vector_load_idx %arg6[%broadcast_in_dim3A_455] : memref<576xf32, #tpu.memory_space<vmem>>[vector<16xi32>], vector<16xf32>,
    %mul3A_457 = arith.mulf %mul3A_155, %gather3A_456 : vector<16xf32>
    %add3A_458 = arith.addf %add3A_453, %mul3A_457 : vector<16xf32>
    %broadcast_in_dim3A_459 = arith.constant 371 : i32
    %broadcast_in_dim3A_460 = vector.broadcast %broadcast_in_dim3A_459 : i32 to vector<16xi32>
    %gather3A_461 = tpu.vector_load_idx %arg6[%broadcast_in_dim3A_460] : memref<576xf32, #tpu.memory_space<vmem>>[vector<16xi32>], vector<16xf32>,
    %mul3A_462 = arith.mulf %mul3A_156, %gather3A_461 : vector<16xf32>
    %add3A_463 = arith.addf %add3A_458, %mul3A_462 : vector<16xf32>
    %broadcast_in_dim3A_464 = arith.constant 387 : i32
    %broadcast_in_dim3A_465 = vector.broadcast %broadcast_in_dim3A_464 : i32 to vector<16xi32>
    %gather3A_466 = tpu.vector_load_idx %arg6[%broadcast_in_dim3A_465] : memref<576xf32, #tpu.memory_space<vmem>>[vector<16xi32>], vector<16xf32>,
    %mul3A_467 = arith.mulf %mul3A_157, %gather3A_466 : vector<16xf32>
    %add3A_468 = arith.addf %add3A_463, %mul3A_467 : vector<16xf32>
    %broadcast_in_dim3A_469 = arith.constant 403 : i32
    %broadcast_in_dim3A_470 = vector.broadcast %broadcast_in_dim3A_469 : i32 to vector<16xi32>
    %gather3A_471 = tpu.vector_load_idx %arg6[%broadcast_in_dim3A_470] : memref<576xf32, #tpu.memory_space<vmem>>[vector<16xi32>], vector<16xf32>,
    %mul3A_472 = arith.mulf %mul3A_158, %gather3A_471 : vector<16xf32>
    %add3A_473 = arith.addf %add3A_468, %mul3A_472 : vector<16xf32>
    %broadcast_in_dim3A_474 = arith.constant 419 : i32
    %broadcast_in_dim3A_475 = vector.broadcast %broadcast_in_dim3A_474 : i32 to vector<16xi32>
    %gather3A_476 = tpu.vector_load_idx %arg6[%broadcast_in_dim3A_475] : memref<576xf32, #tpu.memory_space<vmem>>[vector<16xi32>], vector<16xf32>,
    %mul3A_477 = arith.mulf %mul3A_159, %gather3A_476 : vector<16xf32>
    %add3A_478 = arith.addf %add3A_473, %mul3A_477 : vector<16xf32>
    %broadcast_in_dim3A_479 = arith.constant 435 : i32
    %broadcast_in_dim3A_480 = vector.broadcast %broadcast_in_dim3A_479 : i32 to vector<16xi32>
    %gather3A_481 = tpu.vector_load_idx %arg6[%broadcast_in_dim3A_480] : memref<576xf32, #tpu.memory_space<vmem>>[vector<16xi32>], vector<16xf32>,
    %mul3A_482 = arith.mulf %mul3A_160, %gather3A_481 : vector<16xf32>
    %add3A_483 = arith.addf %add3A_478, %mul3A_482 : vector<16xf32>
    %broadcast_in_dim3A_484 = arith.constant 451 : i32
    %broadcast_in_dim3A_485 = vector.broadcast %broadcast_in_dim3A_484 : i32 to vector<16xi32>
    %gather3A_486 = tpu.vector_load_idx %arg6[%broadcast_in_dim3A_485] : memref<576xf32, #tpu.memory_space<vmem>>[vector<16xi32>], vector<16xf32>,
    %mul3A_487 = arith.mulf %mul3A_161, %gather3A_486 : vector<16xf32>
    %add3A_488 = arith.addf %add3A_483, %mul3A_487 : vector<16xf32>
    %broadcast_in_dim3A_489 = arith.constant 467 : i32
    %broadcast_in_dim3A_490 = vector.broadcast %broadcast_in_dim3A_489 : i32 to vector<16xi32>
    %gather3A_491 = tpu.vector_load_idx %arg6[%broadcast_in_dim3A_490] : memref<576xf32, #tpu.memory_space<vmem>>[vector<16xi32>], vector<16xf32>,
    %add3A_492 = arith.addf %add3A_488, %gather3A_491 : vector<16xf32>
    %broadcast_in_dim3A_493 = arith.constant 212 : i32
    %broadcast_in_dim3A_494 = vector.broadcast %broadcast_in_dim3A_493 : i32 to vector<16xi32>
    %gather3A_495 = tpu.vector_load_idx %arg6[%broadcast_in_dim3A_494] : memref<576xf32, #tpu.memory_space<vmem>>[vector<16xi32>], vector<16xf32>,
    %mul3A_496 = arith.mulf %mul3A_146, %gather3A_495 : vector<16xf32>
    %broadcast_in_dim3A_497 = arith.constant 228 : i32
    %broadcast_in_dim3A_498 = vector.broadcast %broadcast_in_dim3A_497 : i32 to vector<16xi32>
    %gather3A_499 = tpu.vector_load_idx %arg6[%broadcast_in_dim3A_498] : memref<576xf32, #tpu.memory_space<vmem>>[vector<16xi32>], vector<16xf32>,
    %mul3A_500 = arith.mulf %mul3A_147, %gather3A_499 : vector<16xf32>
    %add3A_501 = arith.addf %mul3A_496, %mul3A_500 : vector<16xf32>
    %broadcast_in_dim3A_502 = arith.constant 244 : i32
    %broadcast_in_dim3A_503 = vector.broadcast %broadcast_in_dim3A_502 : i32 to vector<16xi32>
    %gather3A_504 = tpu.vector_load_idx %arg6[%broadcast_in_dim3A_503] : memref<576xf32, #tpu.memory_space<vmem>>[vector<16xi32>], vector<16xf32>,
    %mul3A_505 = arith.mulf %mul3A_148, %gather3A_504 : vector<16xf32>
    %add3A_506 = arith.addf %add3A_501, %mul3A_505 : vector<16xf32>
    %broadcast_in_dim3A_507 = arith.constant 260 : i32
    %broadcast_in_dim3A_508 = vector.broadcast %broadcast_in_dim3A_507 : i32 to vector<16xi32>
    %gather3A_509 = tpu.vector_load_idx %arg6[%broadcast_in_dim3A_508] : memref<576xf32, #tpu.memory_space<vmem>>[vector<16xi32>], vector<16xf32>,
    %mul3A_510 = arith.mulf %mul3A_149, %gather3A_509 : vector<16xf32>
    %add3A_511 = arith.addf %add3A_506, %mul3A_510 : vector<16xf32>
    %broadcast_in_dim3A_512 = arith.constant 276 : i32
    %broadcast_in_dim3A_513 = vector.broadcast %broadcast_in_dim3A_512 : i32 to vector<16xi32>
    %gather3A_514 = tpu.vector_load_idx %arg6[%broadcast_in_dim3A_513] : memref<576xf32, #tpu.memory_space<vmem>>[vector<16xi32>], vector<16xf32>,
    %mul3A_515 = arith.mulf %mul3A_150, %gather3A_514 : vector<16xf32>
    %add3A_516 = arith.addf %add3A_511, %mul3A_515 : vector<16xf32>
    %broadcast_in_dim3A_517 = arith.constant 292 : i32
    %broadcast_in_dim3A_518 = vector.broadcast %broadcast_in_dim3A_517 : i32 to vector<16xi32>
    %gather3A_519 = tpu.vector_load_idx %arg6[%broadcast_in_dim3A_518] : memref<576xf32, #tpu.memory_space<vmem>>[vector<16xi32>], vector<16xf32>,
    %mul3A_520 = arith.mulf %mul3A_151, %gather3A_519 : vector<16xf32>
    %add3A_521 = arith.addf %add3A_516, %mul3A_520 : vector<16xf32>
    %broadcast_in_dim3A_522 = arith.constant 308 : i32
    %broadcast_in_dim3A_523 = vector.broadcast %broadcast_in_dim3A_522 : i32 to vector<16xi32>
    %gather3A_524 = tpu.vector_load_idx %arg6[%broadcast_in_dim3A_523] : memref<576xf32, #tpu.memory_space<vmem>>[vector<16xi32>], vector<16xf32>,
    %mul3A_525 = arith.mulf %mul3A_152, %gather3A_524 : vector<16xf32>
    %add3A_526 = arith.addf %add3A_521, %mul3A_525 : vector<16xf32>
    %broadcast_in_dim3A_527 = arith.constant 324 : i32
    %broadcast_in_dim3A_528 = vector.broadcast %broadcast_in_dim3A_527 : i32 to vector<16xi32>
    %gather3A_529 = tpu.vector_load_idx %arg6[%broadcast_in_dim3A_528] : memref<576xf32, #tpu.memory_space<vmem>>[vector<16xi32>], vector<16xf32>,
    %mul3A_530 = arith.mulf %mul3A_153, %gather3A_529 : vector<16xf32>
    %add3A_531 = arith.addf %add3A_526, %mul3A_530 : vector<16xf32>
    %broadcast_in_dim3A_532 = arith.constant 340 : i32
    %broadcast_in_dim3A_533 = vector.broadcast %broadcast_in_dim3A_532 : i32 to vector<16xi32>
    %gather3A_534 = tpu.vector_load_idx %arg6[%broadcast_in_dim3A_533] : memref<576xf32, #tpu.memory_space<vmem>>[vector<16xi32>], vector<16xf32>,
    %mul3A_535 = arith.mulf %mul3A_154, %gather3A_534 : vector<16xf32>
    %add3A_536 = arith.addf %add3A_531, %mul3A_535 : vector<16xf32>
    %broadcast_in_dim3A_537 = arith.constant 356 : i32
    %broadcast_in_dim3A_538 = vector.broadcast %broadcast_in_dim3A_537 : i32 to vector<16xi32>
    %gather3A_539 = tpu.vector_load_idx %arg6[%broadcast_in_dim3A_538] : memref<576xf32, #tpu.memory_space<vmem>>[vector<16xi32>], vector<16xf32>,
    %mul3A_540 = arith.mulf %mul3A_155, %gather3A_539 : vector<16xf32>
    %add3A_541 = arith.addf %add3A_536, %mul3A_540 : vector<16xf32>
    %broadcast_in_dim3A_542 = arith.constant 372 : i32
    %broadcast_in_dim3A_543 = vector.broadcast %broadcast_in_dim3A_542 : i32 to vector<16xi32>
    %gather3A_544 = tpu.vector_load_idx %arg6[%broadcast_in_dim3A_543] : memref<576xf32, #tpu.memory_space<vmem>>[vector<16xi32>], vector<16xf32>,
    %mul3A_545 = arith.mulf %mul3A_156, %gather3A_544 : vector<16xf32>
    %add3A_546 = arith.addf %add3A_541, %mul3A_545 : vector<16xf32>
    %broadcast_in_dim3A_547 = arith.constant 388 : i32
    %broadcast_in_dim3A_548 = vector.broadcast %broadcast_in_dim3A_547 : i32 to vector<16xi32>
    %gather3A_549 = tpu.vector_load_idx %arg6[%broadcast_in_dim3A_548] : memref<576xf32, #tpu.memory_space<vmem>>[vector<16xi32>], vector<16xf32>,
    %mul3A_550 = arith.mulf %mul3A_157, %gather3A_549 : vector<16xf32>
    %add3A_551 = arith.addf %add3A_546, %mul3A_550 : vector<16xf32>
    %broadcast_in_dim3A_552 = arith.constant 404 : i32
    %broadcast_in_dim3A_553 = vector.broadcast %broadcast_in_dim3A_552 : i32 to vector<16xi32>
    %gather3A_554 = tpu.vector_load_idx %arg6[%broadcast_in_dim3A_553] : memref<576xf32, #tpu.memory_space<vmem>>[vector<16xi32>], vector<16xf32>,
    %mul3A_555 = arith.mulf %mul3A_158, %gather3A_554 : vector<16xf32>
    %add3A_556 = arith.addf %add3A_551, %mul3A_555 : vector<16xf32>
    %broadcast_in_dim3A_557 = arith.constant 420 : i32
    %broadcast_in_dim3A_558 = vector.broadcast %broadcast_in_dim3A_557 : i32 to vector<16xi32>
    %gather3A_559 = tpu.vector_load_idx %arg6[%broadcast_in_dim3A_558] : memref<576xf32, #tpu.memory_space<vmem>>[vector<16xi32>], vector<16xf32>,
    %mul3A_560 = arith.mulf %mul3A_159, %gather3A_559 : vector<16xf32>
    %add3A_561 = arith.addf %add3A_556, %mul3A_560 : vector<16xf32>
    %broadcast_in_dim3A_562 = arith.constant 436 : i32
    %broadcast_in_dim3A_563 = vector.broadcast %broadcast_in_dim3A_562 : i32 to vector<16xi32>
    %gather3A_564 = tpu.vector_load_idx %arg6[%broadcast_in_dim3A_563] : memref<576xf32, #tpu.memory_space<vmem>>[vector<16xi32>], vector<16xf32>,
    %mul3A_565 = arith.mulf %mul3A_160, %gather3A_564 : vector<16xf32>
    %add3A_566 = arith.addf %add3A_561, %mul3A_565 : vector<16xf32>
    %broadcast_in_dim3A_567 = arith.constant 452 : i32
    %broadcast_in_dim3A_568 = vector.broadcast %broadcast_in_dim3A_567 : i32 to vector<16xi32>
    %gather3A_569 = tpu.vector_load_idx %arg6[%broadcast_in_dim3A_568] : memref<576xf32, #tpu.memory_space<vmem>>[vector<16xi32>], vector<16xf32>,
    %mul3A_570 = arith.mulf %mul3A_161, %gather3A_569 : vector<16xf32>
    %add3A_571 = arith.addf %add3A_566, %mul3A_570 : vector<16xf32>
    %broadcast_in_dim3A_572 = arith.constant 468 : i32
    %broadcast_in_dim3A_573 = vector.broadcast %broadcast_in_dim3A_572 : i32 to vector<16xi32>
    %gather3A_574 = tpu.vector_load_idx %arg6[%broadcast_in_dim3A_573] : memref<576xf32, #tpu.memory_space<vmem>>[vector<16xi32>], vector<16xf32>,
    %add3A_575 = arith.addf %add3A_571, %gather3A_574 : vector<16xf32>
    %broadcast_in_dim3A_576 = arith.constant 213 : i32
    %broadcast_in_dim3A_577 = vector.broadcast %broadcast_in_dim3A_576 : i32 to vector<16xi32>
    %gather3A_578 = tpu.vector_load_idx %arg6[%broadcast_in_dim3A_577] : memref<576xf32, #tpu.memory_space<vmem>>[vector<16xi32>], vector<16xf32>,
    %mul3A_579 = arith.mulf %mul3A_146, %gather3A_578 : vector<16xf32>
    %broadcast_in_dim3A_580 = arith.constant 229 : i32
    %broadcast_in_dim3A_581 = vector.broadcast %broadcast_in_dim3A_580 : i32 to vector<16xi32>
    %gather3A_582 = tpu.vector_load_idx %arg6[%broadcast_in_dim3A_581] : memref<576xf32, #tpu.memory_space<vmem>>[vector<16xi32>], vector<16xf32>,
    %mul3A_583 = arith.mulf %mul3A_147, %gather3A_582 : vector<16xf32>
    %add3A_584 = arith.addf %mul3A_579, %mul3A_583 : vector<16xf32>
    %broadcast_in_dim3A_585 = arith.constant 245 : i32
    %broadcast_in_dim3A_586 = vector.broadcast %broadcast_in_dim3A_585 : i32 to vector<16xi32>
    %gather3A_587 = tpu.vector_load_idx %arg6[%broadcast_in_dim3A_586] : memref<576xf32, #tpu.memory_space<vmem>>[vector<16xi32>], vector<16xf32>,
    %mul3A_588 = arith.mulf %mul3A_148, %gather3A_587 : vector<16xf32>
    %add3A_589 = arith.addf %add3A_584, %mul3A_588 : vector<16xf32>
    %broadcast_in_dim3A_590 = arith.constant 261 : i32
    %broadcast_in_dim3A_591 = vector.broadcast %broadcast_in_dim3A_590 : i32 to vector<16xi32>
    %gather3A_592 = tpu.vector_load_idx %arg6[%broadcast_in_dim3A_591] : memref<576xf32, #tpu.memory_space<vmem>>[vector<16xi32>], vector<16xf32>,
    %mul3A_593 = arith.mulf %mul3A_149, %gather3A_592 : vector<16xf32>
    %add3A_594 = arith.addf %add3A_589, %mul3A_593 : vector<16xf32>
    %broadcast_in_dim3A_595 = arith.constant 277 : i32
    %broadcast_in_dim3A_596 = vector.broadcast %broadcast_in_dim3A_595 : i32 to vector<16xi32>
    %gather3A_597 = tpu.vector_load_idx %arg6[%broadcast_in_dim3A_596] : memref<576xf32, #tpu.memory_space<vmem>>[vector<16xi32>], vector<16xf32>,
    %mul3A_598 = arith.mulf %mul3A_150, %gather3A_597 : vector<16xf32>
    %add3A_599 = arith.addf %add3A_594, %mul3A_598 : vector<16xf32>
    %broadcast_in_dim3A_600 = arith.constant 293 : i32
    %broadcast_in_dim3A_601 = vector.broadcast %broadcast_in_dim3A_600 : i32 to vector<16xi32>
    %gather3A_602 = tpu.vector_load_idx %arg6[%broadcast_in_dim3A_601] : memref<576xf32, #tpu.memory_space<vmem>>[vector<16xi32>], vector<16xf32>,
    %mul3A_603 = arith.mulf %mul3A_151, %gather3A_602 : vector<16xf32>
    %add3A_604 = arith.addf %add3A_599, %mul3A_603 : vector<16xf32>
    %broadcast_in_dim3A_605 = arith.constant 309 : i32
    %broadcast_in_dim3A_606 = vector.broadcast %broadcast_in_dim3A_605 : i32 to vector<16xi32>
    %gather3A_607 = tpu.vector_load_idx %arg6[%broadcast_in_dim3A_606] : memref<576xf32, #tpu.memory_space<vmem>>[vector<16xi32>], vector<16xf32>,
    %mul3A_608 = arith.mulf %mul3A_152, %gather3A_607 : vector<16xf32>
    %add3A_609 = arith.addf %add3A_604, %mul3A_608 : vector<16xf32>
    %broadcast_in_dim3A_610 = arith.constant 325 : i32
    %broadcast_in_dim3A_611 = vector.broadcast %broadcast_in_dim3A_610 : i32 to vector<16xi32>
    %gather3A_612 = tpu.vector_load_idx %arg6[%broadcast_in_dim3A_611] : memref<576xf32, #tpu.memory_space<vmem>>[vector<16xi32>], vector<16xf32>,
    %mul3A_613 = arith.mulf %mul3A_153, %gather3A_612 : vector<16xf32>
    %add3A_614 = arith.addf %add3A_609, %mul3A_613 : vector<16xf32>
    %broadcast_in_dim3A_615 = arith.constant 341 : i32
    %broadcast_in_dim3A_616 = vector.broadcast %broadcast_in_dim3A_615 : i32 to vector<16xi32>
    %gather3A_617 = tpu.vector_load_idx %arg6[%broadcast_in_dim3A_616] : memref<576xf32, #tpu.memory_space<vmem>>[vector<16xi32>], vector<16xf32>,
    %mul3A_618 = arith.mulf %mul3A_154, %gather3A_617 : vector<16xf32>
    %add3A_619 = arith.addf %add3A_614, %mul3A_618 : vector<16xf32>
    %broadcast_in_dim3A_620 = arith.constant 357 : i32
    %broadcast_in_dim3A_621 = vector.broadcast %broadcast_in_dim3A_620 : i32 to vector<16xi32>
    %gather3A_622 = tpu.vector_load_idx %arg6[%broadcast_in_dim3A_621] : memref<576xf32, #tpu.memory_space<vmem>>[vector<16xi32>], vector<16xf32>,
    %mul3A_623 = arith.mulf %mul3A_155, %gather3A_622 : vector<16xf32>
    %add3A_624 = arith.addf %add3A_619, %mul3A_623 : vector<16xf32>
    %broadcast_in_dim3A_625 = arith.constant 373 : i32
    %broadcast_in_dim3A_626 = vector.broadcast %broadcast_in_dim3A_625 : i32 to vector<16xi32>
    %gather3A_627 = tpu.vector_load_idx %arg6[%broadcast_in_dim3A_626] : memref<576xf32, #tpu.memory_space<vmem>>[vector<16xi32>], vector<16xf32>,
    %mul3A_628 = arith.mulf %mul3A_156, %gather3A_627 : vector<16xf32>
    %add3A_629 = arith.addf %add3A_624, %mul3A_628 : vector<16xf32>
    %broadcast_in_dim3A_630 = arith.constant 389 : i32
    %broadcast_in_dim3A_631 = vector.broadcast %broadcast_in_dim3A_630 : i32 to vector<16xi32>
    %gather3A_632 = tpu.vector_load_idx %arg6[%broadcast_in_dim3A_631] : memref<576xf32, #tpu.memory_space<vmem>>[vector<16xi32>], vector<16xf32>,
    %mul3A_633 = arith.mulf %mul3A_157, %gather3A_632 : vector<16xf32>
    %add3A_634 = arith.addf %add3A_629, %mul3A_633 : vector<16xf32>
    %broadcast_in_dim3A_635 = arith.constant 405 : i32
    %broadcast_in_dim3A_636 = vector.broadcast %broadcast_in_dim3A_635 : i32 to vector<16xi32>
    %gather3A_637 = tpu.vector_load_idx %arg6[%broadcast_in_dim3A_636] : memref<576xf32, #tpu.memory_space<vmem>>[vector<16xi32>], vector<16xf32>,
    %mul3A_638 = arith.mulf %mul3A_158, %gather3A_637 : vector<16xf32>
    %add3A_639 = arith.addf %add3A_634, %mul3A_638 : vector<16xf32>
    %broadcast_in_dim3A_640 = arith.constant 421 : i32
    %broadcast_in_dim3A_641 = vector.broadcast %broadcast_in_dim3A_640 : i32 to vector<16xi32>
    %gather3A_642 = tpu.vector_load_idx %arg6[%broadcast_in_dim3A_641] : memref<576xf32, #tpu.memory_space<vmem>>[vector<16xi32>], vector<16xf32>,
    %mul3A_643 = arith.mulf %mul3A_159, %gather3A_642 : vector<16xf32>
    %add3A_644 = arith.addf %add3A_639, %mul3A_643 : vector<16xf32>
    %broadcast_in_dim3A_645 = arith.constant 437 : i32
    %broadcast_in_dim3A_646 = vector.broadcast %broadcast_in_dim3A_645 : i32 to vector<16xi32>
    %gather3A_647 = tpu.vector_load_idx %arg6[%broadcast_in_dim3A_646] : memref<576xf32, #tpu.memory_space<vmem>>[vector<16xi32>], vector<16xf32>,
    %mul3A_648 = arith.mulf %mul3A_160, %gather3A_647 : vector<16xf32>
    %add3A_649 = arith.addf %add3A_644, %mul3A_648 : vector<16xf32>
    %broadcast_in_dim3A_650 = arith.constant 453 : i32
    %broadcast_in_dim3A_651 = vector.broadcast %broadcast_in_dim3A_650 : i32 to vector<16xi32>
    %gather3A_652 = tpu.vector_load_idx %arg6[%broadcast_in_dim3A_651] : memref<576xf32, #tpu.memory_space<vmem>>[vector<16xi32>], vector<16xf32>,
    %mul3A_653 = arith.mulf %mul3A_161, %gather3A_652 : vector<16xf32>
    %add3A_654 = arith.addf %add3A_649, %mul3A_653 : vector<16xf32>
    %broadcast_in_dim3A_655 = arith.constant 469 : i32
    %broadcast_in_dim3A_656 = vector.broadcast %broadcast_in_dim3A_655 : i32 to vector<16xi32>
    %gather3A_657 = tpu.vector_load_idx %arg6[%broadcast_in_dim3A_656] : memref<576xf32, #tpu.memory_space<vmem>>[vector<16xi32>], vector<16xf32>,
    %add3A_658 = arith.addf %add3A_654, %gather3A_657 : vector<16xf32>
    %broadcast_in_dim3A_659 = arith.constant 214 : i32
    %broadcast_in_dim3A_660 = vector.broadcast %broadcast_in_dim3A_659 : i32 to vector<16xi32>
    %gather3A_661 = tpu.vector_load_idx %arg6[%broadcast_in_dim3A_660] : memref<576xf32, #tpu.memory_space<vmem>>[vector<16xi32>], vector<16xf32>,
    %mul3A_662 = arith.mulf %mul3A_146, %gather3A_661 : vector<16xf32>
    %broadcast_in_dim3A_663 = arith.constant 230 : i32
    %broadcast_in_dim3A_664 = vector.broadcast %broadcast_in_dim3A_663 : i32 to vector<16xi32>
    %gather3A_665 = tpu.vector_load_idx %arg6[%broadcast_in_dim3A_664] : memref<576xf32, #tpu.memory_space<vmem>>[vector<16xi32>], vector<16xf32>,
    %mul3A_666 = arith.mulf %mul3A_147, %gather3A_665 : vector<16xf32>
    %add3A_667 = arith.addf %mul3A_662, %mul3A_666 : vector<16xf32>
    %broadcast_in_dim3A_668 = arith.constant 246 : i32
    %broadcast_in_dim3A_669 = vector.broadcast %broadcast_in_dim3A_668 : i32 to vector<16xi32>
    %gather3A_670 = tpu.vector_load_idx %arg6[%broadcast_in_dim3A_669] : memref<576xf32, #tpu.memory_space<vmem>>[vector<16xi32>], vector<16xf32>,
    %mul3A_671 = arith.mulf %mul3A_148, %gather3A_670 : vector<16xf32>
    %add3A_672 = arith.addf %add3A_667, %mul3A_671 : vector<16xf32>
    %broadcast_in_dim3A_673 = arith.constant 262 : i32
    %broadcast_in_dim3A_674 = vector.broadcast %broadcast_in_dim3A_673 : i32 to vector<16xi32>
    %gather3A_675 = tpu.vector_load_idx %arg6[%broadcast_in_dim3A_674] : memref<576xf32, #tpu.memory_space<vmem>>[vector<16xi32>], vector<16xf32>,
    %mul3A_676 = arith.mulf %mul3A_149, %gather3A_675 : vector<16xf32>
    %add3A_677 = arith.addf %add3A_672, %mul3A_676 : vector<16xf32>
    %broadcast_in_dim3A_678 = arith.constant 278 : i32
    %broadcast_in_dim3A_679 = vector.broadcast %broadcast_in_dim3A_678 : i32 to vector<16xi32>
    %gather3A_680 = tpu.vector_load_idx %arg6[%broadcast_in_dim3A_679] : memref<576xf32, #tpu.memory_space<vmem>>[vector<16xi32>], vector<16xf32>,
    %mul3A_681 = arith.mulf %mul3A_150, %gather3A_680 : vector<16xf32>
    %add3A_682 = arith.addf %add3A_677, %mul3A_681 : vector<16xf32>
    %broadcast_in_dim3A_683 = arith.constant 294 : i32
    %broadcast_in_dim3A_684 = vector.broadcast %broadcast_in_dim3A_683 : i32 to vector<16xi32>
    %gather3A_685 = tpu.vector_load_idx %arg6[%broadcast_in_dim3A_684] : memref<576xf32, #tpu.memory_space<vmem>>[vector<16xi32>], vector<16xf32>,
    %mul3A_686 = arith.mulf %mul3A_151, %gather3A_685 : vector<16xf32>
    %add3A_687 = arith.addf %add3A_682, %mul3A_686 : vector<16xf32>
    %broadcast_in_dim3A_688 = arith.constant 310 : i32
    %broadcast_in_dim3A_689 = vector.broadcast %broadcast_in_dim3A_688 : i32 to vector<16xi32>
    %gather3A_690 = tpu.vector_load_idx %arg6[%broadcast_in_dim3A_689] : memref<576xf32, #tpu.memory_space<vmem>>[vector<16xi32>], vector<16xf32>,
    %mul3A_691 = arith.mulf %mul3A_152, %gather3A_690 : vector<16xf32>
    %add3A_692 = arith.addf %add3A_687, %mul3A_691 : vector<16xf32>
    %broadcast_in_dim3A_693 = arith.constant 326 : i32
    %broadcast_in_dim3A_694 = vector.broadcast %broadcast_in_dim3A_693 : i32 to vector<16xi32>
    %gather3A_695 = tpu.vector_load_idx %arg6[%broadcast_in_dim3A_694] : memref<576xf32, #tpu.memory_space<vmem>>[vector<16xi32>], vector<16xf32>,
    %mul3A_696 = arith.mulf %mul3A_153, %gather3A_695 : vector<16xf32>
    %add3A_697 = arith.addf %add3A_692, %mul3A_696 : vector<16xf32>
    %broadcast_in_dim3A_698 = arith.constant 342 : i32
    %broadcast_in_dim3A_699 = vector.broadcast %broadcast_in_dim3A_698 : i32 to vector<16xi32>
    %gather3A_700 = tpu.vector_load_idx %arg6[%broadcast_in_dim3A_699] : memref<576xf32, #tpu.memory_space<vmem>>[vector<16xi32>], vector<16xf32>,
    %mul3A_701 = arith.mulf %mul3A_154, %gather3A_700 : vector<16xf32>
    %add3A_702 = arith.addf %add3A_697, %mul3A_701 : vector<16xf32>
    %broadcast_in_dim3A_703 = arith.constant 358 : i32
    %broadcast_in_dim3A_704 = vector.broadcast %broadcast_in_dim3A_703 : i32 to vector<16xi32>
    %gather3A_705 = tpu.vector_load_idx %arg6[%broadcast_in_dim3A_704] : memref<576xf32, #tpu.memory_space<vmem>>[vector<16xi32>], vector<16xf32>,
    %mul3A_706 = arith.mulf %mul3A_155, %gather3A_705 : vector<16xf32>
    %add3A_707 = arith.addf %add3A_702, %mul3A_706 : vector<16xf32>
    %broadcast_in_dim3A_708 = arith.constant 374 : i32
    %broadcast_in_dim3A_709 = vector.broadcast %broadcast_in_dim3A_708 : i32 to vector<16xi32>
    %gather3A_710 = tpu.vector_load_idx %arg6[%broadcast_in_dim3A_709] : memref<576xf32, #tpu.memory_space<vmem>>[vector<16xi32>], vector<16xf32>,
    %mul3A_711 = arith.mulf %mul3A_156, %gather3A_710 : vector<16xf32>
    %add3A_712 = arith.addf %add3A_707, %mul3A_711 : vector<16xf32>
    %broadcast_in_dim3A_713 = arith.constant 390 : i32
    %broadcast_in_dim3A_714 = vector.broadcast %broadcast_in_dim3A_713 : i32 to vector<16xi32>
    %gather3A_715 = tpu.vector_load_idx %arg6[%broadcast_in_dim3A_714] : memref<576xf32, #tpu.memory_space<vmem>>[vector<16xi32>], vector<16xf32>,
    %mul3A_716 = arith.mulf %mul3A_157, %gather3A_715 : vector<16xf32>
    %add3A_717 = arith.addf %add3A_712, %mul3A_716 : vector<16xf32>
    %broadcast_in_dim3A_718 = arith.constant 406 : i32
    %broadcast_in_dim3A_719 = vector.broadcast %broadcast_in_dim3A_718 : i32 to vector<16xi32>
    %gather3A_720 = tpu.vector_load_idx %arg6[%broadcast_in_dim3A_719] : memref<576xf32, #tpu.memory_space<vmem>>[vector<16xi32>], vector<16xf32>,
    %mul3A_721 = arith.mulf %mul3A_158, %gather3A_720 : vector<16xf32>
    %add3A_722 = arith.addf %add3A_717, %mul3A_721 : vector<16xf32>
    %broadcast_in_dim3A_723 = arith.constant 422 : i32
    %broadcast_in_dim3A_724 = vector.broadcast %broadcast_in_dim3A_723 : i32 to vector<16xi32>
    %gather3A_725 = tpu.vector_load_idx %arg6[%broadcast_in_dim3A_724] : memref<576xf32, #tpu.memory_space<vmem>>[vector<16xi32>], vector<16xf32>,
    %mul3A_726 = arith.mulf %mul3A_159, %gather3A_725 : vector<16xf32>
    %add3A_727 = arith.addf %add3A_722, %mul3A_726 : vector<16xf32>
    %broadcast_in_dim3A_728 = arith.constant 438 : i32
    %broadcast_in_dim3A_729 = vector.broadcast %broadcast_in_dim3A_728 : i32 to vector<16xi32>
    %gather3A_730 = tpu.vector_load_idx %arg6[%broadcast_in_dim3A_729] : memref<576xf32, #tpu.memory_space<vmem>>[vector<16xi32>], vector<16xf32>,
    %mul3A_731 = arith.mulf %mul3A_160, %gather3A_730 : vector<16xf32>
    %add3A_732 = arith.addf %add3A_727, %mul3A_731 : vector<16xf32>
    %broadcast_in_dim3A_733 = arith.constant 454 : i32
    %broadcast_in_dim3A_734 = vector.broadcast %broadcast_in_dim3A_733 : i32 to vector<16xi32>
    %gather3A_735 = tpu.vector_load_idx %arg6[%broadcast_in_dim3A_734] : memref<576xf32, #tpu.memory_space<vmem>>[vector<16xi32>], vector<16xf32>,
    %mul3A_736 = arith.mulf %mul3A_161, %gather3A_735 : vector<16xf32>
    %add3A_737 = arith.addf %add3A_732, %mul3A_736 : vector<16xf32>
    %broadcast_in_dim3A_738 = arith.constant 470 : i32
    %broadcast_in_dim3A_739 = vector.broadcast %broadcast_in_dim3A_738 : i32 to vector<16xi32>
    %gather3A_740 = tpu.vector_load_idx %arg6[%broadcast_in_dim3A_739] : memref<576xf32, #tpu.memory_space<vmem>>[vector<16xi32>], vector<16xf32>,
    %add3A_741 = arith.addf %add3A_737, %gather3A_740 : vector<16xf32>
    %broadcast_in_dim3A_742 = arith.constant 215 : i32
    %broadcast_in_dim3A_743 = vector.broadcast %broadcast_in_dim3A_742 : i32 to vector<16xi32>
    %gather3A_744 = tpu.vector_load_idx %arg6[%broadcast_in_dim3A_743] : memref<576xf32, #tpu.memory_space<vmem>>[vector<16xi32>], vector<16xf32>,
    %mul3A_745 = arith.mulf %mul3A_146, %gather3A_744 : vector<16xf32>
    %broadcast_in_dim3A_746 = arith.constant 231 : i32
    %broadcast_in_dim3A_747 = vector.broadcast %broadcast_in_dim3A_746 : i32 to vector<16xi32>
    %gather3A_748 = tpu.vector_load_idx %arg6[%broadcast_in_dim3A_747] : memref<576xf32, #tpu.memory_space<vmem>>[vector<16xi32>], vector<16xf32>,
    %mul3A_749 = arith.mulf %mul3A_147, %gather3A_748 : vector<16xf32>
    %add3A_750 = arith.addf %mul3A_745, %mul3A_749 : vector<16xf32>
    %broadcast_in_dim3A_751 = arith.constant 247 : i32
    %broadcast_in_dim3A_752 = vector.broadcast %broadcast_in_dim3A_751 : i32 to vector<16xi32>
    %gather3A_753 = tpu.vector_load_idx %arg6[%broadcast_in_dim3A_752] : memref<576xf32, #tpu.memory_space<vmem>>[vector<16xi32>], vector<16xf32>,
    %mul3A_754 = arith.mulf %mul3A_148, %gather3A_753 : vector<16xf32>
    %add3A_755 = arith.addf %add3A_750, %mul3A_754 : vector<16xf32>
    %broadcast_in_dim3A_756 = arith.constant 263 : i32
    %broadcast_in_dim3A_757 = vector.broadcast %broadcast_in_dim3A_756 : i32 to vector<16xi32>
    %gather3A_758 = tpu.vector_load_idx %arg6[%broadcast_in_dim3A_757] : memref<576xf32, #tpu.memory_space<vmem>>[vector<16xi32>], vector<16xf32>,
    %mul3A_759 = arith.mulf %mul3A_149, %gather3A_758 : vector<16xf32>
    %add3A_760 = arith.addf %add3A_755, %mul3A_759 : vector<16xf32>
    %broadcast_in_dim3A_761 = arith.constant 279 : i32
    %broadcast_in_dim3A_762 = vector.broadcast %broadcast_in_dim3A_761 : i32 to vector<16xi32>
    %gather3A_763 = tpu.vector_load_idx %arg6[%broadcast_in_dim3A_762] : memref<576xf32, #tpu.memory_space<vmem>>[vector<16xi32>], vector<16xf32>,
    %mul3A_764 = arith.mulf %mul3A_150, %gather3A_763 : vector<16xf32>
    %add3A_765 = arith.addf %add3A_760, %mul3A_764 : vector<16xf32>
    %broadcast_in_dim3A_766 = arith.constant 295 : i32
    %broadcast_in_dim3A_767 = vector.broadcast %broadcast_in_dim3A_766 : i32 to vector<16xi32>
    %gather3A_768 = tpu.vector_load_idx %arg6[%broadcast_in_dim3A_767] : memref<576xf32, #tpu.memory_space<vmem>>[vector<16xi32>], vector<16xf32>,
    %mul3A_769 = arith.mulf %mul3A_151, %gather3A_768 : vector<16xf32>
    %add3A_770 = arith.addf %add3A_765, %mul3A_769 : vector<16xf32>
    %broadcast_in_dim3A_771 = arith.constant 311 : i32
    %broadcast_in_dim3A_772 = vector.broadcast %broadcast_in_dim3A_771 : i32 to vector<16xi32>
    %gather3A_773 = tpu.vector_load_idx %arg6[%broadcast_in_dim3A_772] : memref<576xf32, #tpu.memory_space<vmem>>[vector<16xi32>], vector<16xf32>,
    %mul3A_774 = arith.mulf %mul3A_152, %gather3A_773 : vector<16xf32>
    %add3A_775 = arith.addf %add3A_770, %mul3A_774 : vector<16xf32>
    %broadcast_in_dim3A_776 = arith.constant 327 : i32
    %broadcast_in_dim3A_777 = vector.broadcast %broadcast_in_dim3A_776 : i32 to vector<16xi32>
    %gather3A_778 = tpu.vector_load_idx %arg6[%broadcast_in_dim3A_777] : memref<576xf32, #tpu.memory_space<vmem>>[vector<16xi32>], vector<16xf32>,
    %mul3A_779 = arith.mulf %mul3A_153, %gather3A_778 : vector<16xf32>
    %add3A_780 = arith.addf %add3A_775, %mul3A_779 : vector<16xf32>
    %broadcast_in_dim3A_781 = arith.constant 343 : i32
    %broadcast_in_dim3A_782 = vector.broadcast %broadcast_in_dim3A_781 : i32 to vector<16xi32>
    %gather3A_783 = tpu.vector_load_idx %arg6[%broadcast_in_dim3A_782] : memref<576xf32, #tpu.memory_space<vmem>>[vector<16xi32>], vector<16xf32>,
    %mul3A_784 = arith.mulf %mul3A_154, %gather3A_783 : vector<16xf32>
    %add3A_785 = arith.addf %add3A_780, %mul3A_784 : vector<16xf32>
    %broadcast_in_dim3A_786 = arith.constant 359 : i32
    %broadcast_in_dim3A_787 = vector.broadcast %broadcast_in_dim3A_786 : i32 to vector<16xi32>
    %gather3A_788 = tpu.vector_load_idx %arg6[%broadcast_in_dim3A_787] : memref<576xf32, #tpu.memory_space<vmem>>[vector<16xi32>], vector<16xf32>,
    %mul3A_789 = arith.mulf %mul3A_155, %gather3A_788 : vector<16xf32>
    %add3A_790 = arith.addf %add3A_785, %mul3A_789 : vector<16xf32>
    %broadcast_in_dim3A_791 = arith.constant 375 : i32
    %broadcast_in_dim3A_792 = vector.broadcast %broadcast_in_dim3A_791 : i32 to vector<16xi32>
    %gather3A_793 = tpu.vector_load_idx %arg6[%broadcast_in_dim3A_792] : memref<576xf32, #tpu.memory_space<vmem>>[vector<16xi32>], vector<16xf32>,
    %mul3A_794 = arith.mulf %mul3A_156, %gather3A_793 : vector<16xf32>
    %add3A_795 = arith.addf %add3A_790, %mul3A_794 : vector<16xf32>
    %broadcast_in_dim3A_796 = arith.constant 391 : i32
    %broadcast_in_dim3A_797 = vector.broadcast %broadcast_in_dim3A_796 : i32 to vector<16xi32>
    %gather3A_798 = tpu.vector_load_idx %arg6[%broadcast_in_dim3A_797] : memref<576xf32, #tpu.memory_space<vmem>>[vector<16xi32>], vector<16xf32>,
    %mul3A_799 = arith.mulf %mul3A_157, %gather3A_798 : vector<16xf32>
    %add3A_800 = arith.addf %add3A_795, %mul3A_799 : vector<16xf32>
    %broadcast_in_dim3A_801 = arith.constant 407 : i32
    %broadcast_in_dim3A_802 = vector.broadcast %broadcast_in_dim3A_801 : i32 to vector<16xi32>
    %gather3A_803 = tpu.vector_load_idx %arg6[%broadcast_in_dim3A_802] : memref<576xf32, #tpu.memory_space<vmem>>[vector<16xi32>], vector<16xf32>,
    %mul3A_804 = arith.mulf %mul3A_158, %gather3A_803 : vector<16xf32>
    %add3A_805 = arith.addf %add3A_800, %mul3A_804 : vector<16xf32>
    %broadcast_in_dim3A_806 = arith.constant 423 : i32
    %broadcast_in_dim3A_807 = vector.broadcast %broadcast_in_dim3A_806 : i32 to vector<16xi32>
    %gather3A_808 = tpu.vector_load_idx %arg6[%broadcast_in_dim3A_807] : memref<576xf32, #tpu.memory_space<vmem>>[vector<16xi32>], vector<16xf32>,
    %mul3A_809 = arith.mulf %mul3A_159, %gather3A_808 : vector<16xf32>
    %add3A_810 = arith.addf %add3A_805, %mul3A_809 : vector<16xf32>
    %broadcast_in_dim3A_811 = arith.constant 439 : i32
    %broadcast_in_dim3A_812 = vector.broadcast %broadcast_in_dim3A_811 : i32 to vector<16xi32>
    %gather3A_813 = tpu.vector_load_idx %arg6[%broadcast_in_dim3A_812] : memref<576xf32, #tpu.memory_space<vmem>>[vector<16xi32>], vector<16xf32>,
    %mul3A_814 = arith.mulf %mul3A_160, %gather3A_813 : vector<16xf32>
    %add3A_815 = arith.addf %add3A_810, %mul3A_814 : vector<16xf32>
    %broadcast_in_dim3A_816 = arith.constant 455 : i32
    %broadcast_in_dim3A_817 = vector.broadcast %broadcast_in_dim3A_816 : i32 to vector<16xi32>
    %gather3A_818 = tpu.vector_load_idx %arg6[%broadcast_in_dim3A_817] : memref<576xf32, #tpu.memory_space<vmem>>[vector<16xi32>], vector<16xf32>,
    %mul3A_819 = arith.mulf %mul3A_161, %gather3A_818 : vector<16xf32>
    %add3A_820 = arith.addf %add3A_815, %mul3A_819 : vector<16xf32>
    %broadcast_in_dim3A_821 = arith.constant 471 : i32
    %broadcast_in_dim3A_822 = vector.broadcast %broadcast_in_dim3A_821 : i32 to vector<16xi32>
    %gather3A_823 = tpu.vector_load_idx %arg6[%broadcast_in_dim3A_822] : memref<576xf32, #tpu.memory_space<vmem>>[vector<16xi32>], vector<16xf32>,
    %add3A_824 = arith.addf %add3A_820, %gather3A_823 : vector<16xf32>
    %broadcast_in_dim3A_825 = arith.constant 216 : i32
    %broadcast_in_dim3A_826 = vector.broadcast %broadcast_in_dim3A_825 : i32 to vector<16xi32>
    %gather3A_827 = tpu.vector_load_idx %arg6[%broadcast_in_dim3A_826] : memref<576xf32, #tpu.memory_space<vmem>>[vector<16xi32>], vector<16xf32>,
    %mul3A_828 = arith.mulf %mul3A_146, %gather3A_827 : vector<16xf32>
    %broadcast_in_dim3A_829 = arith.constant 232 : i32
    %broadcast_in_dim3A_830 = vector.broadcast %broadcast_in_dim3A_829 : i32 to vector<16xi32>
    %gather3A_831 = tpu.vector_load_idx %arg6[%broadcast_in_dim3A_830] : memref<576xf32, #tpu.memory_space<vmem>>[vector<16xi32>], vector<16xf32>,
    %mul3A_832 = arith.mulf %mul3A_147, %gather3A_831 : vector<16xf32>
    %add3A_833 = arith.addf %mul3A_828, %mul3A_832 : vector<16xf32>
    %broadcast_in_dim3A_834 = arith.constant 248 : i32
    %broadcast_in_dim3A_835 = vector.broadcast %broadcast_in_dim3A_834 : i32 to vector<16xi32>
    %gather3A_836 = tpu.vector_load_idx %arg6[%broadcast_in_dim3A_835] : memref<576xf32, #tpu.memory_space<vmem>>[vector<16xi32>], vector<16xf32>,
    %mul3A_837 = arith.mulf %mul3A_148, %gather3A_836 : vector<16xf32>
    %add3A_838 = arith.addf %add3A_833, %mul3A_837 : vector<16xf32>
    %broadcast_in_dim3A_839 = arith.constant 264 : i32
    %broadcast_in_dim3A_840 = vector.broadcast %broadcast_in_dim3A_839 : i32 to vector<16xi32>
    %gather3A_841 = tpu.vector_load_idx %arg6[%broadcast_in_dim3A_840] : memref<576xf32, #tpu.memory_space<vmem>>[vector<16xi32>], vector<16xf32>,
    %mul3A_842 = arith.mulf %mul3A_149, %gather3A_841 : vector<16xf32>
    %add3A_843 = arith.addf %add3A_838, %mul3A_842 : vector<16xf32>
    %broadcast_in_dim3A_844 = arith.constant 280 : i32
    %broadcast_in_dim3A_845 = vector.broadcast %broadcast_in_dim3A_844 : i32 to vector<16xi32>
    %gather3A_846 = tpu.vector_load_idx %arg6[%broadcast_in_dim3A_845] : memref<576xf32, #tpu.memory_space<vmem>>[vector<16xi32>], vector<16xf32>,
    %mul3A_847 = arith.mulf %mul3A_150, %gather3A_846 : vector<16xf32>
    %add3A_848 = arith.addf %add3A_843, %mul3A_847 : vector<16xf32>
    %broadcast_in_dim3A_849 = arith.constant 296 : i32
    %broadcast_in_dim3A_850 = vector.broadcast %broadcast_in_dim3A_849 : i32 to vector<16xi32>
    %gather3A_851 = tpu.vector_load_idx %arg6[%broadcast_in_dim3A_850] : memref<576xf32, #tpu.memory_space<vmem>>[vector<16xi32>], vector<16xf32>,
    %mul3A_852 = arith.mulf %mul3A_151, %gather3A_851 : vector<16xf32>
    %add3A_853 = arith.addf %add3A_848, %mul3A_852 : vector<16xf32>
    %broadcast_in_dim3A_854 = arith.constant 312 : i32
    %broadcast_in_dim3A_855 = vector.broadcast %broadcast_in_dim3A_854 : i32 to vector<16xi32>
    %gather3A_856 = tpu.vector_load_idx %arg6[%broadcast_in_dim3A_855] : memref<576xf32, #tpu.memory_space<vmem>>[vector<16xi32>], vector<16xf32>,
    %mul3A_857 = arith.mulf %mul3A_152, %gather3A_856 : vector<16xf32>
    %add3A_858 = arith.addf %add3A_853, %mul3A_857 : vector<16xf32>
    %broadcast_in_dim3A_859 = arith.constant 328 : i32
    %broadcast_in_dim3A_860 = vector.broadcast %broadcast_in_dim3A_859 : i32 to vector<16xi32>
    %gather3A_861 = tpu.vector_load_idx %arg6[%broadcast_in_dim3A_860] : memref<576xf32, #tpu.memory_space<vmem>>[vector<16xi32>], vector<16xf32>,
    %mul3A_862 = arith.mulf %mul3A_153, %gather3A_861 : vector<16xf32>
    %add3A_863 = arith.addf %add3A_858, %mul3A_862 : vector<16xf32>
    %broadcast_in_dim3A_864 = arith.constant 344 : i32
    %broadcast_in_dim3A_865 = vector.broadcast %broadcast_in_dim3A_864 : i32 to vector<16xi32>
    %gather3A_866 = tpu.vector_load_idx %arg6[%broadcast_in_dim3A_865] : memref<576xf32, #tpu.memory_space<vmem>>[vector<16xi32>], vector<16xf32>,
    %mul3A_867 = arith.mulf %mul3A_154, %gather3A_866 : vector<16xf32>
    %add3A_868 = arith.addf %add3A_863, %mul3A_867 : vector<16xf32>
    %broadcast_in_dim3A_869 = arith.constant 360 : i32
    %broadcast_in_dim3A_870 = vector.broadcast %broadcast_in_dim3A_869 : i32 to vector<16xi32>
    %gather3A_871 = tpu.vector_load_idx %arg6[%broadcast_in_dim3A_870] : memref<576xf32, #tpu.memory_space<vmem>>[vector<16xi32>], vector<16xf32>,
    %mul3A_872 = arith.mulf %mul3A_155, %gather3A_871 : vector<16xf32>
    %add3A_873 = arith.addf %add3A_868, %mul3A_872 : vector<16xf32>
    %broadcast_in_dim3A_874 = arith.constant 376 : i32
    %broadcast_in_dim3A_875 = vector.broadcast %broadcast_in_dim3A_874 : i32 to vector<16xi32>
    %gather3A_876 = tpu.vector_load_idx %arg6[%broadcast_in_dim3A_875] : memref<576xf32, #tpu.memory_space<vmem>>[vector<16xi32>], vector<16xf32>,
    %mul3A_877 = arith.mulf %mul3A_156, %gather3A_876 : vector<16xf32>
    %add3A_878 = arith.addf %add3A_873, %mul3A_877 : vector<16xf32>
    %broadcast_in_dim3A_879 = arith.constant 392 : i32
    %broadcast_in_dim3A_880 = vector.broadcast %broadcast_in_dim3A_879 : i32 to vector<16xi32>
    %gather3A_881 = tpu.vector_load_idx %arg6[%broadcast_in_dim3A_880] : memref<576xf32, #tpu.memory_space<vmem>>[vector<16xi32>], vector<16xf32>,
    %mul3A_882 = arith.mulf %mul3A_157, %gather3A_881 : vector<16xf32>
    %add3A_883 = arith.addf %add3A_878, %mul3A_882 : vector<16xf32>
    %broadcast_in_dim3A_884 = arith.constant 408 : i32
    %broadcast_in_dim3A_885 = vector.broadcast %broadcast_in_dim3A_884 : i32 to vector<16xi32>
    %gather3A_886 = tpu.vector_load_idx %arg6[%broadcast_in_dim3A_885] : memref<576xf32, #tpu.memory_space<vmem>>[vector<16xi32>], vector<16xf32>,
    %mul3A_887 = arith.mulf %mul3A_158, %gather3A_886 : vector<16xf32>
    %add3A_888 = arith.addf %add3A_883, %mul3A_887 : vector<16xf32>
    %broadcast_in_dim3A_889 = arith.constant 424 : i32
    %broadcast_in_dim3A_890 = vector.broadcast %broadcast_in_dim3A_889 : i32 to vector<16xi32>
    %gather3A_891 = tpu.vector_load_idx %arg6[%broadcast_in_dim3A_890] : memref<576xf32, #tpu.memory_space<vmem>>[vector<16xi32>], vector<16xf32>,
    %mul3A_892 = arith.mulf %mul3A_159, %gather3A_891 : vector<16xf32>
    %add3A_893 = arith.addf %add3A_888, %mul3A_892 : vector<16xf32>
    %broadcast_in_dim3A_894 = arith.constant 440 : i32
    %broadcast_in_dim3A_895 = vector.broadcast %broadcast_in_dim3A_894 : i32 to vector<16xi32>
    %gather3A_896 = tpu.vector_load_idx %arg6[%broadcast_in_dim3A_895] : memref<576xf32, #tpu.memory_space<vmem>>[vector<16xi32>], vector<16xf32>,
    %mul3A_897 = arith.mulf %mul3A_160, %gather3A_896 : vector<16xf32>
    %add3A_898 = arith.addf %add3A_893, %mul3A_897 : vector<16xf32>
    %broadcast_in_dim3A_899 = arith.constant 456 : i32
    %broadcast_in_dim3A_900 = vector.broadcast %broadcast_in_dim3A_899 : i32 to vector<16xi32>
    %gather3A_901 = tpu.vector_load_idx %arg6[%broadcast_in_dim3A_900] : memref<576xf32, #tpu.memory_space<vmem>>[vector<16xi32>], vector<16xf32>,
    %mul3A_902 = arith.mulf %mul3A_161, %gather3A_901 : vector<16xf32>
    %add3A_903 = arith.addf %add3A_898, %mul3A_902 : vector<16xf32>
    %broadcast_in_dim3A_904 = arith.constant 472 : i32
    %broadcast_in_dim3A_905 = vector.broadcast %broadcast_in_dim3A_904 : i32 to vector<16xi32>
    %gather3A_906 = tpu.vector_load_idx %arg6[%broadcast_in_dim3A_905] : memref<576xf32, #tpu.memory_space<vmem>>[vector<16xi32>], vector<16xf32>,
    %add3A_907 = arith.addf %add3A_903, %gather3A_906 : vector<16xf32>
    %broadcast_in_dim3A_908 = arith.constant 217 : i32
    %broadcast_in_dim3A_909 = vector.broadcast %broadcast_in_dim3A_908 : i32 to vector<16xi32>
    %gather3A_910 = tpu.vector_load_idx %arg6[%broadcast_in_dim3A_909] : memref<576xf32, #tpu.memory_space<vmem>>[vector<16xi32>], vector<16xf32>,
    %mul3A_911 = arith.mulf %mul3A_146, %gather3A_910 : vector<16xf32>
    %broadcast_in_dim3A_912 = arith.constant 233 : i32
    %broadcast_in_dim3A_913 = vector.broadcast %broadcast_in_dim3A_912 : i32 to vector<16xi32>
    %gather3A_914 = tpu.vector_load_idx %arg6[%broadcast_in_dim3A_913] : memref<576xf32, #tpu.memory_space<vmem>>[vector<16xi32>], vector<16xf32>,
    %mul3A_915 = arith.mulf %mul3A_147, %gather3A_914 : vector<16xf32>
    %add3A_916 = arith.addf %mul3A_911, %mul3A_915 : vector<16xf32>
    %broadcast_in_dim3A_917 = arith.constant 249 : i32
    %broadcast_in_dim3A_918 = vector.broadcast %broadcast_in_dim3A_917 : i32 to vector<16xi32>
    %gather3A_919 = tpu.vector_load_idx %arg6[%broadcast_in_dim3A_918] : memref<576xf32, #tpu.memory_space<vmem>>[vector<16xi32>], vector<16xf32>,
    %mul3A_920 = arith.mulf %mul3A_148, %gather3A_919 : vector<16xf32>
    %add3A_921 = arith.addf %add3A_916, %mul3A_920 : vector<16xf32>
    %broadcast_in_dim3A_922 = arith.constant 265 : i32
    %broadcast_in_dim3A_923 = vector.broadcast %broadcast_in_dim3A_922 : i32 to vector<16xi32>
    %gather3A_924 = tpu.vector_load_idx %arg6[%broadcast_in_dim3A_923] : memref<576xf32, #tpu.memory_space<vmem>>[vector<16xi32>], vector<16xf32>,
    %mul3A_925 = arith.mulf %mul3A_149, %gather3A_924 : vector<16xf32>
    %add3A_926 = arith.addf %add3A_921, %mul3A_925 : vector<16xf32>
    %broadcast_in_dim3A_927 = arith.constant 281 : i32
    %broadcast_in_dim3A_928 = vector.broadcast %broadcast_in_dim3A_927 : i32 to vector<16xi32>
    %gather3A_929 = tpu.vector_load_idx %arg6[%broadcast_in_dim3A_928] : memref<576xf32, #tpu.memory_space<vmem>>[vector<16xi32>], vector<16xf32>,
    %mul3A_930 = arith.mulf %mul3A_150, %gather3A_929 : vector<16xf32>
    %add3A_931 = arith.addf %add3A_926, %mul3A_930 : vector<16xf32>
    %broadcast_in_dim3A_932 = arith.constant 297 : i32
    %broadcast_in_dim3A_933 = vector.broadcast %broadcast_in_dim3A_932 : i32 to vector<16xi32>
    %gather3A_934 = tpu.vector_load_idx %arg6[%broadcast_in_dim3A_933] : memref<576xf32, #tpu.memory_space<vmem>>[vector<16xi32>], vector<16xf32>,
    %mul3A_935 = arith.mulf %mul3A_151, %gather3A_934 : vector<16xf32>
    %add3A_936 = arith.addf %add3A_931, %mul3A_935 : vector<16xf32>
    %broadcast_in_dim3A_937 = arith.constant 313 : i32
    %broadcast_in_dim3A_938 = vector.broadcast %broadcast_in_dim3A_937 : i32 to vector<16xi32>
    %gather3A_939 = tpu.vector_load_idx %arg6[%broadcast_in_dim3A_938] : memref<576xf32, #tpu.memory_space<vmem>>[vector<16xi32>], vector<16xf32>,
    %mul3A_940 = arith.mulf %mul3A_152, %gather3A_939 : vector<16xf32>
    %add3A_941 = arith.addf %add3A_936, %mul3A_940 : vector<16xf32>
    %broadcast_in_dim3A_942 = arith.constant 329 : i32
    %broadcast_in_dim3A_943 = vector.broadcast %broadcast_in_dim3A_942 : i32 to vector<16xi32>
    %gather3A_944 = tpu.vector_load_idx %arg6[%broadcast_in_dim3A_943] : memref<576xf32, #tpu.memory_space<vmem>>[vector<16xi32>], vector<16xf32>,
    %mul3A_945 = arith.mulf %mul3A_153, %gather3A_944 : vector<16xf32>
    %add3A_946 = arith.addf %add3A_941, %mul3A_945 : vector<16xf32>
    %broadcast_in_dim3A_947 = arith.constant 345 : i32
    %broadcast_in_dim3A_948 = vector.broadcast %broadcast_in_dim3A_947 : i32 to vector<16xi32>
    %gather3A_949 = tpu.vector_load_idx %arg6[%broadcast_in_dim3A_948] : memref<576xf32, #tpu.memory_space<vmem>>[vector<16xi32>], vector<16xf32>,
    %mul3A_950 = arith.mulf %mul3A_154, %gather3A_949 : vector<16xf32>
    %add3A_951 = arith.addf %add3A_946, %mul3A_950 : vector<16xf32>
    %broadcast_in_dim3A_952 = arith.constant 361 : i32
    %broadcast_in_dim3A_953 = vector.broadcast %broadcast_in_dim3A_952 : i32 to vector<16xi32>
    %gather3A_954 = tpu.vector_load_idx %arg6[%broadcast_in_dim3A_953] : memref<576xf32, #tpu.memory_space<vmem>>[vector<16xi32>], vector<16xf32>,
    %mul3A_955 = arith.mulf %mul3A_155, %gather3A_954 : vector<16xf32>
    %add3A_956 = arith.addf %add3A_951, %mul3A_955 : vector<16xf32>
    %broadcast_in_dim3A_957 = arith.constant 377 : i32
    %broadcast_in_dim3A_958 = vector.broadcast %broadcast_in_dim3A_957 : i32 to vector<16xi32>
    %gather3A_959 = tpu.vector_load_idx %arg6[%broadcast_in_dim3A_958] : memref<576xf32, #tpu.memory_space<vmem>>[vector<16xi32>], vector<16xf32>,
    %mul3A_960 = arith.mulf %mul3A_156, %gather3A_959 : vector<16xf32>
    %add3A_961 = arith.addf %add3A_956, %mul3A_960 : vector<16xf32>
    %broadcast_in_dim3A_962 = arith.constant 393 : i32
    %broadcast_in_dim3A_963 = vector.broadcast %broadcast_in_dim3A_962 : i32 to vector<16xi32>
    %gather3A_964 = tpu.vector_load_idx %arg6[%broadcast_in_dim3A_963] : memref<576xf32, #tpu.memory_space<vmem>>[vector<16xi32>], vector<16xf32>,
    %mul3A_965 = arith.mulf %mul3A_157, %gather3A_964 : vector<16xf32>
    %add3A_966 = arith.addf %add3A_961, %mul3A_965 : vector<16xf32>
    %broadcast_in_dim3A_967 = arith.constant 409 : i32
    %broadcast_in_dim3A_968 = vector.broadcast %broadcast_in_dim3A_967 : i32 to vector<16xi32>
    %gather3A_969 = tpu.vector_load_idx %arg6[%broadcast_in_dim3A_968] : memref<576xf32, #tpu.memory_space<vmem>>[vector<16xi32>], vector<16xf32>,
    %mul3A_970 = arith.mulf %mul3A_158, %gather3A_969 : vector<16xf32>
    %add3A_971 = arith.addf %add3A_966, %mul3A_970 : vector<16xf32>
    %broadcast_in_dim3A_972 = arith.constant 425 : i32
    %broadcast_in_dim3A_973 = vector.broadcast %broadcast_in_dim3A_972 : i32 to vector<16xi32>
    %gather3A_974 = tpu.vector_load_idx %arg6[%broadcast_in_dim3A_973] : memref<576xf32, #tpu.memory_space<vmem>>[vector<16xi32>], vector<16xf32>,
    %mul3A_975 = arith.mulf %mul3A_159, %gather3A_974 : vector<16xf32>
    %add3A_976 = arith.addf %add3A_971, %mul3A_975 : vector<16xf32>
    %broadcast_in_dim3A_977 = arith.constant 441 : i32
    %broadcast_in_dim3A_978 = vector.broadcast %broadcast_in_dim3A_977 : i32 to vector<16xi32>
    %gather3A_979 = tpu.vector_load_idx %arg6[%broadcast_in_dim3A_978] : memref<576xf32, #tpu.memory_space<vmem>>[vector<16xi32>], vector<16xf32>,
    %mul3A_980 = arith.mulf %mul3A_160, %gather3A_979 : vector<16xf32>
    %add3A_981 = arith.addf %add3A_976, %mul3A_980 : vector<16xf32>
    %broadcast_in_dim3A_982 = arith.constant 457 : i32
    %broadcast_in_dim3A_983 = vector.broadcast %broadcast_in_dim3A_982 : i32 to vector<16xi32>
    %gather3A_984 = tpu.vector_load_idx %arg6[%broadcast_in_dim3A_983] : memref<576xf32, #tpu.memory_space<vmem>>[vector<16xi32>], vector<16xf32>,
    %mul3A_985 = arith.mulf %mul3A_161, %gather3A_984 : vector<16xf32>
    %add3A_986 = arith.addf %add3A_981, %mul3A_985 : vector<16xf32>
    %broadcast_in_dim3A_987 = arith.constant 473 : i32
    %broadcast_in_dim3A_988 = vector.broadcast %broadcast_in_dim3A_987 : i32 to vector<16xi32>
    %gather3A_989 = tpu.vector_load_idx %arg6[%broadcast_in_dim3A_988] : memref<576xf32, #tpu.memory_space<vmem>>[vector<16xi32>], vector<16xf32>,
    %add3A_990 = arith.addf %add3A_986, %gather3A_989 : vector<16xf32>
    %broadcast_in_dim3A_991 = arith.constant 218 : i32
    %broadcast_in_dim3A_992 = vector.broadcast %broadcast_in_dim3A_991 : i32 to vector<16xi32>
    %gather3A_993 = tpu.vector_load_idx %arg6[%broadcast_in_dim3A_992] : memref<576xf32, #tpu.memory_space<vmem>>[vector<16xi32>], vector<16xf32>,
    %mul3A_994 = arith.mulf %mul3A_146, %gather3A_993 : vector<16xf32>
    %broadcast_in_dim3A_995 = arith.constant 234 : i32
    %broadcast_in_dim3A_996 = vector.broadcast %broadcast_in_dim3A_995 : i32 to vector<16xi32>
    %gather3A_997 = tpu.vector_load_idx %arg6[%broadcast_in_dim3A_996] : memref<576xf32, #tpu.memory_space<vmem>>[vector<16xi32>], vector<16xf32>,
    %mul3A_998 = arith.mulf %mul3A_147, %gather3A_997 : vector<16xf32>
    %add3A_999 = arith.addf %mul3A_994, %mul3A_998 : vector<16xf32>
    %broadcast_in_dim3A_1000 = arith.constant 250 : i32
    %broadcast_in_dim3A_1001 = vector.broadcast %broadcast_in_dim3A_1000 : i32 to vector<16xi32>
    %gather3A_1002 = tpu.vector_load_idx %arg6[%broadcast_in_dim3A_1001] : memref<576xf32, #tpu.memory_space<vmem>>[vector<16xi32>], vector<16xf32>,
    %mul3A_1003 = arith.mulf %mul3A_148, %gather3A_1002 : vector<16xf32>
    %add3A_1004 = arith.addf %add3A_999, %mul3A_1003 : vector<16xf32>
    %broadcast_in_dim3A_1005 = arith.constant 266 : i32
    %broadcast_in_dim3A_1006 = vector.broadcast %broadcast_in_dim3A_1005 : i32 to vector<16xi32>
    %gather3A_1007 = tpu.vector_load_idx %arg6[%broadcast_in_dim3A_1006] : memref<576xf32, #tpu.memory_space<vmem>>[vector<16xi32>], vector<16xf32>,
    %mul3A_1008 = arith.mulf %mul3A_149, %gather3A_1007 : vector<16xf32>
    %add3A_1009 = arith.addf %add3A_1004, %mul3A_1008 : vector<16xf32>
    %broadcast_in_dim3A_1010 = arith.constant 282 : i32
    %broadcast_in_dim3A_1011 = vector.broadcast %broadcast_in_dim3A_1010 : i32 to vector<16xi32>
    %gather3A_1012 = tpu.vector_load_idx %arg6[%broadcast_in_dim3A_1011] : memref<576xf32, #tpu.memory_space<vmem>>[vector<16xi32>], vector<16xf32>,
    %mul3A_1013 = arith.mulf %mul3A_150, %gather3A_1012 : vector<16xf32>
    %add3A_1014 = arith.addf %add3A_1009, %mul3A_1013 : vector<16xf32>
    %broadcast_in_dim3A_1015 = arith.constant 298 : i32
    %broadcast_in_dim3A_1016 = vector.broadcast %broadcast_in_dim3A_1015 : i32 to vector<16xi32>
    %gather3A_1017 = tpu.vector_load_idx %arg6[%broadcast_in_dim3A_1016] : memref<576xf32, #tpu.memory_space<vmem>>[vector<16xi32>], vector<16xf32>,
    %mul3A_1018 = arith.mulf %mul3A_151, %gather3A_1017 : vector<16xf32>
    %add3A_1019 = arith.addf %add3A_1014, %mul3A_1018 : vector<16xf32>
    %broadcast_in_dim3A_1020 = arith.constant 314 : i32
    %broadcast_in_dim3A_1021 = vector.broadcast %broadcast_in_dim3A_1020 : i32 to vector<16xi32>
    %gather3A_1022 = tpu.vector_load_idx %arg6[%broadcast_in_dim3A_1021] : memref<576xf32, #tpu.memory_space<vmem>>[vector<16xi32>], vector<16xf32>,
    %mul3A_1023 = arith.mulf %mul3A_152, %gather3A_1022 : vector<16xf32>
    %add3A_1024 = arith.addf %add3A_1019, %mul3A_1023 : vector<16xf32>
    %broadcast_in_dim3A_1025 = arith.constant 330 : i32
    %broadcast_in_dim3A_1026 = vector.broadcast %broadcast_in_dim3A_1025 : i32 to vector<16xi32>
    %gather3A_1027 = tpu.vector_load_idx %arg6[%broadcast_in_dim3A_1026] : memref<576xf32, #tpu.memory_space<vmem>>[vector<16xi32>], vector<16xf32>,
    %mul3A_1028 = arith.mulf %mul3A_153, %gather3A_1027 : vector<16xf32>
    %add3A_1029 = arith.addf %add3A_1024, %mul3A_1028 : vector<16xf32>
    %broadcast_in_dim3A_1030 = arith.constant 346 : i32
    %broadcast_in_dim3A_1031 = vector.broadcast %broadcast_in_dim3A_1030 : i32 to vector<16xi32>
    %gather3A_1032 = tpu.vector_load_idx %arg6[%broadcast_in_dim3A_1031] : memref<576xf32, #tpu.memory_space<vmem>>[vector<16xi32>], vector<16xf32>,
    %mul3A_1033 = arith.mulf %mul3A_154, %gather3A_1032 : vector<16xf32>
    %add3A_1034 = arith.addf %add3A_1029, %mul3A_1033 : vector<16xf32>
    %broadcast_in_dim3A_1035 = arith.constant 362 : i32
    %broadcast_in_dim3A_1036 = vector.broadcast %broadcast_in_dim3A_1035 : i32 to vector<16xi32>
    %gather3A_1037 = tpu.vector_load_idx %arg6[%broadcast_in_dim3A_1036] : memref<576xf32, #tpu.memory_space<vmem>>[vector<16xi32>], vector<16xf32>,
    %mul3A_1038 = arith.mulf %mul3A_155, %gather3A_1037 : vector<16xf32>
    %add3A_1039 = arith.addf %add3A_1034, %mul3A_1038 : vector<16xf32>
    %broadcast_in_dim3A_1040 = arith.constant 378 : i32
    %broadcast_in_dim3A_1041 = vector.broadcast %broadcast_in_dim3A_1040 : i32 to vector<16xi32>
    %gather3A_1042 = tpu.vector_load_idx %arg6[%broadcast_in_dim3A_1041] : memref<576xf32, #tpu.memory_space<vmem>>[vector<16xi32>], vector<16xf32>,
    %mul3A_1043 = arith.mulf %mul3A_156, %gather3A_1042 : vector<16xf32>
    %add3A_1044 = arith.addf %add3A_1039, %mul3A_1043 : vector<16xf32>
    %broadcast_in_dim3A_1045 = arith.constant 394 : i32
    %broadcast_in_dim3A_1046 = vector.broadcast %broadcast_in_dim3A_1045 : i32 to vector<16xi32>
    %gather3A_1047 = tpu.vector_load_idx %arg6[%broadcast_in_dim3A_1046] : memref<576xf32, #tpu.memory_space<vmem>>[vector<16xi32>], vector<16xf32>,
    %mul3A_1048 = arith.mulf %mul3A_157, %gather3A_1047 : vector<16xf32>
    %add3A_1049 = arith.addf %add3A_1044, %mul3A_1048 : vector<16xf32>
    %broadcast_in_dim3A_1050 = arith.constant 410 : i32
    %broadcast_in_dim3A_1051 = vector.broadcast %broadcast_in_dim3A_1050 : i32 to vector<16xi32>
    %gather3A_1052 = tpu.vector_load_idx %arg6[%broadcast_in_dim3A_1051] : memref<576xf32, #tpu.memory_space<vmem>>[vector<16xi32>], vector<16xf32>,
    %mul3A_1053 = arith.mulf %mul3A_158, %gather3A_1052 : vector<16xf32>
    %add3A_1054 = arith.addf %add3A_1049, %mul3A_1053 : vector<16xf32>
    %broadcast_in_dim3A_1055 = arith.constant 426 : i32
    %broadcast_in_dim3A_1056 = vector.broadcast %broadcast_in_dim3A_1055 : i32 to vector<16xi32>
    %gather3A_1057 = tpu.vector_load_idx %arg6[%broadcast_in_dim3A_1056] : memref<576xf32, #tpu.memory_space<vmem>>[vector<16xi32>], vector<16xf32>,
    %mul3A_1058 = arith.mulf %mul3A_159, %gather3A_1057 : vector<16xf32>
    %add3A_1059 = arith.addf %add3A_1054, %mul3A_1058 : vector<16xf32>
    %broadcast_in_dim3A_1060 = arith.constant 442 : i32
    %broadcast_in_dim3A_1061 = vector.broadcast %broadcast_in_dim3A_1060 : i32 to vector<16xi32>
    %gather3A_1062 = tpu.vector_load_idx %arg6[%broadcast_in_dim3A_1061] : memref<576xf32, #tpu.memory_space<vmem>>[vector<16xi32>], vector<16xf32>,
    %mul3A_1063 = arith.mulf %mul3A_160, %gather3A_1062 : vector<16xf32>
    %add3A_1064 = arith.addf %add3A_1059, %mul3A_1063 : vector<16xf32>
    %broadcast_in_dim3A_1065 = arith.constant 458 : i32
    %broadcast_in_dim3A_1066 = vector.broadcast %broadcast_in_dim3A_1065 : i32 to vector<16xi32>
    %gather3A_1067 = tpu.vector_load_idx %arg6[%broadcast_in_dim3A_1066] : memref<576xf32, #tpu.memory_space<vmem>>[vector<16xi32>], vector<16xf32>,
    %mul3A_1068 = arith.mulf %mul3A_161, %gather3A_1067 : vector<16xf32>
    %add3A_1069 = arith.addf %add3A_1064, %mul3A_1068 : vector<16xf32>
    %broadcast_in_dim3A_1070 = arith.constant 474 : i32
    %broadcast_in_dim3A_1071 = vector.broadcast %broadcast_in_dim3A_1070 : i32 to vector<16xi32>
    %gather3A_1072 = tpu.vector_load_idx %arg6[%broadcast_in_dim3A_1071] : memref<576xf32, #tpu.memory_space<vmem>>[vector<16xi32>], vector<16xf32>,
    %add3A_1073 = arith.addf %add3A_1069, %gather3A_1072 : vector<16xf32>
    %broadcast_in_dim3A_1074 = arith.constant 219 : i32
    %broadcast_in_dim3A_1075 = vector.broadcast %broadcast_in_dim3A_1074 : i32 to vector<16xi32>
    %gather3A_1076 = tpu.vector_load_idx %arg6[%broadcast_in_dim3A_1075] : memref<576xf32, #tpu.memory_space<vmem>>[vector<16xi32>], vector<16xf32>,
    %mul3A_1077 = arith.mulf %mul3A_146, %gather3A_1076 : vector<16xf32>
    %broadcast_in_dim3A_1078 = arith.constant 235 : i32
    %broadcast_in_dim3A_1079 = vector.broadcast %broadcast_in_dim3A_1078 : i32 to vector<16xi32>
    %gather3A_1080 = tpu.vector_load_idx %arg6[%broadcast_in_dim3A_1079] : memref<576xf32, #tpu.memory_space<vmem>>[vector<16xi32>], vector<16xf32>,
    %mul3A_1081 = arith.mulf %mul3A_147, %gather3A_1080 : vector<16xf32>
    %add3A_1082 = arith.addf %mul3A_1077, %mul3A_1081 : vector<16xf32>
    %broadcast_in_dim3A_1083 = arith.constant 251 : i32
    %broadcast_in_dim3A_1084 = vector.broadcast %broadcast_in_dim3A_1083 : i32 to vector<16xi32>
    %gather3A_1085 = tpu.vector_load_idx %arg6[%broadcast_in_dim3A_1084] : memref<576xf32, #tpu.memory_space<vmem>>[vector<16xi32>], vector<16xf32>,
    %mul3A_1086 = arith.mulf %mul3A_148, %gather3A_1085 : vector<16xf32>
    %add3A_1087 = arith.addf %add3A_1082, %mul3A_1086 : vector<16xf32>
    %broadcast_in_dim3A_1088 = arith.constant 267 : i32
    %broadcast_in_dim3A_1089 = vector.broadcast %broadcast_in_dim3A_1088 : i32 to vector<16xi32>
    %gather3A_1090 = tpu.vector_load_idx %arg6[%broadcast_in_dim3A_1089] : memref<576xf32, #tpu.memory_space<vmem>>[vector<16xi32>], vector<16xf32>,
    %mul3A_1091 = arith.mulf %mul3A_149, %gather3A_1090 : vector<16xf32>
    %add3A_1092 = arith.addf %add3A_1087, %mul3A_1091 : vector<16xf32>
    %broadcast_in_dim3A_1093 = arith.constant 283 : i32
    %broadcast_in_dim3A_1094 = vector.broadcast %broadcast_in_dim3A_1093 : i32 to vector<16xi32>
    %gather3A_1095 = tpu.vector_load_idx %arg6[%broadcast_in_dim3A_1094] : memref<576xf32, #tpu.memory_space<vmem>>[vector<16xi32>], vector<16xf32>,
    %mul3A_1096 = arith.mulf %mul3A_150, %gather3A_1095 : vector<16xf32>
    %add3A_1097 = arith.addf %add3A_1092, %mul3A_1096 : vector<16xf32>
    %broadcast_in_dim3A_1098 = arith.constant 299 : i32
    %broadcast_in_dim3A_1099 = vector.broadcast %broadcast_in_dim3A_1098 : i32 to vector<16xi32>
    %gather3A_1100 = tpu.vector_load_idx %arg6[%broadcast_in_dim3A_1099] : memref<576xf32, #tpu.memory_space<vmem>>[vector<16xi32>], vector<16xf32>,
    %mul3A_1101 = arith.mulf %mul3A_151, %gather3A_1100 : vector<16xf32>
    %add3A_1102 = arith.addf %add3A_1097, %mul3A_1101 : vector<16xf32>
    %broadcast_in_dim3A_1103 = arith.constant 315 : i32
    %broadcast_in_dim3A_1104 = vector.broadcast %broadcast_in_dim3A_1103 : i32 to vector<16xi32>
    %gather3A_1105 = tpu.vector_load_idx %arg6[%broadcast_in_dim3A_1104] : memref<576xf32, #tpu.memory_space<vmem>>[vector<16xi32>], vector<16xf32>,
    %mul3A_1106 = arith.mulf %mul3A_152, %gather3A_1105 : vector<16xf32>
    %add3A_1107 = arith.addf %add3A_1102, %mul3A_1106 : vector<16xf32>
    %broadcast_in_dim3A_1108 = arith.constant 331 : i32
    %broadcast_in_dim3A_1109 = vector.broadcast %broadcast_in_dim3A_1108 : i32 to vector<16xi32>
    %gather3A_1110 = tpu.vector_load_idx %arg6[%broadcast_in_dim3A_1109] : memref<576xf32, #tpu.memory_space<vmem>>[vector<16xi32>], vector<16xf32>,
    %mul3A_1111 = arith.mulf %mul3A_153, %gather3A_1110 : vector<16xf32>
    %add3A_1112 = arith.addf %add3A_1107, %mul3A_1111 : vector<16xf32>
    %broadcast_in_dim3A_1113 = arith.constant 347 : i32
    %broadcast_in_dim3A_1114 = vector.broadcast %broadcast_in_dim3A_1113 : i32 to vector<16xi32>
    %gather3A_1115 = tpu.vector_load_idx %arg6[%broadcast_in_dim3A_1114] : memref<576xf32, #tpu.memory_space<vmem>>[vector<16xi32>], vector<16xf32>,
    %mul3A_1116 = arith.mulf %mul3A_154, %gather3A_1115 : vector<16xf32>
    %add3A_1117 = arith.addf %add3A_1112, %mul3A_1116 : vector<16xf32>
    %broadcast_in_dim3A_1118 = arith.constant 363 : i32
    %broadcast_in_dim3A_1119 = vector.broadcast %broadcast_in_dim3A_1118 : i32 to vector<16xi32>
    %gather3A_1120 = tpu.vector_load_idx %arg6[%broadcast_in_dim3A_1119] : memref<576xf32, #tpu.memory_space<vmem>>[vector<16xi32>], vector<16xf32>,
    %mul3A_1121 = arith.mulf %mul3A_155, %gather3A_1120 : vector<16xf32>
    %add3A_1122 = arith.addf %add3A_1117, %mul3A_1121 : vector<16xf32>
    %broadcast_in_dim3A_1123 = arith.constant 379 : i32
    %broadcast_in_dim3A_1124 = vector.broadcast %broadcast_in_dim3A_1123 : i32 to vector<16xi32>
    %gather3A_1125 = tpu.vector_load_idx %arg6[%broadcast_in_dim3A_1124] : memref<576xf32, #tpu.memory_space<vmem>>[vector<16xi32>], vector<16xf32>,
    %mul3A_1126 = arith.mulf %mul3A_156, %gather3A_1125 : vector<16xf32>
    %add3A_1127 = arith.addf %add3A_1122, %mul3A_1126 : vector<16xf32>
    %broadcast_in_dim3A_1128 = arith.constant 395 : i32
    %broadcast_in_dim3A_1129 = vector.broadcast %broadcast_in_dim3A_1128 : i32 to vector<16xi32>
    %gather3A_1130 = tpu.vector_load_idx %arg6[%broadcast_in_dim3A_1129] : memref<576xf32, #tpu.memory_space<vmem>>[vector<16xi32>], vector<16xf32>,
    %mul3A_1131 = arith.mulf %mul3A_157, %gather3A_1130 : vector<16xf32>
    %add3A_1132 = arith.addf %add3A_1127, %mul3A_1131 : vector<16xf32>
    %broadcast_in_dim3A_1133 = arith.constant 411 : i32
    %broadcast_in_dim3A_1134 = vector.broadcast %broadcast_in_dim3A_1133 : i32 to vector<16xi32>
    %gather3A_1135 = tpu.vector_load_idx %arg6[%broadcast_in_dim3A_1134] : memref<576xf32, #tpu.memory_space<vmem>>[vector<16xi32>], vector<16xf32>,
    %mul3A_1136 = arith.mulf %mul3A_158, %gather3A_1135 : vector<16xf32>
    %add3A_1137 = arith.addf %add3A_1132, %mul3A_1136 : vector<16xf32>
    %broadcast_in_dim3A_1138 = arith.constant 427 : i32
    %broadcast_in_dim3A_1139 = vector.broadcast %broadcast_in_dim3A_1138 : i32 to vector<16xi32>
    %gather3A_1140 = tpu.vector_load_idx %arg6[%broadcast_in_dim3A_1139] : memref<576xf32, #tpu.memory_space<vmem>>[vector<16xi32>], vector<16xf32>,
    %mul3A_1141 = arith.mulf %mul3A_159, %gather3A_1140 : vector<16xf32>
    %add3A_1142 = arith.addf %add3A_1137, %mul3A_1141 : vector<16xf32>
    %broadcast_in_dim3A_1143 = arith.constant 443 : i32
    %broadcast_in_dim3A_1144 = vector.broadcast %broadcast_in_dim3A_1143 : i32 to vector<16xi32>
    %gather3A_1145 = tpu.vector_load_idx %arg6[%broadcast_in_dim3A_1144] : memref<576xf32, #tpu.memory_space<vmem>>[vector<16xi32>], vector<16xf32>,
    %mul3A_1146 = arith.mulf %mul3A_160, %gather3A_1145 : vector<16xf32>
    %add3A_1147 = arith.addf %add3A_1142, %mul3A_1146 : vector<16xf32>
    %broadcast_in_dim3A_1148 = arith.constant 459 : i32
    %broadcast_in_dim3A_1149 = vector.broadcast %broadcast_in_dim3A_1148 : i32 to vector<16xi32>
    %gather3A_1150 = tpu.vector_load_idx %arg6[%broadcast_in_dim3A_1149] : memref<576xf32, #tpu.memory_space<vmem>>[vector<16xi32>], vector<16xf32>,
    %mul3A_1151 = arith.mulf %mul3A_161, %gather3A_1150 : vector<16xf32>
    %add3A_1152 = arith.addf %add3A_1147, %mul3A_1151 : vector<16xf32>
    %broadcast_in_dim3A_1153 = arith.constant 475 : i32
    %broadcast_in_dim3A_1154 = vector.broadcast %broadcast_in_dim3A_1153 : i32 to vector<16xi32>
    %gather3A_1155 = tpu.vector_load_idx %arg6[%broadcast_in_dim3A_1154] : memref<576xf32, #tpu.memory_space<vmem>>[vector<16xi32>], vector<16xf32>,
    %add3A_1156 = arith.addf %add3A_1152, %gather3A_1155 : vector<16xf32>
    %broadcast_in_dim3A_1157 = arith.constant 220 : i32
    %broadcast_in_dim3A_1158 = vector.broadcast %broadcast_in_dim3A_1157 : i32 to vector<16xi32>
    %gather3A_1159 = tpu.vector_load_idx %arg6[%broadcast_in_dim3A_1158] : memref<576xf32, #tpu.memory_space<vmem>>[vector<16xi32>], vector<16xf32>,
    %mul3A_1160 = arith.mulf %mul3A_146, %gather3A_1159 : vector<16xf32>
    %broadcast_in_dim3A_1161 = arith.constant 236 : i32
    %broadcast_in_dim3A_1162 = vector.broadcast %broadcast_in_dim3A_1161 : i32 to vector<16xi32>
    %gather3A_1163 = tpu.vector_load_idx %arg6[%broadcast_in_dim3A_1162] : memref<576xf32, #tpu.memory_space<vmem>>[vector<16xi32>], vector<16xf32>,
    %mul3A_1164 = arith.mulf %mul3A_147, %gather3A_1163 : vector<16xf32>
    %add3A_1165 = arith.addf %mul3A_1160, %mul3A_1164 : vector<16xf32>
    %broadcast_in_dim3A_1166 = arith.constant 252 : i32
    %broadcast_in_dim3A_1167 = vector.broadcast %broadcast_in_dim3A_1166 : i32 to vector<16xi32>
    %gather3A_1168 = tpu.vector_load_idx %arg6[%broadcast_in_dim3A_1167] : memref<576xf32, #tpu.memory_space<vmem>>[vector<16xi32>], vector<16xf32>,
    %mul3A_1169 = arith.mulf %mul3A_148, %gather3A_1168 : vector<16xf32>
    %add3A_1170 = arith.addf %add3A_1165, %mul3A_1169 : vector<16xf32>
    %broadcast_in_dim3A_1171 = arith.constant 268 : i32
    %broadcast_in_dim3A_1172 = vector.broadcast %broadcast_in_dim3A_1171 : i32 to vector<16xi32>
    %gather3A_1173 = tpu.vector_load_idx %arg6[%broadcast_in_dim3A_1172] : memref<576xf32, #tpu.memory_space<vmem>>[vector<16xi32>], vector<16xf32>,
    %mul3A_1174 = arith.mulf %mul3A_149, %gather3A_1173 : vector<16xf32>
    %add3A_1175 = arith.addf %add3A_1170, %mul3A_1174 : vector<16xf32>
    %broadcast_in_dim3A_1176 = arith.constant 284 : i32
    %broadcast_in_dim3A_1177 = vector.broadcast %broadcast_in_dim3A_1176 : i32 to vector<16xi32>
    %gather3A_1178 = tpu.vector_load_idx %arg6[%broadcast_in_dim3A_1177] : memref<576xf32, #tpu.memory_space<vmem>>[vector<16xi32>], vector<16xf32>,
    %mul3A_1179 = arith.mulf %mul3A_150, %gather3A_1178 : vector<16xf32>
    %add3A_1180 = arith.addf %add3A_1175, %mul3A_1179 : vector<16xf32>
    %broadcast_in_dim3A_1181 = arith.constant 300 : i32
    %broadcast_in_dim3A_1182 = vector.broadcast %broadcast_in_dim3A_1181 : i32 to vector<16xi32>
    %gather3A_1183 = tpu.vector_load_idx %arg6[%broadcast_in_dim3A_1182] : memref<576xf32, #tpu.memory_space<vmem>>[vector<16xi32>], vector<16xf32>,
    %mul3A_1184 = arith.mulf %mul3A_151, %gather3A_1183 : vector<16xf32>
    %add3A_1185 = arith.addf %add3A_1180, %mul3A_1184 : vector<16xf32>
    %broadcast_in_dim3A_1186 = arith.constant 316 : i32
    %broadcast_in_dim3A_1187 = vector.broadcast %broadcast_in_dim3A_1186 : i32 to vector<16xi32>
    %gather3A_1188 = tpu.vector_load_idx %arg6[%broadcast_in_dim3A_1187] : memref<576xf32, #tpu.memory_space<vmem>>[vector<16xi32>], vector<16xf32>,
    %mul3A_1189 = arith.mulf %mul3A_152, %gather3A_1188 : vector<16xf32>
    %add3A_1190 = arith.addf %add3A_1185, %mul3A_1189 : vector<16xf32>
    %broadcast_in_dim3A_1191 = arith.constant 332 : i32
    %broadcast_in_dim3A_1192 = vector.broadcast %broadcast_in_dim3A_1191 : i32 to vector<16xi32>
    %gather3A_1193 = tpu.vector_load_idx %arg6[%broadcast_in_dim3A_1192] : memref<576xf32, #tpu.memory_space<vmem>>[vector<16xi32>], vector<16xf32>,
    %mul3A_1194 = arith.mulf %mul3A_153, %gather3A_1193 : vector<16xf32>
    %add3A_1195 = arith.addf %add3A_1190, %mul3A_1194 : vector<16xf32>
    %broadcast_in_dim3A_1196 = arith.constant 348 : i32
    %broadcast_in_dim3A_1197 = vector.broadcast %broadcast_in_dim3A_1196 : i32 to vector<16xi32>
    %gather3A_1198 = tpu.vector_load_idx %arg6[%broadcast_in_dim3A_1197] : memref<576xf32, #tpu.memory_space<vmem>>[vector<16xi32>], vector<16xf32>,
    %mul3A_1199 = arith.mulf %mul3A_154, %gather3A_1198 : vector<16xf32>
    %add3A_1200 = arith.addf %add3A_1195, %mul3A_1199 : vector<16xf32>
    %broadcast_in_dim3A_1201 = arith.constant 364 : i32
    %broadcast_in_dim3A_1202 = vector.broadcast %broadcast_in_dim3A_1201 : i32 to vector<16xi32>
    %gather3A_1203 = tpu.vector_load_idx %arg6[%broadcast_in_dim3A_1202] : memref<576xf32, #tpu.memory_space<vmem>>[vector<16xi32>], vector<16xf32>,
    %mul3A_1204 = arith.mulf %mul3A_155, %gather3A_1203 : vector<16xf32>
    %add3A_1205 = arith.addf %add3A_1200, %mul3A_1204 : vector<16xf32>
    %broadcast_in_dim3A_1206 = arith.constant 380 : i32
    %broadcast_in_dim3A_1207 = vector.broadcast %broadcast_in_dim3A_1206 : i32 to vector<16xi32>
    %gather3A_1208 = tpu.vector_load_idx %arg6[%broadcast_in_dim3A_1207] : memref<576xf32, #tpu.memory_space<vmem>>[vector<16xi32>], vector<16xf32>,
    %mul3A_1209 = arith.mulf %mul3A_156, %gather3A_1208 : vector<16xf32>
    %add3A_1210 = arith.addf %add3A_1205, %mul3A_1209 : vector<16xf32>
    %broadcast_in_dim3A_1211 = arith.constant 396 : i32
    %broadcast_in_dim3A_1212 = vector.broadcast %broadcast_in_dim3A_1211 : i32 to vector<16xi32>
    %gather3A_1213 = tpu.vector_load_idx %arg6[%broadcast_in_dim3A_1212] : memref<576xf32, #tpu.memory_space<vmem>>[vector<16xi32>], vector<16xf32>,
    %mul3A_1214 = arith.mulf %mul3A_157, %gather3A_1213 : vector<16xf32>
    %add3A_1215 = arith.addf %add3A_1210, %mul3A_1214 : vector<16xf32>
    %broadcast_in_dim3A_1216 = arith.constant 412 : i32
    %broadcast_in_dim3A_1217 = vector.broadcast %broadcast_in_dim3A_1216 : i32 to vector<16xi32>
    %gather3A_1218 = tpu.vector_load_idx %arg6[%broadcast_in_dim3A_1217] : memref<576xf32, #tpu.memory_space<vmem>>[vector<16xi32>], vector<16xf32>,
    %mul3A_1219 = arith.mulf %mul3A_158, %gather3A_1218 : vector<16xf32>
    %add3A_1220 = arith.addf %add3A_1215, %mul3A_1219 : vector<16xf32>
    %broadcast_in_dim3A_1221 = arith.constant 428 : i32
    %broadcast_in_dim3A_1222 = vector.broadcast %broadcast_in_dim3A_1221 : i32 to vector<16xi32>
    %gather3A_1223 = tpu.vector_load_idx %arg6[%broadcast_in_dim3A_1222] : memref<576xf32, #tpu.memory_space<vmem>>[vector<16xi32>], vector<16xf32>,
    %mul3A_1224 = arith.mulf %mul3A_159, %gather3A_1223 : vector<16xf32>
    %add3A_1225 = arith.addf %add3A_1220, %mul3A_1224 : vector<16xf32>
    %broadcast_in_dim3A_1226 = arith.constant 444 : i32
    %broadcast_in_dim3A_1227 = vector.broadcast %broadcast_in_dim3A_1226 : i32 to vector<16xi32>
    %gather3A_1228 = tpu.vector_load_idx %arg6[%broadcast_in_dim3A_1227] : memref<576xf32, #tpu.memory_space<vmem>>[vector<16xi32>], vector<16xf32>,
    %mul3A_1229 = arith.mulf %mul3A_160, %gather3A_1228 : vector<16xf32>
    %add3A_1230 = arith.addf %add3A_1225, %mul3A_1229 : vector<16xf32>
    %broadcast_in_dim3A_1231 = arith.constant 460 : i32
    %broadcast_in_dim3A_1232 = vector.broadcast %broadcast_in_dim3A_1231 : i32 to vector<16xi32>
    %gather3A_1233 = tpu.vector_load_idx %arg6[%broadcast_in_dim3A_1232] : memref<576xf32, #tpu.memory_space<vmem>>[vector<16xi32>], vector<16xf32>,
    %mul3A_1234 = arith.mulf %mul3A_161, %gather3A_1233 : vector<16xf32>
    %add3A_1235 = arith.addf %add3A_1230, %mul3A_1234 : vector<16xf32>
    %broadcast_in_dim3A_1236 = arith.constant 476 : i32
    %broadcast_in_dim3A_1237 = vector.broadcast %broadcast_in_dim3A_1236 : i32 to vector<16xi32>
    %gather3A_1238 = tpu.vector_load_idx %arg6[%broadcast_in_dim3A_1237] : memref<576xf32, #tpu.memory_space<vmem>>[vector<16xi32>], vector<16xf32>,
    %add3A_1239 = arith.addf %add3A_1235, %gather3A_1238 : vector<16xf32>
    %broadcast_in_dim3A_1240 = arith.constant 221 : i32
    %broadcast_in_dim3A_1241 = vector.broadcast %broadcast_in_dim3A_1240 : i32 to vector<16xi32>
    %gather3A_1242 = tpu.vector_load_idx %arg6[%broadcast_in_dim3A_1241] : memref<576xf32, #tpu.memory_space<vmem>>[vector<16xi32>], vector<16xf32>,
    %mul3A_1243 = arith.mulf %mul3A_146, %gather3A_1242 : vector<16xf32>
    %broadcast_in_dim3A_1244 = arith.constant 237 : i32
    %broadcast_in_dim3A_1245 = vector.broadcast %broadcast_in_dim3A_1244 : i32 to vector<16xi32>
    %gather3A_1246 = tpu.vector_load_idx %arg6[%broadcast_in_dim3A_1245] : memref<576xf32, #tpu.memory_space<vmem>>[vector<16xi32>], vector<16xf32>,
    %mul3A_1247 = arith.mulf %mul3A_147, %gather3A_1246 : vector<16xf32>
    %add3A_1248 = arith.addf %mul3A_1243, %mul3A_1247 : vector<16xf32>
    %broadcast_in_dim3A_1249 = arith.constant 253 : i32
    %broadcast_in_dim3A_1250 = vector.broadcast %broadcast_in_dim3A_1249 : i32 to vector<16xi32>
    %gather3A_1251 = tpu.vector_load_idx %arg6[%broadcast_in_dim3A_1250] : memref<576xf32, #tpu.memory_space<vmem>>[vector<16xi32>], vector<16xf32>,
    %mul3A_1252 = arith.mulf %mul3A_148, %gather3A_1251 : vector<16xf32>
    %add3A_1253 = arith.addf %add3A_1248, %mul3A_1252 : vector<16xf32>
    %broadcast_in_dim3A_1254 = arith.constant 269 : i32
    %broadcast_in_dim3A_1255 = vector.broadcast %broadcast_in_dim3A_1254 : i32 to vector<16xi32>
    %gather3A_1256 = tpu.vector_load_idx %arg6[%broadcast_in_dim3A_1255] : memref<576xf32, #tpu.memory_space<vmem>>[vector<16xi32>], vector<16xf32>,
    %mul3A_1257 = arith.mulf %mul3A_149, %gather3A_1256 : vector<16xf32>
    %add3A_1258 = arith.addf %add3A_1253, %mul3A_1257 : vector<16xf32>
    %broadcast_in_dim3A_1259 = arith.constant 285 : i32
    %broadcast_in_dim3A_1260 = vector.broadcast %broadcast_in_dim3A_1259 : i32 to vector<16xi32>
    %gather3A_1261 = tpu.vector_load_idx %arg6[%broadcast_in_dim3A_1260] : memref<576xf32, #tpu.memory_space<vmem>>[vector<16xi32>], vector<16xf32>,
    %mul3A_1262 = arith.mulf %mul3A_150, %gather3A_1261 : vector<16xf32>
    %add3A_1263 = arith.addf %add3A_1258, %mul3A_1262 : vector<16xf32>
    %broadcast_in_dim3A_1264 = arith.constant 301 : i32
    %broadcast_in_dim3A_1265 = vector.broadcast %broadcast_in_dim3A_1264 : i32 to vector<16xi32>
    %gather3A_1266 = tpu.vector_load_idx %arg6[%broadcast_in_dim3A_1265] : memref<576xf32, #tpu.memory_space<vmem>>[vector<16xi32>], vector<16xf32>,
    %mul3A_1267 = arith.mulf %mul3A_151, %gather3A_1266 : vector<16xf32>
    %add3A_1268 = arith.addf %add3A_1263, %mul3A_1267 : vector<16xf32>
    %broadcast_in_dim3A_1269 = arith.constant 317 : i32
    %broadcast_in_dim3A_1270 = vector.broadcast %broadcast_in_dim3A_1269 : i32 to vector<16xi32>
    %gather3A_1271 = tpu.vector_load_idx %arg6[%broadcast_in_dim3A_1270] : memref<576xf32, #tpu.memory_space<vmem>>[vector<16xi32>], vector<16xf32>,
    %mul3A_1272 = arith.mulf %mul3A_152, %gather3A_1271 : vector<16xf32>
    %add3A_1273 = arith.addf %add3A_1268, %mul3A_1272 : vector<16xf32>
    %broadcast_in_dim3A_1274 = arith.constant 333 : i32
    %broadcast_in_dim3A_1275 = vector.broadcast %broadcast_in_dim3A_1274 : i32 to vector<16xi32>
    %gather3A_1276 = tpu.vector_load_idx %arg6[%broadcast_in_dim3A_1275] : memref<576xf32, #tpu.memory_space<vmem>>[vector<16xi32>], vector<16xf32>,
    %mul3A_1277 = arith.mulf %mul3A_153, %gather3A_1276 : vector<16xf32>
    %add3A_1278 = arith.addf %add3A_1273, %mul3A_1277 : vector<16xf32>
    %broadcast_in_dim3A_1279 = arith.constant 349 : i32
    %broadcast_in_dim3A_1280 = vector.broadcast %broadcast_in_dim3A_1279 : i32 to vector<16xi32>
    %gather3A_1281 = tpu.vector_load_idx %arg6[%broadcast_in_dim3A_1280] : memref<576xf32, #tpu.memory_space<vmem>>[vector<16xi32>], vector<16xf32>,
    %mul3A_1282 = arith.mulf %mul3A_154, %gather3A_1281 : vector<16xf32>
    %add3A_1283 = arith.addf %add3A_1278, %mul3A_1282 : vector<16xf32>
    %broadcast_in_dim3A_1284 = arith.constant 365 : i32
    %broadcast_in_dim3A_1285 = vector.broadcast %broadcast_in_dim3A_1284 : i32 to vector<16xi32>
    %gather3A_1286 = tpu.vector_load_idx %arg6[%broadcast_in_dim3A_1285] : memref<576xf32, #tpu.memory_space<vmem>>[vector<16xi32>], vector<16xf32>,
    %mul3A_1287 = arith.mulf %mul3A_155, %gather3A_1286 : vector<16xf32>
    %add3A_1288 = arith.addf %add3A_1283, %mul3A_1287 : vector<16xf32>
    %broadcast_in_dim3A_1289 = arith.constant 381 : i32
    %broadcast_in_dim3A_1290 = vector.broadcast %broadcast_in_dim3A_1289 : i32 to vector<16xi32>
    %gather3A_1291 = tpu.vector_load_idx %arg6[%broadcast_in_dim3A_1290] : memref<576xf32, #tpu.memory_space<vmem>>[vector<16xi32>], vector<16xf32>,
    %mul3A_1292 = arith.mulf %mul3A_156, %gather3A_1291 : vector<16xf32>
    %add3A_1293 = arith.addf %add3A_1288, %mul3A_1292 : vector<16xf32>
    %broadcast_in_dim3A_1294 = arith.constant 397 : i32
    %broadcast_in_dim3A_1295 = vector.broadcast %broadcast_in_dim3A_1294 : i32 to vector<16xi32>
    %gather3A_1296 = tpu.vector_load_idx %arg6[%broadcast_in_dim3A_1295] : memref<576xf32, #tpu.memory_space<vmem>>[vector<16xi32>], vector<16xf32>,
    %mul3A_1297 = arith.mulf %mul3A_157, %gather3A_1296 : vector<16xf32>
    %add3A_1298 = arith.addf %add3A_1293, %mul3A_1297 : vector<16xf32>
    %broadcast_in_dim3A_1299 = arith.constant 413 : i32
    %broadcast_in_dim3A_1300 = vector.broadcast %broadcast_in_dim3A_1299 : i32 to vector<16xi32>
    %gather3A_1301 = tpu.vector_load_idx %arg6[%broadcast_in_dim3A_1300] : memref<576xf32, #tpu.memory_space<vmem>>[vector<16xi32>], vector<16xf32>,
    %mul3A_1302 = arith.mulf %mul3A_158, %gather3A_1301 : vector<16xf32>
    %add3A_1303 = arith.addf %add3A_1298, %mul3A_1302 : vector<16xf32>
    %broadcast_in_dim3A_1304 = arith.constant 429 : i32
    %broadcast_in_dim3A_1305 = vector.broadcast %broadcast_in_dim3A_1304 : i32 to vector<16xi32>
    %gather3A_1306 = tpu.vector_load_idx %arg6[%broadcast_in_dim3A_1305] : memref<576xf32, #tpu.memory_space<vmem>>[vector<16xi32>], vector<16xf32>,
    %mul3A_1307 = arith.mulf %mul3A_159, %gather3A_1306 : vector<16xf32>
    %add3A_1308 = arith.addf %add3A_1303, %mul3A_1307 : vector<16xf32>
    %broadcast_in_dim3A_1309 = arith.constant 445 : i32
    %broadcast_in_dim3A_1310 = vector.broadcast %broadcast_in_dim3A_1309 : i32 to vector<16xi32>
    %gather3A_1311 = tpu.vector_load_idx %arg6[%broadcast_in_dim3A_1310] : memref<576xf32, #tpu.memory_space<vmem>>[vector<16xi32>], vector<16xf32>,
    %mul3A_1312 = arith.mulf %mul3A_160, %gather3A_1311 : vector<16xf32>
    %add3A_1313 = arith.addf %add3A_1308, %mul3A_1312 : vector<16xf32>
    %broadcast_in_dim3A_1314 = arith.constant 461 : i32
    %broadcast_in_dim3A_1315 = vector.broadcast %broadcast_in_dim3A_1314 : i32 to vector<16xi32>
    %gather3A_1316 = tpu.vector_load_idx %arg6[%broadcast_in_dim3A_1315] : memref<576xf32, #tpu.memory_space<vmem>>[vector<16xi32>], vector<16xf32>,
    %mul3A_1317 = arith.mulf %mul3A_161, %gather3A_1316 : vector<16xf32>
    %add3A_1318 = arith.addf %add3A_1313, %mul3A_1317 : vector<16xf32>
    %broadcast_in_dim3A_1319 = arith.constant 477 : i32
    %broadcast_in_dim3A_1320 = vector.broadcast %broadcast_in_dim3A_1319 : i32 to vector<16xi32>
    %gather3A_1321 = tpu.vector_load_idx %arg6[%broadcast_in_dim3A_1320] : memref<576xf32, #tpu.memory_space<vmem>>[vector<16xi32>], vector<16xf32>,
    %add3A_1322 = arith.addf %add3A_1318, %gather3A_1321 : vector<16xf32>
    %broadcast_in_dim3A_1323 = arith.constant 222 : i32
    %broadcast_in_dim3A_1324 = vector.broadcast %broadcast_in_dim3A_1323 : i32 to vector<16xi32>
    %gather3A_1325 = tpu.vector_load_idx %arg6[%broadcast_in_dim3A_1324] : memref<576xf32, #tpu.memory_space<vmem>>[vector<16xi32>], vector<16xf32>,
    %mul3A_1326 = arith.mulf %mul3A_146, %gather3A_1325 : vector<16xf32>
    %broadcast_in_dim3A_1327 = arith.constant 238 : i32
    %broadcast_in_dim3A_1328 = vector.broadcast %broadcast_in_dim3A_1327 : i32 to vector<16xi32>
    %gather3A_1329 = tpu.vector_load_idx %arg6[%broadcast_in_dim3A_1328] : memref<576xf32, #tpu.memory_space<vmem>>[vector<16xi32>], vector<16xf32>,
    %mul3A_1330 = arith.mulf %mul3A_147, %gather3A_1329 : vector<16xf32>
    %add3A_1331 = arith.addf %mul3A_1326, %mul3A_1330 : vector<16xf32>
    %broadcast_in_dim3A_1332 = arith.constant 254 : i32
    %broadcast_in_dim3A_1333 = vector.broadcast %broadcast_in_dim3A_1332 : i32 to vector<16xi32>
    %gather3A_1334 = tpu.vector_load_idx %arg6[%broadcast_in_dim3A_1333] : memref<576xf32, #tpu.memory_space<vmem>>[vector<16xi32>], vector<16xf32>,
    %mul3A_1335 = arith.mulf %mul3A_148, %gather3A_1334 : vector<16xf32>
    %add3A_1336 = arith.addf %add3A_1331, %mul3A_1335 : vector<16xf32>
    %broadcast_in_dim3A_1337 = arith.constant 270 : i32
    %broadcast_in_dim3A_1338 = vector.broadcast %broadcast_in_dim3A_1337 : i32 to vector<16xi32>
    %gather3A_1339 = tpu.vector_load_idx %arg6[%broadcast_in_dim3A_1338] : memref<576xf32, #tpu.memory_space<vmem>>[vector<16xi32>], vector<16xf32>,
    %mul3A_1340 = arith.mulf %mul3A_149, %gather3A_1339 : vector<16xf32>
    %add3A_1341 = arith.addf %add3A_1336, %mul3A_1340 : vector<16xf32>
    %broadcast_in_dim3A_1342 = arith.constant 286 : i32
    %broadcast_in_dim3A_1343 = vector.broadcast %broadcast_in_dim3A_1342 : i32 to vector<16xi32>
    %gather3A_1344 = tpu.vector_load_idx %arg6[%broadcast_in_dim3A_1343] : memref<576xf32, #tpu.memory_space<vmem>>[vector<16xi32>], vector<16xf32>,
    %mul3A_1345 = arith.mulf %mul3A_150, %gather3A_1344 : vector<16xf32>
    %add3A_1346 = arith.addf %add3A_1341, %mul3A_1345 : vector<16xf32>
    %broadcast_in_dim3A_1347 = arith.constant 302 : i32
    %broadcast_in_dim3A_1348 = vector.broadcast %broadcast_in_dim3A_1347 : i32 to vector<16xi32>
    %gather3A_1349 = tpu.vector_load_idx %arg6[%broadcast_in_dim3A_1348] : memref<576xf32, #tpu.memory_space<vmem>>[vector<16xi32>], vector<16xf32>,
    %mul3A_1350 = arith.mulf %mul3A_151, %gather3A_1349 : vector<16xf32>
    %add3A_1351 = arith.addf %add3A_1346, %mul3A_1350 : vector<16xf32>
    %broadcast_in_dim3A_1352 = arith.constant 318 : i32
    %broadcast_in_dim3A_1353 = vector.broadcast %broadcast_in_dim3A_1352 : i32 to vector<16xi32>
    %gather3A_1354 = tpu.vector_load_idx %arg6[%broadcast_in_dim3A_1353] : memref<576xf32, #tpu.memory_space<vmem>>[vector<16xi32>], vector<16xf32>,
    %mul3A_1355 = arith.mulf %mul3A_152, %gather3A_1354 : vector<16xf32>
    %add3A_1356 = arith.addf %add3A_1351, %mul3A_1355 : vector<16xf32>
    %broadcast_in_dim3A_1357 = arith.constant 334 : i32
    %broadcast_in_dim3A_1358 = vector.broadcast %broadcast_in_dim3A_1357 : i32 to vector<16xi32>
    %gather3A_1359 = tpu.vector_load_idx %arg6[%broadcast_in_dim3A_1358] : memref<576xf32, #tpu.memory_space<vmem>>[vector<16xi32>], vector<16xf32>,
    %mul3A_1360 = arith.mulf %mul3A_153, %gather3A_1359 : vector<16xf32>
    %add3A_1361 = arith.addf %add3A_1356, %mul3A_1360 : vector<16xf32>
    %broadcast_in_dim3A_1362 = arith.constant 350 : i32
    %broadcast_in_dim3A_1363 = vector.broadcast %broadcast_in_dim3A_1362 : i32 to vector<16xi32>
    %gather3A_1364 = tpu.vector_load_idx %arg6[%broadcast_in_dim3A_1363] : memref<576xf32, #tpu.memory_space<vmem>>[vector<16xi32>], vector<16xf32>,
    %mul3A_1365 = arith.mulf %mul3A_154, %gather3A_1364 : vector<16xf32>
    %add3A_1366 = arith.addf %add3A_1361, %mul3A_1365 : vector<16xf32>
    %broadcast_in_dim3A_1367 = arith.constant 366 : i32
    %broadcast_in_dim3A_1368 = vector.broadcast %broadcast_in_dim3A_1367 : i32 to vector<16xi32>
    %gather3A_1369 = tpu.vector_load_idx %arg6[%broadcast_in_dim3A_1368] : memref<576xf32, #tpu.memory_space<vmem>>[vector<16xi32>], vector<16xf32>,
    %mul3A_1370 = arith.mulf %mul3A_155, %gather3A_1369 : vector<16xf32>
    %add3A_1371 = arith.addf %add3A_1366, %mul3A_1370 : vector<16xf32>
    %broadcast_in_dim3A_1372 = arith.constant 382 : i32
    %broadcast_in_dim3A_1373 = vector.broadcast %broadcast_in_dim3A_1372 : i32 to vector<16xi32>
    %gather3A_1374 = tpu.vector_load_idx %arg6[%broadcast_in_dim3A_1373] : memref<576xf32, #tpu.memory_space<vmem>>[vector<16xi32>], vector<16xf32>,
    %mul3A_1375 = arith.mulf %mul3A_156, %gather3A_1374 : vector<16xf32>
    %add3A_1376 = arith.addf %add3A_1371, %mul3A_1375 : vector<16xf32>
    %broadcast_in_dim3A_1377 = arith.constant 398 : i32
    %broadcast_in_dim3A_1378 = vector.broadcast %broadcast_in_dim3A_1377 : i32 to vector<16xi32>
    %gather3A_1379 = tpu.vector_load_idx %arg6[%broadcast_in_dim3A_1378] : memref<576xf32, #tpu.memory_space<vmem>>[vector<16xi32>], vector<16xf32>,
    %mul3A_1380 = arith.mulf %mul3A_157, %gather3A_1379 : vector<16xf32>
    %add3A_1381 = arith.addf %add3A_1376, %mul3A_1380 : vector<16xf32>
    %broadcast_in_dim3A_1382 = arith.constant 414 : i32
    %broadcast_in_dim3A_1383 = vector.broadcast %broadcast_in_dim3A_1382 : i32 to vector<16xi32>
    %gather3A_1384 = tpu.vector_load_idx %arg6[%broadcast_in_dim3A_1383] : memref<576xf32, #tpu.memory_space<vmem>>[vector<16xi32>], vector<16xf32>,
    %mul3A_1385 = arith.mulf %mul3A_158, %gather3A_1384 : vector<16xf32>
    %add3A_1386 = arith.addf %add3A_1381, %mul3A_1385 : vector<16xf32>
    %broadcast_in_dim3A_1387 = arith.constant 430 : i32
    %broadcast_in_dim3A_1388 = vector.broadcast %broadcast_in_dim3A_1387 : i32 to vector<16xi32>
    %gather3A_1389 = tpu.vector_load_idx %arg6[%broadcast_in_dim3A_1388] : memref<576xf32, #tpu.memory_space<vmem>>[vector<16xi32>], vector<16xf32>,
    %mul3A_1390 = arith.mulf %mul3A_159, %gather3A_1389 : vector<16xf32>
    %add3A_1391 = arith.addf %add3A_1386, %mul3A_1390 : vector<16xf32>
    %broadcast_in_dim3A_1392 = arith.constant 446 : i32
    %broadcast_in_dim3A_1393 = vector.broadcast %broadcast_in_dim3A_1392 : i32 to vector<16xi32>
    %gather3A_1394 = tpu.vector_load_idx %arg6[%broadcast_in_dim3A_1393] : memref<576xf32, #tpu.memory_space<vmem>>[vector<16xi32>], vector<16xf32>,
    %mul3A_1395 = arith.mulf %mul3A_160, %gather3A_1394 : vector<16xf32>
    %add3A_1396 = arith.addf %add3A_1391, %mul3A_1395 : vector<16xf32>
    %broadcast_in_dim3A_1397 = arith.constant 462 : i32
    %broadcast_in_dim3A_1398 = vector.broadcast %broadcast_in_dim3A_1397 : i32 to vector<16xi32>
    %gather3A_1399 = tpu.vector_load_idx %arg6[%broadcast_in_dim3A_1398] : memref<576xf32, #tpu.memory_space<vmem>>[vector<16xi32>], vector<16xf32>,
    %mul3A_1400 = arith.mulf %mul3A_161, %gather3A_1399 : vector<16xf32>
    %add3A_1401 = arith.addf %add3A_1396, %mul3A_1400 : vector<16xf32>
    %broadcast_in_dim3A_1402 = arith.constant 478 : i32
    %broadcast_in_dim3A_1403 = vector.broadcast %broadcast_in_dim3A_1402 : i32 to vector<16xi32>
    %gather3A_1404 = tpu.vector_load_idx %arg6[%broadcast_in_dim3A_1403] : memref<576xf32, #tpu.memory_space<vmem>>[vector<16xi32>], vector<16xf32>,
    %add3A_1405 = arith.addf %add3A_1401, %gather3A_1404 : vector<16xf32>
    %broadcast_in_dim3A_1406 = arith.constant 223 : i32
    %broadcast_in_dim3A_1407 = vector.broadcast %broadcast_in_dim3A_1406 : i32 to vector<16xi32>
    %gather3A_1408 = tpu.vector_load_idx %arg6[%broadcast_in_dim3A_1407] : memref<576xf32, #tpu.memory_space<vmem>>[vector<16xi32>], vector<16xf32>,
    %mul3A_1409 = arith.mulf %mul3A_146, %gather3A_1408 : vector<16xf32>
    %broadcast_in_dim3A_1410 = arith.constant 239 : i32
    %broadcast_in_dim3A_1411 = vector.broadcast %broadcast_in_dim3A_1410 : i32 to vector<16xi32>
    %gather3A_1412 = tpu.vector_load_idx %arg6[%broadcast_in_dim3A_1411] : memref<576xf32, #tpu.memory_space<vmem>>[vector<16xi32>], vector<16xf32>,
    %mul3A_1413 = arith.mulf %mul3A_147, %gather3A_1412 : vector<16xf32>
    %add3A_1414 = arith.addf %mul3A_1409, %mul3A_1413 : vector<16xf32>
    %broadcast_in_dim3A_1415 = arith.constant 255 : i32
    %broadcast_in_dim3A_1416 = vector.broadcast %broadcast_in_dim3A_1415 : i32 to vector<16xi32>
    %gather3A_1417 = tpu.vector_load_idx %arg6[%broadcast_in_dim3A_1416] : memref<576xf32, #tpu.memory_space<vmem>>[vector<16xi32>], vector<16xf32>,
    %mul3A_1418 = arith.mulf %mul3A_148, %gather3A_1417 : vector<16xf32>
    %add3A_1419 = arith.addf %add3A_1414, %mul3A_1418 : vector<16xf32>
    %broadcast_in_dim3A_1420 = arith.constant 271 : i32
    %broadcast_in_dim3A_1421 = vector.broadcast %broadcast_in_dim3A_1420 : i32 to vector<16xi32>
    %gather3A_1422 = tpu.vector_load_idx %arg6[%broadcast_in_dim3A_1421] : memref<576xf32, #tpu.memory_space<vmem>>[vector<16xi32>], vector<16xf32>,
    %mul3A_1423 = arith.mulf %mul3A_149, %gather3A_1422 : vector<16xf32>
    %add3A_1424 = arith.addf %add3A_1419, %mul3A_1423 : vector<16xf32>
    %broadcast_in_dim3A_1425 = arith.constant 287 : i32
    %broadcast_in_dim3A_1426 = vector.broadcast %broadcast_in_dim3A_1425 : i32 to vector<16xi32>
    %gather3A_1427 = tpu.vector_load_idx %arg6[%broadcast_in_dim3A_1426] : memref<576xf32, #tpu.memory_space<vmem>>[vector<16xi32>], vector<16xf32>,
    %mul3A_1428 = arith.mulf %mul3A_150, %gather3A_1427 : vector<16xf32>
    %add3A_1429 = arith.addf %add3A_1424, %mul3A_1428 : vector<16xf32>
    %broadcast_in_dim3A_1430 = arith.constant 303 : i32
    %broadcast_in_dim3A_1431 = vector.broadcast %broadcast_in_dim3A_1430 : i32 to vector<16xi32>
    %gather3A_1432 = tpu.vector_load_idx %arg6[%broadcast_in_dim3A_1431] : memref<576xf32, #tpu.memory_space<vmem>>[vector<16xi32>], vector<16xf32>,
    %mul3A_1433 = arith.mulf %mul3A_151, %gather3A_1432 : vector<16xf32>
    %add3A_1434 = arith.addf %add3A_1429, %mul3A_1433 : vector<16xf32>
    %broadcast_in_dim3A_1435 = arith.constant 319 : i32
    %broadcast_in_dim3A_1436 = vector.broadcast %broadcast_in_dim3A_1435 : i32 to vector<16xi32>
    %gather3A_1437 = tpu.vector_load_idx %arg6[%broadcast_in_dim3A_1436] : memref<576xf32, #tpu.memory_space<vmem>>[vector<16xi32>], vector<16xf32>,
    %mul3A_1438 = arith.mulf %mul3A_152, %gather3A_1437 : vector<16xf32>
    %add3A_1439 = arith.addf %add3A_1434, %mul3A_1438 : vector<16xf32>
    %broadcast_in_dim3A_1440 = arith.constant 335 : i32
    %broadcast_in_dim3A_1441 = vector.broadcast %broadcast_in_dim3A_1440 : i32 to vector<16xi32>
    %gather3A_1442 = tpu.vector_load_idx %arg6[%broadcast_in_dim3A_1441] : memref<576xf32, #tpu.memory_space<vmem>>[vector<16xi32>], vector<16xf32>,
    %mul3A_1443 = arith.mulf %mul3A_153, %gather3A_1442 : vector<16xf32>
    %add3A_1444 = arith.addf %add3A_1439, %mul3A_1443 : vector<16xf32>
    %broadcast_in_dim3A_1445 = arith.constant 351 : i32
    %broadcast_in_dim3A_1446 = vector.broadcast %broadcast_in_dim3A_1445 : i32 to vector<16xi32>
    %gather3A_1447 = tpu.vector_load_idx %arg6[%broadcast_in_dim3A_1446] : memref<576xf32, #tpu.memory_space<vmem>>[vector<16xi32>], vector<16xf32>,
    %mul3A_1448 = arith.mulf %mul3A_154, %gather3A_1447 : vector<16xf32>
    %add3A_1449 = arith.addf %add3A_1444, %mul3A_1448 : vector<16xf32>
    %broadcast_in_dim3A_1450 = arith.constant 367 : i32
    %broadcast_in_dim3A_1451 = vector.broadcast %broadcast_in_dim3A_1450 : i32 to vector<16xi32>
    %gather3A_1452 = tpu.vector_load_idx %arg6[%broadcast_in_dim3A_1451] : memref<576xf32, #tpu.memory_space<vmem>>[vector<16xi32>], vector<16xf32>,
    %mul3A_1453 = arith.mulf %mul3A_155, %gather3A_1452 : vector<16xf32>
    %add3A_1454 = arith.addf %add3A_1449, %mul3A_1453 : vector<16xf32>
    %broadcast_in_dim3A_1455 = arith.constant 383 : i32
    %broadcast_in_dim3A_1456 = vector.broadcast %broadcast_in_dim3A_1455 : i32 to vector<16xi32>
    %gather3A_1457 = tpu.vector_load_idx %arg6[%broadcast_in_dim3A_1456] : memref<576xf32, #tpu.memory_space<vmem>>[vector<16xi32>], vector<16xf32>,
    %mul3A_1458 = arith.mulf %mul3A_156, %gather3A_1457 : vector<16xf32>
    %add3A_1459 = arith.addf %add3A_1454, %mul3A_1458 : vector<16xf32>
    %broadcast_in_dim3A_1460 = arith.constant 399 : i32
    %broadcast_in_dim3A_1461 = vector.broadcast %broadcast_in_dim3A_1460 : i32 to vector<16xi32>
    %gather3A_1462 = tpu.vector_load_idx %arg6[%broadcast_in_dim3A_1461] : memref<576xf32, #tpu.memory_space<vmem>>[vector<16xi32>], vector<16xf32>,
    %mul3A_1463 = arith.mulf %mul3A_157, %gather3A_1462 : vector<16xf32>
    %add3A_1464 = arith.addf %add3A_1459, %mul3A_1463 : vector<16xf32>
    %broadcast_in_dim3A_1465 = arith.constant 415 : i32
    %broadcast_in_dim3A_1466 = vector.broadcast %broadcast_in_dim3A_1465 : i32 to vector<16xi32>
    %gather3A_1467 = tpu.vector_load_idx %arg6[%broadcast_in_dim3A_1466] : memref<576xf32, #tpu.memory_space<vmem>>[vector<16xi32>], vector<16xf32>,
    %mul3A_1468 = arith.mulf %mul3A_158, %gather3A_1467 : vector<16xf32>
    %add3A_1469 = arith.addf %add3A_1464, %mul3A_1468 : vector<16xf32>
    %broadcast_in_dim3A_1470 = arith.constant 431 : i32
    %broadcast_in_dim3A_1471 = vector.broadcast %broadcast_in_dim3A_1470 : i32 to vector<16xi32>
    %gather3A_1472 = tpu.vector_load_idx %arg6[%broadcast_in_dim3A_1471] : memref<576xf32, #tpu.memory_space<vmem>>[vector<16xi32>], vector<16xf32>,
    %mul3A_1473 = arith.mulf %mul3A_159, %gather3A_1472 : vector<16xf32>
    %add3A_1474 = arith.addf %add3A_1469, %mul3A_1473 : vector<16xf32>
    %broadcast_in_dim3A_1475 = arith.constant 447 : i32
    %broadcast_in_dim3A_1476 = vector.broadcast %broadcast_in_dim3A_1475 : i32 to vector<16xi32>
    %gather3A_1477 = tpu.vector_load_idx %arg6[%broadcast_in_dim3A_1476] : memref<576xf32, #tpu.memory_space<vmem>>[vector<16xi32>], vector<16xf32>,
    %mul3A_1478 = arith.mulf %mul3A_160, %gather3A_1477 : vector<16xf32>
    %add3A_1479 = arith.addf %add3A_1474, %mul3A_1478 : vector<16xf32>
    %broadcast_in_dim3A_1480 = arith.constant 463 : i32
    %broadcast_in_dim3A_1481 = vector.broadcast %broadcast_in_dim3A_1480 : i32 to vector<16xi32>
    %gather3A_1482 = tpu.vector_load_idx %arg6[%broadcast_in_dim3A_1481] : memref<576xf32, #tpu.memory_space<vmem>>[vector<16xi32>], vector<16xf32>,
    %mul3A_1483 = arith.mulf %mul3A_161, %gather3A_1482 : vector<16xf32>
    %add3A_1484 = arith.addf %add3A_1479, %mul3A_1483 : vector<16xf32>
    %broadcast_in_dim3A_1485 = arith.constant 479 : i32
    %broadcast_in_dim3A_1486 = vector.broadcast %broadcast_in_dim3A_1485 : i32 to vector<16xi32>
    %gather3A_1487 = tpu.vector_load_idx %arg6[%broadcast_in_dim3A_1486] : memref<576xf32, #tpu.memory_space<vmem>>[vector<16xi32>], vector<16xf32>,
    %add3A_1488 = arith.addf %add3A_1484, %gather3A_1487 : vector<16xf32>
    %lt3A = arith.constant 13 : i32
    %lt3A_1489 = arith.cmpi slt, %arg1, %lt3A : i32
    %convert_element_type3A = arith.extui %lt3A_1489 : i1 to i32
    %cond3A = arith.constant 0 : i32
    %cond3A_1490 = arith.cmpi ne, %convert_element_type3A, %cond3A : i32
    scf.if %cond3A_1490 {
      %broadcast_in_dim3A_1503 = arith.constant 0 : i32
      %broadcast_in_dim3A_1504 = vector.broadcast %broadcast_in_dim3A_1503 : i32 to vector<16xi32>
      %add3A_1505 = vector.broadcast %arg1 : i32 to vector<16xi32>
      %add3A_1506 = arith.addi %broadcast_in_dim3A_1504, %add3A_1505 : vector<16xi32>
      %lt3A_1507 = arith.constant 0 : i32
      %lt3A_1508 = vector.broadcast %lt3A_1507 : i32 to vector<16xi32>
      %lt3A_1509 = arith.cmpi slt, %add3A_1506, %lt3A_1508 : vector<16xi32>
      %add3A_1510 = arith.constant 16 : i32
      %add3A_1511 = vector.broadcast %add3A_1510 : i32 to vector<16xi32>
      %add3A_1512 = arith.addi %add3A_1506, %add3A_1511 : vector<16xi32>
      %select_n3A = arith.select %lt3A_1509, %add3A_1512, %add3A_1506 : vector<16xi1>, vector<16xi32>
      %broadcast_in_dim3A_1513 = vector.shape_cast %select_n3A : vector<16xi32> to vector<16x1xi32>
      %gather3A_1514 = vector.shape_cast %broadcast_in_dim3A_1513 : vector<16x1xi32> to vector<16xi32>
      %gather3A_1515 = tpu.dynamic_gather %add3A_239[%gather3A_1514] in [0] : vector<16xf32>, vector<16xi32> -> vector<16xf32>
      %add3A_1516 = arith.addf %add3A_243, %gather3A_1515 : vector<16xf32>
      %max3A_1517 = arith.constant 0.000000e+00 : f32
      %max3A_1518 = vector.broadcast %max3A_1517 : f32 to vector<16xf32>
      %max3A_1519 = arith.maximumf %add3A_1516, %max3A_1518 : vector<16xf32>
      %lt3A_1520 = arith.constant 0 : i32
      %lt3A_1521 = vector.broadcast %lt3A_1520 : i32 to vector<16xi32>
      %lt3A_1522 = arith.cmpi slt, %add3A_1506, %lt3A_1521 : vector<16xi32>
      %add3A_1523 = arith.constant 16 : i32
      %add3A_1524 = vector.broadcast %add3A_1523 : i32 to vector<16xi32>
      %add3A_1525 = arith.addi %add3A_1506, %add3A_1524 : vector<16xi32>
      %select_n3A_1526 = arith.select %lt3A_1522, %add3A_1525, %add3A_1506 : vector<16xi1>, vector<16xi32>
      %broadcast_in_dim3A_1527 = vector.shape_cast %select_n3A_1526 : vector<16xi32> to vector<16x1xi32>
      %gather3A_1528 = vector.shape_cast %broadcast_in_dim3A_1527 : vector<16x1xi32> to vector<16xi32>
      %gather3A_1529 = tpu.dynamic_gather %add3A_322[%gather3A_1528] in [0] : vector<16xf32>, vector<16xi32> -> vector<16xf32>
      %add3A_1530 = arith.addf %add3A_326, %gather3A_1529 : vector<16xf32>
      %max3A_1531 = arith.constant 0.000000e+00 : f32
      %max3A_1532 = vector.broadcast %max3A_1531 : f32 to vector<16xf32>
      %max3A_1533 = arith.maximumf %add3A_1530, %max3A_1532 : vector<16xf32>
      %lt3A_1534 = arith.constant 0 : i32
      %lt3A_1535 = vector.broadcast %lt3A_1534 : i32 to vector<16xi32>
      %lt3A_1536 = arith.cmpi slt, %add3A_1506, %lt3A_1535 : vector<16xi32>
      %add3A_1537 = arith.constant 16 : i32
      %add3A_1538 = vector.broadcast %add3A_1537 : i32 to vector<16xi32>
      %add3A_1539 = arith.addi %add3A_1506, %add3A_1538 : vector<16xi32>
      %select_n3A_1540 = arith.select %lt3A_1536, %add3A_1539, %add3A_1506 : vector<16xi1>, vector<16xi32>
      %broadcast_in_dim3A_1541 = vector.shape_cast %select_n3A_1540 : vector<16xi32> to vector<16x1xi32>
      %gather3A_1542 = vector.shape_cast %broadcast_in_dim3A_1541 : vector<16x1xi32> to vector<16xi32>
      %gather3A_1543 = tpu.dynamic_gather %add3A_405[%gather3A_1542] in [0] : vector<16xf32>, vector<16xi32> -> vector<16xf32>
      %add3A_1544 = arith.addf %add3A_409, %gather3A_1543 : vector<16xf32>
      %max3A_1545 = arith.constant 0.000000e+00 : f32
      %max3A_1546 = vector.broadcast %max3A_1545 : f32 to vector<16xf32>
      %max3A_1547 = arith.maximumf %add3A_1544, %max3A_1546 : vector<16xf32>
      %lt3A_1548 = arith.constant 0 : i32
      %lt3A_1549 = vector.broadcast %lt3A_1548 : i32 to vector<16xi32>
      %lt3A_1550 = arith.cmpi slt, %add3A_1506, %lt3A_1549 : vector<16xi32>
      %add3A_1551 = arith.constant 16 : i32
      %add3A_1552 = vector.broadcast %add3A_1551 : i32 to vector<16xi32>
      %add3A_1553 = arith.addi %add3A_1506, %add3A_1552 : vector<16xi32>
      %select_n3A_1554 = arith.select %lt3A_1550, %add3A_1553, %add3A_1506 : vector<16xi1>, vector<16xi32>
      %broadcast_in_dim3A_1555 = vector.shape_cast %select_n3A_1554 : vector<16xi32> to vector<16x1xi32>
      %gather3A_1556 = vector.shape_cast %broadcast_in_dim3A_1555 : vector<16x1xi32> to vector<16xi32>
      %gather3A_1557 = tpu.dynamic_gather %add3A_488[%gather3A_1556] in [0] : vector<16xf32>, vector<16xi32> -> vector<16xf32>
      %add3A_1558 = arith.addf %add3A_492, %gather3A_1557 : vector<16xf32>
      %max3A_1559 = arith.constant 0.000000e+00 : f32
      %max3A_1560 = vector.broadcast %max3A_1559 : f32 to vector<16xf32>
      %max3A_1561 = arith.maximumf %add3A_1558, %max3A_1560 : vector<16xf32>
      %lt3A_1562 = arith.constant 0 : i32
      %lt3A_1563 = vector.broadcast %lt3A_1562 : i32 to vector<16xi32>
      %lt3A_1564 = arith.cmpi slt, %add3A_1506, %lt3A_1563 : vector<16xi32>
      %add3A_1565 = arith.constant 16 : i32
      %add3A_1566 = vector.broadcast %add3A_1565 : i32 to vector<16xi32>
      %add3A_1567 = arith.addi %add3A_1506, %add3A_1566 : vector<16xi32>
      %select_n3A_1568 = arith.select %lt3A_1564, %add3A_1567, %add3A_1506 : vector<16xi1>, vector<16xi32>
      %broadcast_in_dim3A_1569 = vector.shape_cast %select_n3A_1568 : vector<16xi32> to vector<16x1xi32>
      %gather3A_1570 = vector.shape_cast %broadcast_in_dim3A_1569 : vector<16x1xi32> to vector<16xi32>
      %gather3A_1571 = tpu.dynamic_gather %add3A_571[%gather3A_1570] in [0] : vector<16xf32>, vector<16xi32> -> vector<16xf32>
      %add3A_1572 = arith.addf %add3A_575, %gather3A_1571 : vector<16xf32>
      %max3A_1573 = arith.constant 0.000000e+00 : f32
      %max3A_1574 = vector.broadcast %max3A_1573 : f32 to vector<16xf32>
      %max3A_1575 = arith.maximumf %add3A_1572, %max3A_1574 : vector<16xf32>
      %lt3A_1576 = arith.constant 0 : i32
      %lt3A_1577 = vector.broadcast %lt3A_1576 : i32 to vector<16xi32>
      %lt3A_1578 = arith.cmpi slt, %add3A_1506, %lt3A_1577 : vector<16xi32>
      %add3A_1579 = arith.constant 16 : i32
      %add3A_1580 = vector.broadcast %add3A_1579 : i32 to vector<16xi32>
      %add3A_1581 = arith.addi %add3A_1506, %add3A_1580 : vector<16xi32>
      %select_n3A_1582 = arith.select %lt3A_1578, %add3A_1581, %add3A_1506 : vector<16xi1>, vector<16xi32>
      %broadcast_in_dim3A_1583 = vector.shape_cast %select_n3A_1582 : vector<16xi32> to vector<16x1xi32>
      %gather3A_1584 = vector.shape_cast %broadcast_in_dim3A_1583 : vector<16x1xi32> to vector<16xi32>
      %gather3A_1585 = tpu.dynamic_gather %add3A_654[%gather3A_1584] in [0] : vector<16xf32>, vector<16xi32> -> vector<16xf32>
      %add3A_1586 = arith.addf %add3A_658, %gather3A_1585 : vector<16xf32>
      %max3A_1587 = arith.constant 0.000000e+00 : f32
      %max3A_1588 = vector.broadcast %max3A_1587 : f32 to vector<16xf32>
      %max3A_1589 = arith.maximumf %add3A_1586, %max3A_1588 : vector<16xf32>
      %lt3A_1590 = arith.constant 0 : i32
      %lt3A_1591 = vector.broadcast %lt3A_1590 : i32 to vector<16xi32>
      %lt3A_1592 = arith.cmpi slt, %add3A_1506, %lt3A_1591 : vector<16xi32>
      %add3A_1593 = arith.constant 16 : i32
      %add3A_1594 = vector.broadcast %add3A_1593 : i32 to vector<16xi32>
      %add3A_1595 = arith.addi %add3A_1506, %add3A_1594 : vector<16xi32>
      %select_n3A_1596 = arith.select %lt3A_1592, %add3A_1595, %add3A_1506 : vector<16xi1>, vector<16xi32>
      %broadcast_in_dim3A_1597 = vector.shape_cast %select_n3A_1596 : vector<16xi32> to vector<16x1xi32>
      %gather3A_1598 = vector.shape_cast %broadcast_in_dim3A_1597 : vector<16x1xi32> to vector<16xi32>
      %gather3A_1599 = tpu.dynamic_gather %add3A_737[%gather3A_1598] in [0] : vector<16xf32>, vector<16xi32> -> vector<16xf32>
      %add3A_1600 = arith.addf %add3A_741, %gather3A_1599 : vector<16xf32>
      %max3A_1601 = arith.constant 0.000000e+00 : f32
      %max3A_1602 = vector.broadcast %max3A_1601 : f32 to vector<16xf32>
      %max3A_1603 = arith.maximumf %add3A_1600, %max3A_1602 : vector<16xf32>
      %lt3A_1604 = arith.constant 0 : i32
      %lt3A_1605 = vector.broadcast %lt3A_1604 : i32 to vector<16xi32>
      %lt3A_1606 = arith.cmpi slt, %add3A_1506, %lt3A_1605 : vector<16xi32>
      %add3A_1607 = arith.constant 16 : i32
      %add3A_1608 = vector.broadcast %add3A_1607 : i32 to vector<16xi32>
      %add3A_1609 = arith.addi %add3A_1506, %add3A_1608 : vector<16xi32>
      %select_n3A_1610 = arith.select %lt3A_1606, %add3A_1609, %add3A_1506 : vector<16xi1>, vector<16xi32>
      %broadcast_in_dim3A_1611 = vector.shape_cast %select_n3A_1610 : vector<16xi32> to vector<16x1xi32>
      %gather3A_1612 = vector.shape_cast %broadcast_in_dim3A_1611 : vector<16x1xi32> to vector<16xi32>
      %gather3A_1613 = tpu.dynamic_gather %add3A_820[%gather3A_1612] in [0] : vector<16xf32>, vector<16xi32> -> vector<16xf32>
      %add3A_1614 = arith.addf %add3A_824, %gather3A_1613 : vector<16xf32>
      %max3A_1615 = arith.constant 0.000000e+00 : f32
      %max3A_1616 = vector.broadcast %max3A_1615 : f32 to vector<16xf32>
      %max3A_1617 = arith.maximumf %add3A_1614, %max3A_1616 : vector<16xf32>
      %lt3A_1618 = arith.constant 0 : i32
      %lt3A_1619 = vector.broadcast %lt3A_1618 : i32 to vector<16xi32>
      %lt3A_1620 = arith.cmpi slt, %add3A_1506, %lt3A_1619 : vector<16xi32>
      %add3A_1621 = arith.constant 16 : i32
      %add3A_1622 = vector.broadcast %add3A_1621 : i32 to vector<16xi32>
      %add3A_1623 = arith.addi %add3A_1506, %add3A_1622 : vector<16xi32>
      %select_n3A_1624 = arith.select %lt3A_1620, %add3A_1623, %add3A_1506 : vector<16xi1>, vector<16xi32>
      %broadcast_in_dim3A_1625 = vector.shape_cast %select_n3A_1624 : vector<16xi32> to vector<16x1xi32>
      %gather3A_1626 = vector.shape_cast %broadcast_in_dim3A_1625 : vector<16x1xi32> to vector<16xi32>
      %gather3A_1627 = tpu.dynamic_gather %add3A_903[%gather3A_1626] in [0] : vector<16xf32>, vector<16xi32> -> vector<16xf32>
      %add3A_1628 = arith.addf %add3A_907, %gather3A_1627 : vector<16xf32>
      %max3A_1629 = arith.constant 0.000000e+00 : f32
      %max3A_1630 = vector.broadcast %max3A_1629 : f32 to vector<16xf32>
      %max3A_1631 = arith.maximumf %add3A_1628, %max3A_1630 : vector<16xf32>
      %lt3A_1632 = arith.constant 0 : i32
      %lt3A_1633 = vector.broadcast %lt3A_1632 : i32 to vector<16xi32>
      %lt3A_1634 = arith.cmpi slt, %add3A_1506, %lt3A_1633 : vector<16xi32>
      %add3A_1635 = arith.constant 16 : i32
      %add3A_1636 = vector.broadcast %add3A_1635 : i32 to vector<16xi32>
      %add3A_1637 = arith.addi %add3A_1506, %add3A_1636 : vector<16xi32>
      %select_n3A_1638 = arith.select %lt3A_1634, %add3A_1637, %add3A_1506 : vector<16xi1>, vector<16xi32>
      %broadcast_in_dim3A_1639 = vector.shape_cast %select_n3A_1638 : vector<16xi32> to vector<16x1xi32>
      %gather3A_1640 = vector.shape_cast %broadcast_in_dim3A_1639 : vector<16x1xi32> to vector<16xi32>
      %gather3A_1641 = tpu.dynamic_gather %add3A_986[%gather3A_1640] in [0] : vector<16xf32>, vector<16xi32> -> vector<16xf32>
      %add3A_1642 = arith.addf %add3A_990, %gather3A_1641 : vector<16xf32>
      %max3A_1643 = arith.constant 0.000000e+00 : f32
      %max3A_1644 = vector.broadcast %max3A_1643 : f32 to vector<16xf32>
      %max3A_1645 = arith.maximumf %add3A_1642, %max3A_1644 : vector<16xf32>
      %lt3A_1646 = arith.constant 0 : i32
      %lt3A_1647 = vector.broadcast %lt3A_1646 : i32 to vector<16xi32>
      %lt3A_1648 = arith.cmpi slt, %add3A_1506, %lt3A_1647 : vector<16xi32>
      %add3A_1649 = arith.constant 16 : i32
      %add3A_1650 = vector.broadcast %add3A_1649 : i32 to vector<16xi32>
      %add3A_1651 = arith.addi %add3A_1506, %add3A_1650 : vector<16xi32>
      %select_n3A_1652 = arith.select %lt3A_1648, %add3A_1651, %add3A_1506 : vector<16xi1>, vector<16xi32>
      %broadcast_in_dim3A_1653 = vector.shape_cast %select_n3A_1652 : vector<16xi32> to vector<16x1xi32>
      %gather3A_1654 = vector.shape_cast %broadcast_in_dim3A_1653 : vector<16x1xi32> to vector<16xi32>
      %gather3A_1655 = tpu.dynamic_gather %add3A_1069[%gather3A_1654] in [0] : vector<16xf32>, vector<16xi32> -> vector<16xf32>
      %add3A_1656 = arith.addf %add3A_1073, %gather3A_1655 : vector<16xf32>
      %max3A_1657 = arith.constant 0.000000e+00 : f32
      %max3A_1658 = vector.broadcast %max3A_1657 : f32 to vector<16xf32>
      %max3A_1659 = arith.maximumf %add3A_1656, %max3A_1658 : vector<16xf32>
      %lt3A_1660 = arith.constant 0 : i32
      %lt3A_1661 = vector.broadcast %lt3A_1660 : i32 to vector<16xi32>
      %lt3A_1662 = arith.cmpi slt, %add3A_1506, %lt3A_1661 : vector<16xi32>
      %add3A_1663 = arith.constant 16 : i32
      %add3A_1664 = vector.broadcast %add3A_1663 : i32 to vector<16xi32>
      %add3A_1665 = arith.addi %add3A_1506, %add3A_1664 : vector<16xi32>
      %select_n3A_1666 = arith.select %lt3A_1662, %add3A_1665, %add3A_1506 : vector<16xi1>, vector<16xi32>
      %broadcast_in_dim3A_1667 = vector.shape_cast %select_n3A_1666 : vector<16xi32> to vector<16x1xi32>
      %gather3A_1668 = vector.shape_cast %broadcast_in_dim3A_1667 : vector<16x1xi32> to vector<16xi32>
      %gather3A_1669 = tpu.dynamic_gather %add3A_1152[%gather3A_1668] in [0] : vector<16xf32>, vector<16xi32> -> vector<16xf32>
      %add3A_1670 = arith.addf %add3A_1156, %gather3A_1669 : vector<16xf32>
      %max3A_1671 = arith.constant 0.000000e+00 : f32
      %max3A_1672 = vector.broadcast %max3A_1671 : f32 to vector<16xf32>
      %max3A_1673 = arith.maximumf %add3A_1670, %max3A_1672 : vector<16xf32>
      %lt3A_1674 = arith.constant 0 : i32
      %lt3A_1675 = vector.broadcast %lt3A_1674 : i32 to vector<16xi32>
      %lt3A_1676 = arith.cmpi slt, %add3A_1506, %lt3A_1675 : vector<16xi32>
      %add3A_1677 = arith.constant 16 : i32
      %add3A_1678 = vector.broadcast %add3A_1677 : i32 to vector<16xi32>
      %add3A_1679 = arith.addi %add3A_1506, %add3A_1678 : vector<16xi32>
      %select_n3A_1680 = arith.select %lt3A_1676, %add3A_1679, %add3A_1506 : vector<16xi1>, vector<16xi32>
      %broadcast_in_dim3A_1681 = vector.shape_cast %select_n3A_1680 : vector<16xi32> to vector<16x1xi32>
      %gather3A_1682 = vector.shape_cast %broadcast_in_dim3A_1681 : vector<16x1xi32> to vector<16xi32>
      %gather3A_1683 = tpu.dynamic_gather %add3A_1235[%gather3A_1682] in [0] : vector<16xf32>, vector<16xi32> -> vector<16xf32>
      %add3A_1684 = arith.addf %add3A_1239, %gather3A_1683 : vector<16xf32>
      %max3A_1685 = arith.constant 0.000000e+00 : f32
      %max3A_1686 = vector.broadcast %max3A_1685 : f32 to vector<16xf32>
      %max3A_1687 = arith.maximumf %add3A_1684, %max3A_1686 : vector<16xf32>
      %lt3A_1688 = arith.constant 0 : i32
      %lt3A_1689 = vector.broadcast %lt3A_1688 : i32 to vector<16xi32>
      %lt3A_1690 = arith.cmpi slt, %add3A_1506, %lt3A_1689 : vector<16xi32>
      %add3A_1691 = arith.constant 16 : i32
      %add3A_1692 = vector.broadcast %add3A_1691 : i32 to vector<16xi32>
      %add3A_1693 = arith.addi %add3A_1506, %add3A_1692 : vector<16xi32>
      %select_n3A_1694 = arith.select %lt3A_1690, %add3A_1693, %add3A_1506 : vector<16xi1>, vector<16xi32>
      %broadcast_in_dim3A_1695 = vector.shape_cast %select_n3A_1694 : vector<16xi32> to vector<16x1xi32>
      %gather3A_1696 = vector.shape_cast %broadcast_in_dim3A_1695 : vector<16x1xi32> to vector<16xi32>
      %gather3A_1697 = tpu.dynamic_gather %add3A_1318[%gather3A_1696] in [0] : vector<16xf32>, vector<16xi32> -> vector<16xf32>
      %add3A_1698 = arith.addf %add3A_1322, %gather3A_1697 : vector<16xf32>
      %max3A_1699 = arith.constant 0.000000e+00 : f32
      %max3A_1700 = vector.broadcast %max3A_1699 : f32 to vector<16xf32>
      %max3A_1701 = arith.maximumf %add3A_1698, %max3A_1700 : vector<16xf32>
      %lt3A_1702 = arith.constant 0 : i32
      %lt3A_1703 = vector.broadcast %lt3A_1702 : i32 to vector<16xi32>
      %lt3A_1704 = arith.cmpi slt, %add3A_1506, %lt3A_1703 : vector<16xi32>
      %add3A_1705 = arith.constant 16 : i32
      %add3A_1706 = vector.broadcast %add3A_1705 : i32 to vector<16xi32>
      %add3A_1707 = arith.addi %add3A_1506, %add3A_1706 : vector<16xi32>
      %select_n3A_1708 = arith.select %lt3A_1704, %add3A_1707, %add3A_1506 : vector<16xi1>, vector<16xi32>
      %broadcast_in_dim3A_1709 = vector.shape_cast %select_n3A_1708 : vector<16xi32> to vector<16x1xi32>
      %gather3A_1710 = vector.shape_cast %broadcast_in_dim3A_1709 : vector<16x1xi32> to vector<16xi32>
      %gather3A_1711 = tpu.dynamic_gather %add3A_1401[%gather3A_1710] in [0] : vector<16xf32>, vector<16xi32> -> vector<16xf32>
      %add3A_1712 = arith.addf %add3A_1405, %gather3A_1711 : vector<16xf32>
      %max3A_1713 = arith.constant 0.000000e+00 : f32
      %max3A_1714 = vector.broadcast %max3A_1713 : f32 to vector<16xf32>
      %max3A_1715 = arith.maximumf %add3A_1712, %max3A_1714 : vector<16xf32>
      %lt3A_1716 = arith.constant 0 : i32
      %lt3A_1717 = vector.broadcast %lt3A_1716 : i32 to vector<16xi32>
      %lt3A_1718 = arith.cmpi slt, %add3A_1506, %lt3A_1717 : vector<16xi32>
      %add3A_1719 = arith.constant 16 : i32
      %add3A_1720 = vector.broadcast %add3A_1719 : i32 to vector<16xi32>
      %add3A_1721 = arith.addi %add3A_1506, %add3A_1720 : vector<16xi32>
      %select_n3A_1722 = arith.select %lt3A_1718, %add3A_1721, %add3A_1506 : vector<16xi1>, vector<16xi32>
      %broadcast_in_dim3A_1723 = vector.shape_cast %select_n3A_1722 : vector<16xi32> to vector<16x1xi32>
      %gather3A_1724 = vector.shape_cast %broadcast_in_dim3A_1723 : vector<16x1xi32> to vector<16xi32>
      %gather3A_1725 = tpu.dynamic_gather %add3A_1484[%gather3A_1724] in [0] : vector<16xf32>, vector<16xi32> -> vector<16xf32>
      %add3A_1726 = arith.addf %add3A_1488, %gather3A_1725 : vector<16xf32>
      %max3A_1727 = arith.constant 0.000000e+00 : f32
      %max3A_1728 = vector.broadcast %max3A_1727 : f32 to vector<16xf32>
      %max3A_1729 = arith.maximumf %add3A_1726, %max3A_1728 : vector<16xf32>
      %broadcast_in_dim3A_1730 = arith.constant 480 : i32
      %broadcast_in_dim3A_1731 = vector.broadcast %broadcast_in_dim3A_1730 : i32 to vector<16xi32>
      %gather3A_1732 = tpu.vector_load_idx %arg6[%broadcast_in_dim3A_1731] : memref<576xf32, #tpu.memory_space<vmem>>[vector<16xi32>], vector<16xf32>,
      %mul3A_1733 = arith.mulf %max3A_1519, %gather3A_1732 : vector<16xf32>
      %broadcast_in_dim3A_1734 = arith.constant 485 : i32
      %broadcast_in_dim3A_1735 = vector.broadcast %broadcast_in_dim3A_1734 : i32 to vector<16xi32>
      %gather3A_1736 = tpu.vector_load_idx %arg6[%broadcast_in_dim3A_1735] : memref<576xf32, #tpu.memory_space<vmem>>[vector<16xi32>], vector<16xf32>,
      %mul3A_1737 = arith.mulf %max3A_1533, %gather3A_1736 : vector<16xf32>
      %add3A_1738 = arith.addf %mul3A_1733, %mul3A_1737 : vector<16xf32>
      %broadcast_in_dim3A_1739 = arith.constant 490 : i32
      %broadcast_in_dim3A_1740 = vector.broadcast %broadcast_in_dim3A_1739 : i32 to vector<16xi32>
      %gather3A_1741 = tpu.vector_load_idx %arg6[%broadcast_in_dim3A_1740] : memref<576xf32, #tpu.memory_space<vmem>>[vector<16xi32>], vector<16xf32>,
      %mul3A_1742 = arith.mulf %max3A_1547, %gather3A_1741 : vector<16xf32>
      %add3A_1743 = arith.addf %add3A_1738, %mul3A_1742 : vector<16xf32>
      %broadcast_in_dim3A_1744 = arith.constant 495 : i32
      %broadcast_in_dim3A_1745 = vector.broadcast %broadcast_in_dim3A_1744 : i32 to vector<16xi32>
      %gather3A_1746 = tpu.vector_load_idx %arg6[%broadcast_in_dim3A_1745] : memref<576xf32, #tpu.memory_space<vmem>>[vector<16xi32>], vector<16xf32>,
      %mul3A_1747 = arith.mulf %max3A_1561, %gather3A_1746 : vector<16xf32>
      %add3A_1748 = arith.addf %add3A_1743, %mul3A_1747 : vector<16xf32>
      %broadcast_in_dim3A_1749 = arith.constant 500 : i32
      %broadcast_in_dim3A_1750 = vector.broadcast %broadcast_in_dim3A_1749 : i32 to vector<16xi32>
      %gather3A_1751 = tpu.vector_load_idx %arg6[%broadcast_in_dim3A_1750] : memref<576xf32, #tpu.memory_space<vmem>>[vector<16xi32>], vector<16xf32>,
      %mul3A_1752 = arith.mulf %max3A_1575, %gather3A_1751 : vector<16xf32>
      %add3A_1753 = arith.addf %add3A_1748, %mul3A_1752 : vector<16xf32>
      %broadcast_in_dim3A_1754 = arith.constant 505 : i32
      %broadcast_in_dim3A_1755 = vector.broadcast %broadcast_in_dim3A_1754 : i32 to vector<16xi32>
      %gather3A_1756 = tpu.vector_load_idx %arg6[%broadcast_in_dim3A_1755] : memref<576xf32, #tpu.memory_space<vmem>>[vector<16xi32>], vector<16xf32>,
      %mul3A_1757 = arith.mulf %max3A_1589, %gather3A_1756 : vector<16xf32>
      %add3A_1758 = arith.addf %add3A_1753, %mul3A_1757 : vector<16xf32>
      %broadcast_in_dim3A_1759 = arith.constant 510 : i32
      %broadcast_in_dim3A_1760 = vector.broadcast %broadcast_in_dim3A_1759 : i32 to vector<16xi32>
      %gather3A_1761 = tpu.vector_load_idx %arg6[%broadcast_in_dim3A_1760] : memref<576xf32, #tpu.memory_space<vmem>>[vector<16xi32>], vector<16xf32>,
      %mul3A_1762 = arith.mulf %max3A_1603, %gather3A_1761 : vector<16xf32>
      %add3A_1763 = arith.addf %add3A_1758, %mul3A_1762 : vector<16xf32>
      %broadcast_in_dim3A_1764 = arith.constant 515 : i32
      %broadcast_in_dim3A_1765 = vector.broadcast %broadcast_in_dim3A_1764 : i32 to vector<16xi32>
      %gather3A_1766 = tpu.vector_load_idx %arg6[%broadcast_in_dim3A_1765] : memref<576xf32, #tpu.memory_space<vmem>>[vector<16xi32>], vector<16xf32>,
      %mul3A_1767 = arith.mulf %max3A_1617, %gather3A_1766 : vector<16xf32>
      %add3A_1768 = arith.addf %add3A_1763, %mul3A_1767 : vector<16xf32>
      %broadcast_in_dim3A_1769 = arith.constant 520 : i32
      %broadcast_in_dim3A_1770 = vector.broadcast %broadcast_in_dim3A_1769 : i32 to vector<16xi32>
      %gather3A_1771 = tpu.vector_load_idx %arg6[%broadcast_in_dim3A_1770] : memref<576xf32, #tpu.memory_space<vmem>>[vector<16xi32>], vector<16xf32>,
      %mul3A_1772 = arith.mulf %max3A_1631, %gather3A_1771 : vector<16xf32>
      %add3A_1773 = arith.addf %add3A_1768, %mul3A_1772 : vector<16xf32>
      %broadcast_in_dim3A_1774 = arith.constant 525 : i32
      %broadcast_in_dim3A_1775 = vector.broadcast %broadcast_in_dim3A_1774 : i32 to vector<16xi32>
      %gather3A_1776 = tpu.vector_load_idx %arg6[%broadcast_in_dim3A_1775] : memref<576xf32, #tpu.memory_space<vmem>>[vector<16xi32>], vector<16xf32>,
      %mul3A_1777 = arith.mulf %max3A_1645, %gather3A_1776 : vector<16xf32>
      %add3A_1778 = arith.addf %add3A_1773, %mul3A_1777 : vector<16xf32>
      %broadcast_in_dim3A_1779 = arith.constant 530 : i32
      %broadcast_in_dim3A_1780 = vector.broadcast %broadcast_in_dim3A_1779 : i32 to vector<16xi32>
      %gather3A_1781 = tpu.vector_load_idx %arg6[%broadcast_in_dim3A_1780] : memref<576xf32, #tpu.memory_space<vmem>>[vector<16xi32>], vector<16xf32>,
      %mul3A_1782 = arith.mulf %max3A_1659, %gather3A_1781 : vector<16xf32>
      %add3A_1783 = arith.addf %add3A_1778, %mul3A_1782 : vector<16xf32>
      %broadcast_in_dim3A_1784 = arith.constant 535 : i32
      %broadcast_in_dim3A_1785 = vector.broadcast %broadcast_in_dim3A_1784 : i32 to vector<16xi32>
      %gather3A_1786 = tpu.vector_load_idx %arg6[%broadcast_in_dim3A_1785] : memref<576xf32, #tpu.memory_space<vmem>>[vector<16xi32>], vector<16xf32>,
      %mul3A_1787 = arith.mulf %max3A_1673, %gather3A_1786 : vector<16xf32>
      %add3A_1788 = arith.addf %add3A_1783, %mul3A_1787 : vector<16xf32>
      %broadcast_in_dim3A_1789 = arith.constant 540 : i32
      %broadcast_in_dim3A_1790 = vector.broadcast %broadcast_in_dim3A_1789 : i32 to vector<16xi32>
      %gather3A_1791 = tpu.vector_load_idx %arg6[%broadcast_in_dim3A_1790] : memref<576xf32, #tpu.memory_space<vmem>>[vector<16xi32>], vector<16xf32>,
      %mul3A_1792 = arith.mulf %max3A_1687, %gather3A_1791 : vector<16xf32>
      %add3A_1793 = arith.addf %add3A_1788, %mul3A_1792 : vector<16xf32>
      %broadcast_in_dim3A_1794 = arith.constant 545 : i32
      %broadcast_in_dim3A_1795 = vector.broadcast %broadcast_in_dim3A_1794 : i32 to vector<16xi32>
      %gather3A_1796 = tpu.vector_load_idx %arg6[%broadcast_in_dim3A_1795] : memref<576xf32, #tpu.memory_space<vmem>>[vector<16xi32>], vector<16xf32>,
      %mul3A_1797 = arith.mulf %max3A_1701, %gather3A_1796 : vector<16xf32>
      %add3A_1798 = arith.addf %add3A_1793, %mul3A_1797 : vector<16xf32>
      %broadcast_in_dim3A_1799 = arith.constant 550 : i32
      %broadcast_in_dim3A_1800 = vector.broadcast %broadcast_in_dim3A_1799 : i32 to vector<16xi32>
      %gather3A_1801 = tpu.vector_load_idx %arg6[%broadcast_in_dim3A_1800] : memref<576xf32, #tpu.memory_space<vmem>>[vector<16xi32>], vector<16xf32>,
      %mul3A_1802 = arith.mulf %max3A_1715, %gather3A_1801 : vector<16xf32>
      %add3A_1803 = arith.addf %add3A_1798, %mul3A_1802 : vector<16xf32>
      %broadcast_in_dim3A_1804 = arith.constant 555 : i32
      %broadcast_in_dim3A_1805 = vector.broadcast %broadcast_in_dim3A_1804 : i32 to vector<16xi32>
      %gather3A_1806 = tpu.vector_load_idx %arg6[%broadcast_in_dim3A_1805] : memref<576xf32, #tpu.memory_space<vmem>>[vector<16xi32>], vector<16xf32>,
      %mul3A_1807 = arith.mulf %max3A_1729, %gather3A_1806 : vector<16xf32>
      %add3A_1808 = arith.addf %add3A_1803, %mul3A_1807 : vector<16xf32>
      %broadcast_in_dim3A_1809 = arith.constant 560 : i32
      %broadcast_in_dim3A_1810 = vector.broadcast %broadcast_in_dim3A_1809 : i32 to vector<16xi32>
      %gather3A_1811 = tpu.vector_load_idx %arg6[%broadcast_in_dim3A_1810] : memref<576xf32, #tpu.memory_space<vmem>>[vector<16xi32>], vector<16xf32>,
      %add3A_1812 = arith.addf %add3A_1808, %gather3A_1811 : vector<16xf32>
      %broadcast_in_dim3A_1813 = arith.constant 481 : i32
      %broadcast_in_dim3A_1814 = vector.broadcast %broadcast_in_dim3A_1813 : i32 to vector<16xi32>
      %gather3A_1815 = tpu.vector_load_idx %arg6[%broadcast_in_dim3A_1814] : memref<576xf32, #tpu.memory_space<vmem>>[vector<16xi32>], vector<16xf32>,
      %mul3A_1816 = arith.mulf %max3A_1519, %gather3A_1815 : vector<16xf32>
      %broadcast_in_dim3A_1817 = arith.constant 486 : i32
      %broadcast_in_dim3A_1818 = vector.broadcast %broadcast_in_dim3A_1817 : i32 to vector<16xi32>
      %gather3A_1819 = tpu.vector_load_idx %arg6[%broadcast_in_dim3A_1818] : memref<576xf32, #tpu.memory_space<vmem>>[vector<16xi32>], vector<16xf32>,
      %mul3A_1820 = arith.mulf %max3A_1533, %gather3A_1819 : vector<16xf32>
      %add3A_1821 = arith.addf %mul3A_1816, %mul3A_1820 : vector<16xf32>
      %broadcast_in_dim3A_1822 = arith.constant 491 : i32
      %broadcast_in_dim3A_1823 = vector.broadcast %broadcast_in_dim3A_1822 : i32 to vector<16xi32>
      %gather3A_1824 = tpu.vector_load_idx %arg6[%broadcast_in_dim3A_1823] : memref<576xf32, #tpu.memory_space<vmem>>[vector<16xi32>], vector<16xf32>,
      %mul3A_1825 = arith.mulf %max3A_1547, %gather3A_1824 : vector<16xf32>
      %add3A_1826 = arith.addf %add3A_1821, %mul3A_1825 : vector<16xf32>
      %broadcast_in_dim3A_1827 = arith.constant 496 : i32
      %broadcast_in_dim3A_1828 = vector.broadcast %broadcast_in_dim3A_1827 : i32 to vector<16xi32>
      %gather3A_1829 = tpu.vector_load_idx %arg6[%broadcast_in_dim3A_1828] : memref<576xf32, #tpu.memory_space<vmem>>[vector<16xi32>], vector<16xf32>,
      %mul3A_1830 = arith.mulf %max3A_1561, %gather3A_1829 : vector<16xf32>
      %add3A_1831 = arith.addf %add3A_1826, %mul3A_1830 : vector<16xf32>
      %broadcast_in_dim3A_1832 = arith.constant 501 : i32
      %broadcast_in_dim3A_1833 = vector.broadcast %broadcast_in_dim3A_1832 : i32 to vector<16xi32>
      %gather3A_1834 = tpu.vector_load_idx %arg6[%broadcast_in_dim3A_1833] : memref<576xf32, #tpu.memory_space<vmem>>[vector<16xi32>], vector<16xf32>,
      %mul3A_1835 = arith.mulf %max3A_1575, %gather3A_1834 : vector<16xf32>
      %add3A_1836 = arith.addf %add3A_1831, %mul3A_1835 : vector<16xf32>
      %broadcast_in_dim3A_1837 = arith.constant 506 : i32
      %broadcast_in_dim3A_1838 = vector.broadcast %broadcast_in_dim3A_1837 : i32 to vector<16xi32>
      %gather3A_1839 = tpu.vector_load_idx %arg6[%broadcast_in_dim3A_1838] : memref<576xf32, #tpu.memory_space<vmem>>[vector<16xi32>], vector<16xf32>,
      %mul3A_1840 = arith.mulf %max3A_1589, %gather3A_1839 : vector<16xf32>
      %add3A_1841 = arith.addf %add3A_1836, %mul3A_1840 : vector<16xf32>
      %broadcast_in_dim3A_1842 = arith.constant 511 : i32
      %broadcast_in_dim3A_1843 = vector.broadcast %broadcast_in_dim3A_1842 : i32 to vector<16xi32>
      %gather3A_1844 = tpu.vector_load_idx %arg6[%broadcast_in_dim3A_1843] : memref<576xf32, #tpu.memory_space<vmem>>[vector<16xi32>], vector<16xf32>,
      %mul3A_1845 = arith.mulf %max3A_1603, %gather3A_1844 : vector<16xf32>
      %add3A_1846 = arith.addf %add3A_1841, %mul3A_1845 : vector<16xf32>
      %broadcast_in_dim3A_1847 = arith.constant 516 : i32
      %broadcast_in_dim3A_1848 = vector.broadcast %broadcast_in_dim3A_1847 : i32 to vector<16xi32>
      %gather3A_1849 = tpu.vector_load_idx %arg6[%broadcast_in_dim3A_1848] : memref<576xf32, #tpu.memory_space<vmem>>[vector<16xi32>], vector<16xf32>,
      %mul3A_1850 = arith.mulf %max3A_1617, %gather3A_1849 : vector<16xf32>
      %add3A_1851 = arith.addf %add3A_1846, %mul3A_1850 : vector<16xf32>
      %broadcast_in_dim3A_1852 = arith.constant 521 : i32
      %broadcast_in_dim3A_1853 = vector.broadcast %broadcast_in_dim3A_1852 : i32 to vector<16xi32>
      %gather3A_1854 = tpu.vector_load_idx %arg6[%broadcast_in_dim3A_1853] : memref<576xf32, #tpu.memory_space<vmem>>[vector<16xi32>], vector<16xf32>,
      %mul3A_1855 = arith.mulf %max3A_1631, %gather3A_1854 : vector<16xf32>
      %add3A_1856 = arith.addf %add3A_1851, %mul3A_1855 : vector<16xf32>
      %broadcast_in_dim3A_1857 = arith.constant 526 : i32
      %broadcast_in_dim3A_1858 = vector.broadcast %broadcast_in_dim3A_1857 : i32 to vector<16xi32>
      %gather3A_1859 = tpu.vector_load_idx %arg6[%broadcast_in_dim3A_1858] : memref<576xf32, #tpu.memory_space<vmem>>[vector<16xi32>], vector<16xf32>,
      %mul3A_1860 = arith.mulf %max3A_1645, %gather3A_1859 : vector<16xf32>
      %add3A_1861 = arith.addf %add3A_1856, %mul3A_1860 : vector<16xf32>
      %broadcast_in_dim3A_1862 = arith.constant 531 : i32
      %broadcast_in_dim3A_1863 = vector.broadcast %broadcast_in_dim3A_1862 : i32 to vector<16xi32>
      %gather3A_1864 = tpu.vector_load_idx %arg6[%broadcast_in_dim3A_1863] : memref<576xf32, #tpu.memory_space<vmem>>[vector<16xi32>], vector<16xf32>,
      %mul3A_1865 = arith.mulf %max3A_1659, %gather3A_1864 : vector<16xf32>
      %add3A_1866 = arith.addf %add3A_1861, %mul3A_1865 : vector<16xf32>
      %broadcast_in_dim3A_1867 = arith.constant 536 : i32
      %broadcast_in_dim3A_1868 = vector.broadcast %broadcast_in_dim3A_1867 : i32 to vector<16xi32>
      %gather3A_1869 = tpu.vector_load_idx %arg6[%broadcast_in_dim3A_1868] : memref<576xf32, #tpu.memory_space<vmem>>[vector<16xi32>], vector<16xf32>,
      %mul3A_1870 = arith.mulf %max3A_1673, %gather3A_1869 : vector<16xf32>
      %add3A_1871 = arith.addf %add3A_1866, %mul3A_1870 : vector<16xf32>
      %broadcast_in_dim3A_1872 = arith.constant 541 : i32
      %broadcast_in_dim3A_1873 = vector.broadcast %broadcast_in_dim3A_1872 : i32 to vector<16xi32>
      %gather3A_1874 = tpu.vector_load_idx %arg6[%broadcast_in_dim3A_1873] : memref<576xf32, #tpu.memory_space<vmem>>[vector<16xi32>], vector<16xf32>,
      %mul3A_1875 = arith.mulf %max3A_1687, %gather3A_1874 : vector<16xf32>
      %add3A_1876 = arith.addf %add3A_1871, %mul3A_1875 : vector<16xf32>
      %broadcast_in_dim3A_1877 = arith.constant 546 : i32
      %broadcast_in_dim3A_1878 = vector.broadcast %broadcast_in_dim3A_1877 : i32 to vector<16xi32>
      %gather3A_1879 = tpu.vector_load_idx %arg6[%broadcast_in_dim3A_1878] : memref<576xf32, #tpu.memory_space<vmem>>[vector<16xi32>], vector<16xf32>,
      %mul3A_1880 = arith.mulf %max3A_1701, %gather3A_1879 : vector<16xf32>
      %add3A_1881 = arith.addf %add3A_1876, %mul3A_1880 : vector<16xf32>
      %broadcast_in_dim3A_1882 = arith.constant 551 : i32
      %broadcast_in_dim3A_1883 = vector.broadcast %broadcast_in_dim3A_1882 : i32 to vector<16xi32>
      %gather3A_1884 = tpu.vector_load_idx %arg6[%broadcast_in_dim3A_1883] : memref<576xf32, #tpu.memory_space<vmem>>[vector<16xi32>], vector<16xf32>,
      %mul3A_1885 = arith.mulf %max3A_1715, %gather3A_1884 : vector<16xf32>
      %add3A_1886 = arith.addf %add3A_1881, %mul3A_1885 : vector<16xf32>
      %broadcast_in_dim3A_1887 = arith.constant 556 : i32
      %broadcast_in_dim3A_1888 = vector.broadcast %broadcast_in_dim3A_1887 : i32 to vector<16xi32>
      %gather3A_1889 = tpu.vector_load_idx %arg6[%broadcast_in_dim3A_1888] : memref<576xf32, #tpu.memory_space<vmem>>[vector<16xi32>], vector<16xf32>,
      %mul3A_1890 = arith.mulf %max3A_1729, %gather3A_1889 : vector<16xf32>
      %add3A_1891 = arith.addf %add3A_1886, %mul3A_1890 : vector<16xf32>
      %broadcast_in_dim3A_1892 = arith.constant 561 : i32
      %broadcast_in_dim3A_1893 = vector.broadcast %broadcast_in_dim3A_1892 : i32 to vector<16xi32>
      %gather3A_1894 = tpu.vector_load_idx %arg6[%broadcast_in_dim3A_1893] : memref<576xf32, #tpu.memory_space<vmem>>[vector<16xi32>], vector<16xf32>,
      %add3A_1895 = arith.addf %add3A_1891, %gather3A_1894 : vector<16xf32>
      %broadcast_in_dim3A_1896 = arith.constant 482 : i32
      %broadcast_in_dim3A_1897 = vector.broadcast %broadcast_in_dim3A_1896 : i32 to vector<16xi32>
      %gather3A_1898 = tpu.vector_load_idx %arg6[%broadcast_in_dim3A_1897] : memref<576xf32, #tpu.memory_space<vmem>>[vector<16xi32>], vector<16xf32>,
      %mul3A_1899 = arith.mulf %max3A_1519, %gather3A_1898 : vector<16xf32>
      %broadcast_in_dim3A_1900 = arith.constant 487 : i32
      %broadcast_in_dim3A_1901 = vector.broadcast %broadcast_in_dim3A_1900 : i32 to vector<16xi32>
      %gather3A_1902 = tpu.vector_load_idx %arg6[%broadcast_in_dim3A_1901] : memref<576xf32, #tpu.memory_space<vmem>>[vector<16xi32>], vector<16xf32>,
      %mul3A_1903 = arith.mulf %max3A_1533, %gather3A_1902 : vector<16xf32>
      %add3A_1904 = arith.addf %mul3A_1899, %mul3A_1903 : vector<16xf32>
      %broadcast_in_dim3A_1905 = arith.constant 492 : i32
      %broadcast_in_dim3A_1906 = vector.broadcast %broadcast_in_dim3A_1905 : i32 to vector<16xi32>
      %gather3A_1907 = tpu.vector_load_idx %arg6[%broadcast_in_dim3A_1906] : memref<576xf32, #tpu.memory_space<vmem>>[vector<16xi32>], vector<16xf32>,
      %mul3A_1908 = arith.mulf %max3A_1547, %gather3A_1907 : vector<16xf32>
      %add3A_1909 = arith.addf %add3A_1904, %mul3A_1908 : vector<16xf32>
      %broadcast_in_dim3A_1910 = arith.constant 497 : i32
      %broadcast_in_dim3A_1911 = vector.broadcast %broadcast_in_dim3A_1910 : i32 to vector<16xi32>
      %gather3A_1912 = tpu.vector_load_idx %arg6[%broadcast_in_dim3A_1911] : memref<576xf32, #tpu.memory_space<vmem>>[vector<16xi32>], vector<16xf32>,
      %mul3A_1913 = arith.mulf %max3A_1561, %gather3A_1912 : vector<16xf32>
      %add3A_1914 = arith.addf %add3A_1909, %mul3A_1913 : vector<16xf32>
      %broadcast_in_dim3A_1915 = arith.constant 502 : i32
      %broadcast_in_dim3A_1916 = vector.broadcast %broadcast_in_dim3A_1915 : i32 to vector<16xi32>
      %gather3A_1917 = tpu.vector_load_idx %arg6[%broadcast_in_dim3A_1916] : memref<576xf32, #tpu.memory_space<vmem>>[vector<16xi32>], vector<16xf32>,
      %mul3A_1918 = arith.mulf %max3A_1575, %gather3A_1917 : vector<16xf32>
      %add3A_1919 = arith.addf %add3A_1914, %mul3A_1918 : vector<16xf32>
      %broadcast_in_dim3A_1920 = arith.constant 507 : i32
      %broadcast_in_dim3A_1921 = vector.broadcast %broadcast_in_dim3A_1920 : i32 to vector<16xi32>
      %gather3A_1922 = tpu.vector_load_idx %arg6[%broadcast_in_dim3A_1921] : memref<576xf32, #tpu.memory_space<vmem>>[vector<16xi32>], vector<16xf32>,
      %mul3A_1923 = arith.mulf %max3A_1589, %gather3A_1922 : vector<16xf32>
      %add3A_1924 = arith.addf %add3A_1919, %mul3A_1923 : vector<16xf32>
      %broadcast_in_dim3A_1925 = arith.constant 512 : i32
      %broadcast_in_dim3A_1926 = vector.broadcast %broadcast_in_dim3A_1925 : i32 to vector<16xi32>
      %gather3A_1927 = tpu.vector_load_idx %arg6[%broadcast_in_dim3A_1926] : memref<576xf32, #tpu.memory_space<vmem>>[vector<16xi32>], vector<16xf32>,
      %mul3A_1928 = arith.mulf %max3A_1603, %gather3A_1927 : vector<16xf32>
      %add3A_1929 = arith.addf %add3A_1924, %mul3A_1928 : vector<16xf32>
      %broadcast_in_dim3A_1930 = arith.constant 517 : i32
      %broadcast_in_dim3A_1931 = vector.broadcast %broadcast_in_dim3A_1930 : i32 to vector<16xi32>
      %gather3A_1932 = tpu.vector_load_idx %arg6[%broadcast_in_dim3A_1931] : memref<576xf32, #tpu.memory_space<vmem>>[vector<16xi32>], vector<16xf32>,
      %mul3A_1933 = arith.mulf %max3A_1617, %gather3A_1932 : vector<16xf32>
      %add3A_1934 = arith.addf %add3A_1929, %mul3A_1933 : vector<16xf32>
      %broadcast_in_dim3A_1935 = arith.constant 522 : i32
      %broadcast_in_dim3A_1936 = vector.broadcast %broadcast_in_dim3A_1935 : i32 to vector<16xi32>
      %gather3A_1937 = tpu.vector_load_idx %arg6[%broadcast_in_dim3A_1936] : memref<576xf32, #tpu.memory_space<vmem>>[vector<16xi32>], vector<16xf32>,
      %mul3A_1938 = arith.mulf %max3A_1631, %gather3A_1937 : vector<16xf32>
      %add3A_1939 = arith.addf %add3A_1934, %mul3A_1938 : vector<16xf32>
      %broadcast_in_dim3A_1940 = arith.constant 527 : i32
      %broadcast_in_dim3A_1941 = vector.broadcast %broadcast_in_dim3A_1940 : i32 to vector<16xi32>
      %gather3A_1942 = tpu.vector_load_idx %arg6[%broadcast_in_dim3A_1941] : memref<576xf32, #tpu.memory_space<vmem>>[vector<16xi32>], vector<16xf32>,
      %mul3A_1943 = arith.mulf %max3A_1645, %gather3A_1942 : vector<16xf32>
      %add3A_1944 = arith.addf %add3A_1939, %mul3A_1943 : vector<16xf32>
      %broadcast_in_dim3A_1945 = arith.constant 532 : i32
      %broadcast_in_dim3A_1946 = vector.broadcast %broadcast_in_dim3A_1945 : i32 to vector<16xi32>
      %gather3A_1947 = tpu.vector_load_idx %arg6[%broadcast_in_dim3A_1946] : memref<576xf32, #tpu.memory_space<vmem>>[vector<16xi32>], vector<16xf32>,
      %mul3A_1948 = arith.mulf %max3A_1659, %gather3A_1947 : vector<16xf32>
      %add3A_1949 = arith.addf %add3A_1944, %mul3A_1948 : vector<16xf32>
      %broadcast_in_dim3A_1950 = arith.constant 537 : i32
      %broadcast_in_dim3A_1951 = vector.broadcast %broadcast_in_dim3A_1950 : i32 to vector<16xi32>
      %gather3A_1952 = tpu.vector_load_idx %arg6[%broadcast_in_dim3A_1951] : memref<576xf32, #tpu.memory_space<vmem>>[vector<16xi32>], vector<16xf32>,
      %mul3A_1953 = arith.mulf %max3A_1673, %gather3A_1952 : vector<16xf32>
      %add3A_1954 = arith.addf %add3A_1949, %mul3A_1953 : vector<16xf32>
      %broadcast_in_dim3A_1955 = arith.constant 542 : i32
      %broadcast_in_dim3A_1956 = vector.broadcast %broadcast_in_dim3A_1955 : i32 to vector<16xi32>
      %gather3A_1957 = tpu.vector_load_idx %arg6[%broadcast_in_dim3A_1956] : memref<576xf32, #tpu.memory_space<vmem>>[vector<16xi32>], vector<16xf32>,
      %mul3A_1958 = arith.mulf %max3A_1687, %gather3A_1957 : vector<16xf32>
      %add3A_1959 = arith.addf %add3A_1954, %mul3A_1958 : vector<16xf32>
      %broadcast_in_dim3A_1960 = arith.constant 547 : i32
      %broadcast_in_dim3A_1961 = vector.broadcast %broadcast_in_dim3A_1960 : i32 to vector<16xi32>
      %gather3A_1962 = tpu.vector_load_idx %arg6[%broadcast_in_dim3A_1961] : memref<576xf32, #tpu.memory_space<vmem>>[vector<16xi32>], vector<16xf32>,
      %mul3A_1963 = arith.mulf %max3A_1701, %gather3A_1962 : vector<16xf32>
      %add3A_1964 = arith.addf %add3A_1959, %mul3A_1963 : vector<16xf32>
      %broadcast_in_dim3A_1965 = arith.constant 552 : i32
      %broadcast_in_dim3A_1966 = vector.broadcast %broadcast_in_dim3A_1965 : i32 to vector<16xi32>
      %gather3A_1967 = tpu.vector_load_idx %arg6[%broadcast_in_dim3A_1966] : memref<576xf32, #tpu.memory_space<vmem>>[vector<16xi32>], vector<16xf32>,
      %mul3A_1968 = arith.mulf %max3A_1715, %gather3A_1967 : vector<16xf32>
      %add3A_1969 = arith.addf %add3A_1964, %mul3A_1968 : vector<16xf32>
      %broadcast_in_dim3A_1970 = arith.constant 557 : i32
      %broadcast_in_dim3A_1971 = vector.broadcast %broadcast_in_dim3A_1970 : i32 to vector<16xi32>
      %gather3A_1972 = tpu.vector_load_idx %arg6[%broadcast_in_dim3A_1971] : memref<576xf32, #tpu.memory_space<vmem>>[vector<16xi32>], vector<16xf32>,
      %mul3A_1973 = arith.mulf %max3A_1729, %gather3A_1972 : vector<16xf32>
      %add3A_1974 = arith.addf %add3A_1969, %mul3A_1973 : vector<16xf32>
      %broadcast_in_dim3A_1975 = arith.constant 562 : i32
      %broadcast_in_dim3A_1976 = vector.broadcast %broadcast_in_dim3A_1975 : i32 to vector<16xi32>
      %gather3A_1977 = tpu.vector_load_idx %arg6[%broadcast_in_dim3A_1976] : memref<576xf32, #tpu.memory_space<vmem>>[vector<16xi32>], vector<16xf32>,
      %add3A_1978 = arith.addf %add3A_1974, %gather3A_1977 : vector<16xf32>
      %broadcast_in_dim3A_1979 = arith.constant 483 : i32
      %broadcast_in_dim3A_1980 = vector.broadcast %broadcast_in_dim3A_1979 : i32 to vector<16xi32>
      %gather3A_1981 = tpu.vector_load_idx %arg6[%broadcast_in_dim3A_1980] : memref<576xf32, #tpu.memory_space<vmem>>[vector<16xi32>], vector<16xf32>,
      %mul3A_1982 = arith.mulf %max3A_1519, %gather3A_1981 : vector<16xf32>
      %broadcast_in_dim3A_1983 = arith.constant 488 : i32
      %broadcast_in_dim3A_1984 = vector.broadcast %broadcast_in_dim3A_1983 : i32 to vector<16xi32>
      %gather3A_1985 = tpu.vector_load_idx %arg6[%broadcast_in_dim3A_1984] : memref<576xf32, #tpu.memory_space<vmem>>[vector<16xi32>], vector<16xf32>,
      %mul3A_1986 = arith.mulf %max3A_1533, %gather3A_1985 : vector<16xf32>
      %add3A_1987 = arith.addf %mul3A_1982, %mul3A_1986 : vector<16xf32>
      %broadcast_in_dim3A_1988 = arith.constant 493 : i32
      %broadcast_in_dim3A_1989 = vector.broadcast %broadcast_in_dim3A_1988 : i32 to vector<16xi32>
      %gather3A_1990 = tpu.vector_load_idx %arg6[%broadcast_in_dim3A_1989] : memref<576xf32, #tpu.memory_space<vmem>>[vector<16xi32>], vector<16xf32>,
      %mul3A_1991 = arith.mulf %max3A_1547, %gather3A_1990 : vector<16xf32>
      %add3A_1992 = arith.addf %add3A_1987, %mul3A_1991 : vector<16xf32>
      %broadcast_in_dim3A_1993 = arith.constant 498 : i32
      %broadcast_in_dim3A_1994 = vector.broadcast %broadcast_in_dim3A_1993 : i32 to vector<16xi32>
      %gather3A_1995 = tpu.vector_load_idx %arg6[%broadcast_in_dim3A_1994] : memref<576xf32, #tpu.memory_space<vmem>>[vector<16xi32>], vector<16xf32>,
      %mul3A_1996 = arith.mulf %max3A_1561, %gather3A_1995 : vector<16xf32>
      %add3A_1997 = arith.addf %add3A_1992, %mul3A_1996 : vector<16xf32>
      %broadcast_in_dim3A_1998 = arith.constant 503 : i32
      %broadcast_in_dim3A_1999 = vector.broadcast %broadcast_in_dim3A_1998 : i32 to vector<16xi32>
      %gather3A_2000 = tpu.vector_load_idx %arg6[%broadcast_in_dim3A_1999] : memref<576xf32, #tpu.memory_space<vmem>>[vector<16xi32>], vector<16xf32>,
      %mul3A_2001 = arith.mulf %max3A_1575, %gather3A_2000 : vector<16xf32>
      %add3A_2002 = arith.addf %add3A_1997, %mul3A_2001 : vector<16xf32>
      %broadcast_in_dim3A_2003 = arith.constant 508 : i32
      %broadcast_in_dim3A_2004 = vector.broadcast %broadcast_in_dim3A_2003 : i32 to vector<16xi32>
      %gather3A_2005 = tpu.vector_load_idx %arg6[%broadcast_in_dim3A_2004] : memref<576xf32, #tpu.memory_space<vmem>>[vector<16xi32>], vector<16xf32>,
      %mul3A_2006 = arith.mulf %max3A_1589, %gather3A_2005 : vector<16xf32>
      %add3A_2007 = arith.addf %add3A_2002, %mul3A_2006 : vector<16xf32>
      %broadcast_in_dim3A_2008 = arith.constant 513 : i32
      %broadcast_in_dim3A_2009 = vector.broadcast %broadcast_in_dim3A_2008 : i32 to vector<16xi32>
      %gather3A_2010 = tpu.vector_load_idx %arg6[%broadcast_in_dim3A_2009] : memref<576xf32, #tpu.memory_space<vmem>>[vector<16xi32>], vector<16xf32>,
      %mul3A_2011 = arith.mulf %max3A_1603, %gather3A_2010 : vector<16xf32>
      %add3A_2012 = arith.addf %add3A_2007, %mul3A_2011 : vector<16xf32>
      %broadcast_in_dim3A_2013 = arith.constant 518 : i32
      %broadcast_in_dim3A_2014 = vector.broadcast %broadcast_in_dim3A_2013 : i32 to vector<16xi32>
      %gather3A_2015 = tpu.vector_load_idx %arg6[%broadcast_in_dim3A_2014] : memref<576xf32, #tpu.memory_space<vmem>>[vector<16xi32>], vector<16xf32>,
      %mul3A_2016 = arith.mulf %max3A_1617, %gather3A_2015 : vector<16xf32>
      %add3A_2017 = arith.addf %add3A_2012, %mul3A_2016 : vector<16xf32>
      %broadcast_in_dim3A_2018 = arith.constant 523 : i32
      %broadcast_in_dim3A_2019 = vector.broadcast %broadcast_in_dim3A_2018 : i32 to vector<16xi32>
      %gather3A_2020 = tpu.vector_load_idx %arg6[%broadcast_in_dim3A_2019] : memref<576xf32, #tpu.memory_space<vmem>>[vector<16xi32>], vector<16xf32>,
      %mul3A_2021 = arith.mulf %max3A_1631, %gather3A_2020 : vector<16xf32>
      %add3A_2022 = arith.addf %add3A_2017, %mul3A_2021 : vector<16xf32>
      %broadcast_in_dim3A_2023 = arith.constant 528 : i32
      %broadcast_in_dim3A_2024 = vector.broadcast %broadcast_in_dim3A_2023 : i32 to vector<16xi32>
      %gather3A_2025 = tpu.vector_load_idx %arg6[%broadcast_in_dim3A_2024] : memref<576xf32, #tpu.memory_space<vmem>>[vector<16xi32>], vector<16xf32>,
      %mul3A_2026 = arith.mulf %max3A_1645, %gather3A_2025 : vector<16xf32>
      %add3A_2027 = arith.addf %add3A_2022, %mul3A_2026 : vector<16xf32>
      %broadcast_in_dim3A_2028 = arith.constant 533 : i32
      %broadcast_in_dim3A_2029 = vector.broadcast %broadcast_in_dim3A_2028 : i32 to vector<16xi32>
      %gather3A_2030 = tpu.vector_load_idx %arg6[%broadcast_in_dim3A_2029] : memref<576xf32, #tpu.memory_space<vmem>>[vector<16xi32>], vector<16xf32>,
      %mul3A_2031 = arith.mulf %max3A_1659, %gather3A_2030 : vector<16xf32>
      %add3A_2032 = arith.addf %add3A_2027, %mul3A_2031 : vector<16xf32>
      %broadcast_in_dim3A_2033 = arith.constant 538 : i32
      %broadcast_in_dim3A_2034 = vector.broadcast %broadcast_in_dim3A_2033 : i32 to vector<16xi32>
      %gather3A_2035 = tpu.vector_load_idx %arg6[%broadcast_in_dim3A_2034] : memref<576xf32, #tpu.memory_space<vmem>>[vector<16xi32>], vector<16xf32>,
      %mul3A_2036 = arith.mulf %max3A_1673, %gather3A_2035 : vector<16xf32>
      %add3A_2037 = arith.addf %add3A_2032, %mul3A_2036 : vector<16xf32>
      %broadcast_in_dim3A_2038 = arith.constant 543 : i32
      %broadcast_in_dim3A_2039 = vector.broadcast %broadcast_in_dim3A_2038 : i32 to vector<16xi32>
      %gather3A_2040 = tpu.vector_load_idx %arg6[%broadcast_in_dim3A_2039] : memref<576xf32, #tpu.memory_space<vmem>>[vector<16xi32>], vector<16xf32>,
      %mul3A_2041 = arith.mulf %max3A_1687, %gather3A_2040 : vector<16xf32>
      %add3A_2042 = arith.addf %add3A_2037, %mul3A_2041 : vector<16xf32>
      %broadcast_in_dim3A_2043 = arith.constant 548 : i32
      %broadcast_in_dim3A_2044 = vector.broadcast %broadcast_in_dim3A_2043 : i32 to vector<16xi32>
      %gather3A_2045 = tpu.vector_load_idx %arg6[%broadcast_in_dim3A_2044] : memref<576xf32, #tpu.memory_space<vmem>>[vector<16xi32>], vector<16xf32>,
      %mul3A_2046 = arith.mulf %max3A_1701, %gather3A_2045 : vector<16xf32>
      %add3A_2047 = arith.addf %add3A_2042, %mul3A_2046 : vector<16xf32>
      %broadcast_in_dim3A_2048 = arith.constant 553 : i32
      %broadcast_in_dim3A_2049 = vector.broadcast %broadcast_in_dim3A_2048 : i32 to vector<16xi32>
      %gather3A_2050 = tpu.vector_load_idx %arg6[%broadcast_in_dim3A_2049] : memref<576xf32, #tpu.memory_space<vmem>>[vector<16xi32>], vector<16xf32>,
      %mul3A_2051 = arith.mulf %max3A_1715, %gather3A_2050 : vector<16xf32>
      %add3A_2052 = arith.addf %add3A_2047, %mul3A_2051 : vector<16xf32>
      %broadcast_in_dim3A_2053 = arith.constant 558 : i32
      %broadcast_in_dim3A_2054 = vector.broadcast %broadcast_in_dim3A_2053 : i32 to vector<16xi32>
      %gather3A_2055 = tpu.vector_load_idx %arg6[%broadcast_in_dim3A_2054] : memref<576xf32, #tpu.memory_space<vmem>>[vector<16xi32>], vector<16xf32>,
      %mul3A_2056 = arith.mulf %max3A_1729, %gather3A_2055 : vector<16xf32>
      %add3A_2057 = arith.addf %add3A_2052, %mul3A_2056 : vector<16xf32>
      %broadcast_in_dim3A_2058 = arith.constant 563 : i32
      %broadcast_in_dim3A_2059 = vector.broadcast %broadcast_in_dim3A_2058 : i32 to vector<16xi32>
      %gather3A_2060 = tpu.vector_load_idx %arg6[%broadcast_in_dim3A_2059] : memref<576xf32, #tpu.memory_space<vmem>>[vector<16xi32>], vector<16xf32>,
      %add3A_2061 = arith.addf %add3A_2057, %gather3A_2060 : vector<16xf32>
      %broadcast_in_dim3A_2062 = arith.constant 484 : i32
      %broadcast_in_dim3A_2063 = vector.broadcast %broadcast_in_dim3A_2062 : i32 to vector<16xi32>
      %gather3A_2064 = tpu.vector_load_idx %arg6[%broadcast_in_dim3A_2063] : memref<576xf32, #tpu.memory_space<vmem>>[vector<16xi32>], vector<16xf32>,
      %mul3A_2065 = arith.mulf %max3A_1519, %gather3A_2064 : vector<16xf32>
      %broadcast_in_dim3A_2066 = arith.constant 489 : i32
      %broadcast_in_dim3A_2067 = vector.broadcast %broadcast_in_dim3A_2066 : i32 to vector<16xi32>
      %gather3A_2068 = tpu.vector_load_idx %arg6[%broadcast_in_dim3A_2067] : memref<576xf32, #tpu.memory_space<vmem>>[vector<16xi32>], vector<16xf32>,
      %mul3A_2069 = arith.mulf %max3A_1533, %gather3A_2068 : vector<16xf32>
      %add3A_2070 = arith.addf %mul3A_2065, %mul3A_2069 : vector<16xf32>
      %broadcast_in_dim3A_2071 = arith.constant 494 : i32
      %broadcast_in_dim3A_2072 = vector.broadcast %broadcast_in_dim3A_2071 : i32 to vector<16xi32>
      %gather3A_2073 = tpu.vector_load_idx %arg6[%broadcast_in_dim3A_2072] : memref<576xf32, #tpu.memory_space<vmem>>[vector<16xi32>], vector<16xf32>,
      %mul3A_2074 = arith.mulf %max3A_1547, %gather3A_2073 : vector<16xf32>
      %add3A_2075 = arith.addf %add3A_2070, %mul3A_2074 : vector<16xf32>
      %broadcast_in_dim3A_2076 = arith.constant 499 : i32
      %broadcast_in_dim3A_2077 = vector.broadcast %broadcast_in_dim3A_2076 : i32 to vector<16xi32>
      %gather3A_2078 = tpu.vector_load_idx %arg6[%broadcast_in_dim3A_2077] : memref<576xf32, #tpu.memory_space<vmem>>[vector<16xi32>], vector<16xf32>,
      %mul3A_2079 = arith.mulf %max3A_1561, %gather3A_2078 : vector<16xf32>
      %add3A_2080 = arith.addf %add3A_2075, %mul3A_2079 : vector<16xf32>
      %broadcast_in_dim3A_2081 = arith.constant 504 : i32
      %broadcast_in_dim3A_2082 = vector.broadcast %broadcast_in_dim3A_2081 : i32 to vector<16xi32>
      %gather3A_2083 = tpu.vector_load_idx %arg6[%broadcast_in_dim3A_2082] : memref<576xf32, #tpu.memory_space<vmem>>[vector<16xi32>], vector<16xf32>,
      %mul3A_2084 = arith.mulf %max3A_1575, %gather3A_2083 : vector<16xf32>
      %add3A_2085 = arith.addf %add3A_2080, %mul3A_2084 : vector<16xf32>
      %broadcast_in_dim3A_2086 = arith.constant 509 : i32
      %broadcast_in_dim3A_2087 = vector.broadcast %broadcast_in_dim3A_2086 : i32 to vector<16xi32>
      %gather3A_2088 = tpu.vector_load_idx %arg6[%broadcast_in_dim3A_2087] : memref<576xf32, #tpu.memory_space<vmem>>[vector<16xi32>], vector<16xf32>,
      %mul3A_2089 = arith.mulf %max3A_1589, %gather3A_2088 : vector<16xf32>
      %add3A_2090 = arith.addf %add3A_2085, %mul3A_2089 : vector<16xf32>
      %broadcast_in_dim3A_2091 = arith.constant 514 : i32
      %broadcast_in_dim3A_2092 = vector.broadcast %broadcast_in_dim3A_2091 : i32 to vector<16xi32>
      %gather3A_2093 = tpu.vector_load_idx %arg6[%broadcast_in_dim3A_2092] : memref<576xf32, #tpu.memory_space<vmem>>[vector<16xi32>], vector<16xf32>,
      %mul3A_2094 = arith.mulf %max3A_1603, %gather3A_2093 : vector<16xf32>
      %add3A_2095 = arith.addf %add3A_2090, %mul3A_2094 : vector<16xf32>
      %broadcast_in_dim3A_2096 = arith.constant 519 : i32
      %broadcast_in_dim3A_2097 = vector.broadcast %broadcast_in_dim3A_2096 : i32 to vector<16xi32>
      %gather3A_2098 = tpu.vector_load_idx %arg6[%broadcast_in_dim3A_2097] : memref<576xf32, #tpu.memory_space<vmem>>[vector<16xi32>], vector<16xf32>,
      %mul3A_2099 = arith.mulf %max3A_1617, %gather3A_2098 : vector<16xf32>
      %add3A_2100 = arith.addf %add3A_2095, %mul3A_2099 : vector<16xf32>
      %broadcast_in_dim3A_2101 = arith.constant 524 : i32
      %broadcast_in_dim3A_2102 = vector.broadcast %broadcast_in_dim3A_2101 : i32 to vector<16xi32>
      %gather3A_2103 = tpu.vector_load_idx %arg6[%broadcast_in_dim3A_2102] : memref<576xf32, #tpu.memory_space<vmem>>[vector<16xi32>], vector<16xf32>,
      %mul3A_2104 = arith.mulf %max3A_1631, %gather3A_2103 : vector<16xf32>
      %add3A_2105 = arith.addf %add3A_2100, %mul3A_2104 : vector<16xf32>
      %broadcast_in_dim3A_2106 = arith.constant 529 : i32
      %broadcast_in_dim3A_2107 = vector.broadcast %broadcast_in_dim3A_2106 : i32 to vector<16xi32>
      %gather3A_2108 = tpu.vector_load_idx %arg6[%broadcast_in_dim3A_2107] : memref<576xf32, #tpu.memory_space<vmem>>[vector<16xi32>], vector<16xf32>,
      %mul3A_2109 = arith.mulf %max3A_1645, %gather3A_2108 : vector<16xf32>
      %add3A_2110 = arith.addf %add3A_2105, %mul3A_2109 : vector<16xf32>
      %broadcast_in_dim3A_2111 = arith.constant 534 : i32
      %broadcast_in_dim3A_2112 = vector.broadcast %broadcast_in_dim3A_2111 : i32 to vector<16xi32>
      %gather3A_2113 = tpu.vector_load_idx %arg6[%broadcast_in_dim3A_2112] : memref<576xf32, #tpu.memory_space<vmem>>[vector<16xi32>], vector<16xf32>,
      %mul3A_2114 = arith.mulf %max3A_1659, %gather3A_2113 : vector<16xf32>
      %add3A_2115 = arith.addf %add3A_2110, %mul3A_2114 : vector<16xf32>
      %broadcast_in_dim3A_2116 = arith.constant 539 : i32
      %broadcast_in_dim3A_2117 = vector.broadcast %broadcast_in_dim3A_2116 : i32 to vector<16xi32>
      %gather3A_2118 = tpu.vector_load_idx %arg6[%broadcast_in_dim3A_2117] : memref<576xf32, #tpu.memory_space<vmem>>[vector<16xi32>], vector<16xf32>,
      %mul3A_2119 = arith.mulf %max3A_1673, %gather3A_2118 : vector<16xf32>
      %add3A_2120 = arith.addf %add3A_2115, %mul3A_2119 : vector<16xf32>
      %broadcast_in_dim3A_2121 = arith.constant 544 : i32
      %broadcast_in_dim3A_2122 = vector.broadcast %broadcast_in_dim3A_2121 : i32 to vector<16xi32>
      %gather3A_2123 = tpu.vector_load_idx %arg6[%broadcast_in_dim3A_2122] : memref<576xf32, #tpu.memory_space<vmem>>[vector<16xi32>], vector<16xf32>,
      %mul3A_2124 = arith.mulf %max3A_1687, %gather3A_2123 : vector<16xf32>
      %add3A_2125 = arith.addf %add3A_2120, %mul3A_2124 : vector<16xf32>
      %broadcast_in_dim3A_2126 = arith.constant 549 : i32
      %broadcast_in_dim3A_2127 = vector.broadcast %broadcast_in_dim3A_2126 : i32 to vector<16xi32>
      %gather3A_2128 = tpu.vector_load_idx %arg6[%broadcast_in_dim3A_2127] : memref<576xf32, #tpu.memory_space<vmem>>[vector<16xi32>], vector<16xf32>,
      %mul3A_2129 = arith.mulf %max3A_1701, %gather3A_2128 : vector<16xf32>
      %add3A_2130 = arith.addf %add3A_2125, %mul3A_2129 : vector<16xf32>
      %broadcast_in_dim3A_2131 = arith.constant 554 : i32
      %broadcast_in_dim3A_2132 = vector.broadcast %broadcast_in_dim3A_2131 : i32 to vector<16xi32>
      %gather3A_2133 = tpu.vector_load_idx %arg6[%broadcast_in_dim3A_2132] : memref<576xf32, #tpu.memory_space<vmem>>[vector<16xi32>], vector<16xf32>,
      %mul3A_2134 = arith.mulf %max3A_1715, %gather3A_2133 : vector<16xf32>
      %add3A_2135 = arith.addf %add3A_2130, %mul3A_2134 : vector<16xf32>
      %broadcast_in_dim3A_2136 = arith.constant 559 : i32
      %broadcast_in_dim3A_2137 = vector.broadcast %broadcast_in_dim3A_2136 : i32 to vector<16xi32>
      %gather3A_2138 = tpu.vector_load_idx %arg6[%broadcast_in_dim3A_2137] : memref<576xf32, #tpu.memory_space<vmem>>[vector<16xi32>], vector<16xf32>,
      %mul3A_2139 = arith.mulf %max3A_1729, %gather3A_2138 : vector<16xf32>
      %add3A_2140 = arith.addf %add3A_2135, %mul3A_2139 : vector<16xf32>
      %broadcast_in_dim3A_2141 = arith.constant 564 : i32
      %broadcast_in_dim3A_2142 = vector.broadcast %broadcast_in_dim3A_2141 : i32 to vector<16xi32>
      %gather3A_2143 = tpu.vector_load_idx %arg6[%broadcast_in_dim3A_2142] : memref<576xf32, #tpu.memory_space<vmem>>[vector<16xi32>], vector<16xf32>,
      %add3A_2144 = arith.addf %add3A_2140, %gather3A_2143 : vector<16xf32>
      %max3A_2145 = arith.maximumf %add3A_1812, %add3A_1895 : vector<16xf32>
      %max3A_2146 = arith.maximumf %max3A_2145, %add3A_1978 : vector<16xf32>
      %max3A_2147 = arith.maximumf %max3A_2146, %add3A_2061 : vector<16xf32>
      %max3A_2148 = arith.maximumf %max3A_2147, %add3A_2144 : vector<16xf32>
      %sub3A_2149 = arith.subf %add3A_1812, %max3A_2148 : vector<16xf32>
      %mul3A_2150 = arith.constant 1.44269502 : f32
      %mul3A_2151 = vector.broadcast %mul3A_2150 : f32 to vector<16xf32>
      %mul3A_2152 = arith.mulf %sub3A_2149, %mul3A_2151 : vector<16xf32>
      %max3A_2153 = arith.constant -1.200000e+02 : f32
      %max3A_2154 = vector.broadcast %max3A_2153 : f32 to vector<16xf32>
      %max3A_2155 = arith.maximumf %mul3A_2152, %max3A_2154 : vector<16xf32>
      %sub3A_2156 = arith.constant 5.000000e-01 : f32
      %sub3A_2157 = vector.broadcast %sub3A_2156 : f32 to vector<16xf32>
      %sub3A_2158 = arith.subf %max3A_2155, %sub3A_2157 : vector<16xf32>
      %convert_element_type3A_2159 = arith.fptosi %sub3A_2158 : vector<16xf32> to vector<16xi32>
      %convert_element_type3A_2160 = arith.sitofp %convert_element_type3A_2159 : vector<16xi32> to vector<16xf32>
      %sub3A_2161 = arith.subf %max3A_2155, %convert_element_type3A_2160 : vector<16xf32>
      %mul3A_2162 = arith.constant 0.693147182 : f32
      %mul3A_2163 = vector.broadcast %mul3A_2162 : f32 to vector<16xf32>
      %mul3A_2164 = arith.mulf %sub3A_2161, %mul3A_2163 : vector<16xf32>
      %broadcast_in_dim3A_2165 = arith.constant 2.48015876E-5 : f32
      %broadcast_in_dim3A_2166 = vector.broadcast %broadcast_in_dim3A_2165 : f32 to vector<16xf32>
      %mul3A_2167 = arith.mulf %broadcast_in_dim3A_2166, %mul3A_2164 : vector<16xf32>
      %add3A_2168 = arith.constant 1.98412701E-4 : f32
      %add3A_2169 = vector.broadcast %add3A_2168 : f32 to vector<16xf32>
      %add3A_2170 = arith.addf %mul3A_2167, %add3A_2169 : vector<16xf32>
      %mul3A_2171 = arith.mulf %add3A_2170, %mul3A_2164 : vector<16xf32>
      %add3A_2172 = arith.constant 0.00138888892 : f32
      %add3A_2173 = vector.broadcast %add3A_2172 : f32 to vector<16xf32>
      %add3A_2174 = arith.addf %mul3A_2171, %add3A_2173 : vector<16xf32>
      %mul3A_2175 = arith.mulf %add3A_2174, %mul3A_2164 : vector<16xf32>
      %add3A_2176 = arith.constant 0.00833333377 : f32
      %add3A_2177 = vector.broadcast %add3A_2176 : f32 to vector<16xf32>
      %add3A_2178 = arith.addf %mul3A_2175, %add3A_2177 : vector<16xf32>
      %mul3A_2179 = arith.mulf %add3A_2178, %mul3A_2164 : vector<16xf32>
      %add3A_2180 = arith.constant 0.0416666679 : f32
      %add3A_2181 = vector.broadcast %add3A_2180 : f32 to vector<16xf32>
      %add3A_2182 = arith.addf %mul3A_2179, %add3A_2181 : vector<16xf32>
      %mul3A_2183 = arith.mulf %add3A_2182, %mul3A_2164 : vector<16xf32>
      %add3A_2184 = arith.constant 0.166666672 : f32
      %add3A_2185 = vector.broadcast %add3A_2184 : f32 to vector<16xf32>
      %add3A_2186 = arith.addf %mul3A_2183, %add3A_2185 : vector<16xf32>
      %mul3A_2187 = arith.mulf %add3A_2186, %mul3A_2164 : vector<16xf32>
      %add3A_2188 = arith.constant 5.000000e-01 : f32
      %add3A_2189 = vector.broadcast %add3A_2188 : f32 to vector<16xf32>
      %add3A_2190 = arith.addf %mul3A_2187, %add3A_2189 : vector<16xf32>
      %mul3A_2191 = arith.mulf %add3A_2190, %mul3A_2164 : vector<16xf32>
      %add3A_2192 = arith.constant 1.000000e+00 : f32
      %add3A_2193 = vector.broadcast %add3A_2192 : f32 to vector<16xf32>
      %add3A_2194 = arith.addf %mul3A_2191, %add3A_2193 : vector<16xf32>
      %mul3A_2195 = arith.mulf %add3A_2194, %mul3A_2164 : vector<16xf32>
      %add3A_2196 = arith.constant 1.000000e+00 : f32
      %add3A_2197 = vector.broadcast %add3A_2196 : f32 to vector<16xf32>
      %add3A_2198 = arith.addf %mul3A_2195, %add3A_2197 : vector<16xf32>
      %add3A_2199 = arith.constant 127 : i32
      %add3A_2200 = vector.broadcast %add3A_2199 : i32 to vector<16xi32>
      %add3A_2201 = arith.addi %convert_element_type3A_2159, %add3A_2200 : vector<16xi32>
      %shift_left3A = arith.constant 23 : i32
      %shift_left3A_2202 = vector.broadcast %shift_left3A : i32 to vector<16xi32>
      %shift_left3A_2203 = arith.shli %add3A_2201, %shift_left3A_2202 : vector<16xi32>
      %bitcast_convert_type3A_2204 = tpu.bitcast %shift_left3A_2203 : vector<16xi32> -> vector<16xf32>
      %mul3A_2205 = arith.mulf %add3A_2198, %bitcast_convert_type3A_2204 : vector<16xf32>
      %sub3A_2206 = arith.subf %add3A_1895, %max3A_2148 : vector<16xf32>
      %mul3A_2207 = arith.constant 1.44269502 : f32
      %mul3A_2208 = vector.broadcast %mul3A_2207 : f32 to vector<16xf32>
      %mul3A_2209 = arith.mulf %sub3A_2206, %mul3A_2208 : vector<16xf32>
      %max3A_2210 = arith.constant -1.200000e+02 : f32
      %max3A_2211 = vector.broadcast %max3A_2210 : f32 to vector<16xf32>
      %max3A_2212 = arith.maximumf %mul3A_2209, %max3A_2211 : vector<16xf32>
      %sub3A_2213 = arith.constant 5.000000e-01 : f32
      %sub3A_2214 = vector.broadcast %sub3A_2213 : f32 to vector<16xf32>
      %sub3A_2215 = arith.subf %max3A_2212, %sub3A_2214 : vector<16xf32>
      %convert_element_type3A_2216 = arith.fptosi %sub3A_2215 : vector<16xf32> to vector<16xi32>
      %convert_element_type3A_2217 = arith.sitofp %convert_element_type3A_2216 : vector<16xi32> to vector<16xf32>
      %sub3A_2218 = arith.subf %max3A_2212, %convert_element_type3A_2217 : vector<16xf32>
      %mul3A_2219 = arith.constant 0.693147182 : f32
      %mul3A_2220 = vector.broadcast %mul3A_2219 : f32 to vector<16xf32>
      %mul3A_2221 = arith.mulf %sub3A_2218, %mul3A_2220 : vector<16xf32>
      %broadcast_in_dim3A_2222 = arith.constant 2.48015876E-5 : f32
      %broadcast_in_dim3A_2223 = vector.broadcast %broadcast_in_dim3A_2222 : f32 to vector<16xf32>
      %mul3A_2224 = arith.mulf %broadcast_in_dim3A_2223, %mul3A_2221 : vector<16xf32>
      %add3A_2225 = arith.constant 1.98412701E-4 : f32
      %add3A_2226 = vector.broadcast %add3A_2225 : f32 to vector<16xf32>
      %add3A_2227 = arith.addf %mul3A_2224, %add3A_2226 : vector<16xf32>
      %mul3A_2228 = arith.mulf %add3A_2227, %mul3A_2221 : vector<16xf32>
      %add3A_2229 = arith.constant 0.00138888892 : f32
      %add3A_2230 = vector.broadcast %add3A_2229 : f32 to vector<16xf32>
      %add3A_2231 = arith.addf %mul3A_2228, %add3A_2230 : vector<16xf32>
      %mul3A_2232 = arith.mulf %add3A_2231, %mul3A_2221 : vector<16xf32>
      %add3A_2233 = arith.constant 0.00833333377 : f32
      %add3A_2234 = vector.broadcast %add3A_2233 : f32 to vector<16xf32>
      %add3A_2235 = arith.addf %mul3A_2232, %add3A_2234 : vector<16xf32>
      %mul3A_2236 = arith.mulf %add3A_2235, %mul3A_2221 : vector<16xf32>
      %add3A_2237 = arith.constant 0.0416666679 : f32
      %add3A_2238 = vector.broadcast %add3A_2237 : f32 to vector<16xf32>
      %add3A_2239 = arith.addf %mul3A_2236, %add3A_2238 : vector<16xf32>
      %mul3A_2240 = arith.mulf %add3A_2239, %mul3A_2221 : vector<16xf32>
      %add3A_2241 = arith.constant 0.166666672 : f32
      %add3A_2242 = vector.broadcast %add3A_2241 : f32 to vector<16xf32>
      %add3A_2243 = arith.addf %mul3A_2240, %add3A_2242 : vector<16xf32>
      %mul3A_2244 = arith.mulf %add3A_2243, %mul3A_2221 : vector<16xf32>
      %add3A_2245 = arith.constant 5.000000e-01 : f32
      %add3A_2246 = vector.broadcast %add3A_2245 : f32 to vector<16xf32>
      %add3A_2247 = arith.addf %mul3A_2244, %add3A_2246 : vector<16xf32>
      %mul3A_2248 = arith.mulf %add3A_2247, %mul3A_2221 : vector<16xf32>
      %add3A_2249 = arith.constant 1.000000e+00 : f32
      %add3A_2250 = vector.broadcast %add3A_2249 : f32 to vector<16xf32>
      %add3A_2251 = arith.addf %mul3A_2248, %add3A_2250 : vector<16xf32>
      %mul3A_2252 = arith.mulf %add3A_2251, %mul3A_2221 : vector<16xf32>
      %add3A_2253 = arith.constant 1.000000e+00 : f32
      %add3A_2254 = vector.broadcast %add3A_2253 : f32 to vector<16xf32>
      %add3A_2255 = arith.addf %mul3A_2252, %add3A_2254 : vector<16xf32>
      %add3A_2256 = arith.constant 127 : i32
      %add3A_2257 = vector.broadcast %add3A_2256 : i32 to vector<16xi32>
      %add3A_2258 = arith.addi %convert_element_type3A_2216, %add3A_2257 : vector<16xi32>
      %shift_left3A_2259 = arith.constant 23 : i32
      %shift_left3A_2260 = vector.broadcast %shift_left3A_2259 : i32 to vector<16xi32>
      %shift_left3A_2261 = arith.shli %add3A_2258, %shift_left3A_2260 : vector<16xi32>
      %bitcast_convert_type3A_2262 = tpu.bitcast %shift_left3A_2261 : vector<16xi32> -> vector<16xf32>
      %mul3A_2263 = arith.mulf %add3A_2255, %bitcast_convert_type3A_2262 : vector<16xf32>
      %sub3A_2264 = arith.subf %add3A_1978, %max3A_2148 : vector<16xf32>
      %mul3A_2265 = arith.constant 1.44269502 : f32
      %mul3A_2266 = vector.broadcast %mul3A_2265 : f32 to vector<16xf32>
      %mul3A_2267 = arith.mulf %sub3A_2264, %mul3A_2266 : vector<16xf32>
      %max3A_2268 = arith.constant -1.200000e+02 : f32
      %max3A_2269 = vector.broadcast %max3A_2268 : f32 to vector<16xf32>
      %max3A_2270 = arith.maximumf %mul3A_2267, %max3A_2269 : vector<16xf32>
      %sub3A_2271 = arith.constant 5.000000e-01 : f32
      %sub3A_2272 = vector.broadcast %sub3A_2271 : f32 to vector<16xf32>
      %sub3A_2273 = arith.subf %max3A_2270, %sub3A_2272 : vector<16xf32>
      %convert_element_type3A_2274 = arith.fptosi %sub3A_2273 : vector<16xf32> to vector<16xi32>
      %convert_element_type3A_2275 = arith.sitofp %convert_element_type3A_2274 : vector<16xi32> to vector<16xf32>
      %sub3A_2276 = arith.subf %max3A_2270, %convert_element_type3A_2275 : vector<16xf32>
      %mul3A_2277 = arith.constant 0.693147182 : f32
      %mul3A_2278 = vector.broadcast %mul3A_2277 : f32 to vector<16xf32>
      %mul3A_2279 = arith.mulf %sub3A_2276, %mul3A_2278 : vector<16xf32>
      %broadcast_in_dim3A_2280 = arith.constant 2.48015876E-5 : f32
      %broadcast_in_dim3A_2281 = vector.broadcast %broadcast_in_dim3A_2280 : f32 to vector<16xf32>
      %mul3A_2282 = arith.mulf %broadcast_in_dim3A_2281, %mul3A_2279 : vector<16xf32>
      %add3A_2283 = arith.constant 1.98412701E-4 : f32
      %add3A_2284 = vector.broadcast %add3A_2283 : f32 to vector<16xf32>
      %add3A_2285 = arith.addf %mul3A_2282, %add3A_2284 : vector<16xf32>
      %mul3A_2286 = arith.mulf %add3A_2285, %mul3A_2279 : vector<16xf32>
      %add3A_2287 = arith.constant 0.00138888892 : f32
      %add3A_2288 = vector.broadcast %add3A_2287 : f32 to vector<16xf32>
      %add3A_2289 = arith.addf %mul3A_2286, %add3A_2288 : vector<16xf32>
      %mul3A_2290 = arith.mulf %add3A_2289, %mul3A_2279 : vector<16xf32>
      %add3A_2291 = arith.constant 0.00833333377 : f32
      %add3A_2292 = vector.broadcast %add3A_2291 : f32 to vector<16xf32>
      %add3A_2293 = arith.addf %mul3A_2290, %add3A_2292 : vector<16xf32>
      %mul3A_2294 = arith.mulf %add3A_2293, %mul3A_2279 : vector<16xf32>
      %add3A_2295 = arith.constant 0.0416666679 : f32
      %add3A_2296 = vector.broadcast %add3A_2295 : f32 to vector<16xf32>
      %add3A_2297 = arith.addf %mul3A_2294, %add3A_2296 : vector<16xf32>
      %mul3A_2298 = arith.mulf %add3A_2297, %mul3A_2279 : vector<16xf32>
      %add3A_2299 = arith.constant 0.166666672 : f32
      %add3A_2300 = vector.broadcast %add3A_2299 : f32 to vector<16xf32>
      %add3A_2301 = arith.addf %mul3A_2298, %add3A_2300 : vector<16xf32>
      %mul3A_2302 = arith.mulf %add3A_2301, %mul3A_2279 : vector<16xf32>
      %add3A_2303 = arith.constant 5.000000e-01 : f32
      %add3A_2304 = vector.broadcast %add3A_2303 : f32 to vector<16xf32>
      %add3A_2305 = arith.addf %mul3A_2302, %add3A_2304 : vector<16xf32>
      %mul3A_2306 = arith.mulf %add3A_2305, %mul3A_2279 : vector<16xf32>
      %add3A_2307 = arith.constant 1.000000e+00 : f32
      %add3A_2308 = vector.broadcast %add3A_2307 : f32 to vector<16xf32>
      %add3A_2309 = arith.addf %mul3A_2306, %add3A_2308 : vector<16xf32>
      %mul3A_2310 = arith.mulf %add3A_2309, %mul3A_2279 : vector<16xf32>
      %add3A_2311 = arith.constant 1.000000e+00 : f32
      %add3A_2312 = vector.broadcast %add3A_2311 : f32 to vector<16xf32>
      %add3A_2313 = arith.addf %mul3A_2310, %add3A_2312 : vector<16xf32>
      %add3A_2314 = arith.constant 127 : i32
      %add3A_2315 = vector.broadcast %add3A_2314 : i32 to vector<16xi32>
      %add3A_2316 = arith.addi %convert_element_type3A_2274, %add3A_2315 : vector<16xi32>
      %shift_left3A_2317 = arith.constant 23 : i32
      %shift_left3A_2318 = vector.broadcast %shift_left3A_2317 : i32 to vector<16xi32>
      %shift_left3A_2319 = arith.shli %add3A_2316, %shift_left3A_2318 : vector<16xi32>
      %bitcast_convert_type3A_2320 = tpu.bitcast %shift_left3A_2319 : vector<16xi32> -> vector<16xf32>
      %mul3A_2321 = arith.mulf %add3A_2313, %bitcast_convert_type3A_2320 : vector<16xf32>
      %sub3A_2322 = arith.subf %add3A_2061, %max3A_2148 : vector<16xf32>
      %mul3A_2323 = arith.constant 1.44269502 : f32
      %mul3A_2324 = vector.broadcast %mul3A_2323 : f32 to vector<16xf32>
      %mul3A_2325 = arith.mulf %sub3A_2322, %mul3A_2324 : vector<16xf32>
      %max3A_2326 = arith.constant -1.200000e+02 : f32
      %max3A_2327 = vector.broadcast %max3A_2326 : f32 to vector<16xf32>
      %max3A_2328 = arith.maximumf %mul3A_2325, %max3A_2327 : vector<16xf32>
      %sub3A_2329 = arith.constant 5.000000e-01 : f32
      %sub3A_2330 = vector.broadcast %sub3A_2329 : f32 to vector<16xf32>
      %sub3A_2331 = arith.subf %max3A_2328, %sub3A_2330 : vector<16xf32>
      %convert_element_type3A_2332 = arith.fptosi %sub3A_2331 : vector<16xf32> to vector<16xi32>
      %convert_element_type3A_2333 = arith.sitofp %convert_element_type3A_2332 : vector<16xi32> to vector<16xf32>
      %sub3A_2334 = arith.subf %max3A_2328, %convert_element_type3A_2333 : vector<16xf32>
      %mul3A_2335 = arith.constant 0.693147182 : f32
      %mul3A_2336 = vector.broadcast %mul3A_2335 : f32 to vector<16xf32>
      %mul3A_2337 = arith.mulf %sub3A_2334, %mul3A_2336 : vector<16xf32>
      %broadcast_in_dim3A_2338 = arith.constant 2.48015876E-5 : f32
      %broadcast_in_dim3A_2339 = vector.broadcast %broadcast_in_dim3A_2338 : f32 to vector<16xf32>
      %mul3A_2340 = arith.mulf %broadcast_in_dim3A_2339, %mul3A_2337 : vector<16xf32>
      %add3A_2341 = arith.constant 1.98412701E-4 : f32
      %add3A_2342 = vector.broadcast %add3A_2341 : f32 to vector<16xf32>
      %add3A_2343 = arith.addf %mul3A_2340, %add3A_2342 : vector<16xf32>
      %mul3A_2344 = arith.mulf %add3A_2343, %mul3A_2337 : vector<16xf32>
      %add3A_2345 = arith.constant 0.00138888892 : f32
      %add3A_2346 = vector.broadcast %add3A_2345 : f32 to vector<16xf32>
      %add3A_2347 = arith.addf %mul3A_2344, %add3A_2346 : vector<16xf32>
      %mul3A_2348 = arith.mulf %add3A_2347, %mul3A_2337 : vector<16xf32>
      %add3A_2349 = arith.constant 0.00833333377 : f32
      %add3A_2350 = vector.broadcast %add3A_2349 : f32 to vector<16xf32>
      %add3A_2351 = arith.addf %mul3A_2348, %add3A_2350 : vector<16xf32>
      %mul3A_2352 = arith.mulf %add3A_2351, %mul3A_2337 : vector<16xf32>
      %add3A_2353 = arith.constant 0.0416666679 : f32
      %add3A_2354 = vector.broadcast %add3A_2353 : f32 to vector<16xf32>
      %add3A_2355 = arith.addf %mul3A_2352, %add3A_2354 : vector<16xf32>
      %mul3A_2356 = arith.mulf %add3A_2355, %mul3A_2337 : vector<16xf32>
      %add3A_2357 = arith.constant 0.166666672 : f32
      %add3A_2358 = vector.broadcast %add3A_2357 : f32 to vector<16xf32>
      %add3A_2359 = arith.addf %mul3A_2356, %add3A_2358 : vector<16xf32>
      %mul3A_2360 = arith.mulf %add3A_2359, %mul3A_2337 : vector<16xf32>
      %add3A_2361 = arith.constant 5.000000e-01 : f32
      %add3A_2362 = vector.broadcast %add3A_2361 : f32 to vector<16xf32>
      %add3A_2363 = arith.addf %mul3A_2360, %add3A_2362 : vector<16xf32>
      %mul3A_2364 = arith.mulf %add3A_2363, %mul3A_2337 : vector<16xf32>
      %add3A_2365 = arith.constant 1.000000e+00 : f32
      %add3A_2366 = vector.broadcast %add3A_2365 : f32 to vector<16xf32>
      %add3A_2367 = arith.addf %mul3A_2364, %add3A_2366 : vector<16xf32>
      %mul3A_2368 = arith.mulf %add3A_2367, %mul3A_2337 : vector<16xf32>
      %add3A_2369 = arith.constant 1.000000e+00 : f32
      %add3A_2370 = vector.broadcast %add3A_2369 : f32 to vector<16xf32>
      %add3A_2371 = arith.addf %mul3A_2368, %add3A_2370 : vector<16xf32>
      %add3A_2372 = arith.constant 127 : i32
      %add3A_2373 = vector.broadcast %add3A_2372 : i32 to vector<16xi32>
      %add3A_2374 = arith.addi %convert_element_type3A_2332, %add3A_2373 : vector<16xi32>
      %shift_left3A_2375 = arith.constant 23 : i32
      %shift_left3A_2376 = vector.broadcast %shift_left3A_2375 : i32 to vector<16xi32>
      %shift_left3A_2377 = arith.shli %add3A_2374, %shift_left3A_2376 : vector<16xi32>
      %bitcast_convert_type3A_2378 = tpu.bitcast %shift_left3A_2377 : vector<16xi32> -> vector<16xf32>
      %mul3A_2379 = arith.mulf %add3A_2371, %bitcast_convert_type3A_2378 : vector<16xf32>
      %sub3A_2380 = arith.subf %add3A_2144, %max3A_2148 : vector<16xf32>
      %mul3A_2381 = arith.constant 1.44269502 : f32
      %mul3A_2382 = vector.broadcast %mul3A_2381 : f32 to vector<16xf32>
      %mul3A_2383 = arith.mulf %sub3A_2380, %mul3A_2382 : vector<16xf32>
      %max3A_2384 = arith.constant -1.200000e+02 : f32
      %max3A_2385 = vector.broadcast %max3A_2384 : f32 to vector<16xf32>
      %max3A_2386 = arith.maximumf %mul3A_2383, %max3A_2385 : vector<16xf32>
      %sub3A_2387 = arith.constant 5.000000e-01 : f32
      %sub3A_2388 = vector.broadcast %sub3A_2387 : f32 to vector<16xf32>
      %sub3A_2389 = arith.subf %max3A_2386, %sub3A_2388 : vector<16xf32>
      %convert_element_type3A_2390 = arith.fptosi %sub3A_2389 : vector<16xf32> to vector<16xi32>
      %convert_element_type3A_2391 = arith.sitofp %convert_element_type3A_2390 : vector<16xi32> to vector<16xf32>
      %sub3A_2392 = arith.subf %max3A_2386, %convert_element_type3A_2391 : vector<16xf32>
      %mul3A_2393 = arith.constant 0.693147182 : f32
      %mul3A_2394 = vector.broadcast %mul3A_2393 : f32 to vector<16xf32>
      %mul3A_2395 = arith.mulf %sub3A_2392, %mul3A_2394 : vector<16xf32>
      %broadcast_in_dim3A_2396 = arith.constant 2.48015876E-5 : f32
      %broadcast_in_dim3A_2397 = vector.broadcast %broadcast_in_dim3A_2396 : f32 to vector<16xf32>
      %mul3A_2398 = arith.mulf %broadcast_in_dim3A_2397, %mul3A_2395 : vector<16xf32>
      %add3A_2399 = arith.constant 1.98412701E-4 : f32
      %add3A_2400 = vector.broadcast %add3A_2399 : f32 to vector<16xf32>
      %add3A_2401 = arith.addf %mul3A_2398, %add3A_2400 : vector<16xf32>
      %mul3A_2402 = arith.mulf %add3A_2401, %mul3A_2395 : vector<16xf32>
      %add3A_2403 = arith.constant 0.00138888892 : f32
      %add3A_2404 = vector.broadcast %add3A_2403 : f32 to vector<16xf32>
      %add3A_2405 = arith.addf %mul3A_2402, %add3A_2404 : vector<16xf32>
      %mul3A_2406 = arith.mulf %add3A_2405, %mul3A_2395 : vector<16xf32>
      %add3A_2407 = arith.constant 0.00833333377 : f32
      %add3A_2408 = vector.broadcast %add3A_2407 : f32 to vector<16xf32>
      %add3A_2409 = arith.addf %mul3A_2406, %add3A_2408 : vector<16xf32>
      %mul3A_2410 = arith.mulf %add3A_2409, %mul3A_2395 : vector<16xf32>
      %add3A_2411 = arith.constant 0.0416666679 : f32
      %add3A_2412 = vector.broadcast %add3A_2411 : f32 to vector<16xf32>
      %add3A_2413 = arith.addf %mul3A_2410, %add3A_2412 : vector<16xf32>
      %mul3A_2414 = arith.mulf %add3A_2413, %mul3A_2395 : vector<16xf32>
      %add3A_2415 = arith.constant 0.166666672 : f32
      %add3A_2416 = vector.broadcast %add3A_2415 : f32 to vector<16xf32>
      %add3A_2417 = arith.addf %mul3A_2414, %add3A_2416 : vector<16xf32>
      %mul3A_2418 = arith.mulf %add3A_2417, %mul3A_2395 : vector<16xf32>
      %add3A_2419 = arith.constant 5.000000e-01 : f32
      %add3A_2420 = vector.broadcast %add3A_2419 : f32 to vector<16xf32>
      %add3A_2421 = arith.addf %mul3A_2418, %add3A_2420 : vector<16xf32>
      %mul3A_2422 = arith.mulf %add3A_2421, %mul3A_2395 : vector<16xf32>
      %add3A_2423 = arith.constant 1.000000e+00 : f32
      %add3A_2424 = vector.broadcast %add3A_2423 : f32 to vector<16xf32>
      %add3A_2425 = arith.addf %mul3A_2422, %add3A_2424 : vector<16xf32>
      %mul3A_2426 = arith.mulf %add3A_2425, %mul3A_2395 : vector<16xf32>
      %add3A_2427 = arith.constant 1.000000e+00 : f32
      %add3A_2428 = vector.broadcast %add3A_2427 : f32 to vector<16xf32>
      %add3A_2429 = arith.addf %mul3A_2426, %add3A_2428 : vector<16xf32>
      %add3A_2430 = arith.constant 127 : i32
      %add3A_2431 = vector.broadcast %add3A_2430 : i32 to vector<16xi32>
      %add3A_2432 = arith.addi %convert_element_type3A_2390, %add3A_2431 : vector<16xi32>
      %shift_left3A_2433 = arith.constant 23 : i32
      %shift_left3A_2434 = vector.broadcast %shift_left3A_2433 : i32 to vector<16xi32>
      %shift_left3A_2435 = arith.shli %add3A_2432, %shift_left3A_2434 : vector<16xi32>
      %bitcast_convert_type3A_2436 = tpu.bitcast %shift_left3A_2435 : vector<16xi32> -> vector<16xf32>
      %mul3A_2437 = arith.mulf %add3A_2429, %bitcast_convert_type3A_2436 : vector<16xf32>
      %add3A_2438 = arith.addf %mul3A_2205, %mul3A_2263 : vector<16xf32>
      %add3A_2439 = arith.addf %add3A_2438, %mul3A_2321 : vector<16xf32>
      %add3A_2440 = arith.addf %add3A_2439, %mul3A_2379 : vector<16xf32>
      %add3A_2441 = arith.addf %add3A_2440, %mul3A_2437 : vector<16xf32>
      %div3A = arith.constant 1.000000e+00 : f32
      %div3A_2442 = vector.broadcast %div3A : f32 to vector<16xf32>
      %div3A_2443 = arith.divf %div3A_2442, %add3A_2441 : vector<16xf32>
      %mul3A_2444 = arith.mulf %add3A_2441, %div3A_2443 : vector<16xf32>
      %sub3A_2445 = arith.constant 2.000000e+00 : f32
      %sub3A_2446 = vector.broadcast %sub3A_2445 : f32 to vector<16xf32>
      %sub3A_2447 = arith.subf %sub3A_2446, %mul3A_2444 : vector<16xf32>
      %mul3A_2448 = arith.mulf %div3A_2443, %sub3A_2447 : vector<16xf32>
      %mul3A_2449 = arith.mulf %add3A_2441, %mul3A_2448 : vector<16xf32>
      %sub3A_2450 = arith.constant 2.000000e+00 : f32
      %sub3A_2451 = vector.broadcast %sub3A_2450 : f32 to vector<16xf32>
      %sub3A_2452 = arith.subf %sub3A_2451, %mul3A_2449 : vector<16xf32>
      %mul3A_2453 = arith.mulf %mul3A_2448, %sub3A_2452 : vector<16xf32>
      %mul3A_2454 = arith.mulf %mul3A_2205, %mul3A_2453 : vector<16xf32>
      %swap3A = arith.constant 0 : index
      %swap3A_2455 = tpu.vector_load %arg7[%swap3A] {strides = array<i32>} : memref<80xf32, #tpu.memory_space<vmem>>, vector<16xf32>,
      tpu.vector_store %arg7[%swap3A], %mul3A_2454 {strides = array<i32>} : memref<80xf32, #tpu.memory_space<vmem>>, vector<16xf32>,
      %mul3A_2456 = arith.mulf %mul3A_2263, %mul3A_2453 : vector<16xf32>
      %swap3A_2457 = arith.constant 16 : index
      %swap3A_2458 = tpu.vector_load %arg7[%swap3A_2457] {strides = array<i32>} : memref<80xf32, #tpu.memory_space<vmem>>, vector<16xf32>,
      tpu.vector_store %arg7[%swap3A_2457], %mul3A_2456 {strides = array<i32>} : memref<80xf32, #tpu.memory_space<vmem>>, vector<16xf32>,
      %mul3A_2459 = arith.mulf %mul3A_2321, %mul3A_2453 : vector<16xf32>
      %swap3A_2460 = arith.constant 32 : index
      %swap3A_2461 = tpu.vector_load %arg7[%swap3A_2460] {strides = array<i32>} : memref<80xf32, #tpu.memory_space<vmem>>, vector<16xf32>,
      tpu.vector_store %arg7[%swap3A_2460], %mul3A_2459 {strides = array<i32>} : memref<80xf32, #tpu.memory_space<vmem>>, vector<16xf32>,
      %mul3A_2462 = arith.mulf %mul3A_2379, %mul3A_2453 : vector<16xf32>
      %swap3A_2463 = arith.constant 48 : index
      %swap3A_2464 = tpu.vector_load %arg7[%swap3A_2463] {strides = array<i32>} : memref<80xf32, #tpu.memory_space<vmem>>, vector<16xf32>,
      tpu.vector_store %arg7[%swap3A_2463], %mul3A_2462 {strides = array<i32>} : memref<80xf32, #tpu.memory_space<vmem>>, vector<16xf32>,
      %mul3A_2465 = arith.mulf %mul3A_2437, %mul3A_2453 : vector<16xf32>
      %swap3A_2466 = arith.constant 64 : index
      %swap3A_2467 = tpu.vector_load %arg7[%swap3A_2466] {strides = array<i32>} : memref<80xf32, #tpu.memory_space<vmem>>, vector<16xf32>,
      tpu.vector_store %arg7[%swap3A_2466], %mul3A_2465 {strides = array<i32>} : memref<80xf32, #tpu.memory_space<vmem>>, vector<16xf32>,
      %mul3A_2468 = arith.constant 80 : i32
      %mul3A_2469 = arith.muli %arg1, %mul3A_2468 : i32
      "tpu.region"() ({
        %run_scoped3A = tpu.sem_alloc : memref<!tpu.dma_semaphore, #tpu.memory_space<semaphore_mem>>
        %dma_start3A_2470 = tpu.memref_slice %arg12[%mul3A_2469] : memref<1040xf32, #tpu.memory_space<vmem_shared>> -> memref<80xf32, #tpu.memory_space<vmem_shared>>
        %dma_start3A_2471 = tpu.memref_slice %arg12[%mul3A_2469] : memref<1040xf32, #tpu.memory_space<vmem_shared>> -> memref<80xf32, #tpu.memory_space<vmem_shared>>
        tpu.enqueue_dma source(%arg7 : memref<80xf32, #tpu.memory_space<vmem>>) target(%dma_start3A_2471 : memref<80xf32, #tpu.memory_space<vmem_shared>>) target_semaphore(%run_scoped3A : memref<!tpu.dma_semaphore, #tpu.memory_space<semaphore_mem>>)
        %dma_wait3A_2472 = tpu.memref_slice %arg12[%mul3A_2469] : memref<1040xf32, #tpu.memory_space<vmem_shared>> -> memref<80xf32, #tpu.memory_space<vmem_shared>>
        %dma_wait3A_2473 = tpu.memref_slice %arg12[%mul3A_2469] : memref<1040xf32, #tpu.memory_space<vmem_shared>> -> memref<80xf32, #tpu.memory_space<vmem_shared>>
        tpu.wait_dma2 semaphore(%run_scoped3A : memref<!tpu.dma_semaphore, #tpu.memory_space<semaphore_mem>>) src(%arg7 : memref<80xf32, #tpu.memory_space<vmem>>) dst(%dma_wait3A_2473 : memref<80xf32, #tpu.memory_space<vmem_shared>>)
        tpu.yield
      }) : () -> ()
    } else {
    }
    %barrier3A = arith.constant 0 : index
    tpu.barrier barrier_id(%barrier3A)
    "tpu.region"() ({
      %run_scoped3A = tpu.sem_alloc : memref<!tpu.dma_semaphore, #tpu.memory_space<semaphore_mem>>
      tpu.enqueue_dma source(%arg12 : memref<1040xf32, #tpu.memory_space<vmem_shared>>) target(%arg8 : memref<1040xf32, #tpu.memory_space<vmem>>) target_semaphore(%run_scoped3A : memref<!tpu.dma_semaphore, #tpu.memory_space<semaphore_mem>>)
      tpu.wait_dma2 semaphore(%run_scoped3A : memref<!tpu.dma_semaphore, #tpu.memory_space<semaphore_mem>>) src(%arg12 : memref<1040xf32, #tpu.memory_space<vmem_shared>>) dst(%arg8 : memref<1040xf32, #tpu.memory_space<vmem>>)
      tpu.yield
    }) : () -> ()
    %dma_wait3A = tpu.memref_slice %arg3[%mul3A_2] : memref<16384xi32, #tpu.memory_space<hbm>> -> memref<512xi32, #tpu.memory_space<hbm>>
    %dma_wait3A_1491 = tpu.memref_slice %arg3[%mul3A_2] : memref<16384xi32, #tpu.memory_space<hbm>> -> memref<512xi32, #tpu.memory_space<hbm>>
    tpu.wait_dma2 semaphore(%arg14 : memref<!tpu.dma_semaphore, #tpu.memory_space<semaphore_mem>>) src(%dma_wait3A_1491 : memref<512xi32, #tpu.memory_space<hbm>>) dst(%arg9 : memref<512xi32, #tpu.memory_space<vmem>>)
    %dma_wait3A_1492 = tpu.memref_slice %arg4[%mul3A_2] : memref<16384xi32, #tpu.memory_space<hbm>> -> memref<512xi32, #tpu.memory_space<hbm>>
    %dma_wait3A_1493 = tpu.memref_slice %arg4[%mul3A_2] : memref<16384xi32, #tpu.memory_space<hbm>> -> memref<512xi32, #tpu.memory_space<hbm>>
    tpu.wait_dma2 semaphore(%arg15 : memref<!tpu.dma_semaphore, #tpu.memory_space<semaphore_mem>>) src(%dma_wait3A_1493 : memref<512xi32, #tpu.memory_space<hbm>>) dst(%arg10 : memref<512xi32, #tpu.memory_space<vmem>>)
    %broadcast_in_dim3A_1494 = arith.constant 0 : i32
    %broadcast_in_dim3A_1495 = vector.broadcast %broadcast_in_dim3A_1494 : i32 to vector<16xi32>
    %broadcast_in_dim3A_1496 = arith.constant 12 : i32
    %broadcast_in_dim3A_1497 = vector.broadcast %broadcast_in_dim3A_1496 : i32 to vector<16xi32>
    %scan3A = arith.constant 0 : i32
    %scan3A_1498 = arith.constant 0 : i32
    %scan3A_1499 = arith.constant 32 : i32
    %scan3A_1500 = arith.addi %scan3A_1498, %scan3A_1499 : i32
    %scan3A_1501 = arith.constant 1 : i32
    scf.for %scan3A_1503 = %scan3A_1498 to %scan3A_1500 step %scan3A_1501  : i32 {
      %mul3A_1504 = arith.constant 16 : i32
      %mul3A_1505 = arith.muli %scan3A_1503, %mul3A_1504 : i32
      %get3A = arith.index_cast %mul3A_1505 : i32 to index
      %get3A_1506 = tpu.vector_load %arg9[%get3A] {strides = array<i32>} : memref<512xi32, #tpu.memory_space<vmem>>, vector<16xi32>,
      %get3A_1507 = arith.index_cast %mul3A_1505 : i32 to index
      %get3A_1508 = tpu.vector_load %arg10[%get3A_1507] {strides = array<i32>} : memref<512xi32, #tpu.memory_space<vmem>>, vector<16xi32>,
      %max3A_1509 = arith.maxsi %get3A_1506, %broadcast_in_dim3A_1495 : vector<16xi32>
      %min3A = arith.minsi %max3A_1509, %broadcast_in_dim3A_1497 : vector<16xi32>
      %max3A_1510 = arith.maxsi %get3A_1508, %broadcast_in_dim3A_1495 : vector<16xi32>
      %min3A_1511 = arith.minsi %max3A_1510, %broadcast_in_dim3A_1497 : vector<16xi32>
      %mul3A_1512 = arith.constant 80 : i32
      %mul3A_1513 = vector.broadcast %mul3A_1512 : i32 to vector<16xi32>
      %mul3A_1514 = arith.muli %min3A, %mul3A_1513 : vector<16xi32>
      %add3A_1515 = arith.addi %mul3A_1514, %min3A_1511 : vector<16xi32>
      %add3A_1516 = arith.constant 0 : i32
      %add3A_1517 = vector.broadcast %add3A_1516 : i32 to vector<16xi32>
      %add3A_1518 = arith.addi %add3A_1515, %add3A_1517 : vector<16xi32>
      %gather3A_1519 = tpu.vector_load_idx %arg8[%add3A_1518] : memref<1040xf32, #tpu.memory_space<vmem>>[vector<16xi32>], vector<16xf32>,
      %swap3A = arith.constant 0 : i32
      %swap3A_1520 = arith.index_cast %swap3A : i32 to index
      %swap3A_1521 = arith.index_cast %mul3A_1505 : i32 to index
      %swap3A_1522 = tpu.vector_load %arg11[%swap3A_1520, %swap3A_1521] {strides = array<i32>} : memref<5x512xf32, #tpu.memory_space<vmem>>, vector<16xf32>,
      tpu.vector_store %arg11[%swap3A_1520, %swap3A_1521], %gather3A_1519 {strides = array<i32>} : memref<5x512xf32, #tpu.memory_space<vmem>>, vector<16xf32>,
      %add3A_1523 = arith.constant 16 : i32
      %add3A_1524 = vector.broadcast %add3A_1523 : i32 to vector<16xi32>
      %add3A_1525 = arith.addi %add3A_1515, %add3A_1524 : vector<16xi32>
      %gather3A_1526 = tpu.vector_load_idx %arg8[%add3A_1525] : memref<1040xf32, #tpu.memory_space<vmem>>[vector<16xi32>], vector<16xf32>,
      %swap3A_1527 = arith.constant 1 : i32
      %swap3A_1528 = arith.index_cast %swap3A_1527 : i32 to index
      %swap3A_1529 = arith.index_cast %mul3A_1505 : i32 to index
      %swap3A_1530 = tpu.vector_load %arg11[%swap3A_1528, %swap3A_1529] {strides = array<i32>} : memref<5x512xf32, #tpu.memory_space<vmem>>, vector<16xf32>,
      tpu.vector_store %arg11[%swap3A_1528, %swap3A_1529], %gather3A_1526 {strides = array<i32>} : memref<5x512xf32, #tpu.memory_space<vmem>>, vector<16xf32>,
      %add3A_1531 = arith.constant 32 : i32
      %add3A_1532 = vector.broadcast %add3A_1531 : i32 to vector<16xi32>
      %add3A_1533 = arith.addi %add3A_1515, %add3A_1532 : vector<16xi32>
      %gather3A_1534 = tpu.vector_load_idx %arg8[%add3A_1533] : memref<1040xf32, #tpu.memory_space<vmem>>[vector<16xi32>], vector<16xf32>,
      %swap3A_1535 = arith.constant 2 : i32
      %swap3A_1536 = arith.index_cast %swap3A_1535 : i32 to index
      %swap3A_1537 = arith.index_cast %mul3A_1505 : i32 to index
      %swap3A_1538 = tpu.vector_load %arg11[%swap3A_1536, %swap3A_1537] {strides = array<i32>} : memref<5x512xf32, #tpu.memory_space<vmem>>, vector<16xf32>,
      tpu.vector_store %arg11[%swap3A_1536, %swap3A_1537], %gather3A_1534 {strides = array<i32>} : memref<5x512xf32, #tpu.memory_space<vmem>>, vector<16xf32>,
      %add3A_1539 = arith.constant 48 : i32
      %add3A_1540 = vector.broadcast %add3A_1539 : i32 to vector<16xi32>
      %add3A_1541 = arith.addi %add3A_1515, %add3A_1540 : vector<16xi32>
      %gather3A_1542 = tpu.vector_load_idx %arg8[%add3A_1541] : memref<1040xf32, #tpu.memory_space<vmem>>[vector<16xi32>], vector<16xf32>,
      %swap3A_1543 = arith.constant 3 : i32
      %swap3A_1544 = arith.index_cast %swap3A_1543 : i32 to index
      %swap3A_1545 = arith.index_cast %mul3A_1505 : i32 to index
      %swap3A_1546 = tpu.vector_load %arg11[%swap3A_1544, %swap3A_1545] {strides = array<i32>} : memref<5x512xf32, #tpu.memory_space<vmem>>, vector<16xf32>,
      tpu.vector_store %arg11[%swap3A_1544, %swap3A_1545], %gather3A_1542 {strides = array<i32>} : memref<5x512xf32, #tpu.memory_space<vmem>>, vector<16xf32>,
      %add3A_1547 = arith.constant 64 : i32
      %add3A_1548 = vector.broadcast %add3A_1547 : i32 to vector<16xi32>
      %add3A_1549 = arith.addi %add3A_1515, %add3A_1548 : vector<16xi32>
      %gather3A_1550 = tpu.vector_load_idx %arg8[%add3A_1549] : memref<1040xf32, #tpu.memory_space<vmem>>[vector<16xi32>], vector<16xf32>,
      %swap3A_1551 = arith.constant 4 : i32
      %swap3A_1552 = arith.index_cast %swap3A_1551 : i32 to index
      %swap3A_1553 = arith.index_cast %mul3A_1505 : i32 to index
      %swap3A_1554 = tpu.vector_load %arg11[%swap3A_1552, %swap3A_1553] {strides = array<i32>} : memref<5x512xf32, #tpu.memory_space<vmem>>, vector<16xf32>,
      tpu.vector_store %arg11[%swap3A_1552, %swap3A_1553], %gather3A_1550 {strides = array<i32>} : memref<5x512xf32, #tpu.memory_space<vmem>>, vector<16xf32>,
    }
    %scan3A_1502 = arith.constant 32 : i32
    "tpu.region"() ({
      %run_scoped3A = tpu.sem_alloc : memref<!tpu.dma_semaphore, #tpu.memory_space<semaphore_mem>>
      %dma_start3A_1503 = arith.constant 0 : i32
      %dma_start3A_1504 = tpu.memref_slice %arg5[%dma_start3A_1503, %mul3A_2] : memref<5x16384xf32, #tpu.memory_space<hbm>> -> memref<5x512xf32, #tpu.memory_space<hbm>>
      %dma_start3A_1505 = arith.constant 0 : i32
      %dma_start3A_1506 = tpu.memref_slice %arg5[%dma_start3A_1505, %mul3A_2] : memref<5x16384xf32, #tpu.memory_space<hbm>> -> memref<5x512xf32, #tpu.memory_space<hbm>>
      tpu.enqueue_dma source(%arg11 : memref<5x512xf32, #tpu.memory_space<vmem>>) target(%dma_start3A_1506 : memref<5x512xf32, #tpu.memory_space<hbm>>) target_semaphore(%run_scoped3A : memref<!tpu.dma_semaphore, #tpu.memory_space<semaphore_mem>>)
      %dma_wait3A_1507 = arith.constant 0 : i32
      %dma_wait3A_1508 = tpu.memref_slice %arg5[%dma_wait3A_1507, %mul3A_2] : memref<5x16384xf32, #tpu.memory_space<hbm>> -> memref<5x512xf32, #tpu.memory_space<hbm>>
      %dma_wait3A_1509 = arith.constant 0 : i32
      %dma_wait3A_1510 = tpu.memref_slice %arg5[%dma_wait3A_1509, %mul3A_2] : memref<5x16384xf32, #tpu.memory_space<hbm>> -> memref<5x512xf32, #tpu.memory_space<hbm>>
      tpu.wait_dma2 semaphore(%run_scoped3A : memref<!tpu.dma_semaphore, #tpu.memory_space<semaphore_mem>>) src(%arg11 : memref<5x512xf32, #tpu.memory_space<vmem>>) dst(%dma_wait3A_1510 : memref<5x512xf32, #tpu.memory_space<hbm>>)
      tpu.yield
    }) : () -> ()
    return
  }
}

</mosaic_0001>

<sc_bundles>
// kernel: kernel.3.cloned.1.call-start
scs
__scs_entry_jumppad:
0x0: {  	(pc) =	sbr.rel $0x88, $3  }
0x1: {  	(tag) =	ssettag $0x0;
	lr =	simm.s32 $0x1  }
0x2: {  	[smem:$0x3F9A] =	sst lr;
	_ =	strace $0xD0000000  }
0x3: {  	_ = 	snop  }
0x4: {  	_ = 	snop  }
0x5: {  	_ = 	snop  }
0x6: {  	_ = 	snop  }
0x7: {  	_ = 	snop  }
__scs_overlays_trampoline_lowered:
0x8: {  	[smem:$0x3FA9] =	sst s0  }
0x9: {  	[smem:$0x3FAA] =	sst s1  }
0xa: {  	[smem:$0x3FAB] =	sst s2  }
0xb: {  	[smem:$0x3FAC] =	sst s3  }
0xc: {  	[smem:$0x3FAD] =	sst s4  }
0xd: {  	[smem:$0x3FAE] =	sst s5  }
0xe: {  	[smem:$0x3FAF] =	sst s6  }
0xf: {  	[smem:$0x3FB0] =	sst s7  }
0x10: {  	[smem:$0x3FB1] =	sst s8  }
0x11: {  	[smem:$0x3FB2] =	sst s9;
	s0 =	simm.s32 @!p0 $0x0  }
0x12: {  	s1 =	sld [smem:$0x3F98];
	s0 =	simm.s32 @p0 $0x1  }
0x13: {  	[smem:$0x3FB3] =	sst s0;
	s0 =	simm.s32 @!p1 $0x0  }
0x14: {  	s2 =	sld [smem:$0x3F97];
	s0 =	simm.s32 @p1 $0x1  }
0x15: {  	[smem:$0x3FB4] =	sst s0;
	s0 =	simm.s32 @!p2 $0x0  }
0x16: {  	s3 =	sld [smem:$0x3FDB];
	s0 =	simm.s32 @p2 $0x1  }
0x17: {  	s4 =	simm.s32 $0x1BF5;
	[smem:$0x3FB6] =	sst s0  }
0x18: {  	s0 =	sld [smem:$0x3F99];
	_ =	swait.ge [sflag:s4], $0x0  }
0x19: {  	s7 =	sld [smem:$0x3F9A]  }
0x1a: {  	s8 =	sadd.s32 $0xFFFFE003, lr  }
0x1b: {  	s9 =	sadd.s32 $0xFFFFFEF7, lr;
	s5 =	simm.s32 $0xFFFFFFFF;
	p2 =	slt.u32 s8, $0xFFFFF086  }
0x1c: {  	p1 =	slt.u32 s9, $0xF7A;
	s5 =	simm.s32 @!p2 $0x0  }
0x1d: {  	s5 =	simm.s32 @p1 $0x1;
	p0 =	seq.s32 s7, s2  }
0x1e: {  	s7 =	smul.u32 @!p0 $0xF7A, s2;
	p2 =	seq.s32 @!p0 s5, $0x0  }
0x1f: {  	s9 =	smul.u32 $0xF7A, s1;
	s8 =	simm.s32 @!p0 $0x1BF5;
	p2 =	por !p2, p0  }
0x20: {  	[sflag:s8] =	ssyncset.s32 @!p0 $0xFFFFF086;
	s6 =	sadd.s32 @!p0 s3, s7;
	s7 =	simm.s32 @!p0 $0x108  }
0x21: {  	s3 =	sadd.s32 s3, s9;
	s6 =	sadd.s32 @!p0 $0x88, s6;
	s7 =	simm.s32 @p2 $0x1082  }
0x22: {  	[simem:s7], [sflag:s8] =	dma.local @!p0 [hbm:s6], $0xF7A  }
0x23: {  	s9 =	sor.u32 $0xD0000000, s2;
	s6 =	simm.s32 $0x108;
	_ =	swait.ge @!p0 [sflag:s8], $0x0  }
0x24: {  	s3 =	sadd.s32 $0x88, s3;
	s6 =	simm.s32 @!p1 $0x1082;
	[sflag:s4] =	ssyncset.s32 $0xFFFFF086  }
0x25: {  	[simem:s6], [sflag:s4] =	dma.local [hbm:s3], $0xF7A  }
0x26: {  	[smem:$0x3F9A] =	sst s1;
	(tag) =	ssettag s2;
	_ =	strace s9  }
0x27: {  	s1 =	sld [smem:$0x3FAA]  }
0x28: {  	s2 =	sld [smem:$0x3FAB]  }
0x29: {  	s4 =	sld [smem:$0x3FAD]  }
0x2a: {  	p0 =	seq.s32 s5, $0x0;
	s5 =	sld [smem:$0x3FAE]  }
0x2b: {  	s6 =	sld [smem:$0x3FAF]  }
0x2c: {  	s7 =	sld [smem:$0x3FB0]  }
0x2d: {  	s3 =	simm.s32 $0x108;
	s8 =	sld [smem:$0x3FB1]  }
0x2e: {  	s3 =	simm.s32 @!p0 $0x1082;
	s9 =	sld [smem:$0x3FB2]  }
0x2f: {  	lr =	sadd.s32 s0, s3;
	s0 =	sld [smem:$0x3FA9]  }
0x30: {  	s3 =	sld [smem:$0x3FAC]  }
0x31: {  	[smem:$0x3FB5] =	sst s10  }
0x32: {  	s10 =	sld [smem:$0x3FB3];
	_ =	sdelay $0x3  }
0x33: {  	p0 =	seq.s32 s10, $0x1;
	s10 =	sld [smem:$0x3FB5];
	_ =	sdelay $0x3  }
0x34: {  	[smem:$0x3FB5] =	sst s10  }
0x35: {  	s10 =	sld [smem:$0x3FB4];
	_ =	sdelay $0x3  }
0x36: {  	p1 =	seq.s32 s10, $0x1;
	s10 =	sld [smem:$0x3FB5];
	_ =	sdelay $0x3  }
0x37: {  	[smem:$0x3FB5] =	sst s10  }
0x38: {  	s10 =	sld [smem:$0x3FB6]  }
0x39: {  	_ = 	snop;
	(pc) =	sbr.ind lr, $3  }
0x3a: {  	_ = 	snop  }
0x3b: {  	_ = 	snop  }
0x3c: {  	p2 =	seq.s32 s10, $0x1;
	s10 =	sld [smem:$0x3FB5]  }
0x3d: {  	_ =	shalt  }
0x3e: {  	_ =	shalt  }
0x3f: {  	_ =	shalt  }
0x40: {  	_ =	shalt  }
0x41: {  	_ =	shalt  }
0x42: {  	_ =	shalt  }
0x43: {  	_ =	shalt  }
0x44: {  	_ =	shalt  }
0x45: {  	_ =	shalt  }
0x46: {  	_ =	shalt  }
0x47: {  	_ =	shalt  }
0x48: {  	_ =	shalt  }
0x49: {  	_ =	shalt  }
0x4a: {  	_ =	shalt  }
0x4b: {  	_ =	shalt  }
0x4c: {  	_ =	shalt  }
0x4d: {  	_ =	shalt  }
0x4e: {  	_ =	shalt  }
0x4f: {  	_ =	shalt  }
0x50: {  	_ =	shalt  }
0x51: {  	_ =	shalt  }
0x52: {  	_ =	shalt  }
0x53: {  	_ =	shalt  }
0x54: {  	_ =	shalt  }
0x55: {  	_ =	shalt  }
0x56: {  	_ =	shalt  }
0x57: {  	_ =	shalt  }
0x58: {  	_ =	shalt  }
0x59: {  	_ =	shalt  }
0x5a: {  	_ =	shalt  }
0x5b: {  	_ =	shalt  }
0x5c: {  	_ =	shalt  }
0x5d: {  	_ =	shalt  }
0x5e: {  	_ =	shalt  }
0x5f: {  	_ =	shalt  }
0x60: {  	_ =	shalt  }
0x61: {  	_ =	shalt  }
0x62: {  	_ =	shalt  }
0x63: {  	_ =	shalt  }
0x64: {  	_ =	shalt  }
0x65: {  	_ =	shalt  }
0x66: {  	_ =	shalt  }
0x67: {  	_ =	shalt  }
0x68: {  	_ =	shalt  }
0x69: {  	_ =	shalt  }
0x6a: {  	_ =	shalt  }
0x6b: {  	_ =	shalt  }
0x6c: {  	_ =	shalt  }
0x6d: {  	_ =	shalt  }
0x6e: {  	_ =	shalt  }
0x6f: {  	_ =	shalt  }
0x70: {  	_ =	shalt  }
0x71: {  	_ =	shalt  }
0x72: {  	_ =	shalt  }
0x73: {  	_ =	shalt  }
0x74: {  	_ =	shalt  }
0x75: {  	_ =	shalt  }
0x76: {  	_ =	shalt  }
0x77: {  	_ =	shalt  }
0x78: {  	_ =	shalt  }
0x79: {  	_ =	shalt  }
0x7a: {  	_ =	shalt  }
0x7b: {  	_ =	shalt  }
0x7c: {  	_ =	shalt  }
0x7d: {  	_ =	shalt  }
0x7e: {  	_ =	shalt  }
0x7f: {  	_ =	shalt  }
0x80: {  	_ =	shalt  }
0x81: {  	_ =	shalt  }
0x82: {  	_ =	shalt  }
0x83: {  	_ =	shalt  }
0x84: {  	_ =	shalt  }
0x85: {  	_ =	shalt  }
0x86: {  	_ =	shalt  }
0x87: {  	_ =	shalt  }
.Lfunc_end0:
.L_simem_size_0:
called_computation_lowered:
.L_overlay_start_0:
0x88: {  	s2 =	sld [smem:$0x3FD9]  }
0x89: {  	s3 =	sld [smem:$0x3FFE];
	_ =	sdelay $0x1  }
0x8a: {  	s1 =	srdreg.scid  }
0x8b: {  	s0 =	sand.u32 $0x1, s1  }
0x8c: {  	s17 =	sshll.u32 s0, $0xA;
	s2 =	sadd.s32 s3, s2  }
0x8d: {  	s2 =	sadd.s32 s2, s17  }
0x8e: {  	[smem:$0x3FC1] =	sst s2  }
0x8f: {  	_ = 	snop  }
0x90: {  	s2 =	sld [smem:$0x3FC9]  }
0x91: {  	s18 =	sld [smem:$0x3FC8]  }
0x92: {  	s4 =	sld [smem:$0x3FD0];
	(tm) =	ssettm $0x1  }
0x93: {  	s5 =	sld [smem:$0x3FFB];
	_ =	sdelay $0x3  }
0x94: {  	_ =	strace s5  }
0x95: {  	s5 =	sld [smem:$0x3FFC];
	_ =	sdelay $0x3  }
0x96: {  	_ =	strace s5  }
0x97: {  	s5 =	sld [smem:$0x3FFD];
	_ =	sdelay $0x3  }
0x98: {  	_ =	strace s5  }
0x99: {  	_ =	strace $0x8FFFFFFF  }
0x9a: {  	s19 =	sld [smem:$0x3FDB];
	_ =	sdelay $0x1  }
0x9b: {  	s6 =	simm.s32 $_scs_section_size  }
0x9c: {  	s7 =	simm.s32 $_size__tile_overlayer_lowered;
	s8 =	simm.s32 $_tile_overlayer_lowered  }
0x9d: {  	s22 =	simm.s32 $0x1BFF;
	s21 =	sshll.u32 s8, $0x1;
	s5 =	sadd.s32 s6, s19  }
0x9e: {  	s9 =	simm.s32 $0x0;
	s20 =	sshll.u32 s7, $0x1;
	s7 =	sadd.s32 s21, s5  }
0x9f: {  	[timem:s9], [sflag:s22] =	dma.local [hbm:s7], s20  }
0xa0: {  	_ =	swait.ge [sflag:s22], s20  }
0xa1: {  	s6 =	ssub.s32 $0x0, s20;
	[sflag:s22] =	ssyncset.done $0x0  }
0xa2: {  	[sflag:s22] =	ssyncadd.s32 s6;
	_ =	sdelay $0x1  }
0xa3: {  	s23 =	simm.s32 $0x1B8B  }
0xa4: {  	_ =	swait.ge [sflag:s23], $0x1  }
0xa5: {  	[sflag:s23] =	ssyncset.done $0x0  }
0xa6: {  	s25 =	simm.s32 $0x1B8E;
	s24 =	sld [smem:$0x3FFE];
	[sflag:s23] =	ssyncadd.s32 $0xFFFFFFFF  }
0xa7: {  	s26 =	simm.s32 $execute0_lowered;
	[smem:$0x3FD2] =	sst s25  }
0xa8: {  	s7 =	sshll.u32 s26, $0x1;
	_ =	strace $0x80000046;
	[dreg:$0x1] =	wrdreg $0xFFFFFFFF  }
0xa9: {  	s28 =	simm.s32 $_size_execute0_lowered;
	s5 =	sadd.s32 s5, s7;
	[dreg:$0x0] =	wrdreg $0x0  }
0xaa: {  	s7 =	sshll.u32 s28, $0x1;
	[dreg:$0x2] =	wrdreg s5  }
0xab: {  	[dreg:$0x3] =	wrdreg s7  }
0xac: {  	[dreg:$0x4] =	wrdreg $0xC0  }
0xad: {  	_ =	task [dreg:s9], $0x5FFFF  }
0xae: {  	[dreg:$0x1] =	wrdreg $0xFFFFFFFF  }
0xaf: {  	[dreg:$0x0] =	wrdreg $0x60  }
0xb0: {  	[dreg:$0x2] =	wrdreg s24  }
0xb1: {  	[dreg:$0x3] =	wrdreg s2  }
0xb2: {  	[dreg:$0x4] =	wrdreg s18  }
0xb3: {  	[dreg:$0x5] =	wrdreg s4  }
0xb4: {  	[dreg:$0x6] =	wrdreg $0x1B800  }
0xb5: {  	[dreg:$0x7] =	wrdreg $0x9  }
0xb6: {  	_ =	task.clear_ibuf [dreg:s9], $0x8FFFF;
	_ =	strace $0x90000046  }
0xb7: {  	s29 =	simm.s32 $0x9;
	_ =	strace $0x80000048  }
0xb8: {  	_ =	swait.ge [sflag:s29], $0x1  }
0xb9: {  	[sflag:s29] =	ssyncadd.s32 $0xFFFFFFFF  }
0xba: {  	_ =	strace $0x90000048  }
0xbb: {  	_ =	sfence  }
0xbc: {  	s30 =	sld [smem:$0x0];
	_ =	sdelay $0x2  }
0xbd: {  	s31 =	sshll.u32 s1, $0xD;
	s1 =	sshrl.u32 s1, $0x2  }
0xbe: {  	s3 =	sand.u32 $0x4000, s31;
	s1 =	sadd.s32 s1, s30  }
0xbf: {  	s0 =	sor.u32 s3, s0;
	s1 =	sshll.u32 s1, $0x11  }
0xc0: {  	s0 =	sor.u32 s1, s0  }
0xc1: {  	s0 =	sadd.s32 $0x8F2B, s0  }
0xc2: {  	[sflag:s0] =	ssyncadd.remote.s32 $0x1  }
0xc3: {  	_ =	sfence.sel $0xFFFF  }
0xc4: {  	[dreg:$0x0] =	wrdreg $0xFFFFFFFF;
	(pc) =	sbr.abs _section_cstart, $3  }
0xc5: {  	[dreg:$0x1] =	wrdreg $0xFFFFFFFF  }
0xc6: {  	_ =	task.clear_ibuf [dreg:s9], $0x2FFFF;
	_ =	strace $0x9FFFFFFF  }
0xc7: {  	(tm) =	ssettm $0x7FFFFFFF  }
tec
execute0_lowered:
.L_overlay_start_1:
0x0: {  	(tag) =	ssettag $0x1  }
0x1: {  	v0 =	vlaneseq.u32  }
0x2: {  	v0 =	vmul.u32 $0x10, v0;
	_ =	sdelay $0x1  }
0x3: {  	v1 =	vor.u32 $0x1, v0;
	[tilespmem:$0x1FFE0] =	vst v0  }
0x4: {  	v51 =	vor.u32 $0x2, v0;
	[tilespmem:$0x1FF00] =	vst v1  }
0x5: {  	s4 =	rddreg [dreg:$0x0];
	v52 =	vor.u32 $0x3, v0;
	[tilespmem:$0x1FF10] =	vst v51  }
0x6: {  	s5 =	rddreg [dreg:$0x1];
	v53 =	vor.u32 $0x4, v0;
	[tilespmem:$0x1FF20] =	vst v52  }
0x7: {  	s6 =	rddreg [dreg:$0x2];
	v54 =	vor.u32 $0x5, v0;
	[tilespmem:$0x1FF30] =	vst v53  }
0x8: {  	s8 =	rddreg [dreg:$0x3];
	v55 =	vor.u32 $0x6, v0;
	[tilespmem:$0x1FF40] =	vst v54  }
0x9: {  	s2 =	rddreg [dreg:$0x4];
	v56 =	vor.u32 $0x7, v0;
	[tilespmem:$0x1FF50] =	vst v55  }
0xa: {  	s0 =	stileid.u32;
	s1 =	rddreg [dreg:$0x5];
	s3 =	simm.s32 $0x0;
	v57 =	vor.u32 $0x8, v0;
	[tilespmem:$0x1FF60] =	vst v56  }
0xb: {  	s7 =	srdreg.scid;
	s13 =	simm.s32 $0x280;
	s14 =	simm.s32 $0x4;
	v58 =	vor.u32 $0x9, v0;
	[tilespmem:$0x1FF70] =	vst v57  }
0xc: {  	s15 =	simm.s32 $0x300;
	s16 =	simm.s32 $0x2;
	s17 =	simm.s32 $0x3;
	v59 =	vor.u32 $0xA, v0;
	[tilespmem:$0x1FF80] =	vst v58  }
0xd: {  	s18 =	simm.s32 $0xB80;
	s19 =	simm.s32 $0x0;
	[smem:$0x7FF] =	sst s3;
	v60 =	vor.u32 $0xB, v0;
	[tilespmem:$0x1FF90] =	vst v59  }
0xe: {  	s7 =	sand.u32 $0x1, s7;
	s9 =	sshll.u32 s0, $0xA;
	s30 =	smul.u32 $0x140, s0;
	v61 =	vor.u32 $0xC, v0;
	[tilespmem:$0x1FFA0] =	vst v60  }
0xf: {  	s4 =	sadd.s32 $0xC00, s4;
	s10 =	sshll.u32 s7, $0x9;
	s7 =	ssub.s32 $0x2, s7;
	v62 =	vor.u32 $0xD, v0;
	[tilespmem:$0x1FFB0] =	vst v61  }
0x10: {  	p0 =	sgt.u32 s0, $0xC;
	v63 =	vor.u32 $0xE, v0;
	s9 =	sor.u32 s10, s9;
	s11 =	sshrl.u32 s7, $0x1;
	[tilespmem:$0x1FFC0] =	vst v62  }
0x11: {  	v0 =	vor.u32 $0xF, v0;
	s31 =	sshrl.u32 s30, $0x2;
	s10 =	simm.s32 $0x780;
	[tilespmem:$0x1FFD0] =	vst v63;
	s12 =	sshrl.u32 s9, $0x3  }
0x12: {  	[tilespmem:$0x1FFF0] =	vst v0;
	s11 =	ssub.s32 s7, s11;
	s7 =	sadd.s32 s31, s2;
	s8 =	sadd.s32 s8, s9  }
0x13: {  	_ =	strace $0x80000047;
	s5 =	sadd.s32 s5, s12;
	s6 =	sadd.s32 s6, s12  }
0x14: {  	v37 =	vmov s0;
	s9 =	smax.u32 s11, $0x1;
	s11 =	simm.s32 $0x980;
	s12 =	simm.s32 $0x1  }
.LBB2_1:
0x15: {  	[tilespmem:s3], [sflag:$0x1] =	stream.linear.gather [hbm4b:s4+s3], $0x280, $0x38;
	[tilespmem:$0x1BC8] =	vst v63  }
0x16: {  	_ = 	snop  }
0x17: {  	[tilespmem:s10], [sflag:$0x2] =	stream.linear.gather [hbm4b:s5+s3], $0x200, $0x38;
	[tilespmem:$0x1BC8] =	vst v63  }
.Ltmp0:
0x18: {  	_ = 	snop;
	(pc) =	sbr.rel @p0 .LBB2_3-.Ltmp0, $4  }
0x19: {  	[tilespmem:s11], [sflag:$0x3] =	stream.linear.gather [hbm4b:s6+s3], $0x200, $0x38;
	[tilespmem:$0x1BC8] =	vst v63  }
0x1a: {  	_ =	swait.ge [sflag:s12], $0x280  }
0x1b: {  	[sflag:s12] =	ssyncset.done $0x0  }
0x1c: {  	[sflag:s12] =	ssyncadd.s32 $0xFFFFFD80  }
0x1d: {  	v0 =	vld [tilespmem:$0x1FFE0]  }
0x1e: {  	v1 =	vld [tilespmem:$0x1FF00]  }
0x1f: {  	v2 =	vld [tilespmem:$0x1FF10]  }
0x20: {  	v25 =	vld [tilespmem:$0x1FF20]  }
0x21: {  	v26 =	vld [tilespmem:$0x1FF30]  }
0x22: {  	v27 =	vld [tilespmem:$0x1FF40]  }
0x23: {  	v28 =	vld [tilespmem:$0x1FF50]  }
0x24: {  	v29 =	vld [tilespmem:$0x1FF60]  }
0x25: {  	v30 =	vld [tilespmem:$0x1FF70]  }
0x26: {  	v31 =	vld [tilespmem:$0x1FF80]  }
0x27: {  	v32 =	vld [tilespmem:$0x1FF90]  }
0x28: {  	v33 =	vld [tilespmem:$0x1FFA0]  }
0x29: {  	v34 =	vld [tilespmem:$0x1FFB0]  }
0x2a: {  	v35 =	vld [tilespmem:$0x1FFC0]  }
0x2b: {  	v36 =	vld [tilespmem:$0x1FFD0]  }
0x2c: {  	v38 =	vld [tilespmem:$0x1FFF0]  }
0x2d: {  	v0 =	vld.idx.msk [tilespmem:v0+s3+$0x0], $0xffff  }
0x2e: {  	v1 =	vld.idx.msk [tilespmem:v1+s3+$0x0], $0xffff  }
0x2f: {  	v39 =	vimm.s32 $0xD0;
	v16 =	vld.idx.msk [tilespmem:v2+s3+$0x0], $0xffff  }
0x30: {  	v15 =	vld.idx.msk [tilespmem:v25+s3+$0x0], $0xffff  }
0x31: {  	v14 =	vld.idx.msk [tilespmem:v26+s3+$0x0], $0xffff  }
0x32: {  	v13 =	vld.idx.msk [tilespmem:v27+s3+$0x0], $0xffff  }
0x33: {  	v12 =	vld.idx.msk [tilespmem:v28+s3+$0x0], $0xffff  }
0x34: {  	v40 =	vimm.s32 $0xE0;
	v2 =	vld.idx.msk [tilespmem:v39+s3+$0x0], $0xffff  }
0x35: {  	v10 =	vld.idx.msk [tilespmem:v29+s3+$0x0], $0xffff  }
0x36: {  	v11 =	vld.idx.msk [tilespmem:v30+s3+$0x0], $0xffff  }
0x37: {  	v8 =	vld.idx.msk [tilespmem:v31+s3+$0x0], $0xffff  }
0x38: {  	v9 =	vld.idx.msk [tilespmem:v32+s3+$0x0], $0xffff  }
0x39: {  	[tilespmem:$0x1FCA0] =	vst v2;
	v2 =	vld.idx.msk [tilespmem:v40+s3+$0x0], $0xffff  }
0x3a: {  	v41 =	vimm.s32 $0xF0;
	v6 =	vld.idx.msk [tilespmem:v33+s3+$0x0], $0xffff  }
0x3b: {  	v7 =	vld.idx.msk [tilespmem:v34+s3+$0x0], $0xffff  }
0x3c: {  	v45 =	vld.idx.msk [tilespmem:v35+s3+$0x0], $0xffff  }
0x3d: {  	v24 =	vld.idx.msk [tilespmem:v36+s3+$0x0], $0xffff  }
0x3e: {  	v19 =	vld.idx.msk [tilespmem:v38+s3+$0x0], $0xffff;
	[tilespmem:$0x1FCB0] =	vst v2  }
0x3f: {  	v42 =	vimm.s32 $0x100;
	v2 =	vld.idx.msk [tilespmem:v41+s3+$0x0], $0xffff;
	_ =	sdelay $0x4  }
0x40: {  	v43 =	vimm.s32 $0x110;
	[tilespmem:$0x1FCE0] =	vst v2;
	v2 =	vld.idx.msk [tilespmem:v42+s3+$0x0], $0xffff;
	_ =	sdelay $0x4  }
0x41: {  	v44 =	vimm.s32 $0x120;
	[tilespmem:$0x1FD10] =	vst v2;
	v2 =	vld.idx.msk [tilespmem:v43+s3+$0x0], $0xffff;
	_ =	sdelay $0x4  }
0x42: {  	v46 =	vimm.s32 $0x130;
	[tilespmem:$0x1FD30] =	vst v2;
	v2 =	vld.idx.msk [tilespmem:v44+s3+$0x0], $0xffff;
	_ =	sdelay $0x4  }
0x43: {  	v47 =	vimm.s32 $0x140;
	[tilespmem:$0x1FD60] =	vst v2;
	v2 =	vld.idx.msk [tilespmem:v46+s3+$0x0], $0xffff;
	_ =	sdelay $0x4  }
0x44: {  	v48 =	vimm.s32 $0x150;
	[tilespmem:$0x1FD80] =	vst v2;
	v2 =	vld.idx.msk [tilespmem:v47+s3+$0x0], $0xffff;
	_ =	sdelay $0x4  }
0x45: {  	v49 =	vimm.s32 $0x160;
	[tilespmem:$0x1FDB0] =	vst v2;
	v2 =	vld.idx.msk [tilespmem:v48+s3+$0x0], $0xffff;
	_ =	sdelay $0x4  }
0x46: {  	v50 =	vimm.s32 $0x170;
	[tilespmem:$0x1FDD0] =	vst v2;
	v2 =	vld.idx.msk [tilespmem:v49+s3+$0x0], $0xffff;
	_ =	sdelay $0x4  }
0x47: {  	v51 =	vimm.s32 $0x180;
	[tilespmem:$0x1FE00] =	vst v2;
	v2 =	vld.idx.msk [tilespmem:v50+s3+$0x0], $0xffff;
	_ =	sdelay $0x4  }
0x48: {  	v52 =	vimm.s32 $0x190;
	[tilespmem:$0x1FE20] =	vst v2;
	v2 =	vld.idx.msk [tilespmem:v51+s3+$0x0], $0xffff;
	_ =	sdelay $0x4  }
0x49: {  	v53 =	vimm.s32 $0x1A0;
	[tilespmem:$0x1FE40] =	vst v2;
	v2 =	vld.idx.msk [tilespmem:v52+s3+$0x0], $0xffff;
	_ =	sdelay $0x4  }
0x4a: {  	v54 =	vimm.s32 $0x1B0;
	[tilespmem:$0x1FE60] =	vst v2;
	v2 =	vld.idx.msk [tilespmem:v53+s3+$0x0], $0xffff;
	_ =	sdelay $0x4  }
0x4b: {  	v55 =	vimm.s32 $0x1C0;
	[tilespmem:$0x1FE80] =	vst v2;
	v2 =	vld.idx.msk [tilespmem:v54+s3+$0x0], $0xffff;
	_ =	sdelay $0x4  }
0x4c: {  	v56 =	vimm.s32 $0x1D0;
	[tilespmem:$0x1FEA0] =	vst v2;
	v2 =	vld.idx.msk [tilespmem:v55+s3+$0x0], $0xffff;
	_ =	sdelay $0x4  }
0x4d: {  	v57 =	vimm.s32 $0xD1;
	[tilespmem:$0x1FEC0] =	vst v2;
	v2 =	vld.idx.msk [tilespmem:v56+s3+$0x0], $0xffff;
	_ =	sdelay $0x4  }
0x4e: {  	v58 =	vimm.s32 $0xE1;
	[tilespmem:$0x1FEE0] =	vst v2;
	v2 =	vld.idx.msk [tilespmem:v57+s3+$0x0], $0xffff;
	_ =	sdelay $0x4  }
0x4f: {  	v59 =	vimm.s32 $0xF1;
	[tilespmem:$0x1FCC0] =	vst v2;
	v2 =	vld.idx.msk [tilespmem:v58+s3+$0x0], $0xffff;
	_ =	sdelay $0x4  }
0x50: {  	v60 =	vimm.s32 $0x101;
	[tilespmem:$0x1FCD0] =	vst v2;
	v2 =	vld.idx.msk [tilespmem:v59+s3+$0x0], $0xffff;
	_ =	sdelay $0x4  }
0x51: {  	v61 =	vimm.s32 $0x111;
	[tilespmem:$0x1FCF0] =	vst v2;
	v2 =	vld.idx.msk [tilespmem:v60+s3+$0x0], $0xffff;
	_ =	sdelay $0x4  }
0x52: {  	v62 =	vimm.s32 $0x121;
	[tilespmem:$0x1FD20] =	vst v2;
	v2 =	vld.idx.msk [tilespmem:v61+s3+$0x0], $0xffff;
	_ =	sdelay $0x4  }
0x53: {  	v63 =	vimm.s32 $0x131;
	[tilespmem:$0x1FD40] =	vst v2;
	v2 =	vld.idx.msk [tilespmem:v62+s3+$0x0], $0xffff;
	_ =	sdelay $0x4  }
0x54: {  	v4 =	vimm.s32 $0x141;
	[tilespmem:$0x1FD70] =	vst v2;
	v2 =	vld.idx.msk [tilespmem:v63+s3+$0x0], $0xffff;
	_ =	sdelay $0x4  }
0x55: {  	v5 =	vimm.s32 $0x151;
	[tilespmem:$0x1FD90] =	vst v2;
	v2 =	vld.idx.msk [tilespmem:v4+s3+$0x0], $0xffff;
	_ =	sdelay $0x4  }
0x56: {  	v17 =	vimm.s32 $0x161;
	[tilespmem:$0x1FDC0] =	vst v2;
	v2 =	vld.idx.msk [tilespmem:v5+s3+$0x0], $0xffff;
	_ =	sdelay $0x4  }
0x57: {  	v18 =	vimm.s32 $0x171;
	[tilespmem:$0x1FDE0] =	vst v2;
	v2 =	vld.idx.msk [tilespmem:v17+s3+$0x0], $0xffff;
	_ =	sdelay $0x4  }
0x58: {  	v20 =	vimm.s32 $0x181;
	[tilespmem:$0x1FE10] =	vst v2;
	v2 =	vld.idx.msk [tilespmem:v18+s3+$0x0], $0xffff;
	_ =	sdelay $0x4  }
0x59: {  	v21 =	vimm.s32 $0x191;
	[tilespmem:$0x1FE30] =	vst v2;
	v2 =	vld.idx.msk [tilespmem:v20+s3+$0x0], $0xffff;
	_ =	sdelay $0x4  }
0x5a: {  	v22 =	vimm.s32 $0x1A1;
	[tilespmem:$0x1FE50] =	vst v2;
	v2 =	vld.idx.msk [tilespmem:v21+s3+$0x0], $0xffff;
	_ =	sdelay $0x4  }
0x5b: {  	v23 =	vimm.s32 $0x1B1;
	[tilespmem:$0x1FE70] =	vst v2;
	v2 =	vld.idx.msk [tilespmem:v22+s3+$0x0], $0xffff;
	_ =	sdelay $0x4  }
0x5c: {  	v25 =	vimm.s32 $0x1C1;
	[tilespmem:$0x1FE90] =	vst v2;
	v2 =	vld.idx.msk [tilespmem:v23+s3+$0x0], $0xffff;
	_ =	sdelay $0x4  }
0x5d: {  	v26 =	vimm.s32 $0x1D1;
	[tilespmem:$0x1FEB0] =	vst v2;
	v2 =	vld.idx.msk [tilespmem:v25+s3+$0x0], $0xffff;
	_ =	sdelay $0x4  }
0x5e: {  	v27 =	vimm.s32 $0xD2;
	[tilespmem:$0x1FED0] =	vst v2;
	v2 =	vld.idx.msk [tilespmem:v26+s3+$0x0], $0xffff;
	_ =	sdelay $0x4  }
0x5f: {  	v28 =	vimm.s32 $0xE2;
	[tilespmem:$0x1FEF0] =	vst v2;
	v2 =	vld.idx.msk [tilespmem:v27+s3+$0x0], $0xffff;
	_ =	sdelay $0x4  }
0x60: {  	v29 =	vimm.s32 $0xF2;
	[tilespmem:$0x1FC20] =	vst v2;
	v2 =	vld.idx.msk [tilespmem:v28+s3+$0x0], $0xffff;
	_ =	sdelay $0x1  }
0x61: {  	v4 =	vimm.s32 $0x122;
	_ =	sdelay $0x2  }
0x62: {  	v30 =	vimm.s32 $0x102;
	[tilespmem:$0x1FC30] =	vst v2;
	v2 =	vld.idx.msk [tilespmem:v29+s3+$0x0], $0xffff;
	_ =	sdelay $0x1  }
0x63: {  	v33 =	vimm.s32 $0x132;
	v4 =	vld.idx.msk [tilespmem:v4+s3+$0x0], $0xffff;
	_ =	sdelay $0x2  }
0x64: {  	v31 =	vimm.s32 $0x112;
	[tilespmem:$0x1FC40] =	vst v2;
	v2 =	vld.idx.msk [tilespmem:v30+s3+$0x0], $0xffff;
	_ =	sdelay $0x1  }
0x65: {  	v35 =	vimm.s32 $0x142;
	[tilespmem:$0x1FC70] =	vst v4;
	v4 =	vld.idx.msk [tilespmem:v33+s3+$0x0], $0xffff;
	_ =	sdelay $0x2  }
0x66: {  	v43 =	vimm.s32 $0xD3;
	[tilespmem:$0x1FC50] =	vst v2;
	v2 =	vld.idx.msk [tilespmem:v31+s3+$0x0], $0xffff;
	_ =	sdelay $0x1  }
0x67: {  	v36 =	vimm.s32 $0x152;
	[tilespmem:$0x1FC80] =	vst v4;
	v4 =	vld.idx.msk [tilespmem:v35+s3+$0x0], $0xffff  }
0x68: {  	v32 =	vmul.f32 v0, v0;
	v3 =	vmul.f32 v1, v1;
	_ =	sdelay $0x1  }
0x69: {  	v47 =	vimm.s32 $0xF3;
	[tilespmem:$0x1FC60] =	vst v2;
	v2 =	vadd.f32 v3, v32;
	v3 =	vld.idx.msk [tilespmem:v43+s3+$0x0], $0xffff;
	_ =	sdelay $0x1  }
0x6a: {  	v39 =	vimm.s32 $0x162;
	[tilespmem:$0x1FC90] =	vst v4;
	v4 =	vld.idx.msk [tilespmem:v36+s3+$0x0], $0xffff;
	_ =	sdelay $0x2  }
0x6b: {  	v50 =	vimm.s32 $0xE4;
	[tilespmem:$0x1FBF0] =	vst v3;
	v3 =	vld.idx.msk [tilespmem:v47+s3+$0x0], $0xffff;
	_ =	sdelay $0x1  }
0x6c: {  	v40 =	vimm.s32 $0x172;
	[tilespmem:$0x1FD00] =	vst v4;
	v4 =	vld.idx.msk [tilespmem:v39+s3+$0x0], $0xffff;
	_ =	sdelay $0x2  }
0x6d: {  	v53 =	vimm.s32 $0x104;
	[tilespmem:$0x1FC10] =	vst v3;
	v3 =	vld.idx.msk [tilespmem:v50+s3+$0x0], $0xffff;
	_ =	sdelay $0x1  }
0x6e: {  	v42 =	vimm.s32 $0x182;
	[tilespmem:$0x1FD50] =	vst v4;
	v4 =	vld.idx.msk [tilespmem:v40+s3+$0x0], $0xffff;
	_ =	sdelay $0x2  }
0x6f: {  	v56 =	vimm.s32 $0x124;
	[tilespmem:$0x1FB70] =	vst v3;
	v3 =	vld.idx.msk [tilespmem:v53+s3+$0x0], $0xffff;
	_ =	sdelay $0x1  }
0x70: {  	v46 =	vimm.s32 $0xE3;
	[tilespmem:$0x1FDA0] =	vst v4;
	v4 =	vld.idx.msk [tilespmem:v42+s3+$0x0], $0xffff;
	_ =	sdelay $0x2  }
0x71: {  	v59 =	vimm.s32 $0x144;
	[tilespmem:$0x1FB90] =	vst v3;
	v3 =	vld.idx.msk [tilespmem:v56+s3+$0x0], $0xffff;
	_ =	sdelay $0x1  }
0x72: {  	v49 =	vimm.s32 $0xD4;
	[tilespmem:$0x1FDF0] =	vst v4;
	v4 =	vld.idx.msk [tilespmem:v46+s3+$0x0], $0xffff;
	_ =	sdelay $0x2  }
0x73: {  	v34 =	vmul.f32 v16, v16;
	v62 =	vimm.s32 $0xD5;
	[tilespmem:$0x1FBB0] =	vst v3;
	v3 =	vld.idx.msk [tilespmem:v59+s3+$0x0], $0xffff;
	_ =	sdelay $0x1  }
0x74: {  	v38 =	vmul.f32 v15, v15;
	v52 =	vimm.s32 $0xF4;
	[tilespmem:$0x1FC00] =	vst v4;
	v4 =	vld.idx.msk [tilespmem:v49+s3+$0x0], $0xffff;
	v2 =	vadd.f32 v34, v2;
	_ =	sdelay $0x1  }
0x75: {  	v41 =	vmul.f32 v14, v14;
	v2 =	vadd.f32 v38, v2  }
0x76: {  	v18 =	vimm.s32 $0xF5;
	[tilespmem:$0x1FBD0] =	vst v3;
	v3 =	vld.idx.msk [tilespmem:v62+s3+$0x0], $0xffff  }
0x77: {  	v44 =	vmul.f32 v13, v13;
	v2 =	vadd.f32 v41, v2  }
0x78: {  	v55 =	vimm.s32 $0x114;
	[tilespmem:$0x1FB60] =	vst v4;
	v4 =	vld.idx.msk [tilespmem:v52+s3+$0x0], $0xffff  }
0x79: {  	v48 =	vmul.f32 v12, v12;
	v2 =	vadd.f32 v44, v2;
	_ =	sdelay $0x1  }
0x7a: {  	v51 =	vmul.f32 v10, v10;
	v26 =	vimm.s32 $0x106;
	v2 =	vadd.f32 v48, v2;
	[tilespmem:$0x1FB30] =	vst v3;
	v3 =	vld.idx.msk [tilespmem:v18+s3+$0x0], $0xffff;
	_ =	sdelay $0x1  }
0x7b: {  	v54 =	vmul.f32 v11, v11;
	v58 =	vimm.s32 $0x134;
	[tilespmem:$0x1FB80] =	vst v4;
	v4 =	vld.idx.msk [tilespmem:v55+s3+$0x0], $0xffff;
	v2 =	vadd.f32 v51, v2;
	_ =	sdelay $0x1  }
0x7c: {  	v57 =	vmul.f32 v8, v8;
	v2 =	vadd.f32 v54, v2  }
0x7d: {  	v29 =	vimm.s32 $0x126;
	[tilespmem:$0x1FB50] =	vst v3;
	v3 =	vld.idx.msk [tilespmem:v26+s3+$0x0], $0xffff  }
0x7e: {  	v60 =	vmul.f32 v9, v9;
	v2 =	vadd.f32 v57, v2  }
0x7f: {  	v61 =	vimm.s32 $0x154;
	[tilespmem:$0x1FBA0] =	vst v4;
	v4 =	vld.idx.msk [tilespmem:v58+s3+$0x0], $0xffff  }
0x80: {  	v63 =	vmul.f32 v6, v6;
	v2 =	vadd.f32 v60, v2;
	_ =	sdelay $0x1  }
0x81: {  	v20 =	vmul.f32 v7, v7;
	v32 =	vimm.s32 $0x146;
	v2 =	vadd.f32 v63, v2;
	[tilespmem:$0x1FAD0] =	vst v3;
	v3 =	vld.idx.msk [tilespmem:v29+s3+$0x0], $0xffff;
	_ =	sdelay $0x1  }
0x82: {  	v17 =	vimm.s32 $0xE5;
	v23 =	vmul.f32 v45, v45;
	[tilespmem:$0x1FBC0] =	vst v4;
	v4 =	vld.idx.msk [tilespmem:v61+s3+$0x0], $0xffff;
	v2 =	vadd.f32 v20, v2;
	_ =	sdelay $0x1  }
0x83: {  	v27 =	vmul.f32 v24, v24;
	v2 =	vadd.f32 v23, v2  }
0x84: {  	v33 =	vimm.s32 $0x156;
	[tilespmem:$0x1FAF0] =	vst v3;
	v3 =	vld.idx.msk [tilespmem:v32+s3+$0x0], $0xffff  }
0x85: {  	v30 =	vmul.f32 v19, v19;
	v2 =	vadd.f32 v27, v2  }
0x86: {  	v25 =	vimm.s32 $0xF6;
	[tilespmem:$0x1FBE0] =	vst v4;
	v4 =	vld.idx.msk [tilespmem:v17+s3+$0x0], $0xffff  }
0x87: {  	v2 =	vadd.f32 v30, v2;
	_ =	sdelay $0x1  }
0x88: {  	v2 =	vmax.f32 v2, $1.000000020e-24;
	[tilespmem:$0x1FB10] =	vst v3;
	v3 =	vld.idx.msk [tilespmem:v33+s3+$0x0], $0xffff  }
0x89: {  	v46 =	vmul.f32 $5.000000000e-01, v2;
	v2 =	vshra.s32 v2, $0x1  }
0x8a: {  	v28 =	vimm.s32 $0x116;
	[tilespmem:$0x1FB40] =	vst v4;
	v4 =	vld.idx.msk [tilespmem:v25+s3+$0x0], $0xffff;
	v2 =	vsub.s32 $0x5F3759DF, v2  }
0x8b: {  	v41 =	vmul.f32 v2, v46;
	_ =	sdelay $0x1  }
0x8c: {  	[tilespmem:$0x1FB20] =	vst v3;
	v3 =	vmul.f32 v2, v41  }
0x8d: {  	v21 =	vimm.s32 $0xD6  }
0x8e: {  	v31 =	vimm.s32 $0x136;
	[tilespmem:$0x1FAC0] =	vst v4;
	v4 =	vld.idx.msk [tilespmem:v28+s3+$0x0], $0xffff;
	v3 =	vsub.f32 $1.500000000e+00, v3  }
0x8f: {  	v44 =	vimm.s32 $0x128  }
0x90: {  	v50 =	vimm.s32 $0x158;
	v49 =	vmul.f32 v2, v3  }
0x91: {  	v40 =	vimm.s32 $0xF8  }
0x92: {  	v36 =	vld.idx.msk [tilespmem:v21+s3+$0x0], $0xffff;
	v54 =	vimm.s32 $0xD9;
	v53 =	vmul.f32 v49, v46  }
0x93: {  	[tilespmem:$0x1FAE0] =	vst v4;
	v4 =	vld.idx.msk [tilespmem:v31+s3+$0x0], $0xffff;
	v51 =	vimm.s32 $0x168  }
0x94: {  	v28 =	vld.idx.msk [tilespmem:v44+s3+$0x0], $0xffff;
	v44 =	vimm.s32 $0x10C;
	v2 =	vmul.f32 v53, v49  }
0x95: {  	v31 =	vld.idx.msk [tilespmem:v50+s3+$0x0], $0xffff;
	v50 =	vimm.s32 $0xDF  }
0x96: {  	v25 =	vld.idx.msk [tilespmem:v40+s3+$0x0], $0xffff;
	v38 =	vimm.s32 $0xD8;
	v5 =	vsub.f32 $1.500000000e+00, v2  }
0x97: {  	v58 =	vimm.s32 $0x10A;
	v21 =	vld.idx.msk [tilespmem:v54+s3+$0x0], $0xffff  }
0x98: {  	v56 =	vimm.s32 $0xEA;
	v32 =	vld.idx.msk [tilespmem:v51+s3+$0x0], $0xffff;
	v51 =	vmul.f32 v5, v49  }
0x99: {  	v43 =	vimm.s32 $0x118;
	v54 =	vld.idx.msk [tilespmem:v44+s3+$0x0], $0xffff  }
0x9a: {  	v42 =	vimm.s32 $0x108;
	v50 =	vld.idx.msk [tilespmem:v50+s3+$0x0], $0xffff;
	v20 =	vmul.f32 v51, v46  }
0x9b: {  	v60 =	vimm.s32 $0x12A;
	v23 =	vld.idx.msk [tilespmem:v38+s3+$0x0], $0xffff  }
0x9c: {  	v62 =	vimm.s32 $0xEB;
	v3 =	vld.idx.msk [tilespmem:v58+s3+$0x0], $0xffff;
	v58 =	vmul.f32 v20, v51  }
0x9d: {  	v40 =	vimm.s32 $0xFB;
	v63 =	vld.idx.msk [tilespmem:v56+s3+$0x0], $0xffff  }
0x9e: {  	v48 =	vimm.s32 $0x148;
	v27 =	vld.idx.msk [tilespmem:v43+s3+$0x0], $0xffff;
	v58 =	vsub.f32 $1.500000000e+00, v58  }
0x9f: {  	v26 =	vld.idx.msk [tilespmem:v42+s3+$0x0], $0xffff;
	v42 =	vimm.s32 $0xEC  }
0xa0: {  	v57 =	vimm.s32 $0xFA;
	v5 =	vld.idx.msk [tilespmem:v60+s3+$0x0], $0xffff;
	v51 =	vmul.f32 v58, v51  }
0xa1: {  	v41 =	vimm.s32 $0xDC;
	v60 =	vld.idx.msk [tilespmem:v62+s3+$0x0], $0xffff  }
0xa2: {  	v62 =	vld.idx.msk [tilespmem:v40+s3+$0x0], $0xffff;
	v40 =	vimm.s32 $0xEF;
	v46 =	vmul.f32 v51, v46  }
0xa3: {  	v30 =	vld.idx.msk [tilespmem:v48+s3+$0x0], $0xffff;
	v48 =	vimm.s32 $0x12C  }
0xa4: {  	v44 =	vimm.s32 $0xFF;
	v56 =	vld.idx.msk [tilespmem:v42+s3+$0x0], $0xffff;
	v46 =	vmul.f32 v46, v51  }
0xa5: {  	v59 =	vimm.s32 $0x11A;
	v2 =	vld.idx.msk [tilespmem:v57+s3+$0x0], $0xffff  }
0xa6: {  	v55 =	vimm.s32 $0xDA;
	v57 =	vld.idx.msk [tilespmem:v41+s3+$0x0], $0xffff;
	v46 =	vsub.f32 $1.500000000e+00, v46  }
0xa7: {  	v43 =	vimm.s32 $0xFC;
	v41 =	vld.idx.msk [tilespmem:v40+s3+$0x0], $0xffff  }
0xa8: {  	v40 =	vimm.s32 $0x10F;
	v58 =	vld.idx.msk [tilespmem:v48+s3+$0x0], $0xffff;
	v51 =	vmul.f32 v46, v51  }
0xa9: {  	v42 =	vimm.s32 $0x11F;
	v48 =	vld.idx.msk [tilespmem:v44+s3+$0x0], $0xffff  }
0xaa: {  	v61 =	vimm.s32 $0x15A;
	[tilespmem:$0x1FB00] =	vst v4;
	v4 =	vld.idx.msk [tilespmem:v59+s3+$0x0], $0xffff;
	v0 =	vmul.f32 v51, v0;
	v1 =	vmul.f32 v51, v1  }
0xab: {  	v38 =	vimm.s32 $0xDB;
	v53 =	vld.idx.msk [tilespmem:v55+s3+$0x0], $0xffff;
	v16 =	vmul.f32 v51, v16  }
0xac: {  	v55 =	vld.idx.msk [tilespmem:v43+s3+$0x0], $0xffff;
	v49 =	vimm.s32 $0x13C;
	v50 =	vmul.f32 v50, v0;
	v46 =	vmul.f32 v41, v1  }
0xad: {  	v43 =	vimm.s32 $0xDD;
	v44 =	vld.idx.msk [tilespmem:v40+s3+$0x0], $0xffff  }
0xae: {  	v42 =	vld.idx.msk [tilespmem:v42+s3+$0x0], $0xffff;
	v41 =	vimm.s32 $0xFD;
	v48 =	vmul.f32 v48, v16;
	v46 =	vadd.f32 v46, v50  }
0xaf: {  	v20 =	vld.idx.msk [tilespmem:v61+s3+$0x0], $0xffff;
	v40 =	vimm.s32 $0xDE  }
0xb0: {  	v61 =	vld.idx.msk [tilespmem:v38+s3+$0x0], $0xffff;
	v15 =	vmul.f32 v51, v15;
	v46 =	vadd.f32 v48, v46;
	v48 =	vimm.s32 $0xEE  }
0xb1: {  	v22 =	vimm.s32 $0xE6;
	v59 =	vld.idx.msk [tilespmem:v49+s3+$0x0], $0xffff  }
0xb2: {  	v39 =	vimm.s32 $0xE8;
	v49 =	vld.idx.msk [tilespmem:v43+s3+$0x0], $0xffff;
	v44 =	vmul.f32 v44, v15  }
0xb3: {  	v14 =	vmul.f32 v51, v14;
	v43 =	vld.idx.msk [tilespmem:v41+s3+$0x0], $0xffff;
	v41 =	vimm.s32 $0x12F  }
0xb4: {  	v50 =	vld.idx.msk [tilespmem:v40+s3+$0x0], $0xffff;
	v44 =	vadd.f32 v44, v46;
	v46 =	vimm.s32 $0xFE  }
0xb5: {  	v38 =	vimm.s32 $0x14F;
	v42 =	vmul.f32 v42, v14;
	v48 =	vld.idx.msk [tilespmem:v48+s3+$0x0], $0xffff  }
0xb6: {  	v35 =	vld.idx.msk [tilespmem:v22+s3+$0x0], $0xffff;
	v40 =	vimm.s32 $0x13F  }
0xb7: {  	v22 =	vld.idx.msk [tilespmem:v39+s3+$0x0], $0xffff;
	v42 =	vadd.f32 v42, v44;
	v44 =	vimm.s32 $0x10E  }
0xb8: {  	v41 =	vld.idx.msk [tilespmem:v41+s3+$0x0], $0xffff  }
0xb9: {  	v46 =	vld.idx.msk [tilespmem:v46+s3+$0x0], $0xffff  }
0xba: {  	v39 =	vld.idx.msk [tilespmem:v38+s3+$0x0], $0xffff;
	v38 =	vimm.s32 $0x15F;
	v50 =	vmul.f32 v50, v0;
	v48 =	vmul.f32 v48, v1  }
0xbb: {  	v13 =	vmul.f32 v51, v13;
	v40 =	vld.idx.msk [tilespmem:v40+s3+$0x0], $0xffff  }
0xbc: {  	v44 =	vld.idx.msk [tilespmem:v44+s3+$0x0], $0xffff;
	v48 =	vadd.f32 v48, v50;
	v50 =	vimm.s32 $0x16F  }
0xbd: {  	v41 =	vmul.f32 v41, v13  }
0xbe: {  	v12 =	vmul.f32 v51, v12;
	v46 =	vmul.f32 v46, v16  }
0xbf: {  	v38 =	vld.idx.msk [tilespmem:v38+s3+$0x0], $0xffff;
	v10 =	vmul.f32 v51, v10;
	v41 =	vadd.f32 v41, v42;
	v42 =	vimm.s32 $0x11E  }
0xc0: {  	v40 =	vmul.f32 v40, v12;
	v46 =	vadd.f32 v46, v48;
	v48 =	vimm.s32 $0x17F  }
0xc1: {  	v47 =	vimm.s32 $0x138;
	v11 =	vmul.f32 v51, v11;
	v44 =	vmul.f32 v44, v15;
	v50 =	vld.idx.msk [tilespmem:v50+s3+$0x0], $0xffff  }
0xc2: {  	v39 =	vmul.f32 v39, v10;
	v40 =	vadd.f32 v40, v41;
	v41 =	vimm.s32 $0x12E  }
0xc3: {  	v8 =	vmul.f32 v51, v8;
	v44 =	vadd.f32 v44, v46;
	v46 =	vimm.s32 $0x18F  }
0xc4: {  	v38 =	vmul.f32 v38, v11;
	v39 =	vadd.f32 v39, v40;
	v40 =	vimm.s32 $0x13E;
	v42 =	vld.idx.msk [tilespmem:v42+s3+$0x0], $0xffff  }
0xc5: {  	v52 =	vimm.s32 $0x178;
	v48 =	vld.idx.msk [tilespmem:v48+s3+$0x0], $0xffff  }
0xc6: {  	v29 =	vld.idx.msk [tilespmem:v47+s3+$0x0], $0xffff;
	v38 =	vadd.f32 v38, v39;
	v39 =	vmul.f32 v50, v8;
	v50 =	vimm.s32 $0x14E  }
0xc7: {  	v47 =	vimm.s32 $0x11C;
	v41 =	vld.idx.msk [tilespmem:v41+s3+$0x0], $0xffff  }
0xc8: {  	v9 =	vmul.f32 v51, v9;
	v46 =	vld.idx.msk [tilespmem:v46+s3+$0x0], $0xffff  }
0xc9: {  	v40 =	vld.idx.msk [tilespmem:v40+s3+$0x0], $0xffff;
	v42 =	vmul.f32 v42, v14  }
0xca: {  	v33 =	vld.idx.msk [tilespmem:v52+s3+$0x0], $0xffff;
	v38 =	vadd.f32 v39, v38;
	v39 =	vmul.f32 v48, v9;
	v48 =	vimm.s32 $0x19F  }
0xcb: {  	v6 =	vmul.f32 v51, v6;
	v42 =	vadd.f32 v42, v44;
	v44 =	vimm.s32 $0x15E;
	v50 =	vld.idx.msk [tilespmem:v50+s3+$0x0], $0xffff  }
0xcc: {  	v52 =	vld.idx.msk [tilespmem:v47+s3+$0x0], $0xffff;
	v47 =	vimm.s32 $0xED;
	v41 =	vmul.f32 v41, v13  }
0xcd: {  	v38 =	vadd.f32 v39, v38;
	v39 =	vmul.f32 v46, v6;
	v46 =	vimm.s32 $0x16E  }
0xce: {  	v41 =	vadd.f32 v41, v42;
	v40 =	vmul.f32 v40, v12  }
0xcf: {  	v48 =	vld.idx.msk [tilespmem:v48+s3+$0x0], $0xffff  }
0xd0: {  	v40 =	vadd.f32 v40, v41;
	v44 =	vld.idx.msk [tilespmem:v44+s3+$0x0], $0xffff;
	v41 =	vmul.f32 v50, v10;
	v50 =	vimm.s32 $0x17E  }
0xd1: {  	v47 =	vld.idx.msk [tilespmem:v47+s3+$0x0], $0xffff  }
0xd2: {  	v7 =	vmul.f32 v51, v7;
	v42 =	vimm.s32 $0x10D;
	v46 =	vld.idx.msk [tilespmem:v46+s3+$0x0], $0xffff;
	_ =	sdelay $0x1  }
0xd3: {  	v40 =	vadd.f32 v41, v40;
	v41 =	vmul.f32 v48, v7;
	v48 =	vimm.s32 $0x11D  }
0xd4: {  	v38 =	vadd.f32 v39, v38;
	v44 =	vmul.f32 v44, v11;
	v50 =	vld.idx.msk [tilespmem:v50+s3+$0x0], $0xffff  }
0xd5: {  	v47 =	vmul.f32 v47, v1;
	v39 =	vmul.f32 v49, v0  }
0xd6: {  	v42 =	vld.idx.msk [tilespmem:v42+s3+$0x0], $0xffff;
	v38 =	vadd.f32 v41, v38;
	v41 =	vmul.f32 v46, v8;
	v40 =	vadd.f32 v44, v40  }
0xd7: {  	v43 =	vmul.f32 v43, v16;
	v39 =	vadd.f32 v47, v39  }
0xd8: {  	v48 =	vld.idx.msk [tilespmem:v48+s3+$0x0], $0xffff;
	v40 =	vadd.f32 v41, v40;
	v41 =	vmul.f32 v57, v0;
	v57 =	vimm.s32 $0x14D  }
0xd9: {  	v39 =	vadd.f32 v43, v39;
	v43 =	vmul.f32 v50, v9;
	v50 =	vimm.s32 $0x18E;
	_ =	sdelay $0x1  }
0xda: {  	v42 =	vmul.f32 v42, v15  }
0xdb: {  	v44 =	vimm.s32 $0x1AF  }
0xdc: {  	v39 =	vadd.f32 v42, v39;
	v42 =	vmul.f32 v48, v14;
	v48 =	vld.idx.msk [tilespmem:v57+s3+$0x0], $0xffff;
	v57 =	vimm.s32 $0x19E  }
0xdd: {  	v46 =	vld.idx.msk [tilespmem:v50+s3+$0x0], $0xffff;
	v50 =	vmul.f32 v56, v1;
	v56 =	vimm.s32 $0x13D  }
0xde: {  	v47 =	vimm.s32 $0x12D;
	_ =	sdelay $0x1  }
0xdf: {  	v44 =	vld.idx.msk [tilespmem:v44+s3+$0x0], $0xffff  }
0xe0: {  	v41 =	vadd.f32 v50, v41;
	v50 =	vld.idx.msk [tilespmem:v57+s3+$0x0], $0xffff;
	v57 =	vimm.s32 $0x16D  }
0xe1: {  	v45 =	vmul.f32 v51, v45;
	v56 =	vld.idx.msk [tilespmem:v56+s3+$0x0], $0xffff  }
0xe2: {  	v47 =	vld.idx.msk [tilespmem:v47+s3+$0x0], $0xffff;
	v40 =	vadd.f32 v43, v40;
	v43 =	vmul.f32 v55, v16;
	v55 =	vimm.s32 $0x15D  }
0xe3: {  	v39 =	vadd.f32 v42, v39  }
0xe4: {  	v42 =	vmul.f32 v44, v45;
	v41 =	vadd.f32 v43, v41;
	v43 =	vmul.f32 v46, v6  }
0xe5: {  	v46 =	vmul.f32 v54, v15;
	v54 =	vld.idx.msk [tilespmem:v57+s3+$0x0], $0xffff;
	v57 =	vmul.f32 v52, v14;
	v52 =	vimm.s32 $0x1AE  }
0xe6: {  	v38 =	vadd.f32 v42, v38;
	v42 =	vmul.f32 v56, v12;
	v56 =	vimm.s32 $0x1BF  }
0xe7: {  	v44 =	vmul.f32 v47, v13;
	v47 =	vld.idx.msk [tilespmem:v55+s3+$0x0], $0xffff;
	v55 =	vimm.s32 $0x15C;
	v41 =	vadd.f32 v46, v41;
	_ =	sdelay $0x1  }
0xe8: {  	v41 =	vadd.f32 v57, v41;
	v57 =	vimm.s32 $0x17D  }
0xe9: {  	v49 =	vimm.s32 $0x14C;
	v39 =	vadd.f32 v44, v39;
	v52 =	vld.idx.msk [tilespmem:v52+s3+$0x0], $0xffff  }
0xea: {  	v48 =	vmul.f32 v48, v10;
	v40 =	vadd.f32 v43, v40;
	v44 =	vld.idx.msk [tilespmem:v56+s3+$0x0], $0xffff;
	v56 =	vmul.f32 v58, v13  }
0xeb: {  	v39 =	vadd.f32 v42, v39;
	v42 =	vmul.f32 v50, v7;
	v50 =	vld.idx.msk [tilespmem:v55+s3+$0x0], $0xffff;
	v55 =	vimm.s32 $0x1BE  }
0xec: {  	v46 =	vmul.f32 v51, v24;
	v24 =	vadd.f32 v56, v41;
	v56 =	vimm.s32 $0x18D  }
0xed: {  	v43 =	vld.idx.msk [tilespmem:v57+s3+$0x0], $0xffff  }
0xee: {  	v49 =	vld.idx.msk [tilespmem:v49+s3+$0x0], $0xffff;
	v40 =	vadd.f32 v42, v40;
	v39 =	vadd.f32 v48, v39;
	v58 =	vmul.f32 v47, v11  }
0xef: {  	v41 =	vmul.f32 v44, v46;
	v44 =	vmul.f32 v59, v12;
	v59 =	vimm.s32 $0x16C  }
0xf0: {  	v47 =	vld.idx.msk [tilespmem:v55+s3+$0x0], $0xffff;
	v39 =	vadd.f32 v58, v39;
	v57 =	vmul.f32 v52, v45;
	v58 =	vmul.f32 v54, v8  }
0xf1: {  	v48 =	vld.idx.msk [tilespmem:v56+s3+$0x0], $0xffff;
	v56 =	vimm.s32 $0x17C  }
0xf2: {  	v40 =	vadd.f32 v57, v40;
	v39 =	vadd.f32 v58, v39;
	v57 =	vmul.f32 v43, v9  }
0xf3: {  	v49 =	vmul.f32 v49, v10;
	v58 =	vimm.s32 $0x19D;
	v24 =	vadd.f32 v44, v24  }
0xf4: {  	v44 =	vmul.f32 v50, v11;
	v50 =	vadd.f32 v57, v39;
	v57 =	vimm.s32 $0x16A;
	v54 =	vld.idx.msk [tilespmem:v59+s3+$0x0], $0xffff  }
0xf5: {  	v24 =	vadd.f32 v49, v24;
	v49 =	vimm.s32 $0x18C;
	v59 =	vmul.f32 v47, v46  }
0xf6: {  	v18 =	vimm.s32 $0x14A;
	v55 =	vadd.f32 v41, v38;
	v41 =	vld.idx.msk [tilespmem:v56+s3+$0x0], $0xffff;
	v52 =	vmul.f32 v48, v6  }
0xf7: {  	v61 =	vmul.f32 v61, v0;
	v56 =	vadd.f32 v59, v40;
	v59 =	vimm.s32 $0x10B  }
0xf8: {  	v51 =	vmul.f32 v51, v19;
	v43 =	vld.idx.msk [tilespmem:v58+s3+$0x0], $0xffff;
	v19 =	vadd.f32 v52, v50;
	v52 =	vmul.f32 v60, v1  }
0xf9: {  	v24 =	vadd.f32 v44, v24;
	v42 =	vld.idx.msk [tilespmem:v57+s3+$0x0], $0xffff;
	v57 =	vimm.s32 $0x1AD;
	v58 =	vmul.f32 v54, v8  }
0xfa: {  	v47 =	vld.idx.msk [tilespmem:v49+s3+$0x0], $0xffff;
	v60 =	vimm.s32 $0x19C;
	v54 =	vimm.s32 $0x11B;
	v39 =	vadd.f32 v52, v61  }
0xfb: {  	v18 =	vld.idx.msk [tilespmem:v18+s3+$0x0], $0xffff;
	v61 =	vmul.f32 v53, v0;
	v24 =	vadd.f32 v58, v24;
	v41 =	vmul.f32 v41, v9  }
0xfc: {  	v40 =	vld.idx.msk [tilespmem:v59+s3+$0x0], $0xffff;
	v59 =	vmul.f32 v62, v16;
	v62 =	vmul.f32 v63, v1;
	v63 =	vimm.s32 $0x12B  }
0xfd: {  	v17 =	vimm.s32 $0x13A;
	v2 =	vmul.f32 v2, v16;
	v38 =	vmul.f32 v43, v7  }
0xfe: {  	v43 =	vld.idx.msk [tilespmem:v57+s3+$0x0], $0xffff;
	v24 =	vadd.f32 v41, v24;
	v41 =	vadd.f32 v62, v61;
	v61 =	vimm.s32 $0x1AC  }
0xff: {  	v3 =	vmul.f32 v3, v15;
	v57 =	vimm.s32 $0x13B;
	v58 =	vmul.f32 v47, v6;
	v49 =	vld.idx.msk [tilespmem:v60+s3+$0x0], $0xffff  }
0x100: {  	v34 =	vimm.s32 $0xD7;
	v5 =	vmul.f32 v5, v13;
	v18 =	vmul.f32 v18, v10;
	v48 =	vld.idx.msk [tilespmem:v54+s3+$0x0], $0xffff  }
0x101: {  	v53 =	vadd.f32 v59, v39;
	v24 =	vadd.f32 v58, v24;
	v52 =	vld.idx.msk [tilespmem:v63+s3+$0x0], $0xffff;
	v63 =	vimm.s32 $0x14B  }
0x102: {  	v17 =	vld.idx.msk [tilespmem:v17+s3+$0x0], $0xffff;
	v58 =	vimm.s32 $0x1BD;
	v2 =	vadd.f32 v2, v41;
	v54 =	vmul.f32 v40, v15  }
0x103: {  	v21 =	vmul.f32 v21, v0;
	v19 =	vadd.f32 v38, v19;
	v59 =	vmul.f32 v43, v45;
	v47 =	vld.idx.msk [tilespmem:v61+s3+$0x0], $0xffff  }
0x104: {  	v40 =	vld.idx.msk [tilespmem:v57+s3+$0x0], $0xffff;
	v2 =	vadd.f32 v3, v2;
	v38 =	vadd.f32 v54, v53;
	v62 =	vmul.f32 v49, v7  }
0x105: {  	v19 =	vadd.f32 v59, v19;
	v53 =	vmul.f32 v4, v14;
	v54 =	vimm.s32 $0x1CD  }
0x106: {  	v60 =	vmul.f32 v48, v14;
	v48 =	vld.idx.msk [tilespmem:v63+s3+$0x0], $0xffff;
	v50 =	vmul.f32 v52, v13;
	v52 =	vimm.s32 $0x15B  }
0x107: {  	v44 =	vld.idx.msk [tilespmem:v58+s3+$0x0], $0xffff;
	v24 =	vadd.f32 v62, v24;
	v58 =	vimm.s32 $0x1BC;
	v2 =	vadd.f32 v53, v2  }
0x108: {  	v38 =	vadd.f32 v60, v38;
	v60 =	vimm.s32 $0x16B;
	v59 =	vmul.f32 v47, v45  }
0x109: {  	v62 =	vimm.s32 $0x17B;
	v40 =	vmul.f32 v40, v12;
	v63 =	vmul.f32 v17, v12  }
0x10a: {  	v2 =	vadd.f32 v5, v2;
	v4 =	vld.idx.msk [tilespmem:v54+s3+$0x0], $0xffff;
	v3 =	vadd.f32 v59, v24;
	v24 =	vimm.s32 $0x1CC  }
0x10b: {  	v38 =	vadd.f32 v50, v38;
	v43 =	vld.idx.msk [tilespmem:v52+s3+$0x0], $0xffff;
	v61 =	vmul.f32 v48, v10;
	v48 =	vimm.s32 $0x18B  }
0x10c: {  	v22 =	vmul.f32 v22, v1;
	v2 =	vadd.f32 v63, v2;
	v41 =	vld.idx.msk [tilespmem:v58+s3+$0x0], $0xffff;
	v52 =	vimm.s32 $0xE9  }
0x10d: {  	v57 =	vmul.f32 v44, v46;
	v38 =	vadd.f32 v40, v38;
	v44 =	vld.idx.msk [tilespmem:v60+s3+$0x0], $0xffff;
	v60 =	vimm.s32 $0xF9  }
0x10e: {  	v40 =	vld.idx.msk [tilespmem:v62+s3+$0x0], $0xffff;
	v58 =	vimm.s32 $0x17A;
	v59 =	vmul.f32 v20, v11;
	v2 =	vadd.f32 v18, v2  }
0x10f: {  	v62 =	vimm.s32 $0x109;
	v19 =	vadd.f32 v57, v19;
	v4 =	vmul.f32 v4, v51;
	v17 =	vld.idx.msk [tilespmem:v24+s3+$0x0], $0xffff  }
0x110: {  	v38 =	vadd.f32 v61, v38;
	v2 =	vadd.f32 v59, v2;
	v47 =	vmul.f32 v43, v11;
	v49 =	vld.idx.msk [tilespmem:v48+s3+$0x0], $0xffff  }
0x111: {  	v59 =	vimm.s32 $0x1AB;
	v50 =	vmul.f32 v41, v46;
	v24 =	vadd.f32 v4, v19;
	v53 =	vld.idx.msk [tilespmem:v52+s3+$0x0], $0xffff  }
0x112: {  	v57 =	vmul.f32 v44, v8;
	v18 =	vld.idx.msk [tilespmem:v60+s3+$0x0], $0xffff;
	v48 =	vimm.s32 $0x19B;
	v54 =	vadd.f32 v47, v38  }
0x113: {  	v34 =	vld.idx.msk [tilespmem:v34+s3+$0x0], $0xffff;
	v61 =	vmul.f32 v40, v9;
	v44 =	vimm.s32 $0x1BB;
	v3 =	vadd.f32 v50, v3  }
0x114: {  	v20 =	vld.idx.msk [tilespmem:v62+s3+$0x0], $0xffff;
	v47 =	vmul.f32 v42, v8;
	v4 =	vadd.f32 v57, v54;
	v57 =	vimm.s32 $0x129  }
0x115: {  	v38 =	vld.idx.msk [tilespmem:v58+s3+$0x0], $0xffff;
	v58 =	vmul.f32 v23, v0;
	v42 =	vimm.s32 $0x149;
	v17 =	vmul.f32 v17, v51  }
0x116: {  	v23 =	vld.idx.msk [tilespmem:v59+s3+$0x0], $0xffff;
	v63 =	vmul.f32 v49, v6;
	v41 =	vmul.f32 v53, v1;
	v49 =	vimm.s32 $0x18A  }
0x117: {  	v40 =	vld.idx.msk [tilespmem:v48+s3+$0x0], $0xffff;
	v53 =	vimm.s32 $0x119;
	v18 =	vmul.f32 v18, v16;
	v19 =	vadd.f32 v17, v3  }
0x118: {  	v48 =	vimm.s32 $0x1AA;
	v3 =	vadd.f32 v22, v58;
	v22 =	vld.idx.msk [tilespmem:v44+s3+$0x0], $0xffff;
	v54 =	vadd.f32 v41, v21  }
0x119: {  	v2 =	vadd.f32 v47, v2;
	v4 =	vadd.f32 v61, v4;
	v61 =	vimm.s32 $0x19A;
	v21 =	vld.idx.msk [tilespmem:v57+s3+$0x0], $0xffff  }
0x11a: {  	v58 =	vimm.s32 $0x1CB;
	v52 =	vmul.f32 v38, v9;
	v5 =	vadd.f32 v18, v54;
	v18 =	vld.idx.msk [tilespmem:v42+s3+$0x0], $0xffff  }
0x11b: {  	v25 =	vmul.f32 v25, v16;
	v4 =	vadd.f32 v63, v4;
	v63 =	vimm.s32 $0x139;
	v50 =	vld.idx.msk [tilespmem:v49+s3+$0x0], $0xffff  }
0x11c: {  	v43 =	vmul.f32 v26, v15;
	v2 =	vadd.f32 v52, v2;
	v52 =	vimm.s32 $0x159;
	v17 =	vld.idx.msk [tilespmem:v53+s3+$0x0], $0xffff  }
0x11d: {  	v20 =	vmul.f32 v20, v15;
	v44 =	vimm.s32 $0xE7;
	v47 =	vmul.f32 v23, v45;
	v23 =	vld.idx.msk [tilespmem:v48+s3+$0x0], $0xffff  }
0x11e: {  	v3 =	vadd.f32 v25, v3;
	v54 =	vimm.s32 $0x169;
	v60 =	vmul.f32 v40, v7;
	v38 =	vld.idx.msk [tilespmem:v61+s3+$0x0], $0xffff  }
0x11f: {  	v57 =	vmul.f32 v28, v13;
	v42 =	vimm.s32 $0x199;
	v40 =	vimm.s32 $0x1CA;
	v25 =	vld.idx.msk [tilespmem:v58+s3+$0x0], $0xffff  }
0x120: {  	v3 =	vadd.f32 v43, v3;
	v4 =	vadd.f32 v60, v4;
	v60 =	vimm.s32 $0x1BA;
	v39 =	vld.idx.msk [tilespmem:v63+s3+$0x0], $0xffff  }
0x121: {  	v43 =	vmul.f32 v31, v11;
	v59 =	vmul.f32 v22, v46;
	v63 =	vimm.s32 $0x179;
	v26 =	vld.idx.msk [tilespmem:v52+s3+$0x0], $0xffff  }
0x122: {  	v4 =	vadd.f32 v47, v4;
	v47 =	vld.idx.msk [tilespmem:v44+s3+$0x0], $0xffff;
	v62 =	vmul.f32 v50, v6;
	v50 =	vmul.f32 v27, v14  }
0x123: {  	v5 =	vadd.f32 v20, v5;
	v21 =	vmul.f32 v21, v13;
	v44 =	vld [tilespmem:$0x1FAC0];
	v17 =	vmul.f32 v17, v14  }
0x124: {  	v61 =	vmul.f32 v23, v45;
	v23 =	vld.idx.msk [tilespmem:v40+s3+$0x0], $0xffff;
	v3 =	vadd.f32 v50, v3;
	v50 =	vimm.s32 $0x188  }
0x125: {  	v18 =	vmul.f32 v18, v10;
	v5 =	vadd.f32 v17, v5;
	v22 =	vld.idx.msk [tilespmem:v60+s3+$0x0], $0xffff;
	v60 =	vimm.s32 $0x1A9  }
0x126: {  	v49 =	vmul.f32 v38, v7;
	v38 =	vimm.s32 $0x189;
	v41 =	vmul.f32 v25, v51;
	v25 =	vld.idx.msk [tilespmem:v42+s3+$0x0], $0xffff  }
0x127: {  	v53 =	vmul.f32 v39, v12;
	v27 =	vld.idx.msk [tilespmem:v63+s3+$0x0], $0xffff;
	v63 =	vimm.s32 $0x198;
	v5 =	vadd.f32 v21, v5  }
0x128: {  	v40 =	vimm.s32 $0x1B9;
	v2 =	vadd.f32 v62, v2;
	v62 =	vmul.f32 v29, v12;
	v21 =	vld.idx.msk [tilespmem:v54+s3+$0x0], $0xffff  }
0x129: {  	v3 =	vadd.f32 v57, v3;
	v57 =	vimm.s32 $0x107;
	v5 =	vadd.f32 v53, v5;
	v17 =	vld.idx.msk [tilespmem:v50+s3+$0x0], $0xffff  }
0x12a: {  	v39 =	vmul.f32 v30, v10;
	v29 =	vmul.f32 v26, v11;
	v26 =	vld.idx.msk [tilespmem:v60+s3+$0x0], $0xffff  }
0x12b: {  	v2 =	vadd.f32 v49, v2;
	v53 =	vimm.s32 $0xF7;
	v5 =	vadd.f32 v18, v5;
	v18 =	vld.idx.msk [tilespmem:v38+s3+$0x0], $0xffff  }
0x12c: {  	v3 =	vadd.f32 v62, v3;
	v62 =	vmul.f32 v47, v1;
	v47 =	vimm.s32 $0x137;
	v28 =	vld.idx.msk [tilespmem:v63+s3+$0x0], $0xffff  }
0x12d: {  	v42 =	vimm.s32 $0x1A8;
	v54 =	vmul.f32 v23, v51;
	v49 =	vmul.f32 v27, v9;
	v27 =	vld.idx.msk [tilespmem:v40+s3+$0x0], $0xffff  }
0x12e: {  	v2 =	vadd.f32 v61, v2;
	v22 =	vmul.f32 v22, v46;
	v50 =	vimm.s32 $0x1C9;
	v23 =	vld.idx.msk [tilespmem:v57+s3+$0x0], $0xffff  }
0x12f: {  	v52 =	vmul.f32 v32, v8;
	v32 =	vimm.s32 $0x117;
	v20 =	vadd.f32 v39, v3;
	v57 =	vld [tilespmem:$0x1FAE0]  }
0x130: {  	v4 =	vadd.f32 v59, v4;
	v59 =	vmul.f32 v33, v9;
	v2 =	vadd.f32 v22, v2;
	v22 =	vld.idx.msk [tilespmem:v53+s3+$0x0], $0xffff  }
0x131: {  	v58 =	vmul.f32 v25, v7;
	v5 =	vadd.f32 v29, v5;
	v20 =	vadd.f32 v43, v20;
	v29 =	vld.idx.msk [tilespmem:v47+s3+$0x0], $0xffff  }
0x132: {  	v3 =	vadd.f32 v41, v4;
	v21 =	vmul.f32 v21, v8;
	v41 =	vmul.f32 v26, v45;
	v26 =	vld.idx.msk [tilespmem:v42+s3+$0x0], $0xffff  }
0x133: {  	v61 =	vmul.f32 v34, v0;
	v34 =	vimm.s32 $0x127;
	v20 =	vadd.f32 v52, v20;
	v25 =	vld.idx.msk [tilespmem:v50+s3+$0x0], $0xffff  }
0x134: {  	v53 =	vimm.s32 $0x1B8;
	v48 =	vadd.f32 v21, v5;
	v50 =	vld [tilespmem:$0x1FB30]  }
0x135: {  	v31 =	vadd.f32 v59, v20;
	v20 =	vld.idx.msk [tilespmem:v32+s3+$0x0], $0xffff  }
0x136: {  	v4 =	vadd.f32 v49, v48;
	v48 =	vimm.s32 $0x147;
	v49 =	vld [tilespmem:$0x1FAD0]  }
0x137: {  	v17 =	vmul.f32 v17, v6;
	v18 =	vmul.f32 v18, v6;
	v32 =	vld [tilespmem:$0x1FB00]  }
0x138: {  	v52 =	vmul.f32 v27, v46;
	v33 =	vmul.f32 v22, v16;
	v22 =	vld.idx.msk [tilespmem:v34+s3+$0x0], $0xffff  }
0x139: {  	v4 =	vadd.f32 v18, v4;
	v5 =	vadd.f32 v17, v31;
	v27 =	vld.idx.msk [tilespmem:v53+s3+$0x0], $0xffff;
	v31 =	vimm.s32 $0x177  }
0x13a: {  	v18 =	vadd.f32 v62, v61;
	v61 =	vld [tilespmem:$0x1FAF0];
	v34 =	vimm.s32 $0x105  }
0x13b: {  	v53 =	vimm.s32 $0x164;
	v4 =	vadd.f32 v58, v4;
	v21 =	vld.idx.msk [tilespmem:v48+s3+$0x0], $0xffff  }
0x13c: {  	v38 =	vmul.f32 v36, v0;
	v39 =	vmul.f32 v35, v1;
	v48 =	vld [tilespmem:$0x1FB20]  }
0x13d: {  	v4 =	vadd.f32 v41, v4;
	v41 =	vld [tilespmem:$0x1FB10]  }
0x13e: {  	v17 =	vadd.f32 v39, v38;
	v39 =	vimm.s32 $0x166;
	v63 =	vmul.f32 v25, v51;
	v25 =	vld.idx.msk [tilespmem:v31+s3+$0x0], $0xffff  }
0x13f: {  	v23 =	vmul.f32 v23, v15;
	v18 =	vadd.f32 v33, v18;
	v35 =	vld.idx.msk [tilespmem:v34+s3+$0x0], $0xffff  }
0x140: {  	v2 =	vadd.f32 v54, v2;
	v43 =	vmul.f32 v28, v7;
	v31 =	vld.idx.msk [tilespmem:v53+s3+$0x0], $0xffff  }
0x141: {  	v58 =	vimm.s32 $0x157;
	v20 =	vmul.f32 v20, v14;
	v18 =	vadd.f32 v23, v18;
	v53 =	vld [tilespmem:$0x1FB90]  }
0x142: {  	v42 =	vimm.s32 $0x176;
	v28 =	vmul.f32 v44, v16;
	v62 =	vimm.s32 $0x1C8;
	v34 =	vld [tilespmem:$0x1FC00]  }
0x143: {  	v54 =	vmul.f32 v26, v45;
	v5 =	vadd.f32 v43, v5;
	v18 =	vadd.f32 v20, v18;
	v20 =	vld.idx.msk [tilespmem:v39+s3+$0x0], $0xffff  }
0x144: {  	v17 =	vadd.f32 v28, v17;
	v23 =	vmul.f32 v49, v15;
	v4 =	vadd.f32 v52, v4;
	v52 =	vld [tilespmem:$0x1FB40]  }
0x145: {  	v60 =	vimm.s32 $0x167;
	v5 =	vadd.f32 v54, v5;
	v27 =	vmul.f32 v27, v46;
	v39 =	vld [tilespmem:$0x1FB60]  }
0x146: {  	v26 =	vmul.f32 v57, v14;
	v49 =	vimm.s32 $0x186;
	v17 =	vadd.f32 v23, v17;
	v28 =	vld.idx.msk [tilespmem:v58+s3+$0x0], $0xffff  }
0x147: {  	v44 =	vimm.s32 $0x187;
	v22 =	vmul.f32 v22, v13;
	v5 =	vadd.f32 v27, v5;
	v27 =	vld.idx.msk [tilespmem:v42+s3+$0x0], $0xffff  }
0x148: {  	v59 =	vmul.f32 v29, v12;
	v23 =	vmul.f32 v61, v13;
	v17 =	vadd.f32 v26, v17;
	v26 =	vld.idx.msk [tilespmem:v62+s3+$0x0], $0xffff  }
0x149: {  	v57 =	vimm.s32 $0x115;
	v58 =	vld [tilespmem:$0x1FB50];
	v18 =	vadd.f32 v22, v18;
	v62 =	vimm.s32 $0x197  }
0x14a: {  	v33 =	vmul.f32 v32, v12;
	v22 =	vld.idx.msk [tilespmem:v60+s3+$0x0], $0xffff;
	v21 =	vmul.f32 v21, v10;
	v23 =	vadd.f32 v23, v17  }
0x14b: {  	v18 =	vadd.f32 v59, v18;
	v47 =	vmul.f32 v25, v9;
	v38 =	vmul.f32 v28, v11;
	v28 =	vld.idx.msk [tilespmem:v49+s3+$0x0], $0xffff  }
0x14c: {  	v59 =	vimm.s32 $0x125;
	v40 =	vadd.f32 v33, v23;
	v23 =	vmul.f32 v41, v10;
	v33 =	vld [tilespmem:$0x1FBF0]  }
0x14d: {  	v25 =	vmul.f32 v48, v11;
	v36 =	vadd.f32 v21, v18;
	v43 =	vmul.f32 v26, v51;
	v26 =	vld.idx.msk [tilespmem:v44+s3+$0x0], $0xffff  }
0x14e: {  	v61 =	vmul.f32 v27, v9;
	v41 =	vimm.s32 $0x135;
	v27 =	vld.idx.msk [tilespmem:v62+s3+$0x0], $0xffff;
	v21 =	vadd.f32 v23, v40  }
0x14f: {  	v48 =	vimm.s32 $0x1A7;
	v40 =	vld [tilespmem:$0x1FB70]  }
0x150: {  	v54 =	vadd.f32 v25, v21;
	v21 =	vld.idx.msk [tilespmem:v57+s3+$0x0], $0xffff  }
0x151: {  	v17 =	vadd.f32 v63, v4;
	v22 =	vmul.f32 v22, v8;
	v4 =	vadd.f32 v38, v36;
	v25 =	vld.idx.msk [tilespmem:v59+s3+$0x0], $0xffff  }
0x152: {  	v29 =	vmul.f32 v52, v1;
	v59 =	vld [tilespmem:$0x1FBA0]  }
0x153: {  	v20 =	vmul.f32 v20, v8;
	v38 =	vimm.s32 $0x196;
	v4 =	vadd.f32 v22, v4;
	v32 =	vld.idx.msk [tilespmem:v41+s3+$0x0], $0xffff  }
0x154: {  	v22 =	vmul.f32 v50, v0;
	v50 =	vimm.s32 $0x1A6;
	v63 =	vmul.f32 v28, v6;
	v28 =	vld.idx.msk [tilespmem:v48+s3+$0x0], $0xffff  }
0x155: {  	v62 =	vimm.s32 $0x1B6;
	v5 =	vadd.f32 v43, v5;
	v43 =	vimm.s32 $0x145;
	v41 =	vld [tilespmem:$0x1FBC0]  }
0x156: {  	v23 =	vmul.f32 v58, v16;
	v36 =	vmul.f32 v35, v15;
	v48 =	vld [tilespmem:$0x1FBD0];
	v22 =	vadd.f32 v29, v22  }
0x157: {  	v58 =	vimm.s32 $0x165;
	v4 =	vadd.f32 v47, v4;
	v18 =	vadd.f32 v20, v54;
	v47 =	vld [tilespmem:$0x1FB80]  }
0x158: {  	v60 =	vmul.f32 v26, v6;
	v54 =	vimm.s32 $0x155;
	v29 =	vld.idx.msk [tilespmem:v38+s3+$0x0], $0xffff;
	v22 =	vadd.f32 v23, v22  }
0x159: {  	v26 =	vmul.f32 v39, v0;
	v49 =	vmul.f32 v27, v7;
	v38 =	vimm.s32 $0x175;
	v27 =	vld.idx.msk [tilespmem:v50+s3+$0x0], $0xffff  }
0x15a: {  	v30 =	vmul.f32 v40, v1;
	v40 =	vimm.s32 $0x185;
	v42 =	vadd.f32 v36, v22;
	v22 =	vld.idx.msk [tilespmem:v43+s3+$0x0], $0xffff  }
0x15b: {  	v18 =	vadd.f32 v61, v18;
	v4 =	vadd.f32 v60, v4;
	v61 =	vmul.f32 v28, v45;
	v28 =	vld.idx.msk [tilespmem:v62+s3+$0x0], $0xffff  }
0x15c: {  	v60 =	vimm.s32 $0x1B7;
	v21 =	vmul.f32 v21, v14;
	v44 =	vadd.f32 v30, v26;
	v36 =	vld [tilespmem:$0x1FBB0]  }
0x15d: {  	v4 =	vadd.f32 v49, v4;
	v49 =	vimm.s32 $0x195;
	v26 =	vmul.f32 v47, v16;
	v30 =	vld.idx.msk [tilespmem:v54+s3+$0x0], $0xffff  }
0x15e: {  	v25 =	vmul.f32 v25, v13;
	v57 =	vmul.f32 v32, v12;
	v20 =	vadd.f32 v21, v42;
	v32 =	vld.idx.msk [tilespmem:v38+s3+$0x0], $0xffff  }
0x15f: {  	v52 =	vmul.f32 v29, v7;
	v29 =	vmul.f32 v53, v15;
	v53 =	vld [tilespmem:$0x1FBE0];
	v23 =	vadd.f32 v26, v44  }
0x160: {  	v26 =	vmul.f32 v59, v14;
	v59 =	vimm.s32 $0x194;
	v20 =	vadd.f32 v25, v20;
	v25 =	vld.idx.msk [tilespmem:v58+s3+$0x0], $0xffff  }
0x161: {  	v42 =	vimm.s32 $0x1C7;
	v23 =	vadd.f32 v29, v23;
	v29 =	vld.idx.msk [tilespmem:v60+s3+$0x0], $0xffff  }
0x162: {  	v22 =	vmul.f32 v22, v10;
	v20 =	vadd.f32 v57, v20;
	v39 =	vmul.f32 v30, v11;
	v30 =	vld.idx.msk [tilespmem:v49+s3+$0x0], $0xffff  }
0x163: {  	v44 =	vimm.s32 $0x1C6;
	v23 =	vadd.f32 v26, v23;
	v26 =	vmul.f32 v41, v12;
	v41 =	vld [tilespmem:$0x1FC10]  }
0x164: {  	v35 =	vimm.s32 $0x113;
	v20 =	vadd.f32 v22, v20;
	v22 =	vld.idx.msk [tilespmem:v40+s3+$0x0], $0xffff  }
0x165: {  	v18 =	vadd.f32 v63, v18;
	v63 =	vmul.f32 v27, v45;
	v27 =	vmul.f32 v36, v13;
	v60 =	vld.idx.msk [tilespmem:v59+s3+$0x0], $0xffff  }
0x166: {  	v59 =	vld [tilespmem:$0x1FC50]  }
0x167: {  	v18 =	vadd.f32 v52, v18;
	v52 =	vimm.s32 $0x174;
	v23 =	vadd.f32 v27, v23;
	v27 =	vld.idx.msk [tilespmem:v42+s3+$0x0], $0xffff  }
0x168: {  	v43 =	vmul.f32 v29, v46;
	v29 =	vld.idx.msk [tilespmem:v44+s3+$0x0], $0xffff  }
0x169: {  	v54 =	vimm.s32 $0x184;
	v4 =	vadd.f32 v61, v4;
	v58 =	vimm.s32 $0x1A5;
	v44 =	vld [tilespmem:$0x1FC30]  }
0x16a: {  	v25 =	vmul.f32 v25, v8;
	v20 =	vadd.f32 v39, v20;
	v61 =	vmul.f32 v30, v7;
	v30 =	vld.idx.msk [tilespmem:v35+s3+$0x0], $0xffff  }
0x16b: {  	v47 =	vmul.f32 v28, v46;
	v18 =	vadd.f32 v63, v18;
	v42 =	vimm.s32 $0x1A4;
	v35 =	vld [tilespmem:$0x1FC60]  }
0x16c: {  	v28 =	vmul.f32 v48, v10;
	v23 =	vadd.f32 v26, v23;
	v20 =	vadd.f32 v25, v20;
	v25 =	vld.idx.msk [tilespmem:v52+s3+$0x0], $0xffff  }
0x16d: {  	v62 =	vimm.s32 $0x192;
	v4 =	vadd.f32 v43, v4;
	v43 =	vld [tilespmem:$0x1FC20]  }
0x16e: {  	v50 =	vmul.f32 v32, v9;
	v18 =	vadd.f32 v47, v18;
	v23 =	vadd.f32 v28, v23;
	v28 =	vld.idx.msk [tilespmem:v54+s3+$0x0], $0xffff  }
0x16f: {  	v47 =	vimm.s32 $0x123;
	v26 =	vmul.f32 v53, v11;
	v57 =	vmul.f32 v27, v51;
	v27 =	vld.idx.msk [tilespmem:v58+s3+$0x0], $0xffff  }
0x170: {  	v31 =	vmul.f32 v31, v8;
	v39 =	vimm.s32 $0x1B5;
	v32 =	vld.idx.msk [tilespmem:v42+s3+$0x0], $0xffff  }
0x171: {  	v21 =	vmul.f32 v33, v0;
	v20 =	vadd.f32 v50, v20;
	v50 =	vld [tilespmem:$0x1FC40];
	v26 =	vadd.f32 v26, v23  }
0x172: {  	v29 =	vmul.f32 v29, v51;
	v23 =	vld.idx.msk [tilespmem:v62+s3+$0x0], $0xffff;
	v4 =	vadd.f32 v57, v4;
	v57 =	vimm.s32 $0x1B4  }
0x173: {  	v40 =	vmul.f32 v60, v7;
	v60 =	vimm.s32 $0x143;
	v33 =	vmul.f32 v44, v1;
	v44 =	vld [tilespmem:$0x1FC80]  }
0x174: {  	v18 =	vadd.f32 v29, v18;
	v29 =	vmul.f32 v34, v1;
	v34 =	vld.idx.msk [tilespmem:v47+s3+$0x0], $0xffff  }
0x175: {  	v63 =	vadd.f32 v31, v26;
	v38 =	vmul.f32 v28, v6;
	v28 =	vld.idx.msk [tilespmem:v39+s3+$0x0], $0xffff  }
0x176: {  	v31 =	vimm.s32 $0x103;
	v39 =	vld [tilespmem:$0x1FC70];
	v36 =	vmul.f32 v27, v45;
	v27 =	vmul.f32 v43, v0  }
0x177: {  	v22 =	vmul.f32 v22, v6;
	v62 =	vimm.s32 $0x1A2;
	v54 =	vmul.f32 v30, v14;
	v30 =	vld.idx.msk [tilespmem:v57+s3+$0x0], $0xffff  }
0x178: {  	v25 =	vmul.f32 v25, v9;
	v27 =	vadd.f32 v33, v27;
	v33 =	vld.idx.msk [tilespmem:v60+s3+$0x0], $0xffff  }
0x179: {  	v52 =	vimm.s32 $0x1C5;
	v20 =	vadd.f32 v22, v20;
	v57 =	vld [tilespmem:$0x1FCC0]  }
0x17a: {  	v22 =	vadd.f32 v25, v63;
	v60 =	vld [tilespmem:$0x1FCE0]  }
0x17b: {  	v20 =	vadd.f32 v61, v20;
	v21 =	vadd.f32 v29, v21;
	v43 =	vimm.s32 $0x1D2;
	v26 =	vld.idx.msk [tilespmem:v31+s3+$0x0], $0xffff  }
0x17c: {  	v22 =	vadd.f32 v38, v22;
	v31 =	vmul.f32 v41, v16;
	v53 =	vmul.f32 v28, v46;
	v28 =	vld.idx.msk [tilespmem:v62+s3+$0x0], $0xffff  }
0x17d: {  	v29 =	vmul.f32 v50, v16;
	v58 =	vmul.f32 v32, v45;
	v20 =	vadd.f32 v36, v20;
	v62 =	vld [tilespmem:$0x1FCF0]  }
0x17e: {  	v36 =	vimm.s32 $0x153;
	v22 =	vadd.f32 v40, v22;
	v21 =	vadd.f32 v31, v21;
	v31 =	vld.idx.msk [tilespmem:v52+s3+$0x0], $0xffff  }
0x17f: {  	v49 =	vimm.s32 $0x133;
	v52 =	vld [tilespmem:$0x1FCA0]  }
0x180: {  	v27 =	vadd.f32 v29, v27;
	v29 =	vadd.f32 v58, v22;
	v22 =	vld.idx.msk [tilespmem:v43+s3+$0x0], $0xffff  }
0x181: {  	v32 =	vmul.f32 v59, v15;
	v20 =	vadd.f32 v53, v20;
	v53 =	vld [tilespmem:$0x1FCB0]  }
0x182: {  	v38 =	vimm.s32 $0x1B2;
	v58 =	vld [tilespmem:$0x1FCD0]  }
0x183: {  	v50 =	vimm.s32 $0x173;
	v63 =	vadd.f32 v32, v27;
	v32 =	vld.idx.msk [tilespmem:v36+s3+$0x0], $0xffff  }
0x184: {  	v41 =	vimm.s32 $0x1C2;
	v48 =	vmul.f32 v26, v15;
	v26 =	vld.idx.msk [tilespmem:v49+s3+$0x0], $0xffff  }
0x185: {  	v59 =	vimm.s32 $0x193;
	v49 =	vld [tilespmem:$0x1FC90]  }
0x186: {  	v61 =	vmul.f32 v34, v13;
	v27 =	vmul.f32 v35, v14;
	v43 =	vld [tilespmem:$0x1FD00];
	v21 =	vadd.f32 v48, v21  }
0x187: {  	v47 =	vimm.s32 $0x163;
	v34 =	vld.idx.msk [tilespmem:v38+s3+$0x0], $0xffff;
	v30 =	vmul.f32 v30, v46;
	v42 =	vmul.f32 v33, v10  }
0x188: {  	v33 =	vld.idx.msk [tilespmem:v50+s3+$0x0], $0xffff;
	v31 =	vmul.f32 v31, v51;
	v35 =	vmul.f32 v1, v53;
	v21 =	vadd.f32 v54, v21  }
0x189: {  	v25 =	vld.idx.msk [tilespmem:v41+s3+$0x0], $0xffff;
	v48 =	vmul.f32 v32, v11;
	v54 =	vimm.s32 $0x183;
	v26 =	vmul.f32 v26, v12  }
0x18a: {  	v53 =	vld [tilespmem:$0x1FD30];
	v32 =	vmul.f32 v49, v10;
	v49 =	vimm.s32 $0x1D3;
	v21 =	vadd.f32 v61, v21  }
0x18b: {  	v27 =	vadd.f32 v27, v63;
	v20 =	vadd.f32 v31, v20;
	v31 =	vld.idx.msk [tilespmem:v59+s3+$0x0], $0xffff  }
0x18c: {  	v40 =	vmul.f32 v39, v13;
	v26 =	vadd.f32 v26, v21;
	v21 =	vadd.f32 v30, v29;
	v30 =	vld.idx.msk [tilespmem:v47+s3+$0x0], $0xffff  }
0x18d: {  	v61 =	vimm.s32 $0x1A3;
	v29 =	vmul.f32 v44, v12;
	v44 =	vld [tilespmem:$0x1FD10]  }
0x18e: {  	v27 =	vadd.f32 v40, v27;
	v36 =	vld.idx.msk [tilespmem:v54+s3+$0x0], $0xffff  }
0x18f: {  	v40 =	vld.idx.msk [tilespmem:v49+s3+$0x0], $0xffff  }
0x190: {  	v27 =	vadd.f32 v29, v27;
	v29 =	vmul.f32 v0, v52;
	v0 =	vmul.f32 v0, v57;
	v57 =	vld [tilespmem:$0x1FD40]  }
0x191: {  	v47 =	vimm.s32 $0x1C3;
	v26 =	vadd.f32 v42, v26;
	v49 =	vld [tilespmem:$0x1FD90]  }
0x192: {  	v29 =	vadd.f32 v35, v29;
	v35 =	vld.idx.msk [tilespmem:v61+s3+$0x0], $0xffff  }
0x193: {  	v1 =	vmul.f32 v1, v58;
	v42 =	vimm.s32 $0x1B3;
	v26 =	vadd.f32 v48, v26;
	v48 =	vld [tilespmem:$0x1FD20]  }
0x194: {  	v54 =	vimm.s32 $0x1C4;
	v27 =	vadd.f32 v32, v27;
	v32 =	vmul.f32 v16, v60;
	v60 =	vld [tilespmem:$0x1FD50]  }
0x195: {  	v59 =	vimm.s32 $0x1D4;
	v61 =	vld [tilespmem:$0x1FD60]  }
0x196: {  	v0 =	vadd.f32 v1, v0;
	v1 =	vmul.f32 v16, v62;
	v39 =	vld.idx.msk [tilespmem:v47+s3+$0x0], $0xffff  }
0x197: {  	v62 =	vimm.s32 $0x1D5;
	v38 =	vmul.f32 v15, v44;
	v44 =	vld [tilespmem:$0x1FD80];
	v29 =	vadd.f32 v29, v32  }
0x198: {  	v63 =	vmul.f32 v30, v8;
	v32 =	vmul.f32 v43, v11;
	v30 =	vld.idx.msk [tilespmem:v42+s3+$0x0], $0xffff  }
0x199: {  	v52 =	vadd.f32 v29, v38;
	v29 =	vld.idx.msk [tilespmem:v54+s3+$0x0], $0xffff  }
0x19a: {  	v50 =	vadd.f32 v32, v27;
	v32 =	vld.idx.msk [tilespmem:v59+s3+$0x0], $0xffff  }
0x19b: {  	v58 =	vmul.f32 v33, v9;
	v16 =	vadd.f32 v63, v26;
	v27 =	vmul.f32 v14, v53;
	v53 =	vld [tilespmem:$0x1FDA0]  }
0x19c: {  	v38 =	vld.idx.msk [tilespmem:v62+s3+$0x0], $0xffff  }
0x19d: {  	v0 =	vadd.f32 v0, v1;
	v59 =	vimm.s32 $0x1D9;
	v63 =	vadd.f32 v58, v16;
	v16 =	vld [tilespmem:$0x1FD70]  }
0x19e: {  	v1 =	vmul.f32 v15, v48;
	v26 =	vadd.f32 v52, v27;
	v27 =	vmul.f32 v60, v8;
	v60 =	vld [tilespmem:$0x1FDC0]  }
0x19f: {  	v47 =	vmul.f32 v12, v44;
	v44 =	vld [tilespmem:$0x1FDF0]  }
0x1a0: {  	v42 =	vimm.s32 $0x1D6;
	v0 =	vadd.f32 v0, v1;
	v1 =	vmul.f32 v14, v57;
	v57 =	vld [tilespmem:$0x1FDB0]  }
0x1a1: {  	v48 =	vimm.s32 $0x1D7;
	v27 =	vadd.f32 v27, v50;
	v50 =	vmul.f32 v36, v6;
	v36 =	vld [tilespmem:$0x1FDE0]  }
0x1a2: {  	v33 =	vmul.f32 v13, v61;
	v61 =	vimm.s32 $0x1DA;
	v15 =	vld.idx.msk [tilespmem:v59+s3+$0x0], $0xffff  }
0x1a3: {  	v54 =	vmul.f32 v53, v9;
	v53 =	vld [tilespmem:$0x1FE30]  }
0x1a4: {  	v23 =	vmul.f32 v23, v7;
	v28 =	vmul.f32 v28, v45;
	v59 =	vld [tilespmem:$0x1FE50]  }
0x1a5: {  	v43 =	vadd.f32 v26, v33;
	v0 =	vadd.f32 v0, v1;
	v1 =	vmul.f32 v13, v16;
	v16 =	vld.idx.msk [tilespmem:v42+s3+$0x0], $0xffff  }
0x1a6: {  	v31 =	vmul.f32 v31, v7;
	v62 =	vimm.s32 $0x1DB;
	v52 =	vimm.s32 $0x1D8;
	v13 =	vld.idx.msk [tilespmem:v48+s3+$0x0], $0xffff  }
0x1a7: {  	v35 =	vmul.f32 v35, v45;
	v29 =	vmul.f32 v29, v51;
	v26 =	vadd.f32 v43, v47;
	v41 =	vld.idx.msk [tilespmem:v61+s3+$0x0], $0xffff  }
0x1a8: {  	v42 =	vimm.s32 $0x1DC;
	v43 =	vimm.s32 $0x1DD;
	v47 =	vld [tilespmem:$0x1FE00];
	v38 =	vadd.f32 v20, v38  }
0x1a9: {  	v48 =	vld [tilespmem:$0x1FE10];
	v20 =	vperm.xlane v20, v37;
	v27 =	vadd.f32 v54, v27;
	v54 =	vimm.s32 $0x1CF  }
0x1aa: {  	v61 =	vld [tilespmem:$0x1FE60];
	v29 =	vadd.f32 v29, v21;
	v0 =	vadd.f32 v0, v1;
	v1 =	vmul.f32 v49, v12  }
0x1ab: {  	v14 =	vld.idx.msk [tilespmem:v52+s3+$0x0], $0xffff;
	v58 =	vmul.f32 v10, v57;
	v12 =	vadd.f32 v50, v63;
	v10 =	vmul.f32 v60, v10  }
0x1ac: {  	v63 =	vld [tilespmem:$0x1FDD0];
	v49 =	vimm.s32 $0x1CE;
	v50 =	vimm.s32 $0x1DE;
	v57 =	vimm.s32 $0x1DF  }
0x1ad: {  	v52 =	vld [tilespmem:$0x1FE20];
	v60 =	vimm.s32 $0x1E0;
	v20 =	vadd.f32 v20, v38;
	v1 =	vadd.f32 v0, v1  }
0x1ae: {  	v38 =	vimm.s32 $0x1FA;
	v26 =	vadd.f32 v26, v58;
	v0 =	vld.idx.msk [tilespmem:v62+s3+$0x0], $0xffff;
	v12 =	vadd.f32 v31, v12  }
0x1af: {  	v58 =	vld [tilespmem:$0x1FE40];
	v62 =	vimm.s32 $0x1E5;
	v41 =	vadd.f32 v2, v41;
	v16 =	vadd.f32 v18, v16  }
0x1b0: {  	v18 =	vperm.xlane v18, v37;
	v2 =	vperm.xlane v2, v37;
	v10 =	vadd.f32 v1, v10;
	v1 =	vld.idx.msk [tilespmem:v42+s3+$0x0], $0xffff  }
0x1b1: {  	v15 =	vadd.f32 v17, v15;
	v42 =	vmul.f32 v8, v47;
	v33 =	vmul.f32 v11, v63;
	v31 =	vld.idx.msk [tilespmem:v49+s3+$0x0], $0xffff  }
0x1b2: {  	v12 =	vadd.f32 v35, v12;
	v11 =	vmul.f32 v36, v11;
	v36 =	vmul.f32 v44, v6;
	v44 =	vld [tilespmem:$0x1FE80]  }
0x1b3: {  	v8 =	vmul.f32 v48, v8;
	v16 =	vadd.f32 v18, v16;
	v26 =	vadd.f32 v26, v33;
	v33 =	vld.idx.msk [tilespmem:v43+s3+$0x0], $0xffff  }
0x1b4: {  	v47 =	vimm.s32 $0x1EF;
	v11 =	vadd.f32 v10, v11;
	v27 =	vadd.f32 v36, v27;
	v10 =	vld.idx.msk [tilespmem:v50+s3+$0x0], $0xffff  }
0x1b5: {  	v36 =	vmul.f32 v9, v52;
	v9 =	vmul.f32 v53, v9;
	v43 =	vimm.s32 $0x1EA;
	v53 =	vld [tilespmem:$0x1FEA0]  }
0x1b6: {  	v49 =	vimm.s32 $0x1F4;
	v26 =	vadd.f32 v26, v42;
	v11 =	vadd.f32 v11, v8;
	v42 =	vld.idx.msk [tilespmem:v54+s3+$0x0], $0xffff  }
0x1b7: {  	v63 =	vmul.f32 v30, v46;
	v2 =	vadd.f32 v2, v41;
	v8 =	vld.idx.msk [tilespmem:v57+s3+$0x0], $0xffff;
	v23 =	vadd.f32 v23, v27  }
0x1b8: {  	v27 =	vmul.f32 v7, v61;
	v54 =	vimm.s32 $0x1F9;
	v9 =	vadd.f32 v11, v9;
	v11 =	vld.idx.msk [tilespmem:v60+s3+$0x0], $0xffff  }
0x1b9: {  	v57 =	vmul.f32 v34, v46;
	v26 =	vadd.f32 v26, v36;
	v36 =	vmul.f32 v6, v58;
	v58 =	vld [tilespmem:$0x1FEB0]  }
0x1ba: {  	v61 =	vimm.s32 $0x203;
	v31 =	vmul.f32 v31, v51;
	v6 =	vmul.f32 v59, v6;
	v30 =	vld.idx.msk [tilespmem:v43+s3+$0x0], $0xffff  }
0x1bb: {  	v50 =	vadd.f32 v28, v23;
	v59 =	vimm.s32 $0x1FE;
	v43 =	vld.idx.msk [tilespmem:v49+s3+$0x0], $0xffff;
	v33 =	vadd.f32 v24, v33  }
0x1bc: {  	v49 =	vmul.f32 v25, v51;
	v24 =	vperm.xlane v24, v37;
	v26 =	vadd.f32 v26, v36;
	v36 =	vld [tilespmem:$0x1FE70]  }
0x1bd: {  	v60 =	vld [tilespmem:$0x1FEC0];
	v31 =	vadd.f32 v31, v56;
	v56 =	vimm.s32 $0x1EC;
	v6 =	vadd.f32 v9, v6  }
0x1be: {  	v48 =	vld [tilespmem:$0x1FE90];
	v9 =	vadd.f32 v63, v12;
	v26 =	vadd.f32 v26, v27;
	v27 =	vmul.f32 v45, v44  }
0x1bf: {  	v35 =	vld.idx.msk [tilespmem:v62+s3+$0x0], $0xffff;
	v63 =	vimm.s32 $0x208;
	v42 =	vmul.f32 v42, v51;
	v24 =	vadd.f32 v24, v33  }
0x1c0: {  	v62 =	vld [tilespmem:$0x1FED0];
	v10 =	vadd.f32 v31, v10;
	v52 =	vadd.f32 v26, v27;
	v26 =	vmul.f32 v46, v53  }
0x1c1: {  	v44 =	vld.idx.msk [tilespmem:v61+s3+$0x0], $0xffff;
	v28 =	vmul.f32 v58, v46;
	v58 =	vimm.s32 $0x21C;
	v7 =	vmul.f32 v36, v7  }
0x1c2: {  	v61 =	vimm.s32 $0x226;
	v53 =	vld [tilespmem:$0x1FEE0];
	v23 =	vadd.f32 v52, v26;
	v26 =	vmul.f32 v51, v60  }
0x1c3: {  	v34 =	vld.idx.msk [tilespmem:v59+s3+$0x0], $0xffff;
	v6 =	vadd.f32 v6, v7;
	v7 =	vmul.f32 v48, v45;
	v48 =	vimm.s32 $0x20D  }
0x1c4: {  	v59 =	vimm.s32 $0x221;
	v42 =	vadd.f32 v42, v55;
	v27 =	vld.idx.msk [tilespmem:v54+s3+$0x0], $0xffff;
	v52 =	vmul.f32 v39, v51  }
0x1c5: {  	v55 =	vimm.s32 $0x20F;
	v54 =	vimm.s32 $0x217;
	v36 =	vld.idx.msk [tilespmem:v47+s3+$0x0], $0xffff;
	v23 =	vadd.f32 v23, v26  }
0x1c6: {  	v47 =	vld.idx.msk [tilespmem:v58+s3+$0x0], $0xffff;
	v9 =	vadd.f32 v52, v9;
	v58 =	vimm.s32 $0x1E6;
	v6 =	vadd.f32 v6, v7  }
0x1c7: {  	v7 =	vadd.f32 v57, v50;
	v50 =	vimm.s32 $0x212;
	v57 =	vld [tilespmem:$0x1FEF0];
	v26 =	vadd.f32 v23, v53  }
0x1c8: {  	v23 =	vperm.xlane v23, v37;
	v40 =	vadd.f32 v9, v40;
	v53 =	vimm.s32 $0x1E1;
	v46 =	vld.idx.msk [tilespmem:v48+s3+$0x0], $0xffff  }
0x1c9: {  	v6 =	vadd.f32 v6, v28;
	v28 =	vmul.f32 v62, v51;
	v7 =	vadd.f32 v49, v7;
	v48 =	vld.idx.msk [tilespmem:v59+s3+$0x0], $0xffff  }
0x1ca: {  	v23 =	vadd.f32 v23, v26;
	v26 =	vld.idx.msk [tilespmem:v61+s3+$0x0], $0xffff;
	v59 =	vimm.s32 $0x1EB;
	v61 =	vimm.s32 $0x1F0  }
0x1cb: {  	v6 =	vadd.f32 v6, v28;
	v22 =	vadd.f32 v7, v22;
	v60 =	vperm.xlane v7, v37  }
0x1cc: {  	v62 =	vimm.s32 $0x22B;
	v49 =	vperm.xlane v9, v37;
	v28 =	vld.idx.msk [tilespmem:v50+s3+$0x0], $0xffff;
	v50 =	vimm.s32 $0x230  }
0x1cd: {  	v45 =	vld.idx.msk [tilespmem:v63+s3+$0x0], $0xffff;
	v12 =	vadd.f32 v6, v57;
	v6 =	vperm.xlane v6, v37;
	v63 =	vadd.f32 v60, v22  }
0x1ce: {  	v39 =	vld.idx.msk [tilespmem:v54+s3+$0x0], $0xffff;
	v51 =	vadd.f32 v29, v32;
	v54 =	vadd.f32 v49, v40;
	v57 =	vperm.xlane v29, v37  }
0x1cf: {  	v12 =	vadd.f32 v6, v12;
	v6 =	vmax.f32 v23, $0.0e+00;
	v9 =	vmax.f32 v63, $0.0e+00;
	v40 =	vld.idx.msk [tilespmem:v59+s3+$0x0], $0xffff  }
0x1d0: {  	v60 =	vadd.f32 v57, v51;
	v49 =	vld.idx.msk [tilespmem:v61+s3+$0x0], $0xffff;
	v59 =	vimm.s32 $0x209;
	v61 =	vimm.s32 $0x20E  }
0x1d1: {  	v11 =	vmul.f32 v11, v6;
	v30 =	vmul.f32 v30, v9;
	v7 =	vmax.f32 v12, $0.0e+00  }
0x1d2: {  	v21 =	vld.idx.msk [tilespmem:v50+s3+$0x0], $0xffff;
	v12 =	vmax.f32 v60, $0.0e+00;
	v50 =	vadd.f32 v4, v13;
	v4 =	vperm.xlane v4, v37  }
0x1d3: {  	v29 =	vld.idx.msk [tilespmem:v58+s3+$0x0], $0xffff;
	v13 =	vmax.f32 v20, $0.0e+00;
	v60 =	vperm.xlane v5, v37;
	v52 =	vmul.f32 v35, v7  }
0x1d4: {  	v35 =	vld.idx.msk [tilespmem:v53+s3+$0x0], $0xffff;
	v51 =	vmul.f32 v43, v12;
	v53 =	vimm.s32 $0x204;
	v58 =	vmul.f32 v27, v13  }
0x1d5: {  	v4 =	vadd.f32 v4, v50;
	v32 =	vadd.f32 v52, v11;
	v11 =	vmax.f32 v54, $0.0e+00  }
0x1d6: {  	v50 =	vperm.xlane v17, v37;
	v63 =	vmul.f32 v36, v11;
	v36 =	vimm.s32 $0x1F5  }
0x1d7: {  	v23 =	vld.idx.msk [tilespmem:v62+s3+$0x0], $0xffff;
	v54 =	vadd.f32 v5, v14;
	v14 =	vmax.f32 v16, $0.0e+00;
	v62 =	vadd.f32 v30, v32  }
0x1d8: {  	v29 =	vmul.f32 v29, v7;
	v52 =	vimm.s32 $0x1FF;
	v27 =	vld.idx.msk [tilespmem:v59+s3+$0x0], $0xffff;
	v34 =	vmul.f32 v34, v14  }
0x1d9: {  	v5 =	vmax.f32 v4, $0.0e+00;
	v15 =	vadd.f32 v50, v15;
	v32 =	vld.idx.msk [tilespmem:v38+s3+$0x0], $0xffff;
	v22 =	vadd.f32 v63, v62  }
0x1da: {  	v43 =	vld.idx.msk [tilespmem:v53+s3+$0x0], $0xffff;
	v53 =	vmul.f32 v44, v5;
	v62 =	vimm.s32 $0x213;
	v63 =	vadd.f32 v60, v54  }
0x1db: {  	v18 =	vmax.f32 v15, $0.0e+00;
	v54 =	vimm.s32 $0x21D;
	v30 =	vld.idx.msk [tilespmem:v36+s3+$0x0], $0xffff;
	v57 =	vadd.f32 v51, v22  }
0x1dc: {  	v36 =	vld.idx.msk [tilespmem:v61+s3+$0x0], $0xffff;
	v51 =	vimm.s32 $0x218;
	v17 =	vmax.f32 v63, $0.0e+00;
	v61 =	vimm.s32 $0x227  }
0x1dd: {  	v63 =	vperm.xlane v3, v37;
	v60 =	vmul.f32 v45, v17;
	v45 =	vimm.s32 $0x22C  }
0x1de: {  	v38 =	vld.idx.msk [tilespmem:v52+s3+$0x0], $0xffff;
	v32 =	vmul.f32 v32, v13;
	v27 =	vmul.f32 v27, v17;
	v20 =	vadd.f32 v58, v57  }
0x1df: {  	v57 =	vadd.f32 v19, v1;
	v58 =	vimm.s32 $0x222;
	v19 =	vperm.xlane v19, v37;
	v25 =	vld.idx.msk [tilespmem:v62+s3+$0x0], $0xffff  }
0x1e0: {  	v62 =	vadd.f32 v3, v0;
	v3 =	vmax.f32 v2, $0.0e+00;
	v52 =	vadd.f32 v34, v20;
	v20 =	vld.idx.msk [tilespmem:v54+s3+$0x0], $0xffff  }
0x1e1: {  	v54 =	vmul.f32 v28, v3;
	v28 =	vld.idx.msk [tilespmem:v56+s3+$0x0], $0xffff;
	v19 =	vadd.f32 v19, v57;
	v57 =	vimm.s32 $0x1F1  }
0x1e2: {  	v56 =	vimm.s32 $0x214;
	v22 =	vld.idx.msk [tilespmem:v51+s3+$0x0], $0xffff;
	v51 =	vmul.f32 v46, v18;
	v15 =	vadd.f32 v63, v62  }
0x1e3: {  	v1 =	vld.idx.msk [tilespmem:v61+s3+$0x0], $0xffff;
	v61 =	vimm.s32 $0x1FB;
	v59 =	vadd.f32 v53, v52;
	v52 =	vimm.s32 $0x1E2  }
0x1e4: {  	v36 =	vmul.f32 v36, v18;
	v0 =	vld.idx.msk [tilespmem:v45+s3+$0x0], $0xffff;
	v53 =	vimm.s32 $0x1E7;
	v16 =	vmax.f32 v19, $0.0e+00  }
0x1e5: {  	v4 =	vld.idx.msk [tilespmem:v58+s3+$0x0], $0xffff;
	v15 =	vmax.f32 v15, $0.0e+00;
	v62 =	vmul.f32 v47, v16;
	v50 =	vadd.f32 v60, v59  }
0x1e6: {  	v39 =	vmul.f32 v39, v15;
	v59 =	vimm.s32 $0x1F6;
	v60 =	vperm.xlane v31, v37;
	v31 =	vld.idx.msk [tilespmem:v55+s3+$0x0], $0xffff  }
0x1e7: {  	v55 =	vmul.f32 v38, v14;
	v33 =	vld.idx.msk [tilespmem:v57+s3+$0x0], $0xffff;
	v28 =	vmul.f32 v28, v9;
	v2 =	vadd.f32 v51, v50  }
0x1e8: {  	v57 =	vadd.f32 v42, v8;
	v50 =	vmul.f32 v35, v6;
	v51 =	vimm.s32 $0x205;
	v34 =	vld.idx.msk [tilespmem:v52+s3+$0x0], $0xffff  }
0x1e9: {  	v10 =	vadd.f32 v60, v10;
	v41 =	vld.idx.msk [tilespmem:v53+s3+$0x0], $0xffff;
	v52 =	vimm.s32 $0x20A;
	v58 =	vadd.f32 v54, v2  }
0x1ea: {  	v2 =	vmax.f32 v24, $0.0e+00;
	v24 =	vld.idx.msk [tilespmem:v61+s3+$0x0], $0xffff;
	v53 =	vadd.f32 v29, v50;
	v54 =	vmul.f32 v40, v9  }
0x1eb: {  	v40 =	vld.idx.msk [tilespmem:v56+s3+$0x0], $0xffff;
	v8 =	vmax.f32 v10, $0.0e+00;
	v56 =	vimm.s32 $0x1E8;
	v63 =	vmul.f32 v48, v2  }
0x1ec: {  	v45 =	vld.idx.msk [tilespmem:v59+s3+$0x0], $0xffff;
	v48 =	vimm.s32 $0x200;
	v59 =	vimm.s32 $0x219;
	v26 =	vmul.f32 v26, v8  }
0x1ed: {  	v4 =	vmul.f32 v4, v2;
	v39 =	vadd.f32 v39, v58;
	v19 =	vadd.f32 v54, v53  }
0x1ee: {  	v58 =	vmul.f32 v49, v11;
	v61 =	vmul.f32 v33, v11;
	v49 =	vimm.s32 $0x223  }
0x1ef: {  	v53 =	vimm.s32 $0x1E3;
	v35 =	vld.idx.msk [tilespmem:v51+s3+$0x0], $0xffff;
	v51 =	vimm.s32 $0x228;
	v39 =	vadd.f32 v62, v39  }
0x1f0: {  	v34 =	vmul.f32 v34, v6;
	v41 =	vmul.f32 v41, v7;
	v44 =	vld.idx.msk [tilespmem:v52+s3+$0x0], $0xffff;
	v62 =	vimm.s32 $0x21E  }
0x1f1: {  	v19 =	vadd.f32 v58, v19;
	v52 =	vimm.s32 $0x22D;
	v24 =	vmul.f32 v24, v13;
	v47 =	vld.idx.msk [tilespmem:v48+s3+$0x0], $0xffff  }
0x1f2: {  	v39 =	vadd.f32 v63, v39;
	v34 =	vadd.f32 v41, v34;
	v46 =	vld.idx.msk [tilespmem:v59+s3+$0x0], $0xffff;
	v63 =	vperm.xlane v42, v37  }
0x1f3: {  	v58 =	vimm.s32 $0x1E4;
	v48 =	vmul.f32 v30, v12;
	v50 =	vmul.f32 v45, v12;
	v30 =	vld.idx.msk [tilespmem:v49+s3+$0x0], $0xffff  }
0x1f4: {  	v59 =	vmul.f32 v43, v5;
	v54 =	vld.idx.msk [tilespmem:v53+s3+$0x0], $0xffff;
	v49 =	vimm.s32 $0x1F3;
	v60 =	vadd.f32 v28, v34  }
0x1f5: {  	v53 =	vimm.s32 $0x1FC;
	v42 =	vld.idx.msk [tilespmem:v51+s3+$0x0], $0xffff;
	v34 =	vadd.f32 v63, v57;
	v29 =	vadd.f32 v48, v19  }
0x1f6: {  	v26 =	vadd.f32 v26, v39;
	v63 =	vimm.s32 $0x1EE;
	v51 =	vimm.s32 $0x1F8;
	v33 =	vld.idx.msk [tilespmem:v62+s3+$0x0], $0xffff  }
0x1f7: {  	v19 =	vld.idx.msk [tilespmem:v52+s3+$0x0], $0xffff;
	v62 =	vimm.s32 $0x1ED;
	v45 =	vmul.f32 v44, v17;
	v52 =	vmul.f32 v31, v18  }
0x1f8: {  	v44 =	vimm.s32 $0x216;
	v10 =	vadd.f32 v61, v60;
	v29 =	vadd.f32 v32, v29  }
0x1f9: {  	v38 =	vld.idx.msk [tilespmem:v58+s3+$0x0], $0xffff;
	v60 =	vimm.s32 $0x1E9;
	v61 =	vmul.f32 v35, v5;
	v57 =	vmul.f32 v47, v14  }
0x1fa: {  	v47 =	vimm.s32 $0x1F2;
	v28 =	vadd.f32 v50, v10;
	v10 =	vmax.f32 v34, $0.0e+00;
	v34 =	vld.idx.msk [tilespmem:v56+s3+$0x0], $0xffff  }
0x1fb: {  	v29 =	vadd.f32 v55, v29;
	v48 =	vmul.f32 v54, v6;
	v35 =	vld.idx.msk [tilespmem:v49+s3+$0x0], $0xffff;
	v50 =	vimm.s32 $0x1F7  }
0x1fc: {  	v31 =	vld.idx.msk [tilespmem:v53+s3+$0x0], $0xffff;
	v54 =	vimm.s32 $0x1FD;
	v56 =	vimm.s32 $0x201;
	v53 =	vimm.s32 $0x224  }
0x1fd: {  	v23 =	vmul.f32 v23, v10;
	v32 =	vld.idx.msk [tilespmem:v63+s3+$0x0], $0xffff;
	v63 =	vimm.s32 $0x207;
	v24 =	vadd.f32 v24, v28  }
0x1fe: {  	v29 =	vadd.f32 v59, v29;
	v6 =	vmul.f32 v38, v6;
	v59 =	vimm.s32 $0x202;
	v41 =	vld.idx.msk [tilespmem:v60+s3+$0x0], $0xffff  }
0x1ff: {  	v28 =	vld.idx.msk [tilespmem:v62+s3+$0x0], $0xffff;
	v38 =	vimm.s32 $0x210;
	v23 =	vadd.f32 v23, v26;
	v60 =	vmul.f32 v40, v3  }
0x200: {  	v40 =	vimm.s32 $0x211;
	v24 =	vadd.f32 v57, v24;
	v27 =	vadd.f32 v27, v29  }
0x201: {  	v26 =	vld.idx.msk [tilespmem:v47+s3+$0x0], $0xffff;
	v57 =	vmul.f32 v25, v3;
	v21 =	vadd.f32 v23, v21;
	v34 =	vmul.f32 v34, v7  }
0x202: {  	v55 =	vmul.f32 v35, v11;
	v62 =	vmul.f32 v31, v13;
	v31 =	vimm.s32 $0x20B  }
0x203: {  	v35 =	vimm.s32 $0x20C;
	v43 =	vadd.f32 v61, v24;
	v24 =	vld.idx.msk [tilespmem:v50+s3+$0x0], $0xffff;
	v7 =	vmul.f32 v41, v7  }
0x204: {  	v61 =	vimm.s32 $0x206;
	v29 =	vadd.f32 v34, v48;
	v28 =	vmul.f32 v28, v9;
	v34 =	vld.idx.msk [tilespmem:v51+s3+$0x0], $0xffff  }
0x205: {  	v27 =	vadd.f32 v36, v27;
	v9 =	vmul.f32 v32, v9;
	v6 =	vadd.f32 v7, v6  }
0x206: {  	v36 =	vmul.f32 v46, v15;
	v28 =	vadd.f32 v28, v29;
	v26 =	vmul.f32 v26, v11;
	v29 =	vld.idx.msk [tilespmem:v54+s3+$0x0], $0xffff  }
0x207: {  	v46 =	vimm.s32 $0x21A;
	v23 =	vadd.f32 v45, v43;
	v11 =	vld.idx.msk [tilespmem:v56+s3+$0x0], $0xffff;
	v6 =	vadd.f32 v9, v6  }
0x208: {  	v50 =	vimm.s32 $0x21F;
	v58 =	vadd.f32 v26, v28;
	v24 =	vmul.f32 v24, v12;
	v26 =	vld.idx.msk [tilespmem:v59+s3+$0x0], $0xffff  }
0x209: {  	v7 =	vadd.f32 v52, v23;
	v28 =	vld.idx.msk [tilespmem:v61+s3+$0x0], $0xffff;
	v12 =	vmul.f32 v34, v12;
	v6 =	vadd.f32 v55, v6  }
0x20a: {  	v32 =	vmul.f32 v22, v15;
	v23 =	vadd.f32 v57, v27;
	v27 =	vld.idx.msk [tilespmem:v63+s3+$0x0], $0xffff;
	v24 =	vadd.f32 v24, v58  }
0x20b: {  	v48 =	vimm.s32 $0x21B;
	v29 =	vmul.f32 v29, v13;
	v6 =	vadd.f32 v12, v6;
	v12 =	vld.idx.msk [tilespmem:v31+s3+$0x0], $0xffff  }
0x20c: {  	v41 =	vimm.s32 $0x215;
	v11 =	vmul.f32 v11, v14;
	v34 =	vadd.f32 v62, v24;
	v24 =	vld.idx.msk [tilespmem:v35+s3+$0x0], $0xffff  }
0x20d: {  	v25 =	vld.idx.msk [tilespmem:v38+s3+$0x0], $0xffff;
	v51 =	vimm.s32 $0x220;
	v14 =	vmul.f32 v26, v14;
	v6 =	vadd.f32 v29, v6  }
0x20e: {  	v43 =	vmul.f32 v20, v16;
	v20 =	vld.idx.msk [tilespmem:v44+s3+$0x0], $0xffff;
	v39 =	vmul.f32 v28, v5;
	v11 =	vadd.f32 v11, v34  }
0x20f: {  	v13 =	vadd.f32 v32, v23;
	v23 =	vld.idx.msk [tilespmem:v40+s3+$0x0], $0xffff;
	v5 =	vmul.f32 v27, v5;
	v6 =	vadd.f32 v14, v6  }
0x210: {  	v45 =	vmul.f32 v33, v16;
	v22 =	vld.idx.msk [tilespmem:v46+s3+$0x0], $0xffff;
	v11 =	vadd.f32 v39, v11;
	v12 =	vmul.f32 v12, v17  }
0x211: {  	v7 =	vadd.f32 v60, v7;
	v9 =	vld.idx.msk [tilespmem:v41+s3+$0x0], $0xffff;
	v17 =	vmul.f32 v24, v17;
	v5 =	vadd.f32 v5, v6  }
0x212: {  	v52 =	vmul.f32 v30, v2;
	v57 =	vimm.s32 $0x229;
	v11 =	vadd.f32 v12, v11;
	v12 =	vld.idx.msk [tilespmem:v51+s3+$0x0], $0xffff  }
0x213: {  	v47 =	vmul.f32 v25, v18;
	v7 =	vadd.f32 v36, v7;
	v5 =	vadd.f32 v17, v5;
	v17 =	vld.idx.msk [tilespmem:v50+s3+$0x0], $0xffff  }
0x214: {  	v55 =	vimm.s32 $0x225;
	v13 =	vadd.f32 v43, v13;
	v49 =	vmul.f32 v23, v18;
	v18 =	vld.idx.msk [tilespmem:v53+s3+$0x0], $0xffff  }
0x215: {  	v59 =	vimm.s32 $0x22A;
	v61 =	vimm.s32 $0x22E;
	v54 =	vmul.f32 v22, v15;
	v14 =	vld.idx.msk [tilespmem:v48+s3+$0x0], $0xffff  }
0x216: {  	v9 =	vmul.f32 v9, v3;
	v4 =	vadd.f32 v4, v13;
	v6 =	vadd.f32 v45, v7  }
0x217: {  	v3 =	vmul.f32 v20, v3;
	v11 =	vadd.f32 v47, v11;
	v5 =	vadd.f32 v49, v5  }
0x218: {  	v12 =	vmul.f32 v12, v16;
	v58 =	vmul.f32 v17, v16;
	v16 =	vimm.s32 $0x22F  }
0x219: {  	v13 =	vld.idx.msk [tilespmem:v55+s3+$0x0], $0xffff;
	v63 =	vmul.f32 v18, v2;
	v9 =	vadd.f32 v9, v11;
	v17 =	vimm.s32 $0x231  }
0x21a: {  	v7 =	vld.idx.msk [tilespmem:v57+s3+$0x0], $0xffff;
	v18 =	vimm.s32 $0x232;
	v56 =	vmul.f32 v14, v15;
	v3 =	vadd.f32 v3, v5  }
0x21b: {  	v60 =	vmul.f32 v42, v8;
	v22 =	vimm.s32 $0x233;
	v14 =	vld.idx.msk [tilespmem:v59+s3+$0x0], $0xffff;
	v9 =	vadd.f32 v54, v9  }
0x21c: {  	v25 =	vimm.s32 $0x234;
	v6 =	vadd.f32 v52, v6;
	v15 =	vld.idx.msk [tilespmem:v61+s3+$0x0], $0xffff;
	v3 =	vadd.f32 v56, v3  }
0x21d: {  	v1 =	vmul.f32 v1, v8;
	v0 =	vmul.f32 v0, v10;
	v62 =	vadd.f32 v58, v9;
	v11 =	vld.idx.msk [tilespmem:v16+s3+$0x0], $0xffff  }
0x21e: {  	v2 =	vmul.f32 v13, v2;
	v5 =	vadd.f32 v60, v6;
	v3 =	vadd.f32 v12, v3;
	v6 =	vld.idx.msk [tilespmem:v17+s3+$0x0], $0xffff  }
0x21f: {  	v1 =	vadd.f32 v1, v4;
	v7 =	vmul.f32 v7, v8;
	v9 =	vld.idx.msk [tilespmem:v18+s3+$0x0], $0xffff;
	v4 =	vadd.f32 v63, v62  }
0x220: {  	v20 =	vmul.f32 v19, v10;
	v8 =	vmul.f32 v14, v8;
	v12 =	vld.idx.msk [tilespmem:v22+s3+$0x0], $0xffff;
	v2 =	vadd.f32 v2, v3  }
0x221: {  	v0 =	vadd.f32 v0, v1;
	v24 =	vmul.f32 v15, v10;
	v23 =	vadd.f32 v7, v4;
	v7 =	vld.idx.msk [tilespmem:v25+s3+$0x0], $0xffff  }
0x222: {  	v3 =	vadd.f32 v20, v5;
	v2 =	vadd.f32 v8, v2;
	v26 =	vmul.f32 v11, v10  }
0x223: {  	v1 =	vadd.f32 v24, v23;
	v0 =	vadd.f32 v0, v6  }
0x224: {  	v3 =	vadd.f32 v3, v9;
	v2 =	vadd.f32 v26, v2  }
0x225: {  	v1 =	vadd.f32 v1, v12;
	v27 =	vmax.f32 v21, v0  }
0x226: {  	v4 =	vmax.f32 v27, v3;
	v2 =	vadd.f32 v2, v7  }
0x227: {  	v4 =	vmax.f32 v4, v1  }
0x228: {  	v4 =	vmax.f32 v4, v2  }
0x229: {  	v28 =	vsub.f32 v21, v4;
	_ =	sdelay $0x1  }
0x22a: {  	v5 =	vmul.f32 $1.442695020e+00, v28  }
0x22b: {  	v0 =	vsub.f32 v0, v4;
	v3 =	vsub.f32 v3, v4  }
0x22c: {  	v1 =	vsub.f32 v1, v4;
	v2 =	vsub.f32 v2, v4;
	v5 =	vmax.f32 v5, $-1.200000000e+02  }
0x22d: {  	v0 =	vmul.f32 $1.442695020e+00, v0;
	v3 =	vmul.f32 $1.442695020e+00, v3;
	v29 =	vadd.f32 $-5.000000000e-01, v5  }
0x22e: {  	v1 =	vmul.f32 $1.442695020e+00, v1;
	v2 =	vmul.f32 $1.442695020e+00, v2  }
0x22f: {  	v0 =	vmax.f32 v0, $-1.200000000e+02;
	v3 =	vmax.f32 v3, $-1.200000000e+02;
	v6 =	vtrunc.f32 v29  }
0x230: {  	v1 =	vmax.f32 v1, $-1.200000000e+02;
	v31 =	vadd.f32 $-5.000000000e-01, v0;
	v6 =	vcvt.f32.s32 v6  }
0x231: {  	v2 =	vmax.f32 v2, $-1.200000000e+02;
	v33 =	vadd.f32 $-5.000000000e-01, v3;
	v34 =	vadd.f32 $-5.000000000e-01, v1  }
0x232: {  	v42 =	vadd.f32 $-5.000000000e-01, v2;
	v7 =	vtrunc.f32 v31;
	v30 =	vcvt.s32.f32 v6  }
0x233: {  	v36 =	vtrunc.f32 v33;
	v35 =	vcvt.f32.s32 v7  }
0x234: {  	v38 =	vtrunc.f32 v34;
	v43 =	vtrunc.f32 v42;
	v5 =	vsub.f32 v5, v30  }
0x235: {  	v7 =	vcvt.f32.s32 v36;
	v39 =	vcvt.s32.f32 v35  }
0x236: {  	v9 =	vcvt.f32.s32 v38;
	v5 =	vmul.f32 $6.931471820e-01, v5  }
0x237: {  	v10 =	vcvt.f32.s32 v43;
	v40 =	vcvt.s32.f32 v7;
	v0 =	vsub.f32 v0, v39  }
0x238: {  	v41 =	vcvt.s32.f32 v9;
	v32 =	vmul.f32 $2.480158760e-05, v5  }
0x239: {  	v3 =	vsub.f32 v3, v40;
	v0 =	vmul.f32 $6.931471820e-01, v0  }
0x23a: {  	v45 =	vcvt.s32.f32 v10;
	v1 =	vsub.f32 v1, v41;
	v8 =	vadd.f32 $1.984127010e-04, v32  }
0x23b: {  	v3 =	vmul.f32 $6.931471820e-01, v3;
	v44 =	vmul.f32 $2.480158760e-05, v0  }
0x23c: {  	v1 =	vmul.f32 $6.931471820e-01, v1;
	v8 =	vmul.f32 v8, v5  }
0x23d: {  	v2 =	vsub.f32 v2, v45;
	v46 =	vmul.f32 $2.480158760e-05, v3;
	v11 =	vadd.f32 $1.984127010e-04, v44  }
0x23e: {  	v47 =	vmul.f32 $2.480158760e-05, v1;
	v8 =	vadd.f32 $1.388888920e-03, v8  }
0x23f: {  	v2 =	vmul.f32 $6.931471820e-01, v2;
	v48 =	vadd.f32 $1.984127010e-04, v46;
	v11 =	vmul.f32 v11, v0  }
0x240: {  	v49 =	vadd.f32 $1.984127010e-04, v47;
	v8 =	vmul.f32 v8, v5  }
0x241: {  	v50 =	vmul.f32 $2.480158760e-05, v2;
	v12 =	vmul.f32 v48, v3;
	v11 =	vadd.f32 $1.388888920e-03, v11  }
0x242: {  	v13 =	vmul.f32 v49, v1;
	v8 =	vadd.f32 $8.333333770e-03, v8  }
0x243: {  	v14 =	vadd.f32 $1.984127010e-04, v50;
	v12 =	vadd.f32 $1.388888920e-03, v12;
	v11 =	vmul.f32 v11, v0  }
0x244: {  	v13 =	vadd.f32 $1.388888920e-03, v13;
	v8 =	vmul.f32 v8, v5  }
0x245: {  	v14 =	vmul.f32 v14, v2;
	v12 =	vmul.f32 v12, v3;
	v11 =	vadd.f32 $8.333333770e-03, v11  }
0x246: {  	v13 =	vmul.f32 v13, v1;
	v8 =	vadd.f32 $4.166666790e-02, v8  }
0x247: {  	v14 =	vadd.f32 $1.388888920e-03, v14;
	v12 =	vadd.f32 $8.333333770e-03, v12;
	v11 =	vmul.f32 v11, v0  }
0x248: {  	v13 =	vadd.f32 $8.333333770e-03, v13;
	v8 =	vmul.f32 v8, v5  }
0x249: {  	v14 =	vmul.f32 v14, v2;
	v12 =	vmul.f32 v12, v3;
	v11 =	vadd.f32 $4.166666790e-02, v11  }
0x24a: {  	v13 =	vmul.f32 v13, v1;
	v8 =	vadd.f32 $1.666666720e-01, v8  }
0x24b: {  	v14 =	vadd.f32 $8.333333770e-03, v14;
	v12 =	vadd.f32 $4.166666790e-02, v12;
	v11 =	vmul.f32 v11, v0  }
0x24c: {  	v13 =	vadd.f32 $4.166666790e-02, v13;
	v8 =	vmul.f32 v8, v5  }
0x24d: {  	v14 =	vmul.f32 v14, v2;
	v12 =	vmul.f32 v12, v3;
	v11 =	vadd.f32 $1.666666720e-01, v11  }
0x24e: {  	v13 =	vmul.f32 v13, v1;
	v8 =	vadd.f32 $5.000000000e-01, v8  }
0x24f: {  	v14 =	vadd.f32 $4.166666790e-02, v14;
	v12 =	vadd.f32 $1.666666720e-01, v12;
	v11 =	vmul.f32 v11, v0  }
0x250: {  	v13 =	vadd.f32 $1.666666720e-01, v13;
	v8 =	vmul.f32 v8, v5  }
0x251: {  	v14 =	vmul.f32 v14, v2;
	v12 =	vmul.f32 v12, v3;
	v11 =	vadd.f32 $5.000000000e-01, v11  }
0x252: {  	v13 =	vmul.f32 v13, v1;
	v8 =	vadd.f32 $1.000000000e+00, v8  }
0x253: {  	v53 =	vadd.f32 $1.666666720e-01, v14;
	v51 =	vadd.f32 $5.000000000e-01, v12;
	v11 =	vmul.f32 v11, v0  }
0x254: {  	v6 =	vshll.u32 v6, $0x17;
	v52 =	vadd.f32 $5.000000000e-01, v13;
	v5 =	vmul.f32 v8, v5  }
0x255: {  	v13 =	vmul.f32 v53, v2;
	v11 =	vadd.f32 $1.000000000e+00, v11;
	v8 =	vmul.f32 v51, v3  }
0x256: {  	v6 =	vadd.s32 $0x3F800000, v6;
	v12 =	vmul.f32 v52, v1;
	v5 =	vadd.f32 $1.000000000e+00, v5  }
0x257: {  	v54 =	vadd.f32 $5.000000000e-01, v13;
	v0 =	vmul.f32 v11, v0;
	v8 =	vadd.f32 $1.000000000e+00, v8  }
0x258: {  	v4 =	vshll.u32 v35, $0x17;
	v12 =	vadd.f32 $1.000000000e+00, v12;
	v5 =	vmul.f32 v6, v5  }
0x259: {  	v0 =	vadd.f32 $1.000000000e+00, v0;
	v3 =	vmul.f32 v8, v3;
	v6 =	vmul.f32 v54, v2  }
0x25a: {  	v7 =	vshll.u32 v7, $0x17;
	v4 =	vadd.s32 $0x3F800000, v4;
	v1 =	vmul.f32 v12, v1  }
0x25b: {  	v0 =	vmul.f32 v4, v0;
	v3 =	vadd.f32 $1.000000000e+00, v3;
	v6 =	vadd.f32 $1.000000000e+00, v6  }
0x25c: {  	v56 =	vshll.u32 v9, $0x17;
	v55 =	vadd.s32 $0x3F800000, v7;
	v1 =	vadd.f32 $1.000000000e+00, v1  }
0x25d: {  	v57 =	vadd.f32 v0, v5;
	v3 =	vmul.f32 v55, v3;
	v2 =	vmul.f32 v6, v2  }
0x25e: {  	v58 =	vshll.u32 v10, $0x17;
	v4 =	vadd.s32 $0x3F800000, v56  }
0x25f: {  	v1 =	vmul.f32 v4, v1;
	v2 =	vadd.f32 $1.000000000e+00, v2;
	v6 =	vadd.f32 v57, v3  }
0x260: {  	v4 =	vadd.s32 $0x3F800000, v58  }
0x261: {  	v2 =	vmul.f32 v4, v2;
	v59 =	vadd.f32 v6, v1;
	_ =	sdelay $0x1  }
0x262: {  	v4 =	vadd.f32 v59, v2;
	_ =	sdelay $0x1  }
0x263: {  	(erf) = vrcp.f32 v4;
	_ =	sdelay $0x8  }
0x264: {  	v60 =	vpop (erf)  }
0x265: {  	v61 =	vmul.f32 v60, v4;
	_ =	sdelay $0x1  }
0x266: {  	v7 =	vsub.f32 $2.000000000e+00, v61;
	_ =	sdelay $0x1  }
0x267: {  	v6 =	vmul.f32 v7, v60;
	_ =	sdelay $0x1  }
0x268: {  	v4 =	vmul.f32 v6, v4;
	_ =	sdelay $0x1  }
0x269: {  	v4 =	vsub.f32 $2.000000000e+00, v4;
	_ =	sdelay $0x1  }
0x26a: {  	v4 =	vmul.f32 v4, v6;
	_ =	sdelay $0x1  }
0x26b: {  	v5 =	vmul.f32 v4, v5  }
0x26c: {  	v0 =	vmul.f32 v4, v0  }
0x26d: {  	v3 =	vmul.f32 v4, v3;
	[tilespmem:$0x280] =	vst v5  }
0x26e: {  	v62 =	vmul.f32 v4, v1;
	[tilespmem:$0x290] =	vst v0  }
0x26f: {  	v63 =	vmul.f32 v4, v2;
	[tilespmem:$0x2A0] =	vst v3  }
0x270: {  	[tilespmem:$0x2B0] =	vst v62  }
0x271: {  	[tilespmem:$0x2C0] =	vst v63  }
0x272: {  	[spmem:s7] =	stream.linear.scatter [tilespmem:s13], [sflag:$0x4], $0x50, $0x38;
	[tilespmem:$0x1BC8] =	vst v63  }
0x273: {  	_ =	swait.ge [sflag:s14], $0x50  }
0x274: {  	[sflag:s14] =	ssyncset.done $0x0  }
0x275: {  	[sflag:s14] =	ssyncadd.s32 $0xFFFFFFB0  }
.LBB2_3:
0x276: {  	[bflag:$0x0] =	sbarrier.arrive $0xFFFF  }
0x277: {  	[tilespmem:s15], [sflag:$0x4] =	stream.linear.gather [spmem:s2], $0x480, $0x38;
	[tilespmem:$0x1BC8] =	vst v63  }
0x278: {  	_ =	swait.ge [sflag:s14], $0x480  }
0x279: {  	[sflag:s14] =	ssyncset.done $0x0  }
0x27a: {  	[sflag:s14] =	ssyncadd.s32 $0xFFFFFB80  }
0x27b: {  	_ =	swait.ge [sflag:s16], $0x200  }
0x27c: {  	[sflag:s16] =	ssyncset.done $0x0  }
0x27d: {  	[sflag:s16] =	ssyncadd.s32 $0xFFFFFE00  }
0x27e: {  	_ =	swait.ge [sflag:s17], $0x200  }
0x27f: {  	[sflag:s17] =	ssyncset.done $0x0  }
0x280: {  	s20 =	simm.s32 $0x780;
	[sflag:s17] =	ssyncadd.s32 $0xFFFFFE00  }
0x281: {  	v0 =	vld [tilespmem:s20+$0x0]  }
0x282: {  	s21 =	simm.s32 $0x980  }
0x283: {  	v1 =	vld [tilespmem:s21+$0x0];
	_ =	sdelay $0x2  }
0x284: {  	vm0 =	vgt.s32 v0, $0x0  }
0x285: {  	v0 =	vnsel vm0, $0x0, v0  }
0x286: {  	vm15 =	vgt.s32 v1, $0x0;
	v0 =	vmin.u32 v0, $0xC  }
0x287: {  	v1 =	vnsel vm15, $0x0, v1;
	v0 =	vmul.u32 $0x50, v0  }
0x288: {  	v1 =	vmin.u32 v1, $0xC  }
0x289: {  	v0 =	vor.u32 v1, v0;
	_ =	sdelay $0x4  }
0x28a: {  	v1 =	vld.idx.msk [tilespmem:v0+s15+$0x0], $0xffff  }
0x28b: {  	v2 =	vadd.s32 $0x10, v0  }
0x28c: {  	s22 =	simm.s32 $0x0  }
0x28d: {  	s23 =	sand.u32 $0x70, s22;
	s24 =	sand.u32 $0xC00, s22  }
0x28e: {  	s24 =	sor.u32 s23, s24  }
0x28f: {  	[tilespmem:s24+$0xB80] =	vst v1  }
0x290: {  	v1 =	vld.idx.msk [tilespmem:v2+s15+$0x0], $0xffff  }
0x291: {  	v2 =	vadd.s32 $0x20, v0;
	_ =	sdelay $0x3  }
0x292: {  	[tilespmem:s24+$0xC00] =	vst v1  }
0x293: {  	v1 =	vld.idx.msk [tilespmem:v2+s15+$0x0], $0xffff  }
0x294: {  	v2 =	vadd.s32 $0x30, v0;
	_ =	sdelay $0x3  }
0x295: {  	[tilespmem:s24+$0xC80] =	vst v1  }
0x296: {  	v1 =	vld.idx.msk [tilespmem:v2+s15+$0x0], $0xffff  }
0x297: {  	v0 =	vadd.s32 $0x40, v0;
	_ =	sdelay $0x3  }
0x298: {  	[tilespmem:s24+$0xD00] =	vst v1  }
0x299: {  	s23 =	simm.s32 $0x10;
	v0 =	vld.idx.msk [tilespmem:v0+s15+$0x0], $0xffff  }
.LBB2_4:
0x29a: {  	_ =	sdelay $0x3  }
0x29b: {  	s22 =	sadd.s32 $0x80, s22;
	s20 =	sadd.s32 $0x10, s20;
	s21 =	sadd.s32 $0x10, s21;
	[tilespmem:s24+$0xD80] =	vst v0  }
0x29c: {  	p1 =	sne.s32 s23, $0x1F0;
	s24 =	smov.u32 s23;
	s23 =	sadd.s32 $0x10, s23;
	v0 =	vld [tilespmem:s20+$0x0]  }
0x29d: {  	_ = 	snop  }
0x29e: {  	v1 =	vld [tilespmem:s21+$0x0];
	_ =	sdelay $0x2  }
0x29f: {  	vm0 =	vgt.s32 v0, $0x0  }
0x2a0: {  	v0 =	vnsel vm0, $0x0, v0  }
0x2a1: {  	v0 =	vmin.u32 v0, $0xC;
	vm0 =	vgt.s32 v1, $0x0  }
0x2a2: {  	v1 =	vnsel vm0, $0x0, v1;
	v0 =	vmul.u32 $0x50, v0  }
0x2a3: {  	v1 =	vmin.u32 v1, $0xC  }
0x2a4: {  	v0 =	vor.u32 v1, v0;
	_ =	sdelay $0x4  }
0x2a5: {  	v1 =	vld.idx.msk [tilespmem:v0+s15+$0x0], $0xffff;
	_ =	sdelay $0x1  }
0x2a6: {  	v2 =	vadd.s32 $0x10, v0;
	_ =	sdelay $0x1  }
0x2a7: {  	s25 =	sand.u32 $0xC00, s22;
	s24 =	sand.u32 $0x70, s24  }
0x2a8: {  	s24 =	sor.u32 s24, s25  }
0x2a9: {  	[tilespmem:s24+$0xB80] =	vst v1  }
0x2aa: {  	v1 =	vld.idx.msk [tilespmem:v2+s15+$0x0], $0xffff;
	_ =	sdelay $0x1  }
0x2ab: {  	v2 =	vadd.s32 $0x20, v0;
	_ =	sdelay $0x3  }
0x2ac: {  	[tilespmem:s24+$0xC00] =	vst v1  }
0x2ad: {  	v1 =	vld.idx.msk [tilespmem:v2+s15+$0x0], $0xffff;
	_ =	sdelay $0x1  }
0x2ae: {  	v2 =	vadd.s32 $0x30, v0;
	_ =	sdelay $0x3  }
0x2af: {  	[tilespmem:s24+$0xC80] =	vst v1  }
0x2b0: {  	v1 =	vld.idx.msk [tilespmem:v2+s15+$0x0], $0xffff;
	_ =	sdelay $0x1  }
0x2b1: {  	v0 =	vadd.s32 $0x40, v0  }
.Ltmp1:
0x2b2: {  	(pc) =	sbr.rel @p1 .LBB2_4-.Ltmp1, $3  }
0x2b3: {  	_ =	sdelay $0x1  }
0x2b4: {  	[tilespmem:s24+$0xD00] =	vst v1  }
0x2b5: {  	v0 =	vld.idx.msk [tilespmem:v0+s15+$0x0], $0xffff  }
0x2b6: {  	_ =	sdelay $0x1  }
0x2b7: {  	s19 =	sadd.s32 $0x1, s19  }
0x2b8: {  	p1 =	sne.s32 s19, s9  }
.Ltmp2:
0x2b9: {  	[tilespmem:s24+$0xD80] =	vst v0;
	(pc) =	sbr.rel @p1 .LBB2_1-.Ltmp2, $4  }
0x2ba: {  	[hbm4b:s8+s3] =	stream.linear.scatter [tilespmem:s18], [sflag:$0x4], $0x1000, $0x38;
	[tilespmem:$0x1BC8] =	vst v63  }
0x2bb: {  	_ =	swait.ge [sflag:s14], $0x1000  }
0x2bc: {  	[sflag:s14] =	ssyncset.done $0x0  }
0x2bd: {  	[sflag:s14] =	ssyncadd.s32 $0xFFFFF000  }
0x2be: {  	_ =	sfence.sel $0x180000  }
0x2bf: {  	[bflag:$0x0] =	sbarrier.arrive $0xFFFF  }
0x2c0: {  	p0 =	sne.s32 s0, $0x0;
	_ =	strace $0x90000047  }
0x2c1: {  	s0 =	sadd.s32 @!p0 $0x100000, s1;
	[bflag:$0x2] =	sbarrier.arrive $0xFFFF  }
0x2c2: {  	[sflag:s0] =	ssyncadd.tile.s32 @!p0 $0x1;
	_ =	shalt  }
.Lfunc_end2:
_tile_overlayer_lowered:
.L_overlay_start_2:
0x2c3: {  	(tag) =	ssettag $0x2  }
0x2c4: {  	s0 =	rddreg [dreg:$0x0];
	s2 =	stileid.u32  }
0x2c5: {  	s1 =	rddreg [dreg:$0x1];
	p0 =	sne.s32 s2, $0x0  }
0x2c6: {  	s3 =	rddreg [dreg:$0x2];
	[bflag:$0x3] =	sbarrier.arrive $0xFFFF;
	s2 =	simm.s32 @!p0 $0x1C04  }
0x2c7: {  	[timem:s3], [sflag:s2] =	dma.local @!p0 [hbm:s0], s1  }
0x2c8: {  	s0 =	simm.s32 @!p0 $0x4  }
0x2c9: {  	_ =	swait.ge @!p0 [sflag:s0], s1  }
0x2ca: {  	s1 =	ssub.s32 @!p0 $0x0, s1;
	[sflag:s0] =	ssyncset.done @!p0 $0x0  }
0x2cb: {  	[sflag:s0] =	ssyncadd.s32 @!p0 s1  }
0x2cc: {  	[bflag:$0x3] =	sbarrier.arrive $0xFFFF  }
0x2cd: {  	_ =	shalt  }

</sc_bundles>
